<compile_context>
chip_gen: v7x
topology: tpu7x:2x2x1
jax: 0.10.2.dev20260603
libtpu: 0.0.44.dev20260713+nightly
codegen_flags: <defaults>
</compile_context>

<pallas_src>
import dataclasses
import functools

import jax
import jax.numpy as jnp
from jax import lax
from jax.experimental import pallas as pl
from jax.experimental.pallas import tpu as pltpu
from jax.experimental.pallas import tpu_sc as plsc

NC, NS, L = 2, 16, 16
NW = NC * NS
EPS = 1e-5


def _sc_mesh():
    return plsc.VectorSubcoreMesh(core_axis_name="c", subcore_axis_name="s")


def _sc_linear_params():
    cp = pltpu.CompilerParams()
    if "use_tc_tiling_on_sc" in pltpu.CompilerParams.__dataclass_fields__:
        cp = dataclasses.replace(cp, use_tc_tiling_on_sc=False)
    return cp




def _sc_histogram(dst2, n_pad, ew):
    kg = ew // 128
    inner = 8
    outer = kg // inner
    zr = n_pad // NS

    @functools.partial(
        pl.kernel,
        out_type=jax.ShapeDtypeStruct((NC, n_pad), jnp.float32),
        mesh=_sc_mesh(),
        compiler_params=_sc_linear_params(),
        scratch_types=[
            pltpu.VMEM((inner, 128), jnp.int32),
            pltpu.VMEM((128,), jnp.float32),
            pltpu.VMEM((zr,), jnp.float32),
            pltpu.VMEM_SHARED((n_pad,), jnp.float32),
        ],
    )
    def k(dst_ref, out_ref, idx_d, ones_v, stage_v, acc_sh):
        c = lax.axis_index("c")
        s = lax.axis_index("s")
        wid = c * NS + s
        ones16 = jnp.ones((L,), jnp.float32)
        zeros16 = jnp.zeros((L,), jnp.float32)

        @pl.loop(0, 128 // L)
        def _(i):
            ones_v[pl.ds(i * L, L)] = ones16

        @pl.loop(0, zr // L)
        def _(i):
            stage_v[pl.ds(i * L, L)] = zeros16

        r0 = s * zr
        pltpu.sync_copy(stage_v, acc_sh.at[pl.ds(r0, zr)])
        plsc.subcore_barrier()

        @pl.loop(0, outer)
        def _(o):
            k0 = wid * kg + o * inner
            pltpu.sync_copy(dst_ref.at[pl.ds(k0, inner)], idx_d)
            for j in range(inner):
                pltpu.sync_copy(ones_v, acc_sh.at[idx_d.at[j]], add=True)

        plsc.subcore_barrier()
        pltpu.sync_copy(acc_sh.at[pl.ds(r0, zr)], stage_v)
        pltpu.sync_copy(stage_v, out_ref.at[c, pl.ds(r0, zr)])

    return k(dst2)


def _sc_agg16(src2, dst2, xs, n_pad, ew):
    kg = ew // 128
    ch = 4
    sup = 40
    nsup = kg // sup
    pairs = sup // (2 * ch)
    zr = n_pad // NS

    @functools.partial(
        pl.kernel,
        out_type=jax.ShapeDtypeStruct((NC, n_pad, 16), jnp.float32),
        mesh=_sc_mesh(),
        compiler_params=_sc_linear_params(),
        scratch_types=[
            pltpu.VMEM((sup, 128), jnp.int32),
            pltpu.VMEM((sup, 128), jnp.int32),
            pltpu.VMEM((2 * ch * 128, 16), jnp.float32),
            pltpu.VMEM_SHARED((n_pad, 16), jnp.float32),
            pltpu.SemaphoreType.DMA,
            pltpu.SemaphoreType.DMA,
        ],
    )
    def k(src_ref, dst_ref, xs_ref, out_ref, src_v, dst_v, rows_v, acc_sh,
          sem_a, sem_b):
        c = lax.axis_index("c")
        s = lax.axis_index("s")
        wid = c * NS + s
        e0 = wid * kg
        zeros16 = jnp.zeros((L,), jnp.float32)
        nrv = 2 * ch * 128

        @pl.loop(0, nrv)
        def _(i):
            rows_v[i, :] = zeros16

        r0 = s * zr
        for q in range(3):
            pltpu.sync_copy(rows_v, acc_sh.at[pl.ds(r0 + q * nrv, nrv)])
        pltpu.sync_copy(rows_v.at[pl.ds(0, zr - 3 * nrv)],
                        acc_sh.at[pl.ds(r0 + 3 * nrv, zr - 3 * nrv)])
        plsc.subcore_barrier()

        def descs(buf, row, sem):
            return [
                pltpu.make_async_copy(
                    xs_ref.at[src_v.at[row + j]],
                    rows_v.at[pl.ds((buf * ch + j) * 128, 128)], sem)
                for j in range(ch)
            ]

        def fire(buf, row, sem):
            for d in descs(buf, row, sem):
                d.start()

        def drain(buf, row, sem):
            for d in descs(buf, row, sem):
                d.wait()

        def scatter(buf, row):
            for j in range(ch):
                pltpu.sync_copy(rows_v.at[pl.ds((buf * ch + j) * 128, 128)],
                                acc_sh.at[dst_v.at[row + j]], add=True)

        @pl.loop(0, nsup)
        def _(u):
            g0 = e0 + u * sup
            pltpu.sync_copy(src_ref.at[pl.ds(g0, sup)], src_v)
            pltpu.sync_copy(dst_ref.at[pl.ds(g0, sup)], dst_v)
            fire(0, 0, sem_a)
            fire(1, ch, sem_b)

            @pl.loop(0, pairs - 1)
            def _(o):
                row_a = 2 * o * ch
                drain(0, row_a, sem_a)
                scatter(0, row_a)
                fire(0, row_a + 2 * ch, sem_a)
                row_b = row_a + ch
                drain(1, row_b, sem_b)
                scatter(1, row_b)
                fire(1, row_b + 2 * ch, sem_b)

            last_a = (2 * pairs - 2) * ch
            drain(0, last_a, sem_a)
            scatter(0, last_a)
            drain(1, last_a + ch, sem_b)
            scatter(1, last_a + ch)

        plsc.subcore_barrier()
        pltpu.sync_copy(acc_sh.at[pl.ds(r0, zr)],
                        out_ref.at[c, pl.ds(r0, zr)])

    return k(src2, dst2, xs)


def _sc_agg32(src2, dst2, h1s, n_pad, ew):
    kt = (NW * ew) // (128 * NS)
    ch = 2
    sup = 40
    nsup = kt // sup
    pairs = sup // (2 * ch)
    zr = n_pad // NS

    @functools.partial(
        pl.kernel,
        out_type=jax.ShapeDtypeStruct((NC, n_pad, 32), jnp.float32),
        mesh=_sc_mesh(),
        compiler_params=_sc_linear_params(),
        scratch_types=[
            pltpu.VMEM((sup, 128), jnp.int32),
            pltpu.VMEM((sup, 128), jnp.int32),
            pltpu.VMEM((2 * ch * 128, 32), jnp.float32),
            pltpu.VMEM_SHARED((n_pad, 32), jnp.float32),
            pltpu.SemaphoreType.DMA,
            pltpu.SemaphoreType.DMA,
        ],
    )
    def k(src_ref, dst_ref, tab_ref, out_ref, src_v, dst_v, rows_v, acc_sh,
          sem_a, sem_b):
        c = lax.axis_index("c")
        s = lax.axis_index("s")
        tab_c = tab_ref.at[c]
        zeros16 = jnp.zeros((L,), jnp.float32)
        nrv = 2 * ch * 128

        @pl.loop(0, nrv * 2)
        def _(i):
            rows_v[i // 2, pl.ds((i % 2) * L, L)] = zeros16

        r0 = s * zr
        for q in range(6):
            pltpu.sync_copy(rows_v, acc_sh.at[pl.ds(r0 + q * nrv, nrv)])
        pltpu.sync_copy(rows_v.at[pl.ds(0, zr - 6 * nrv)],
                        acc_sh.at[pl.ds(r0 + 6 * nrv, zr - 6 * nrv)])
        plsc.subcore_barrier()

        def descs(buf, row, sem):
            return [
                pltpu.make_async_copy(
                    tab_c.at[src_v.at[row + j]],
                    rows_v.at[pl.ds((buf * ch + j) * 128, 128)], sem)
                for j in range(ch)
            ]

        def fire(buf, row, sem):
            for d in descs(buf, row, sem):
                d.start()

        def drain(buf, row, sem):
            for d in descs(buf, row, sem):
                d.wait()

        def scatter(buf, row):
            for j in range(ch):
                pltpu.sync_copy(rows_v.at[pl.ds((buf * ch + j) * 128, 128)],
                                acc_sh.at[dst_v.at[row + j]], add=True)

        @pl.loop(0, nsup)
        def _(u):
            g0 = s * kt + u * sup
            pltpu.sync_copy(src_ref.at[pl.ds(g0, sup)], src_v)
            pltpu.sync_copy(dst_ref.at[pl.ds(g0, sup)], dst_v)
            fire(0, 0, sem_a)
            fire(1, ch, sem_b)

            @pl.loop(0, pairs - 1)
            def _(o):
                row_a = 2 * o * ch
                drain(0, row_a, sem_a)
                scatter(0, row_a)
                fire(0, row_a + 2 * ch, sem_a)
                row_b = row_a + ch
                drain(1, row_b, sem_b)
                scatter(1, row_b)
                fire(1, row_b + 2 * ch, sem_b)

            last_a = (2 * pairs - 2) * ch
            drain(0, last_a, sem_a)
            scatter(0, last_a)
            drain(1, last_a + ch, sem_b)
            scatter(1, last_a + ch)

        plsc.subcore_barrier()
        pltpu.sync_copy(acc_sh.at[pl.ds(r0, zr)],
                        out_ref.at[c, pl.ds(r0, zr)])

    return k(src2, dst2, h1s)



_BLK = 2000


def _tc_prep(hist, x16p, n_pad):
    cb = 2304
    nb = n_pad // cb

    def body(h_ref, x_ref, dinv_ref, xs_ref):
        ones = jnp.ones((NC, 1), jnp.float32)
        deg = 1.0 + lax.dot_general(h_ref[...], ones, (((0,), (0,)), ((), ())),
                                    preferred_element_type=jnp.float32,
                            precision=lax.Precision.HIGHEST)
        dinv = lax.rsqrt(deg)
        dinv_ref[...] = dinv
        xs_ref[...] = x_ref[...] * dinv

    return pl.pallas_call(
        body,
        grid=(nb,),
        in_specs=[
            pl.BlockSpec((NC, cb), lambda i: (0, i)),
            pl.BlockSpec((cb, 16), lambda i: (i, 0)),
        ],
        out_specs=[
            pl.BlockSpec((cb, 1), lambda i: (i, 0)),
            pl.BlockSpec((cb, 16), lambda i: (i, 0)),
        ],
        out_shape=[
            jax.ShapeDtypeStruct((n_pad, 1), jnp.float32),
            jax.ShapeDtypeStruct((n_pad, 16), jnp.float32),
        ],
    )(hist, x16p)


def _tc_moments16(agg1, xs, dinv, w1p, b1, g1, be1, n):
    nb = n // _BLK

    def body(agg_ref, xs_ref, dinv_ref, w_ref, b_ref, g_ref, be_ref,
             a_ref, weff_ref, ceff_ref, m_s, cs_s):
        i = pl.program_id(0)
        agg = agg_ref[...]
        a = (agg[0] + agg[1] + xs_ref[...]) * dinv_ref[...]
        a_ref[...] = a
        m = lax.dot_general(a, a, (((0,), (0,)), ((), ())),
                            preferred_element_type=jnp.float32,
                            precision=lax.Precision.HIGHEST)
        cs = jnp.broadcast_to(jnp.sum(a, axis=0, keepdims=True), (8, 16))

        @pl.when(i == 0)
        def _():
            m_s[...] = m
            cs_s[...] = cs

        @pl.when(i > 0)
        def _():
            m_s[...] += m
            cs_s[...] += cs

        @pl.when(i == nb - 1)
        def _():
            weff, ceff = _bn_eff(m_s[...], cs_s[...], w_ref[...], b_ref[...],
                                 g_ref[...], be_ref[...], n)
            weff_ref[...] = weff
            ceff_ref[...] = jnp.broadcast_to(ceff, (8, 64))

    return pl.pallas_call(
        body,
        grid=(nb,),
        in_specs=[
            pl.BlockSpec((NC, _BLK, 16), lambda i: (0, i, 0)),
            pl.BlockSpec((_BLK, 16), lambda i: (i, 0)),
            pl.BlockSpec((_BLK, 1), lambda i: (i, 0)),
            pl.BlockSpec((16, 64), lambda i: (0, 0)),
            pl.BlockSpec((1, 64), lambda i: (0, 0)),
            pl.BlockSpec((1, 64), lambda i: (0, 0)),
            pl.BlockSpec((1, 64), lambda i: (0, 0)),
        ],
        out_specs=[
            pl.BlockSpec((_BLK, 16), lambda i: (i, 0)),
            pl.BlockSpec((16, 64), lambda i: (0, 0)),
            pl.BlockSpec((8, 64), lambda i: (0, 0)),
        ],
        out_shape=[
            jax.ShapeDtypeStruct((n, 16), jnp.float32),
            jax.ShapeDtypeStruct((16, 64), jnp.float32),
            jax.ShapeDtypeStruct((8, 64), jnp.float32),
        ],
        scratch_shapes=[
            pltpu.VMEM((16, 16), jnp.float32),
            pltpu.VMEM((8, 16), jnp.float32),
        ],
    )(agg1, xs, dinv, w1p, b1, g1, be1)


def _bn_eff(m_full, cs, w, b, g, be, n):
    mean = cs[0:1, :] / n
    outer_mm = lax.dot_general(mean, mean, (((0,), (0,)), ((), ())),
                               preferred_element_type=jnp.float32,
                            precision=lax.Precision.HIGHEST)
    cov = m_full / n - outer_mm
    mz = lax.dot_general(mean, w, (((1,), (0,)), ((), ())),
                         preferred_element_type=jnp.float32,
                            precision=lax.Precision.HIGHEST) + b
    var = jnp.sum(w * lax.dot_general(cov, w, (((1,), (0,)), ((), ())),
                                      preferred_element_type=jnp.float32,
                            precision=lax.Precision.HIGHEST),
                  axis=0, keepdims=True)
    sc = g * lax.rsqrt(var + EPS)
    return w * sc, (b - mz) * sc + be


def _tc_layer1(a1, dinv, weff1, ceff1, n):
    nb = n // _BLK

    def body(a_ref, dinv_ref, w_ref, cef_ref, out_ref):
        p = pl.program_id(0)
        h1 = jnp.maximum(
            lax.dot_general(a_ref[...], w_ref[...], (((1,), (0,)), ((), ())),
                            preferred_element_type=jnp.float32,
                            precision=lax.Precision.HIGHEST)
            + cef_ref[0:1, :], 0.0)
        h1s = h1 * dinv_ref[...]

        @pl.when(p == 0)
        def _():
            out_ref[...] = h1s[:, :32].reshape(1, _BLK, 32)

        @pl.when(p == 1)
        def _():
            out_ref[...] = h1s[:, 32:].reshape(1, _BLK, 32)

    return pl.pallas_call(
        body,
        grid=(2, nb),
        in_specs=[
            pl.BlockSpec((_BLK, 16), lambda p, i: (i, 0)),
            pl.BlockSpec((_BLK, 1), lambda p, i: (i, 0)),
            pl.BlockSpec((16, 64), lambda p, i: (0, 0)),
            pl.BlockSpec((8, 64), lambda p, i: (0, 0)),
        ],
        out_specs=pl.BlockSpec((1, _BLK, 32), lambda p, i: (p, i, 0)),
        out_shape=jax.ShapeDtypeStruct((2, n, 32), jnp.float32),
    )(a1, dinv, weff1, ceff1)


def _tc_moments64(agg2, h1s3, dinv, w2, b2, g2, be2, clim16, wc16, bcv,
                  wk1b, n):
    blk = 2000
    nb = n // blk

    def body(agg_ref, h_ref, dinv_ref, w_ref, b_ref, g_ref, be_ref, cl_ref,
             wc_ref, bc_ref, wb_ref, a_ref, weff_ref, ceff_ref, cx_ref,
             m_s, cs_s):
        i = pl.program_id(0)
        t = agg_ref[...] + h_ref[...]
        a = jnp.concatenate([t[0], t[1]], axis=-1) * dinv_ref[...]
        a_ref[...] = a
        m = lax.dot_general(a, a, (((0,), (0,)), ((), ())),
                            preferred_element_type=jnp.float32,
                            precision=lax.Precision.HIGHEST)
        cs = jnp.broadcast_to(jnp.sum(a, axis=0, keepdims=True), (8, 64))

        @pl.when(i == 0)
        def _():
            m_s[...] = m
            cs_s[...] = cs

        @pl.when(i > 0)
        def _():
            m_s[...] += m
            cs_s[...] += cs

        @pl.when(i == nb - 1)
        def _():
            weff, ceff = _bn_eff(m_s[...], cs_s[...], w_ref[...], b_ref[...],
                                 g_ref[...], be_ref[...], n)
            weff_ref[...] = weff
            ceff_ref[...] = jnp.broadcast_to(ceff, (8, 64))
            ce = jnp.maximum(
                lax.dot_general(cl_ref[...], wc_ref[...],
                                (((1,), (0,)), ((), ())),
                                preferred_element_type=jnp.float32,
                                precision=lax.Precision.HIGHEST)
                + bc_ref[...], 0.0)
            cx_ref[...] = lax.dot_general(ce, wb_ref[...],
                                          (((1,), (0,)), ((), ())),
                                          preferred_element_type=jnp.float32,
                                          precision=lax.Precision.HIGHEST)

    return pl.pallas_call(
        body,
        grid=(nb,),
        in_specs=[
            pl.BlockSpec((NC, blk, 32), lambda i: (0, i, 0)),
            pl.BlockSpec((NC, blk, 32), lambda i: (0, i, 0)),
            pl.BlockSpec((blk, 1), lambda i: (i, 0)),
            pl.BlockSpec((64, 64), lambda i: (0, 0)),
            pl.BlockSpec((1, 64), lambda i: (0, 0)),
            pl.BlockSpec((1, 64), lambda i: (0, 0)),
            pl.BlockSpec((1, 64), lambda i: (0, 0)),
            pl.BlockSpec((128, 16), lambda i: (0, 0)),
            pl.BlockSpec((16, 64), lambda i: (0, 0)),
            pl.BlockSpec((1, 64), lambda i: (0, 0)),
            pl.BlockSpec((64, 64), lambda i: (0, 0)),
        ],
        out_specs=[
            pl.BlockSpec((blk, 64), lambda i: (i, 0)),
            pl.BlockSpec((64, 64), lambda i: (0, 0)),
            pl.BlockSpec((8, 64), lambda i: (0, 0)),
            pl.BlockSpec((128, 64), lambda i: (0, 0)),
        ],
        out_shape=[
            jax.ShapeDtypeStruct((n, 64), jnp.float32),
            jax.ShapeDtypeStruct((64, 64), jnp.float32),
            jax.ShapeDtypeStruct((8, 64), jnp.float32),
            jax.ShapeDtypeStruct((128, 64), jnp.float32),
        ],
        scratch_shapes=[
            pltpu.VMEM((64, 64), jnp.float32),
            pltpu.VMEM((8, 64), jnp.float32),
        ],
    )(agg2, h1s3, dinv, w2, b2, g2, be2, clim16, wc16, bcv, wk1b)


def _tc_head(a2, batch3, weff2, ceff2, cx, wk1a, bk1v, wk2p, bk2p, n):
    nb = n // _BLK

    def body(a_ref, bt_ref, w_ref, cef_ref, cx_ref, wa_ref, bk1_ref,
             wk2_ref, bk2_ref, out_ref):
        h2 = jnp.maximum(
            lax.dot_general(a_ref[...], w_ref[...], (((1,), (0,)), ((), ())),
                            preferred_element_type=jnp.float32,
                            precision=lax.Precision.HIGHEST)
            + cef_ref[0:1, :], 0.0)
        bcol = bt_ref[...]
        io = lax.broadcasted_iota(jnp.int32, (1, 128), 1).astype(jnp.float32)
        oh = (bcol == io).astype(jnp.float32)
        cxg = lax.dot_general(oh, cx_ref[...], (((1,), (0,)), ((), ())),
                              preferred_element_type=jnp.float32,
                              precision=lax.Precision.HIGHEST)
        t = jnp.maximum(
            lax.dot_general(h2, wa_ref[...], (((1,), (0,)), ((), ())),
                            preferred_element_type=jnp.float32,
                            precision=lax.Precision.HIGHEST)
            + cxg + bk1_ref[...], 0.0)
        out_ref[...] = lax.dot_general(t, wk2_ref[...], (((1,), (0,)), ((), ())),
                                       preferred_element_type=jnp.float32,
                                       precision=lax.Precision.HIGHEST) \
            + bk2_ref[...]

    return pl.pallas_call(
        body,
        grid=(nb,),
        in_specs=[
            pl.BlockSpec((_BLK, 64), lambda i: (i, 0)),
            pl.BlockSpec((_BLK, 1), lambda i: (i, 0)),
            pl.BlockSpec((64, 64), lambda i: (0, 0)),
            pl.BlockSpec((8, 64), lambda i: (0, 0)),
            pl.BlockSpec((128, 64), lambda i: (0, 0)),
            pl.BlockSpec((64, 64), lambda i: (0, 0)),
            pl.BlockSpec((1, 64), lambda i: (0, 0)),
            pl.BlockSpec((64, 4), lambda i: (0, 0)),
            pl.BlockSpec((1, 4), lambda i: (0, 0)),
        ],
        out_specs=pl.BlockSpec((_BLK, 4), lambda i: (i, 0)),
        out_shape=jax.ShapeDtypeStruct((n, 4), jnp.float32),
    )(a2, batch3, weff2, ceff2, cx, wk1a, bk1v, wk2p, bk2p)




def kernel(x, edge_index, batch, climber, W1, b1, g1, be1, W2, b2, g2, be2,
           Wc, bc, Wk1, bk1, Wk2, bk2):
    n = x.shape[0]
    e = edge_index.shape[1]
    n_pad = -(-(n + 16) // 768) * 768
    ew = (-(-e // NW) + 1023) // 1024 * 1024
    ep = NW * ew

    src = edge_index[0].astype(jnp.int32)
    dst = edge_index[1].astype(jnp.int32)
    padn = ep - e
    pad_ar = jnp.arange(padn, dtype=jnp.int32)
    src_p = jnp.concatenate([src, pad_ar % 256])
    dst_p = jnp.concatenate([dst, n + (pad_ar % 16)])
    src2 = src_p.reshape(ep // 128, 128)
    dst2 = dst_p.reshape(ep // 128, 128)

    x16p = jnp.pad(x, ((0, n_pad - n), (0, 16 - x.shape[1])))
    w1p = jnp.pad(W1, ((0, 16 - W1.shape[0]), (0, 0)))
    clim16 = jnp.pad(climber, ((0, 0), (0, 16 - climber.shape[1])))
    wc16 = jnp.pad(Wc, ((0, 16 - Wc.shape[0]), (0, 0)))
    wk1a, wk1b = Wk1[:64], Wk1[64:]
    wk2p = Wk2
    bk2p = bk2.reshape(1, 4)
    b1v, g1v, be1v = b1.reshape(1, 64), g1.reshape(1, 64), be1.reshape(1, 64)
    b2v, g2v, be2v = b2.reshape(1, 64), g2.reshape(1, 64), be2.reshape(1, 64)
    bcv, bk1v = bc.reshape(1, 64), bk1.reshape(1, 64)
    batch3 = batch.astype(jnp.float32).reshape(n, 1)

    hist = _sc_histogram(dst2, n_pad, ew)
    dinv, xs = _tc_prep(hist, x16p, n_pad)
    agg1 = _sc_agg16(src2, dst2, xs, n_pad, ew)
    a1, weff1, ceff1 = _tc_moments16(agg1, xs, dinv, w1p, b1v, g1v, be1v, n)
    h1s = _tc_layer1(a1, dinv, weff1, ceff1, n)
    agg2 = _sc_agg32(src2, dst2, h1s, n_pad, ew)
    a2, weff2, ceff2, cx = _tc_moments64(agg2, h1s, dinv, W2, b2v, g2v, be2v,
                                         clim16, wc16, bcv, wk1b, n)
    return _tc_head(a2, batch3, weff2, ceff2, cx, wk1a, bk1v, wk2p, bk2p, n)

# --- scband reference (transcript-rebuilt; emitter-appended) ---
"""Pipeline reference for scband-reachability-features-gnn-19688130085058 (READ-ONLY COPY).

The authoritative reference and input builder live on the scoring server;
editing this copy changes nothing except your own understanding.
"""

import jax, jax.numpy as jnp
import numpy as np

N, E, B = 50000, 800000, 128
NODE_IN, CLIMBER_IN, HIDDEN, OUT = 6, 6, 64, 4


def setup_inputs(seed: int = 0):
    key = jax.random.key(seed)
    ks = jax.random.split(key, 20)
    x = jax.random.normal(ks[0], (N, NODE_IN), dtype=jnp.float32)
    edge_index = jax.random.randint(ks[1], (2, E), 0, N)
    batch = jnp.sort(jax.random.randint(ks[2], (N,), 0, B))
    climber = jax.random.normal(ks[3], (B, CLIMBER_IN), dtype=jnp.float32)
    W1 = jax.random.normal(ks[4], (NODE_IN, HIDDEN), dtype=jnp.float32) * 0.1
    b1 = jnp.zeros((HIDDEN,), jnp.float32)
    g1 = jnp.ones((HIDDEN,), jnp.float32)
    be1 = jnp.zeros((HIDDEN,), jnp.float32)
    W2 = jax.random.normal(ks[5], (HIDDEN, HIDDEN), dtype=jnp.float32) * 0.1
    b2 = jnp.zeros((HIDDEN,), jnp.float32)
    g2 = jnp.ones((HIDDEN,), jnp.float32)
    be2 = jnp.zeros((HIDDEN,), jnp.float32)
    Wc = jax.random.normal(ks[6], (CLIMBER_IN, HIDDEN), dtype=jnp.float32) * 0.1
    bc = jnp.zeros((HIDDEN,), jnp.float32)
    Wk1 = jax.random.normal(ks[7], (2 * HIDDEN, HIDDEN), dtype=jnp.float32) * 0.1
    bk1 = jnp.zeros((HIDDEN,), jnp.float32)
    Wk2 = jax.random.normal(ks[8], (HIDDEN, OUT), dtype=jnp.float32) * 0.1
    bk2 = jnp.zeros((OUT,), jnp.float32)
    return {"x": x, "edge_index": edge_index, "batch": batch, "climber": climber,
            "W1": W1, "b1": b1, "g1": g1, "be1": be1,
            "W2": W2, "b2": b2, "g2": g2, "be2": be2,
            "Wc": Wc, "bc": bc, "Wk1": Wk1, "bk1": bk1, "Wk2": Wk2, "bk2": bk2}


def reference(x, edge_index, batch, climber, W1, b1, g1, be1, W2, b2, g2, be2, Wc, bc, Wk1, bk1, Wk2, bk2):
    n = x.shape[0]
    loop = jnp.arange(n)
    src = jnp.concatenate([edge_index[0], loop])
    dst = jnp.concatenate([edge_index[1], loop])
    # GCN symmetric normalization with self-loops (PyG gcn_norm)
    deg = jnp.zeros((n,), x.dtype).at[dst].add(1.0)
    dinv = jnp.where(deg > 0, 1.0 / jnp.sqrt(deg), 0.0)
    norm = dinv[src] * dinv[dst]

    def gcn(h, W, b):
        h = h @ W
        out = jnp.zeros((n, h.shape[1]), h.dtype).at[dst].add(h[src] * norm[:, None])
        return out + b

    def bn(h, g, b):
        m = h.mean(axis=0)
        v = h.var(axis=0)
        return (h - m) / jnp.sqrt(v + 1e-5) * g + b

    h = jax.nn.relu(bn(gcn(x, W1, b1), g1, be1))
    h = jax.nn.relu(bn(gcn(h, W2, b2), g2, be2))
    ce = jax.nn.relu(climber @ Wc + bc)  # dropout = identity (eval)
    h = jnp.concatenate([h, ce[batch]], axis=1)
    h = jax.nn.relu(h @ Wk1 + bk1)
    return h @ Wk2 + bk2

if __name__ == "__main__":
    import jax
    _d = setup_inputs()
    print(jax.jit(kernel)(*tuple(_d.values())))

</pallas_src>

<mosaic_0001>
#map = affine_map<(d0, d1) -> (0, 0)>
module attributes {stable_mosaic.version = 14 : i64} {
  func.func @k(%arg0: i32, %arg1: i32, %arg2: memref<6400x128xi32, #tpu.memory_space<hbm>>, %arg3: memref<2x50688xf32, #tpu.memory_space<hbm>>, %arg4: memref<8x128xi32, #tpu.memory_space<vmem>>, %arg5: memref<128xf32, #tpu.memory_space<vmem>>, %arg6: memref<3168xf32, #tpu.memory_space<vmem>>, %arg7: memref<50688xf32, #tpu.memory_space<vmem_shared>>) attributes {dimension_semantics = [#tpu.dimension_semantics<core_parallel>, #tpu.dimension_semantics<subcore_parallel>], iteration_bounds = array<i64: 2, 16>, scalar_prefetch = 0 : i64, scratch_operands = 4 : i64, tpu.core_type = #tpu.core_type<sc_vector_subcore>, window_params = [{transform_indices = #map}, {transform_indices = #map}]} {
    %mul3A = arith.constant 16 : i32
    %mul3A_0 = arith.muli %arg0, %mul3A : i32
    %add3A = arith.addi %mul3A_0, %arg1 : i32
    %broadcast_in_dim3A = arith.constant 1.000000e+00 : f32
    %broadcast_in_dim3A_1 = vector.broadcast %broadcast_in_dim3A : f32 to vector<16xf32>
    %broadcast_in_dim3A_2 = arith.constant 0.000000e+00 : f32
    %broadcast_in_dim3A_3 = vector.broadcast %broadcast_in_dim3A_2 : f32 to vector<16xf32>
    %scan3A = arith.constant 0 : i32
    %scan3A_4 = arith.constant 8 : i32
    %scan3A_5 = arith.addi %scan3A, %scan3A_4 : i32
    %scan3A_6 = arith.constant 1 : i32
    scf.for %scan3A_21 = %scan3A to %scan3A_5 step %scan3A_6  : i32 {
      %mul3A_22 = arith.constant 1 : i32
      %mul3A_23 = arith.muli %scan3A_21, %mul3A_22 : i32
      %add3A_24 = arith.constant 0 : i32
      %add3A_25 = arith.addi %add3A_24, %mul3A_23 : i32
      %mul3A_26 = arith.constant 16 : i32
      %mul3A_27 = arith.muli %add3A_25, %mul3A_26 : i32
      %swap3A = arith.index_cast %mul3A_27 : i32 to index
      %swap3A_28 = tpu.vector_load %arg5[%swap3A] {strides = array<i32>} : memref<128xf32, #tpu.memory_space<vmem>>, vector<16xf32>,
      %swap3A_29 = vector.shape_cast %swap3A_28 : vector<16xf32> to vector<16xf32>
      %swap3A_30 = vector.shape_cast %broadcast_in_dim3A_1 : vector<16xf32> to vector<16xf32>
      tpu.vector_store %arg5[%swap3A], %swap3A_30 {strides = array<i32>} : memref<128xf32, #tpu.memory_space<vmem>>, vector<16xf32>,
    }
    %scan3A_7 = arith.constant 8 : i32
    %scan3A_8 = arith.constant 0 : i32
    %scan3A_9 = arith.constant 198 : i32
    %scan3A_10 = arith.addi %scan3A_8, %scan3A_9 : i32
    %scan3A_11 = arith.constant 1 : i32
    scf.for %scan3A_21 = %scan3A_8 to %scan3A_10 step %scan3A_11  : i32 {
      %mul3A_22 = arith.constant 1 : i32
      %mul3A_23 = arith.muli %scan3A_21, %mul3A_22 : i32
      %add3A_24 = arith.constant 0 : i32
      %add3A_25 = arith.addi %add3A_24, %mul3A_23 : i32
      %mul3A_26 = arith.constant 16 : i32
      %mul3A_27 = arith.muli %add3A_25, %mul3A_26 : i32
      %swap3A = arith.index_cast %mul3A_27 : i32 to index
      %swap3A_28 = tpu.vector_load %arg6[%swap3A] {strides = array<i32>} : memref<3168xf32, #tpu.memory_space<vmem>>, vector<16xf32>,
      %swap3A_29 = vector.shape_cast %swap3A_28 : vector<16xf32> to vector<16xf32>
      %swap3A_30 = vector.shape_cast %broadcast_in_dim3A_3 : vector<16xf32> to vector<16xf32>
      tpu.vector_store %arg6[%swap3A], %swap3A_30 {strides = array<i32>} : memref<3168xf32, #tpu.memory_space<vmem>>, vector<16xf32>,
    }
    %scan3A_12 = arith.constant 198 : i32
    %mul3A_13 = arith.constant 3168 : i32
    %mul3A_14 = arith.muli %arg1, %mul3A_13 : i32
    "tpu.region"() ({
      %run_scoped3A = tpu.sem_alloc : memref<!tpu.dma_semaphore, #tpu.memory_space<semaphore_mem>>
      %dma_start3A = tpu.memref_slice %arg7[%mul3A_14] : memref<50688xf32, #tpu.memory_space<vmem_shared>> -> memref<3168xf32, #tpu.memory_space<vmem_shared>>
      %dma_start3A_21 = tpu.memref_slice %arg7[%mul3A_14] : memref<50688xf32, #tpu.memory_space<vmem_shared>> -> memref<3168xf32, #tpu.memory_space<vmem_shared>>
      tpu.enqueue_dma source(%arg6 : memref<3168xf32, #tpu.memory_space<vmem>>) target(%dma_start3A_21 : memref<3168xf32, #tpu.memory_space<vmem_shared>>) target_semaphore(%run_scoped3A : memref<!tpu.dma_semaphore, #tpu.memory_space<semaphore_mem>>)
      %dma_wait3A = tpu.memref_slice %arg7[%mul3A_14] : memref<50688xf32, #tpu.memory_space<vmem_shared>> -> memref<3168xf32, #tpu.memory_space<vmem_shared>>
      %dma_wait3A_22 = tpu.memref_slice %arg7[%mul3A_14] : memref<50688xf32, #tpu.memory_space<vmem_shared>> -> memref<3168xf32, #tpu.memory_space<vmem_shared>>
      tpu.wait_dma2 semaphore(%run_scoped3A : memref<!tpu.dma_semaphore, #tpu.memory_space<semaphore_mem>>) src(%arg6 : memref<3168xf32, #tpu.memory_space<vmem>>) dst(%dma_wait3A_22 : memref<3168xf32, #tpu.memory_space<vmem_shared>>)
      tpu.yield
    }) : () -> ()
    %barrier3A = arith.constant 0 : index
    tpu.barrier barrier_id(%barrier3A)
    %scan3A_15 = arith.constant 0 : i32
    %scan3A_16 = arith.constant 25 : i32
    %scan3A_17 = arith.addi %scan3A_15, %scan3A_16 : i32
    %scan3A_18 = arith.constant 1 : i32
    scf.for %scan3A_21 = %scan3A_15 to %scan3A_17 step %scan3A_18  : i32 {
      %mul3A_22 = arith.constant 1 : i32
      %mul3A_23 = arith.muli %scan3A_21, %mul3A_22 : i32
      %add3A_24 = arith.constant 0 : i32
      %add3A_25 = arith.addi %add3A_24, %mul3A_23 : i32
      %mul3A_26 = arith.constant 200 : i32
      %mul3A_27 = arith.muli %add3A, %mul3A_26 : i32
      %mul3A_28 = arith.constant 8 : i32
      %mul3A_29 = arith.muli %add3A_25, %mul3A_28 : i32
      %add3A_30 = arith.addi %mul3A_27, %mul3A_29 : i32
      "tpu.region"() ({
        %run_scoped3A_38 = tpu.sem_alloc : memref<!tpu.dma_semaphore, #tpu.memory_space<semaphore_mem>>
        %dma_start3A = arith.constant 0 : i32
        %dma_start3A_39 = tpu.memref_slice %arg2[%add3A_30, %dma_start3A] : memref<6400x128xi32, #tpu.memory_space<hbm>> -> memref<8x128xi32, #tpu.memory_space<hbm>>
        %dma_start3A_40 = arith.constant 0 : i32
        %dma_start3A_41 = tpu.memref_slice %arg2[%add3A_30, %dma_start3A_40] : memref<6400x128xi32, #tpu.memory_space<hbm>> -> memref<8x128xi32, #tpu.memory_space<hbm>>
        tpu.enqueue_dma source(%dma_start3A_41 : memref<8x128xi32, #tpu.memory_space<hbm>>) target(%arg4 : memref<8x128xi32, #tpu.memory_space<vmem>>) target_semaphore(%run_scoped3A_38 : memref<!tpu.dma_semaphore, #tpu.memory_space<semaphore_mem>>)
        %dma_wait3A = arith.constant 0 : i32
        %dma_wait3A_42 = tpu.memref_slice %arg2[%add3A_30, %dma_wait3A] : memref<6400x128xi32, #tpu.memory_space<hbm>> -> memref<8x128xi32, #tpu.memory_space<hbm>>
        %dma_wait3A_43 = arith.constant 0 : i32
        %dma_wait3A_44 = tpu.memref_slice %arg2[%add3A_30, %dma_wait3A_43] : memref<6400x128xi32, #tpu.memory_space<hbm>> -> memref<8x128xi32, #tpu.memory_space<hbm>>
        tpu.wait_dma2 semaphore(%run_scoped3A_38 : memref<!tpu.dma_semaphore, #tpu.memory_space<semaphore_mem>>) src(%dma_wait3A_44 : memref<8x128xi32, #tpu.memory_space<hbm>>) dst(%arg4 : memref<8x128xi32, #tpu.memory_space<vmem>>)
        tpu.yield
      }) : () -> ()
      %run_scoped3A = arith.constant 0 : i32
      "tpu.region"() ({
        %run_scoped3A_38 = tpu.sem_alloc : memref<!tpu.dma_semaphore, #tpu.memory_space<semaphore_mem>>
        %dma_start3A = arith.constant 0 : i32
        %dma_start3A_39 = tpu.memref_slice %arg4[%run_scoped3A, %dma_start3A] : memref<8x128xi32, #tpu.memory_space<vmem>> -> memref<1x128xi32, #tpu.memory_space<vmem>>
        %dma_start3A_40 = tpu.memref_squeeze %dma_start3A_39 : memref<1x128xi32, #tpu.memory_space<vmem>> -> memref<128xi32, #tpu.memory_space<vmem>>
        %dma_start3A_41 = arith.constant 0 : i32
        %dma_start3A_42 = tpu.memref_slice %arg7[%dma_start3A_41] : memref<50688xf32, #tpu.memory_space<vmem_shared>> -> memref<50688xf32, #tpu.memory_space<vmem_shared>>
        tpu.enqueue_indirect_dma source(%arg5 : memref<128xf32, #tpu.memory_space<vmem>>) target(%dma_start3A_42 : memref<50688xf32, #tpu.memory_space<vmem_shared>>) offsets(%dma_start3A_40 : memref<128xi32, #tpu.memory_space<vmem>>) semaphore(%run_scoped3A_38 : memref<!tpu.dma_semaphore, #tpu.memory_space<semaphore_mem>>) {add = true}
        %dma_wait3A = arith.constant 0 : i32
        %dma_wait3A_43 = tpu.memref_slice %arg4[%run_scoped3A, %dma_wait3A] : memref<8x128xi32, #tpu.memory_space<vmem>> -> memref<1x128xi32, #tpu.memory_space<vmem>>
        %dma_wait3A_44 = tpu.memref_squeeze %dma_wait3A_43 : memref<1x128xi32, #tpu.memory_space<vmem>> -> memref<128xi32, #tpu.memory_space<vmem>>
        %dma_wait3A_45 = arith.constant 0 : i32
        %dma_wait3A_46 = tpu.memref_slice %arg7[%dma_wait3A_45] : memref<50688xf32, #tpu.memory_space<vmem_shared>> -> memref<50688xf32, #tpu.memory_space<vmem_shared>>
        tpu.wait_indirect_dma semaphore(%run_scoped3A_38 : memref<!tpu.dma_semaphore, #tpu.memory_space<semaphore_mem>>) src(%arg5 : memref<128xf32, #tpu.memory_space<vmem>>) dst(%dma_wait3A_46 : memref<50688xf32, #tpu.memory_space<vmem_shared>>)
        tpu.yield
      }) : () -> ()
      %run_scoped3A_31 = arith.constant 1 : i32
      "tpu.region"() ({
        %run_scoped3A_38 = tpu.sem_alloc : memref<!tpu.dma_semaphore, #tpu.memory_space<semaphore_mem>>
        %dma_start3A = arith.constant 0 : i32
        %dma_start3A_39 = tpu.memref_slice %arg4[%run_scoped3A_31, %dma_start3A] : memref<8x128xi32, #tpu.memory_space<vmem>> -> memref<1x128xi32, #tpu.memory_space<vmem>>
        %dma_start3A_40 = tpu.memref_squeeze %dma_start3A_39 : memref<1x128xi32, #tpu.memory_space<vmem>> -> memref<128xi32, #tpu.memory_space<vmem>>
        %dma_start3A_41 = arith.constant 0 : i32
        %dma_start3A_42 = tpu.memref_slice %arg7[%dma_start3A_41] : memref<50688xf32, #tpu.memory_space<vmem_shared>> -> memref<50688xf32, #tpu.memory_space<vmem_shared>>
        tpu.enqueue_indirect_dma source(%arg5 : memref<128xf32, #tpu.memory_space<vmem>>) target(%dma_start3A_42 : memref<50688xf32, #tpu.memory_space<vmem_shared>>) offsets(%dma_start3A_40 : memref<128xi32, #tpu.memory_space<vmem>>) semaphore(%run_scoped3A_38 : memref<!tpu.dma_semaphore, #tpu.memory_space<semaphore_mem>>) {add = true}
        %dma_wait3A = arith.constant 0 : i32
        %dma_wait3A_43 = tpu.memref_slice %arg4[%run_scoped3A_31, %dma_wait3A] : memref<8x128xi32, #tpu.memory_space<vmem>> -> memref<1x128xi32, #tpu.memory_space<vmem>>
        %dma_wait3A_44 = tpu.memref_squeeze %dma_wait3A_43 : memref<1x128xi32, #tpu.memory_space<vmem>> -> memref<128xi32, #tpu.memory_space<vmem>>
        %dma_wait3A_45 = arith.constant 0 : i32
        %dma_wait3A_46 = tpu.memref_slice %arg7[%dma_wait3A_45] : memref<50688xf32, #tpu.memory_space<vmem_shared>> -> memref<50688xf32, #tpu.memory_space<vmem_shared>>
        tpu.wait_indirect_dma semaphore(%run_scoped3A_38 : memref<!tpu.dma_semaphore, #tpu.memory_space<semaphore_mem>>) src(%arg5 : memref<128xf32, #tpu.memory_space<vmem>>) dst(%dma_wait3A_46 : memref<50688xf32, #tpu.memory_space<vmem_shared>>)
        tpu.yield
      }) : () -> ()
      %run_scoped3A_32 = arith.constant 2 : i32
      "tpu.region"() ({
        %run_scoped3A_38 = tpu.sem_alloc : memref<!tpu.dma_semaphore, #tpu.memory_space<semaphore_mem>>
        %dma_start3A = arith.constant 0 : i32
        %dma_start3A_39 = tpu.memref_slice %arg4[%run_scoped3A_32, %dma_start3A] : memref<8x128xi32, #tpu.memory_space<vmem>> -> memref<1x128xi32, #tpu.memory_space<vmem>>
        %dma_start3A_40 = tpu.memref_squeeze %dma_start3A_39 : memref<1x128xi32, #tpu.memory_space<vmem>> -> memref<128xi32, #tpu.memory_space<vmem>>
        %dma_start3A_41 = arith.constant 0 : i32
        %dma_start3A_42 = tpu.memref_slice %arg7[%dma_start3A_41] : memref<50688xf32, #tpu.memory_space<vmem_shared>> -> memref<50688xf32, #tpu.memory_space<vmem_shared>>
        tpu.enqueue_indirect_dma source(%arg5 : memref<128xf32, #tpu.memory_space<vmem>>) target(%dma_start3A_42 : memref<50688xf32, #tpu.memory_space<vmem_shared>>) offsets(%dma_start3A_40 : memref<128xi32, #tpu.memory_space<vmem>>) semaphore(%run_scoped3A_38 : memref<!tpu.dma_semaphore, #tpu.memory_space<semaphore_mem>>) {add = true}
        %dma_wait3A = arith.constant 0 : i32
        %dma_wait3A_43 = tpu.memref_slice %arg4[%run_scoped3A_32, %dma_wait3A] : memref<8x128xi32, #tpu.memory_space<vmem>> -> memref<1x128xi32, #tpu.memory_space<vmem>>
        %dma_wait3A_44 = tpu.memref_squeeze %dma_wait3A_43 : memref<1x128xi32, #tpu.memory_space<vmem>> -> memref<128xi32, #tpu.memory_space<vmem>>
        %dma_wait3A_45 = arith.constant 0 : i32
        %dma_wait3A_46 = tpu.memref_slice %arg7[%dma_wait3A_45] : memref<50688xf32, #tpu.memory_space<vmem_shared>> -> memref<50688xf32, #tpu.memory_space<vmem_shared>>
        tpu.wait_indirect_dma semaphore(%run_scoped3A_38 : memref<!tpu.dma_semaphore, #tpu.memory_space<semaphore_mem>>) src(%arg5 : memref<128xf32, #tpu.memory_space<vmem>>) dst(%dma_wait3A_46 : memref<50688xf32, #tpu.memory_space<vmem_shared>>)
        tpu.yield
      }) : () -> ()
      %run_scoped3A_33 = arith.constant 3 : i32
      "tpu.region"() ({
        %run_scoped3A_38 = tpu.sem_alloc : memref<!tpu.dma_semaphore, #tpu.memory_space<semaphore_mem>>
        %dma_start3A = arith.constant 0 : i32
        %dma_start3A_39 = tpu.memref_slice %arg4[%run_scoped3A_33, %dma_start3A] : memref<8x128xi32, #tpu.memory_space<vmem>> -> memref<1x128xi32, #tpu.memory_space<vmem>>
        %dma_start3A_40 = tpu.memref_squeeze %dma_start3A_39 : memref<1x128xi32, #tpu.memory_space<vmem>> -> memref<128xi32, #tpu.memory_space<vmem>>
        %dma_start3A_41 = arith.constant 0 : i32
        %dma_start3A_42 = tpu.memref_slice %arg7[%dma_start3A_41] : memref<50688xf32, #tpu.memory_space<vmem_shared>> -> memref<50688xf32, #tpu.memory_space<vmem_shared>>
        tpu.enqueue_indirect_dma source(%arg5 : memref<128xf32, #tpu.memory_space<vmem>>) target(%dma_start3A_42 : memref<50688xf32, #tpu.memory_space<vmem_shared>>) offsets(%dma_start3A_40 : memref<128xi32, #tpu.memory_space<vmem>>) semaphore(%run_scoped3A_38 : memref<!tpu.dma_semaphore, #tpu.memory_space<semaphore_mem>>) {add = true}
        %dma_wait3A = arith.constant 0 : i32
        %dma_wait3A_43 = tpu.memref_slice %arg4[%run_scoped3A_33, %dma_wait3A] : memref<8x128xi32, #tpu.memory_space<vmem>> -> memref<1x128xi32, #tpu.memory_space<vmem>>
        %dma_wait3A_44 = tpu.memref_squeeze %dma_wait3A_43 : memref<1x128xi32, #tpu.memory_space<vmem>> -> memref<128xi32, #tpu.memory_space<vmem>>
        %dma_wait3A_45 = arith.constant 0 : i32
        %dma_wait3A_46 = tpu.memref_slice %arg7[%dma_wait3A_45] : memref<50688xf32, #tpu.memory_space<vmem_shared>> -> memref<50688xf32, #tpu.memory_space<vmem_shared>>
        tpu.wait_indirect_dma semaphore(%run_scoped3A_38 : memref<!tpu.dma_semaphore, #tpu.memory_space<semaphore_mem>>) src(%arg5 : memref<128xf32, #tpu.memory_space<vmem>>) dst(%dma_wait3A_46 : memref<50688xf32, #tpu.memory_space<vmem_shared>>)
        tpu.yield
      }) : () -> ()
      %run_scoped3A_34 = arith.constant 4 : i32
      "tpu.region"() ({
        %run_scoped3A_38 = tpu.sem_alloc : memref<!tpu.dma_semaphore, #tpu.memory_space<semaphore_mem>>
        %dma_start3A = arith.constant 0 : i32
        %dma_start3A_39 = tpu.memref_slice %arg4[%run_scoped3A_34, %dma_start3A] : memref<8x128xi32, #tpu.memory_space<vmem>> -> memref<1x128xi32, #tpu.memory_space<vmem>>
        %dma_start3A_40 = tpu.memref_squeeze %dma_start3A_39 : memref<1x128xi32, #tpu.memory_space<vmem>> -> memref<128xi32, #tpu.memory_space<vmem>>
        %dma_start3A_41 = arith.constant 0 : i32
        %dma_start3A_42 = tpu.memref_slice %arg7[%dma_start3A_41] : memref<50688xf32, #tpu.memory_space<vmem_shared>> -> memref<50688xf32, #tpu.memory_space<vmem_shared>>
        tpu.enqueue_indirect_dma source(%arg5 : memref<128xf32, #tpu.memory_space<vmem>>) target(%dma_start3A_42 : memref<50688xf32, #tpu.memory_space<vmem_shared>>) offsets(%dma_start3A_40 : memref<128xi32, #tpu.memory_space<vmem>>) semaphore(%run_scoped3A_38 : memref<!tpu.dma_semaphore, #tpu.memory_space<semaphore_mem>>) {add = true}
        %dma_wait3A = arith.constant 0 : i32
        %dma_wait3A_43 = tpu.memref_slice %arg4[%run_scoped3A_34, %dma_wait3A] : memref<8x128xi32, #tpu.memory_space<vmem>> -> memref<1x128xi32, #tpu.memory_space<vmem>>
        %dma_wait3A_44 = tpu.memref_squeeze %dma_wait3A_43 : memref<1x128xi32, #tpu.memory_space<vmem>> -> memref<128xi32, #tpu.memory_space<vmem>>
        %dma_wait3A_45 = arith.constant 0 : i32
        %dma_wait3A_46 = tpu.memref_slice %arg7[%dma_wait3A_45] : memref<50688xf32, #tpu.memory_space<vmem_shared>> -> memref<50688xf32, #tpu.memory_space<vmem_shared>>
        tpu.wait_indirect_dma semaphore(%run_scoped3A_38 : memref<!tpu.dma_semaphore, #tpu.memory_space<semaphore_mem>>) src(%arg5 : memref<128xf32, #tpu.memory_space<vmem>>) dst(%dma_wait3A_46 : memref<50688xf32, #tpu.memory_space<vmem_shared>>)
        tpu.yield
      }) : () -> ()
      %run_scoped3A_35 = arith.constant 5 : i32
      "tpu.region"() ({
        %run_scoped3A_38 = tpu.sem_alloc : memref<!tpu.dma_semaphore, #tpu.memory_space<semaphore_mem>>
        %dma_start3A = arith.constant 0 : i32
        %dma_start3A_39 = tpu.memref_slice %arg4[%run_scoped3A_35, %dma_start3A] : memref<8x128xi32, #tpu.memory_space<vmem>> -> memref<1x128xi32, #tpu.memory_space<vmem>>
        %dma_start3A_40 = tpu.memref_squeeze %dma_start3A_39 : memref<1x128xi32, #tpu.memory_space<vmem>> -> memref<128xi32, #tpu.memory_space<vmem>>
        %dma_start3A_41 = arith.constant 0 : i32
        %dma_start3A_42 = tpu.memref_slice %arg7[%dma_start3A_41] : memref<50688xf32, #tpu.memory_space<vmem_shared>> -> memref<50688xf32, #tpu.memory_space<vmem_shared>>
        tpu.enqueue_indirect_dma source(%arg5 : memref<128xf32, #tpu.memory_space<vmem>>) target(%dma_start3A_42 : memref<50688xf32, #tpu.memory_space<vmem_shared>>) offsets(%dma_start3A_40 : memref<128xi32, #tpu.memory_space<vmem>>) semaphore(%run_scoped3A_38 : memref<!tpu.dma_semaphore, #tpu.memory_space<semaphore_mem>>) {add = true}
        %dma_wait3A = arith.constant 0 : i32
        %dma_wait3A_43 = tpu.memref_slice %arg4[%run_scoped3A_35, %dma_wait3A] : memref<8x128xi32, #tpu.memory_space<vmem>> -> memref<1x128xi32, #tpu.memory_space<vmem>>
        %dma_wait3A_44 = tpu.memref_squeeze %dma_wait3A_43 : memref<1x128xi32, #tpu.memory_space<vmem>> -> memref<128xi32, #tpu.memory_space<vmem>>
        %dma_wait3A_45 = arith.constant 0 : i32
        %dma_wait3A_46 = tpu.memref_slice %arg7[%dma_wait3A_45] : memref<50688xf32, #tpu.memory_space<vmem_shared>> -> memref<50688xf32, #tpu.memory_space<vmem_shared>>
        tpu.wait_indirect_dma semaphore(%run_scoped3A_38 : memref<!tpu.dma_semaphore, #tpu.memory_space<semaphore_mem>>) src(%arg5 : memref<128xf32, #tpu.memory_space<vmem>>) dst(%dma_wait3A_46 : memref<50688xf32, #tpu.memory_space<vmem_shared>>)
        tpu.yield
      }) : () -> ()
      %run_scoped3A_36 = arith.constant 6 : i32
      "tpu.region"() ({
        %run_scoped3A_38 = tpu.sem_alloc : memref<!tpu.dma_semaphore, #tpu.memory_space<semaphore_mem>>
        %dma_start3A = arith.constant 0 : i32
        %dma_start3A_39 = tpu.memref_slice %arg4[%run_scoped3A_36, %dma_start3A] : memref<8x128xi32, #tpu.memory_space<vmem>> -> memref<1x128xi32, #tpu.memory_space<vmem>>
        %dma_start3A_40 = tpu.memref_squeeze %dma_start3A_39 : memref<1x128xi32, #tpu.memory_space<vmem>> -> memref<128xi32, #tpu.memory_space<vmem>>
        %dma_start3A_41 = arith.constant 0 : i32
        %dma_start3A_42 = tpu.memref_slice %arg7[%dma_start3A_41] : memref<50688xf32, #tpu.memory_space<vmem_shared>> -> memref<50688xf32, #tpu.memory_space<vmem_shared>>
        tpu.enqueue_indirect_dma source(%arg5 : memref<128xf32, #tpu.memory_space<vmem>>) target(%dma_start3A_42 : memref<50688xf32, #tpu.memory_space<vmem_shared>>) offsets(%dma_start3A_40 : memref<128xi32, #tpu.memory_space<vmem>>) semaphore(%run_scoped3A_38 : memref<!tpu.dma_semaphore, #tpu.memory_space<semaphore_mem>>) {add = true}
        %dma_wait3A = arith.constant 0 : i32
        %dma_wait3A_43 = tpu.memref_slice %arg4[%run_scoped3A_36, %dma_wait3A] : memref<8x128xi32, #tpu.memory_space<vmem>> -> memref<1x128xi32, #tpu.memory_space<vmem>>
        %dma_wait3A_44 = tpu.memref_squeeze %dma_wait3A_43 : memref<1x128xi32, #tpu.memory_space<vmem>> -> memref<128xi32, #tpu.memory_space<vmem>>
        %dma_wait3A_45 = arith.constant 0 : i32
        %dma_wait3A_46 = tpu.memref_slice %arg7[%dma_wait3A_45] : memref<50688xf32, #tpu.memory_space<vmem_shared>> -> memref<50688xf32, #tpu.memory_space<vmem_shared>>
        tpu.wait_indirect_dma semaphore(%run_scoped3A_38 : memref<!tpu.dma_semaphore, #tpu.memory_space<semaphore_mem>>) src(%arg5 : memref<128xf32, #tpu.memory_space<vmem>>) dst(%dma_wait3A_46 : memref<50688xf32, #tpu.memory_space<vmem_shared>>)
        tpu.yield
      }) : () -> ()
      %run_scoped3A_37 = arith.constant 7 : i32
      "tpu.region"() ({
        %run_scoped3A_38 = tpu.sem_alloc : memref<!tpu.dma_semaphore, #tpu.memory_space<semaphore_mem>>
        %dma_start3A = arith.constant 0 : i32
        %dma_start3A_39 = tpu.memref_slice %arg4[%run_scoped3A_37, %dma_start3A] : memref<8x128xi32, #tpu.memory_space<vmem>> -> memref<1x128xi32, #tpu.memory_space<vmem>>
        %dma_start3A_40 = tpu.memref_squeeze %dma_start3A_39 : memref<1x128xi32, #tpu.memory_space<vmem>> -> memref<128xi32, #tpu.memory_space<vmem>>
        %dma_start3A_41 = arith.constant 0 : i32
        %dma_start3A_42 = tpu.memref_slice %arg7[%dma_start3A_41] : memref<50688xf32, #tpu.memory_space<vmem_shared>> -> memref<50688xf32, #tpu.memory_space<vmem_shared>>
        tpu.enqueue_indirect_dma source(%arg5 : memref<128xf32, #tpu.memory_space<vmem>>) target(%dma_start3A_42 : memref<50688xf32, #tpu.memory_space<vmem_shared>>) offsets(%dma_start3A_40 : memref<128xi32, #tpu.memory_space<vmem>>) semaphore(%run_scoped3A_38 : memref<!tpu.dma_semaphore, #tpu.memory_space<semaphore_mem>>) {add = true}
        %dma_wait3A = arith.constant 0 : i32
        %dma_wait3A_43 = tpu.memref_slice %arg4[%run_scoped3A_37, %dma_wait3A] : memref<8x128xi32, #tpu.memory_space<vmem>> -> memref<1x128xi32, #tpu.memory_space<vmem>>
        %dma_wait3A_44 = tpu.memref_squeeze %dma_wait3A_43 : memref<1x128xi32, #tpu.memory_space<vmem>> -> memref<128xi32, #tpu.memory_space<vmem>>
        %dma_wait3A_45 = arith.constant 0 : i32
        %dma_wait3A_46 = tpu.memref_slice %arg7[%dma_wait3A_45] : memref<50688xf32, #tpu.memory_space<vmem_shared>> -> memref<50688xf32, #tpu.memory_space<vmem_shared>>
        tpu.wait_indirect_dma semaphore(%run_scoped3A_38 : memref<!tpu.dma_semaphore, #tpu.memory_space<semaphore_mem>>) src(%arg5 : memref<128xf32, #tpu.memory_space<vmem>>) dst(%dma_wait3A_46 : memref<50688xf32, #tpu.memory_space<vmem_shared>>)
        tpu.yield
      }) : () -> ()
    }
    %scan3A_19 = arith.constant 25 : i32
    %barrier3A_20 = arith.constant 0 : index
    tpu.barrier barrier_id(%barrier3A_20)
    "tpu.region"() ({
      %run_scoped3A = tpu.sem_alloc : memref<!tpu.dma_semaphore, #tpu.memory_space<semaphore_mem>>
      %dma_start3A = tpu.memref_slice %arg7[%mul3A_14] : memref<50688xf32, #tpu.memory_space<vmem_shared>> -> memref<3168xf32, #tpu.memory_space<vmem_shared>>
      %dma_start3A_21 = tpu.memref_slice %arg7[%mul3A_14] : memref<50688xf32, #tpu.memory_space<vmem_shared>> -> memref<3168xf32, #tpu.memory_space<vmem_shared>>
      tpu.enqueue_dma source(%dma_start3A_21 : memref<3168xf32, #tpu.memory_space<vmem_shared>>) target(%arg6 : memref<3168xf32, #tpu.memory_space<vmem>>) target_semaphore(%run_scoped3A : memref<!tpu.dma_semaphore, #tpu.memory_space<semaphore_mem>>)
      %dma_wait3A = tpu.memref_slice %arg7[%mul3A_14] : memref<50688xf32, #tpu.memory_space<vmem_shared>> -> memref<3168xf32, #tpu.memory_space<vmem_shared>>
      %dma_wait3A_22 = tpu.memref_slice %arg7[%mul3A_14] : memref<50688xf32, #tpu.memory_space<vmem_shared>> -> memref<3168xf32, #tpu.memory_space<vmem_shared>>
      tpu.wait_dma2 semaphore(%run_scoped3A : memref<!tpu.dma_semaphore, #tpu.memory_space<semaphore_mem>>) src(%dma_wait3A_22 : memref<3168xf32, #tpu.memory_space<vmem_shared>>) dst(%arg6 : memref<3168xf32, #tpu.memory_space<vmem>>)
      tpu.yield
    }) : () -> ()
    "tpu.region"() ({
      %run_scoped3A = tpu.sem_alloc : memref<!tpu.dma_semaphore, #tpu.memory_space<semaphore_mem>>
      %dma_start3A = tpu.memref_slice %arg3[%arg0, %mul3A_14] : memref<2x50688xf32, #tpu.memory_space<hbm>> -> memref<1x3168xf32, #tpu.memory_space<hbm>>
      %dma_start3A_21 = tpu.memref_squeeze %dma_start3A : memref<1x3168xf32, #tpu.memory_space<hbm>> -> memref<3168xf32, #tpu.memory_space<hbm>>
      %dma_start3A_22 = tpu.memref_slice %arg3[%arg0, %mul3A_14] : memref<2x50688xf32, #tpu.memory_space<hbm>> -> memref<1x3168xf32, #tpu.memory_space<hbm>>
      %dma_start3A_23 = tpu.memref_squeeze %dma_start3A_22 : memref<1x3168xf32, #tpu.memory_space<hbm>> -> memref<3168xf32, #tpu.memory_space<hbm>>
      tpu.enqueue_dma source(%arg6 : memref<3168xf32, #tpu.memory_space<vmem>>) target(%dma_start3A_23 : memref<3168xf32, #tpu.memory_space<hbm>>) target_semaphore(%run_scoped3A : memref<!tpu.dma_semaphore, #tpu.memory_space<semaphore_mem>>)
      %dma_wait3A = tpu.memref_slice %arg3[%arg0, %mul3A_14] : memref<2x50688xf32, #tpu.memory_space<hbm>> -> memref<1x3168xf32, #tpu.memory_space<hbm>>
      %dma_wait3A_24 = tpu.memref_squeeze %dma_wait3A : memref<1x3168xf32, #tpu.memory_space<hbm>> -> memref<3168xf32, #tpu.memory_space<hbm>>
      %dma_wait3A_25 = tpu.memref_slice %arg3[%arg0, %mul3A_14] : memref<2x50688xf32, #tpu.memory_space<hbm>> -> memref<1x3168xf32, #tpu.memory_space<hbm>>
      %dma_wait3A_26 = tpu.memref_squeeze %dma_wait3A_25 : memref<1x3168xf32, #tpu.memory_space<hbm>> -> memref<3168xf32, #tpu.memory_space<hbm>>
      tpu.wait_dma2 semaphore(%run_scoped3A : memref<!tpu.dma_semaphore, #tpu.memory_space<semaphore_mem>>) src(%arg6 : memref<3168xf32, #tpu.memory_space<vmem>>) dst(%dma_wait3A_26 : memref<3168xf32, #tpu.memory_space<hbm>>)
      tpu.yield
    }) : () -> ()
    return
  }
}

#map = affine_map<(d0, d1) -> (0, 0)>
#map1 = affine_map<(d0, d1) -> (0, 0, 0)>
module attributes {stable_mosaic.version = 14 : i64} {
  func.func @k(%arg0: i32, %arg1: i32, %arg2: memref<6400x128xi32, #tpu.memory_space<hbm>>, %arg3: memref<6400x128xi32, #tpu.memory_space<hbm>>, %arg4: memref<2x50000x32xf32, #tpu.memory_space<hbm>>, %arg5: memref<2x50688x32xf32, #tpu.memory_space<hbm>>, %arg6: memref<40x128xi32, #tpu.memory_space<vmem>>, %arg7: memref<40x128xi32, #tpu.memory_space<vmem>>, %arg8: memref<512x32xf32, #tpu.memory_space<vmem>>, %arg9: memref<50688x32xf32, #tpu.memory_space<vmem_shared>>, %arg10: memref<!tpu.dma_semaphore, #tpu.memory_space<semaphore_mem>>, %arg11: memref<!tpu.dma_semaphore, #tpu.memory_space<semaphore_mem>>) attributes {dimension_semantics = [#tpu.dimension_semantics<core_parallel>, #tpu.dimension_semantics<subcore_parallel>], iteration_bounds = array<i64: 2, 16>, scalar_prefetch = 0 : i64, scratch_operands = 6 : i64, tpu.core_type = #tpu.core_type<sc_vector_subcore>, window_params = [{transform_indices = #map}, {transform_indices = #map}, {transform_indices = #map1}, {transform_indices = #map1}]} {
    %broadcast_in_dim3A = arith.constant 0.000000e+00 : f32
    %broadcast_in_dim3A_0 = vector.broadcast %broadcast_in_dim3A : f32 to vector<16xf32>
    %scan3A = arith.constant 0 : i32
    %scan3A_1 = arith.constant 1024 : i32
    %scan3A_2 = arith.addi %scan3A, %scan3A_1 : i32
    %scan3A_3 = arith.constant 1 : i32
    scf.for %scan3A_25 = %scan3A to %scan3A_2 step %scan3A_3  : i32 {
      %mul3A_26 = arith.constant 1 : i32
      %mul3A_27 = arith.muli %scan3A_25, %mul3A_26 : i32
      %add3A_28 = arith.constant 0 : i32
      %add3A_29 = arith.addi %add3A_28, %mul3A_27 : i32
      %jit3A = arith.constant 2 : i32
      %div3A = arith.divsi %add3A_29, %jit3A : i32
      %sign3A = arith.constant 0 : i32
      %sign3A_30 = arith.cmpi sgt, %add3A_29, %sign3A : i32
      %sign3A_31 = arith.extui %sign3A_30 : i1 to i32
      %sign3A_32 = arith.constant 0 : i32
      %sign3A_33 = arith.cmpi slt, %add3A_29, %sign3A_32 : i32
      %sign3A_34 = arith.extui %sign3A_33 : i1 to i32
      %sign3A_35 = arith.subi %sign3A_31, %sign3A_34 : i32
      %sign3A_36 = arith.constant 0 : i32
      %sign3A_37 = arith.cmpi sgt, %jit3A, %sign3A_36 : i32
      %sign3A_38 = arith.extui %sign3A_37 : i1 to i32
      %sign3A_39 = arith.constant 0 : i32
      %sign3A_40 = arith.cmpi slt, %jit3A, %sign3A_39 : i32
      %sign3A_41 = arith.extui %sign3A_40 : i1 to i32
      %sign3A_42 = arith.subi %sign3A_38, %sign3A_41 : i32
      %ne3A = arith.cmpi ne, %sign3A_35, %sign3A_42 : i32
      %rem3A = arith.remsi %add3A_29, %jit3A : i32
      %ne3A_43 = arith.constant 0 : i32
      %ne3A_44 = arith.cmpi ne, %rem3A, %ne3A_43 : i32
      %and3A = arith.andi %ne3A, %ne3A_44 : i1
      %sub3A = arith.constant 1 : i32
      %sub3A_45 = arith.subi %div3A, %sub3A : i32
      %select_n3A = arith.select %and3A, %sub3A_45, %div3A : i32
      %jit3A_46 = arith.constant 2 : i32
      %eq3A = arith.constant 0 : i32
      %eq3A_47 = arith.cmpi eq, %jit3A_46, %eq3A : i32
      %jit3A_48 = arith.constant 1 : i32
      %select_n3A_49 = arith.select %eq3A_47, %jit3A_48, %jit3A_46 : i32
      %rem3A_50 = arith.remsi %add3A_29, %select_n3A_49 : i32
      %ne3A_51 = arith.constant 0 : i32
      %ne3A_52 = arith.cmpi ne, %rem3A_50, %ne3A_51 : i32
      %lt3A = arith.constant 0 : i32
      %lt3A_53 = arith.cmpi slt, %rem3A_50, %lt3A : i32
      %lt3A_54 = arith.constant 0 : i32
      %lt3A_55 = arith.cmpi slt, %select_n3A_49, %lt3A_54 : i32
      %ne3A_56 = arith.xori %lt3A_53, %lt3A_55 : i1
      %and3A_57 = arith.andi %ne3A_56, %ne3A_52 : i1
      %add3A_58 = arith.addi %rem3A_50, %select_n3A_49 : i32
      %select_n3A_59 = arith.select %and3A_57, %add3A_58, %rem3A_50 : i32
      %mul3A_60 = arith.constant 16 : i32
      %mul3A_61 = arith.muli %select_n3A_59, %mul3A_60 : i32
      %swap3A = arith.index_cast %select_n3A : i32 to index
      %swap3A_62 = arith.index_cast %mul3A_61 : i32 to index
      %swap3A_63 = tpu.vector_load %arg8[%swap3A, %swap3A_62] {strides = array<i32>} : memref<512x32xf32, #tpu.memory_space<vmem>>, vector<1x16xf32>,
      %swap3A_64 = vector.shape_cast %swap3A_63 : vector<1x16xf32> to vector<16xf32>
      %swap3A_65 = vector.shape_cast %broadcast_in_dim3A_0 : vector<16xf32> to vector<1x16xf32>
      tpu.vector_store %arg8[%swap3A, %swap3A_62], %swap3A_65 {strides = array<i32>} : memref<512x32xf32, #tpu.memory_space<vmem>>, vector<1x16xf32>,
    }
    %scan3A_4 = arith.constant 1024 : i32
    %mul3A = arith.constant 3168 : i32
    %mul3A_5 = arith.muli %arg1, %mul3A : i32
    %add3A = arith.constant 0 : i32
    %add3A_6 = arith.addi %mul3A_5, %add3A : i32
    "tpu.region"() ({
      %run_scoped3A = tpu.sem_alloc : memref<!tpu.dma_semaphore, #tpu.memory_space<semaphore_mem>>
      %dma_start3A = arith.constant 0 : i32
      %dma_start3A_25 = tpu.memref_slice %arg9[%add3A_6, %dma_start3A] : memref<50688x32xf32, #tpu.memory_space<vmem_shared>> -> memref<512x32xf32, #tpu.memory_space<vmem_shared>>
      %dma_start3A_26 = arith.constant 0 : i32
      %dma_start3A_27 = tpu.memref_slice %arg9[%add3A_6, %dma_start3A_26] : memref<50688x32xf32, #tpu.memory_space<vmem_shared>> -> memref<512x32xf32, #tpu.memory_space<vmem_shared>>
      tpu.enqueue_dma source(%arg8 : memref<512x32xf32, #tpu.memory_space<vmem>>) target(%dma_start3A_27 : memref<512x32xf32, #tpu.memory_space<vmem_shared>>) target_semaphore(%run_scoped3A : memref<!tpu.dma_semaphore, #tpu.memory_space<semaphore_mem>>)
      %dma_wait3A = arith.constant 0 : i32
      %dma_wait3A_28 = tpu.memref_slice %arg9[%add3A_6, %dma_wait3A] : memref<50688x32xf32, #tpu.memory_space<vmem_shared>> -> memref<512x32xf32, #tpu.memory_space<vmem_shared>>
      %dma_wait3A_29 = arith.constant 0 : i32
      %dma_wait3A_30 = tpu.memref_slice %arg9[%add3A_6, %dma_wait3A_29] : memref<50688x32xf32, #tpu.memory_space<vmem_shared>> -> memref<512x32xf32, #tpu.memory_space<vmem_shared>>
      tpu.wait_dma2 semaphore(%run_scoped3A : memref<!tpu.dma_semaphore, #tpu.memory_space<semaphore_mem>>) src(%arg8 : memref<512x32xf32, #tpu.memory_space<vmem>>) dst(%dma_wait3A_30 : memref<512x32xf32, #tpu.memory_space<vmem_shared>>)
      tpu.yield
    }) : () -> ()
    %add3A_7 = arith.constant 512 : i32
    %add3A_8 = arith.addi %mul3A_5, %add3A_7 : i32
    "tpu.region"() ({
      %run_scoped3A = tpu.sem_alloc : memref<!tpu.dma_semaphore, #tpu.memory_space<semaphore_mem>>
      %dma_start3A = arith.constant 0 : i32
      %dma_start3A_25 = tpu.memref_slice %arg9[%add3A_8, %dma_start3A] : memref<50688x32xf32, #tpu.memory_space<vmem_shared>> -> memref<512x32xf32, #tpu.memory_space<vmem_shared>>
      %dma_start3A_26 = arith.constant 0 : i32
      %dma_start3A_27 = tpu.memref_slice %arg9[%add3A_8, %dma_start3A_26] : memref<50688x32xf32, #tpu.memory_space<vmem_shared>> -> memref<512x32xf32, #tpu.memory_space<vmem_shared>>
      tpu.enqueue_dma source(%arg8 : memref<512x32xf32, #tpu.memory_space<vmem>>) target(%dma_start3A_27 : memref<512x32xf32, #tpu.memory_space<vmem_shared>>) target_semaphore(%run_scoped3A : memref<!tpu.dma_semaphore, #tpu.memory_space<semaphore_mem>>)
      %dma_wait3A = arith.constant 0 : i32
      %dma_wait3A_28 = tpu.memref_slice %arg9[%add3A_8, %dma_wait3A] : memref<50688x32xf32, #tpu.memory_space<vmem_shared>> -> memref<512x32xf32, #tpu.memory_space<vmem_shared>>
      %dma_wait3A_29 = arith.constant 0 : i32
      %dma_wait3A_30 = tpu.memref_slice %arg9[%add3A_8, %dma_wait3A_29] : memref<50688x32xf32, #tpu.memory_space<vmem_shared>> -> memref<512x32xf32, #tpu.memory_space<vmem_shared>>
      tpu.wait_dma2 semaphore(%run_scoped3A : memref<!tpu.dma_semaphore, #tpu.memory_space<semaphore_mem>>) src(%arg8 : memref<512x32xf32, #tpu.memory_space<vmem>>) dst(%dma_wait3A_30 : memref<512x32xf32, #tpu.memory_space<vmem_shared>>)
      tpu.yield
    }) : () -> ()
    %add3A_9 = arith.constant 1024 : i32
    %add3A_10 = arith.addi %mul3A_5, %add3A_9 : i32
    "tpu.region"() ({
      %run_scoped3A = tpu.sem_alloc : memref<!tpu.dma_semaphore, #tpu.memory_space<semaphore_mem>>
      %dma_start3A = arith.constant 0 : i32
      %dma_start3A_25 = tpu.memref_slice %arg9[%add3A_10, %dma_start3A] : memref<50688x32xf32, #tpu.memory_space<vmem_shared>> -> memref<512x32xf32, #tpu.memory_space<vmem_shared>>
      %dma_start3A_26 = arith.constant 0 : i32
      %dma_start3A_27 = tpu.memref_slice %arg9[%add3A_10, %dma_start3A_26] : memref<50688x32xf32, #tpu.memory_space<vmem_shared>> -> memref<512x32xf32, #tpu.memory_space<vmem_shared>>
      tpu.enqueue_dma source(%arg8 : memref<512x32xf32, #tpu.memory_space<vmem>>) target(%dma_start3A_27 : memref<512x32xf32, #tpu.memory_space<vmem_shared>>) target_semaphore(%run_scoped3A : memref<!tpu.dma_semaphore, #tpu.memory_space<semaphore_mem>>)
      %dma_wait3A = arith.constant 0 : i32
      %dma_wait3A_28 = tpu.memref_slice %arg9[%add3A_10, %dma_wait3A] : memref<50688x32xf32, #tpu.memory_space<vmem_shared>> -> memref<512x32xf32, #tpu.memory_space<vmem_shared>>
      %dma_wait3A_29 = arith.constant 0 : i32
      %dma_wait3A_30 = tpu.memref_slice %arg9[%add3A_10, %dma_wait3A_29] : memref<50688x32xf32, #tpu.memory_space<vmem_shared>> -> memref<512x32xf32, #tpu.memory_space<vmem_shared>>
      tpu.wait_dma2 semaphore(%run_scoped3A : memref<!tpu.dma_semaphore, #tpu.memory_space<semaphore_mem>>) src(%arg8 : memref<512x32xf32, #tpu.memory_space<vmem>>) dst(%dma_wait3A_30 : memref<512x32xf32, #tpu.memory_space<vmem_shared>>)
      tpu.yield
    }) : () -> ()
    %add3A_11 = arith.constant 1536 : i32
    %add3A_12 = arith.addi %mul3A_5, %add3A_11 : i32
    "tpu.region"() ({
      %run_scoped3A = tpu.sem_alloc : memref<!tpu.dma_semaphore, #tpu.memory_space<semaphore_mem>>
      %dma_start3A = arith.constant 0 : i32
      %dma_start3A_25 = tpu.memref_slice %arg9[%add3A_12, %dma_start3A] : memref<50688x32xf32, #tpu.memory_space<vmem_shared>> -> memref<512x32xf32, #tpu.memory_space<vmem_shared>>
      %dma_start3A_26 = arith.constant 0 : i32
      %dma_start3A_27 = tpu.memref_slice %arg9[%add3A_12, %dma_start3A_26] : memref<50688x32xf32, #tpu.memory_space<vmem_shared>> -> memref<512x32xf32, #tpu.memory_space<vmem_shared>>
      tpu.enqueue_dma source(%arg8 : memref<512x32xf32, #tpu.memory_space<vmem>>) target(%dma_start3A_27 : memref<512x32xf32, #tpu.memory_space<vmem_shared>>) target_semaphore(%run_scoped3A : memref<!tpu.dma_semaphore, #tpu.memory_space<semaphore_mem>>)
      %dma_wait3A = arith.constant 0 : i32
      %dma_wait3A_28 = tpu.memref_slice %arg9[%add3A_12, %dma_wait3A] : memref<50688x32xf32, #tpu.memory_space<vmem_shared>> -> memref<512x32xf32, #tpu.memory_space<vmem_shared>>
      %dma_wait3A_29 = arith.constant 0 : i32
      %dma_wait3A_30 = tpu.memref_slice %arg9[%add3A_12, %dma_wait3A_29] : memref<50688x32xf32, #tpu.memory_space<vmem_shared>> -> memref<512x32xf32, #tpu.memory_space<vmem_shared>>
      tpu.wait_dma2 semaphore(%run_scoped3A : memref<!tpu.dma_semaphore, #tpu.memory_space<semaphore_mem>>) src(%arg8 : memref<512x32xf32, #tpu.memory_space<vmem>>) dst(%dma_wait3A_30 : memref<512x32xf32, #tpu.memory_space<vmem_shared>>)
      tpu.yield
    }) : () -> ()
    %add3A_13 = arith.constant 2048 : i32
    %add3A_14 = arith.addi %mul3A_5, %add3A_13 : i32
    "tpu.region"() ({
      %run_scoped3A = tpu.sem_alloc : memref<!tpu.dma_semaphore, #tpu.memory_space<semaphore_mem>>
      %dma_start3A = arith.constant 0 : i32
      %dma_start3A_25 = tpu.memref_slice %arg9[%add3A_14, %dma_start3A] : memref<50688x32xf32, #tpu.memory_space<vmem_shared>> -> memref<512x32xf32, #tpu.memory_space<vmem_shared>>
      %dma_start3A_26 = arith.constant 0 : i32
      %dma_start3A_27 = tpu.memref_slice %arg9[%add3A_14, %dma_start3A_26] : memref<50688x32xf32, #tpu.memory_space<vmem_shared>> -> memref<512x32xf32, #tpu.memory_space<vmem_shared>>
      tpu.enqueue_dma source(%arg8 : memref<512x32xf32, #tpu.memory_space<vmem>>) target(%dma_start3A_27 : memref<512x32xf32, #tpu.memory_space<vmem_shared>>) target_semaphore(%run_scoped3A : memref<!tpu.dma_semaphore, #tpu.memory_space<semaphore_mem>>)
      %dma_wait3A = arith.constant 0 : i32
      %dma_wait3A_28 = tpu.memref_slice %arg9[%add3A_14, %dma_wait3A] : memref<50688x32xf32, #tpu.memory_space<vmem_shared>> -> memref<512x32xf32, #tpu.memory_space<vmem_shared>>
      %dma_wait3A_29 = arith.constant 0 : i32
      %dma_wait3A_30 = tpu.memref_slice %arg9[%add3A_14, %dma_wait3A_29] : memref<50688x32xf32, #tpu.memory_space<vmem_shared>> -> memref<512x32xf32, #tpu.memory_space<vmem_shared>>
      tpu.wait_dma2 semaphore(%run_scoped3A : memref<!tpu.dma_semaphore, #tpu.memory_space<semaphore_mem>>) src(%arg8 : memref<512x32xf32, #tpu.memory_space<vmem>>) dst(%dma_wait3A_30 : memref<512x32xf32, #tpu.memory_space<vmem_shared>>)
      tpu.yield
    }) : () -> ()
    %add3A_15 = arith.constant 2560 : i32
    %add3A_16 = arith.addi %mul3A_5, %add3A_15 : i32
    "tpu.region"() ({
      %run_scoped3A = tpu.sem_alloc : memref<!tpu.dma_semaphore, #tpu.memory_space<semaphore_mem>>
      %dma_start3A = arith.constant 0 : i32
      %dma_start3A_25 = tpu.memref_slice %arg9[%add3A_16, %dma_start3A] : memref<50688x32xf32, #tpu.memory_space<vmem_shared>> -> memref<512x32xf32, #tpu.memory_space<vmem_shared>>
      %dma_start3A_26 = arith.constant 0 : i32
      %dma_start3A_27 = tpu.memref_slice %arg9[%add3A_16, %dma_start3A_26] : memref<50688x32xf32, #tpu.memory_space<vmem_shared>> -> memref<512x32xf32, #tpu.memory_space<vmem_shared>>
      tpu.enqueue_dma source(%arg8 : memref<512x32xf32, #tpu.memory_space<vmem>>) target(%dma_start3A_27 : memref<512x32xf32, #tpu.memory_space<vmem_shared>>) target_semaphore(%run_scoped3A : memref<!tpu.dma_semaphore, #tpu.memory_space<semaphore_mem>>)
      %dma_wait3A = arith.constant 0 : i32
      %dma_wait3A_28 = tpu.memref_slice %arg9[%add3A_16, %dma_wait3A] : memref<50688x32xf32, #tpu.memory_space<vmem_shared>> -> memref<512x32xf32, #tpu.memory_space<vmem_shared>>
      %dma_wait3A_29 = arith.constant 0 : i32
      %dma_wait3A_30 = tpu.memref_slice %arg9[%add3A_16, %dma_wait3A_29] : memref<50688x32xf32, #tpu.memory_space<vmem_shared>> -> memref<512x32xf32, #tpu.memory_space<vmem_shared>>
      tpu.wait_dma2 semaphore(%run_scoped3A : memref<!tpu.dma_semaphore, #tpu.memory_space<semaphore_mem>>) src(%arg8 : memref<512x32xf32, #tpu.memory_space<vmem>>) dst(%dma_wait3A_30 : memref<512x32xf32, #tpu.memory_space<vmem_shared>>)
      tpu.yield
    }) : () -> ()
    %add3A_17 = arith.constant 3072 : i32
    %add3A_18 = arith.addi %mul3A_5, %add3A_17 : i32
    "tpu.region"() ({
      %run_scoped3A = tpu.sem_alloc : memref<!tpu.dma_semaphore, #tpu.memory_space<semaphore_mem>>
      %dma_start3A = arith.constant 0 : i32
      %dma_start3A_25 = arith.constant 0 : i32
      %dma_start3A_26 = tpu.memref_slice %arg8[%dma_start3A, %dma_start3A_25] : memref<512x32xf32, #tpu.memory_space<vmem>> -> memref<96x32xf32, #tpu.memory_space<vmem>>
      %dma_start3A_27 = arith.constant 0 : i32
      %dma_start3A_28 = tpu.memref_slice %arg9[%add3A_18, %dma_start3A_27] : memref<50688x32xf32, #tpu.memory_space<vmem_shared>> -> memref<96x32xf32, #tpu.memory_space<vmem_shared>>
      %dma_start3A_29 = arith.constant 0 : i32
      %dma_start3A_30 = tpu.memref_slice %arg9[%add3A_18, %dma_start3A_29] : memref<50688x32xf32, #tpu.memory_space<vmem_shared>> -> memref<96x32xf32, #tpu.memory_space<vmem_shared>>
      %dma_start3A_31 = arith.constant 0 : i32
      %dma_start3A_32 = arith.constant 0 : i32
      %dma_start3A_33 = tpu.memref_slice %arg8[%dma_start3A_31, %dma_start3A_32] : memref<512x32xf32, #tpu.memory_space<vmem>> -> memref<96x32xf32, #tpu.memory_space<vmem>>
      tpu.enqueue_dma source(%dma_start3A_33 : memref<96x32xf32, #tpu.memory_space<vmem>>) target(%dma_start3A_30 : memref<96x32xf32, #tpu.memory_space<vmem_shared>>) target_semaphore(%run_scoped3A : memref<!tpu.dma_semaphore, #tpu.memory_space<semaphore_mem>>)
      %dma_wait3A = arith.constant 0 : i32
      %dma_wait3A_34 = arith.constant 0 : i32
      %dma_wait3A_35 = tpu.memref_slice %arg8[%dma_wait3A, %dma_wait3A_34] : memref<512x32xf32, #tpu.memory_space<vmem>> -> memref<96x32xf32, #tpu.memory_space<vmem>>
      %dma_wait3A_36 = arith.constant 0 : i32
      %dma_wait3A_37 = tpu.memref_slice %arg9[%add3A_18, %dma_wait3A_36] : memref<50688x32xf32, #tpu.memory_space<vmem_shared>> -> memref<96x32xf32, #tpu.memory_space<vmem_shared>>
      %dma_wait3A_38 = arith.constant 0 : i32
      %dma_wait3A_39 = tpu.memref_slice %arg9[%add3A_18, %dma_wait3A_38] : memref<50688x32xf32, #tpu.memory_space<vmem_shared>> -> memref<96x32xf32, #tpu.memory_space<vmem_shared>>
      %dma_wait3A_40 = arith.constant 0 : i32
      %dma_wait3A_41 = arith.constant 0 : i32
      %dma_wait3A_42 = tpu.memref_slice %arg8[%dma_wait3A_40, %dma_wait3A_41] : memref<512x32xf32, #tpu.memory_space<vmem>> -> memref<96x32xf32, #tpu.memory_space<vmem>>
      tpu.wait_dma2 semaphore(%run_scoped3A : memref<!tpu.dma_semaphore, #tpu.memory_space<semaphore_mem>>) src(%dma_wait3A_42 : memref<96x32xf32, #tpu.memory_space<vmem>>) dst(%dma_wait3A_39 : memref<96x32xf32, #tpu.memory_space<vmem_shared>>)
      tpu.yield
    }) : () -> ()
    %barrier3A = arith.constant 0 : index
    tpu.barrier barrier_id(%barrier3A)
    %scan3A_19 = arith.constant 0 : i32
    %scan3A_20 = arith.constant 10 : i32
    %scan3A_21 = arith.addi %scan3A_19, %scan3A_20 : i32
    %scan3A_22 = arith.constant 1 : i32
    scf.for %scan3A_25 = %scan3A_19 to %scan3A_21 step %scan3A_22  : i32 {
      %mul3A_26 = arith.constant 1 : i32
      %mul3A_27 = arith.muli %scan3A_25, %mul3A_26 : i32
      %add3A_28 = arith.constant 0 : i32
      %add3A_29 = arith.addi %add3A_28, %mul3A_27 : i32
      %mul3A_30 = arith.constant 400 : i32
      %mul3A_31 = arith.muli %arg1, %mul3A_30 : i32
      %mul3A_32 = arith.constant 40 : i32
      %mul3A_33 = arith.muli %add3A_29, %mul3A_32 : i32
      %add3A_34 = arith.addi %mul3A_31, %mul3A_33 : i32
      "tpu.region"() ({
        %run_scoped3A_153 = tpu.sem_alloc : memref<!tpu.dma_semaphore, #tpu.memory_space<semaphore_mem>>
        %dma_start3A_154 = arith.constant 0 : i32
        %dma_start3A_155 = tpu.memref_slice %arg2[%add3A_34, %dma_start3A_154] : memref<6400x128xi32, #tpu.memory_space<hbm>> -> memref<40x128xi32, #tpu.memory_space<hbm>>
        %dma_start3A_156 = arith.constant 0 : i32
        %dma_start3A_157 = tpu.memref_slice %arg2[%add3A_34, %dma_start3A_156] : memref<6400x128xi32, #tpu.memory_space<hbm>> -> memref<40x128xi32, #tpu.memory_space<hbm>>
        tpu.enqueue_dma source(%dma_start3A_157 : memref<40x128xi32, #tpu.memory_space<hbm>>) target(%arg6 : memref<40x128xi32, #tpu.memory_space<vmem>>) target_semaphore(%run_scoped3A_153 : memref<!tpu.dma_semaphore, #tpu.memory_space<semaphore_mem>>)
        %dma_wait3A_158 = arith.constant 0 : i32
        %dma_wait3A_159 = tpu.memref_slice %arg2[%add3A_34, %dma_wait3A_158] : memref<6400x128xi32, #tpu.memory_space<hbm>> -> memref<40x128xi32, #tpu.memory_space<hbm>>
        %dma_wait3A_160 = arith.constant 0 : i32
        %dma_wait3A_161 = tpu.memref_slice %arg2[%add3A_34, %dma_wait3A_160] : memref<6400x128xi32, #tpu.memory_space<hbm>> -> memref<40x128xi32, #tpu.memory_space<hbm>>
        tpu.wait_dma2 semaphore(%run_scoped3A_153 : memref<!tpu.dma_semaphore, #tpu.memory_space<semaphore_mem>>) src(%dma_wait3A_161 : memref<40x128xi32, #tpu.memory_space<hbm>>) dst(%arg6 : memref<40x128xi32, #tpu.memory_space<vmem>>)
        tpu.yield
      }) : () -> ()
      "tpu.region"() ({
        %run_scoped3A_153 = tpu.sem_alloc : memref<!tpu.dma_semaphore, #tpu.memory_space<semaphore_mem>>
        %dma_start3A_154 = arith.constant 0 : i32
        %dma_start3A_155 = tpu.memref_slice %arg3[%add3A_34, %dma_start3A_154] : memref<6400x128xi32, #tpu.memory_space<hbm>> -> memref<40x128xi32, #tpu.memory_space<hbm>>
        %dma_start3A_156 = arith.constant 0 : i32
        %dma_start3A_157 = tpu.memref_slice %arg3[%add3A_34, %dma_start3A_156] : memref<6400x128xi32, #tpu.memory_space<hbm>> -> memref<40x128xi32, #tpu.memory_space<hbm>>
        tpu.enqueue_dma source(%dma_start3A_157 : memref<40x128xi32, #tpu.memory_space<hbm>>) target(%arg7 : memref<40x128xi32, #tpu.memory_space<vmem>>) target_semaphore(%run_scoped3A_153 : memref<!tpu.dma_semaphore, #tpu.memory_space<semaphore_mem>>)
        %dma_wait3A_158 = arith.constant 0 : i32
        %dma_wait3A_159 = tpu.memref_slice %arg3[%add3A_34, %dma_wait3A_158] : memref<6400x128xi32, #tpu.memory_space<hbm>> -> memref<40x128xi32, #tpu.memory_space<hbm>>
        %dma_wait3A_160 = arith.constant 0 : i32
        %dma_wait3A_161 = tpu.memref_slice %arg3[%add3A_34, %dma_wait3A_160] : memref<6400x128xi32, #tpu.memory_space<hbm>> -> memref<40x128xi32, #tpu.memory_space<hbm>>
        tpu.wait_dma2 semaphore(%run_scoped3A_153 : memref<!tpu.dma_semaphore, #tpu.memory_space<semaphore_mem>>) src(%dma_wait3A_161 : memref<40x128xi32, #tpu.memory_space<hbm>>) dst(%arg7 : memref<40x128xi32, #tpu.memory_space<vmem>>)
        tpu.yield
      }) : () -> ()
      %dma_start3A = arith.constant 0 : i32
      %dma_start3A_35 = arith.constant 0 : i32
      %dma_start3A_36 = arith.constant 0 : i32
      %dma_start3A_37 = tpu.memref_slice %arg8[%dma_start3A_35, %dma_start3A_36] : memref<512x32xf32, #tpu.memory_space<vmem>> -> memref<128x32xf32, #tpu.memory_space<vmem>>
      %dma_start3A_38 = arith.constant 0 : i32
      %dma_start3A_39 = tpu.memref_slice %arg6[%dma_start3A, %dma_start3A_38] : memref<40x128xi32, #tpu.memory_space<vmem>> -> memref<1x128xi32, #tpu.memory_space<vmem>>
      %dma_start3A_40 = tpu.memref_squeeze %dma_start3A_39 : memref<1x128xi32, #tpu.memory_space<vmem>> -> memref<128xi32, #tpu.memory_space<vmem>>
      %dma_start3A_41 = arith.constant 0 : i32
      %dma_start3A_42 = arith.constant 0 : i32
      %dma_start3A_43 = tpu.memref_slice %arg4[%arg0, %dma_start3A_41, %dma_start3A_42] : memref<2x50000x32xf32, #tpu.memory_space<hbm>> -> memref<1x50000x32xf32, #tpu.memory_space<hbm>>
      %dma_start3A_44 = tpu.memref_squeeze %dma_start3A_43 : memref<1x50000x32xf32, #tpu.memory_space<hbm>> -> memref<50000x32xf32, #tpu.memory_space<hbm>>
      %dma_start3A_45 = arith.constant 0 : i32
      %dma_start3A_46 = arith.constant 0 : i32
      %dma_start3A_47 = tpu.memref_slice %dma_start3A_44[%dma_start3A_45, %dma_start3A_46] : memref<50000x32xf32, #tpu.memory_space<hbm>> -> memref<50000x32xf32, #tpu.memory_space<hbm>>
      tpu.enqueue_indirect_dma source(%dma_start3A_47 : memref<50000x32xf32, #tpu.memory_space<hbm>>) target(%dma_start3A_37 : memref<128x32xf32, #tpu.memory_space<vmem>>) offsets(%dma_start3A_40 : memref<128xi32, #tpu.memory_space<vmem>>) semaphore(%arg10 : memref<!tpu.dma_semaphore, #tpu.memory_space<semaphore_mem>>)
      %dma_start3A_48 = arith.constant 1 : i32
      %dma_start3A_49 = arith.constant 128 : i32
      %dma_start3A_50 = arith.constant 0 : i32
      %dma_start3A_51 = tpu.memref_slice %arg8[%dma_start3A_49, %dma_start3A_50] : memref<512x32xf32, #tpu.memory_space<vmem>> -> memref<128x32xf32, #tpu.memory_space<vmem>>
      %dma_start3A_52 = arith.constant 0 : i32
      %dma_start3A_53 = tpu.memref_slice %arg6[%dma_start3A_48, %dma_start3A_52] : memref<40x128xi32, #tpu.memory_space<vmem>> -> memref<1x128xi32, #tpu.memory_space<vmem>>
      %dma_start3A_54 = tpu.memref_squeeze %dma_start3A_53 : memref<1x128xi32, #tpu.memory_space<vmem>> -> memref<128xi32, #tpu.memory_space<vmem>>
      %dma_start3A_55 = arith.constant 0 : i32
      %dma_start3A_56 = arith.constant 0 : i32
      %dma_start3A_57 = tpu.memref_slice %arg4[%arg0, %dma_start3A_55, %dma_start3A_56] : memref<2x50000x32xf32, #tpu.memory_space<hbm>> -> memref<1x50000x32xf32, #tpu.memory_space<hbm>>
      %dma_start3A_58 = tpu.memref_squeeze %dma_start3A_57 : memref<1x50000x32xf32, #tpu.memory_space<hbm>> -> memref<50000x32xf32, #tpu.memory_space<hbm>>
      %dma_start3A_59 = arith.constant 0 : i32
      %dma_start3A_60 = arith.constant 0 : i32
      %dma_start3A_61 = tpu.memref_slice %dma_start3A_58[%dma_start3A_59, %dma_start3A_60] : memref<50000x32xf32, #tpu.memory_space<hbm>> -> memref<50000x32xf32, #tpu.memory_space<hbm>>
      tpu.enqueue_indirect_dma source(%dma_start3A_61 : memref<50000x32xf32, #tpu.memory_space<hbm>>) target(%dma_start3A_51 : memref<128x32xf32, #tpu.memory_space<vmem>>) offsets(%dma_start3A_54 : memref<128xi32, #tpu.memory_space<vmem>>) semaphore(%arg10 : memref<!tpu.dma_semaphore, #tpu.memory_space<semaphore_mem>>)
      %dma_start3A_62 = arith.constant 2 : i32
      %dma_start3A_63 = arith.constant 256 : i32
      %dma_start3A_64 = arith.constant 0 : i32
      %dma_start3A_65 = tpu.memref_slice %arg8[%dma_start3A_63, %dma_start3A_64] : memref<512x32xf32, #tpu.memory_space<vmem>> -> memref<128x32xf32, #tpu.memory_space<vmem>>
      %dma_start3A_66 = arith.constant 0 : i32
      %dma_start3A_67 = tpu.memref_slice %arg6[%dma_start3A_62, %dma_start3A_66] : memref<40x128xi32, #tpu.memory_space<vmem>> -> memref<1x128xi32, #tpu.memory_space<vmem>>
      %dma_start3A_68 = tpu.memref_squeeze %dma_start3A_67 : memref<1x128xi32, #tpu.memory_space<vmem>> -> memref<128xi32, #tpu.memory_space<vmem>>
      %dma_start3A_69 = arith.constant 0 : i32
      %dma_start3A_70 = arith.constant 0 : i32
      %dma_start3A_71 = tpu.memref_slice %arg4[%arg0, %dma_start3A_69, %dma_start3A_70] : memref<2x50000x32xf32, #tpu.memory_space<hbm>> -> memref<1x50000x32xf32, #tpu.memory_space<hbm>>
      %dma_start3A_72 = tpu.memref_squeeze %dma_start3A_71 : memref<1x50000x32xf32, #tpu.memory_space<hbm>> -> memref<50000x32xf32, #tpu.memory_space<hbm>>
      %dma_start3A_73 = arith.constant 0 : i32
      %dma_start3A_74 = arith.constant 0 : i32
      %dma_start3A_75 = tpu.memref_slice %dma_start3A_72[%dma_start3A_73, %dma_start3A_74] : memref<50000x32xf32, #tpu.memory_space<hbm>> -> memref<50000x32xf32, #tpu.memory_space<hbm>>
      tpu.enqueue_indirect_dma source(%dma_start3A_75 : memref<50000x32xf32, #tpu.memory_space<hbm>>) target(%dma_start3A_65 : memref<128x32xf32, #tpu.memory_space<vmem>>) offsets(%dma_start3A_68 : memref<128xi32, #tpu.memory_space<vmem>>) semaphore(%arg11 : memref<!tpu.dma_semaphore, #tpu.memory_space<semaphore_mem>>)
      %dma_start3A_76 = arith.constant 3 : i32
      %dma_start3A_77 = arith.constant 384 : i32
      %dma_start3A_78 = arith.constant 0 : i32
      %dma_start3A_79 = tpu.memref_slice %arg8[%dma_start3A_77, %dma_start3A_78] : memref<512x32xf32, #tpu.memory_space<vmem>> -> memref<128x32xf32, #tpu.memory_space<vmem>>
      %dma_start3A_80 = arith.constant 0 : i32
      %dma_start3A_81 = tpu.memref_slice %arg6[%dma_start3A_76, %dma_start3A_80] : memref<40x128xi32, #tpu.memory_space<vmem>> -> memref<1x128xi32, #tpu.memory_space<vmem>>
      %dma_start3A_82 = tpu.memref_squeeze %dma_start3A_81 : memref<1x128xi32, #tpu.memory_space<vmem>> -> memref<128xi32, #tpu.memory_space<vmem>>
      %dma_start3A_83 = arith.constant 0 : i32
      %dma_start3A_84 = arith.constant 0 : i32
      %dma_start3A_85 = tpu.memref_slice %arg4[%arg0, %dma_start3A_83, %dma_start3A_84] : memref<2x50000x32xf32, #tpu.memory_space<hbm>> -> memref<1x50000x32xf32, #tpu.memory_space<hbm>>
      %dma_start3A_86 = tpu.memref_squeeze %dma_start3A_85 : memref<1x50000x32xf32, #tpu.memory_space<hbm>> -> memref<50000x32xf32, #tpu.memory_space<hbm>>
      %dma_start3A_87 = arith.constant 0 : i32
      %dma_start3A_88 = arith.constant 0 : i32
      %dma_start3A_89 = tpu.memref_slice %dma_start3A_86[%dma_start3A_87, %dma_start3A_88] : memref<50000x32xf32, #tpu.memory_space<hbm>> -> memref<50000x32xf32, #tpu.memory_space<hbm>>
      tpu.enqueue_indirect_dma source(%dma_start3A_89 : memref<50000x32xf32, #tpu.memory_space<hbm>>) target(%dma_start3A_79 : memref<128x32xf32, #tpu.memory_space<vmem>>) offsets(%dma_start3A_82 : memref<128xi32, #tpu.memory_space<vmem>>) semaphore(%arg11 : memref<!tpu.dma_semaphore, #tpu.memory_space<semaphore_mem>>)
      %scan3A_90 = arith.constant 0 : i32
      %scan3A_91 = arith.constant 9 : i32
      %scan3A_92 = arith.addi %scan3A_90, %scan3A_91 : i32
      %scan3A_93 = arith.constant 1 : i32
      scf.for %scan3A_153 = %scan3A_90 to %scan3A_92 step %scan3A_93  : i32 {
        %mul3A_154 = arith.constant 1 : i32
        %mul3A_155 = arith.muli %scan3A_153, %mul3A_154 : i32
        %add3A_156 = arith.constant 0 : i32
        %add3A_157 = arith.addi %add3A_156, %mul3A_155 : i32
        %mul3A_158 = arith.constant 2 : i32
        %mul3A_159 = arith.muli %mul3A_158, %add3A_157 : i32
        %mul3A_160 = arith.constant 2 : i32
        %mul3A_161 = arith.muli %mul3A_159, %mul3A_160 : i32
        %add3A_162 = arith.constant 0 : i32
        %add3A_163 = arith.addi %mul3A_161, %add3A_162 : i32
        %add3A_164 = arith.constant 1 : i32
        %add3A_165 = arith.addi %mul3A_161, %add3A_164 : i32
        %dma_wait3A_166 = arith.constant 0 : i32
        %dma_wait3A_167 = arith.constant 0 : i32
        %dma_wait3A_168 = tpu.memref_slice %arg8[%dma_wait3A_166, %dma_wait3A_167] : memref<512x32xf32, #tpu.memory_space<vmem>> -> memref<128x32xf32, #tpu.memory_space<vmem>>
        %dma_wait3A_169 = arith.constant 0 : i32
        %dma_wait3A_170 = tpu.memref_slice %arg6[%add3A_163, %dma_wait3A_169] : memref<40x128xi32, #tpu.memory_space<vmem>> -> memref<1x128xi32, #tpu.memory_space<vmem>>
        %dma_wait3A_171 = tpu.memref_squeeze %dma_wait3A_170 : memref<1x128xi32, #tpu.memory_space<vmem>> -> memref<128xi32, #tpu.memory_space<vmem>>
        %dma_wait3A_172 = arith.constant 0 : i32
        %dma_wait3A_173 = arith.constant 0 : i32
        %dma_wait3A_174 = tpu.memref_slice %arg4[%arg0, %dma_wait3A_172, %dma_wait3A_173] : memref<2x50000x32xf32, #tpu.memory_space<hbm>> -> memref<1x50000x32xf32, #tpu.memory_space<hbm>>
        %dma_wait3A_175 = tpu.memref_squeeze %dma_wait3A_174 : memref<1x50000x32xf32, #tpu.memory_space<hbm>> -> memref<50000x32xf32, #tpu.memory_space<hbm>>
        %dma_wait3A_176 = arith.constant 0 : i32
        %dma_wait3A_177 = arith.constant 0 : i32
        %dma_wait3A_178 = tpu.memref_slice %dma_wait3A_175[%dma_wait3A_176, %dma_wait3A_177] : memref<50000x32xf32, #tpu.memory_space<hbm>> -> memref<50000x32xf32, #tpu.memory_space<hbm>>
        tpu.wait_indirect_dma semaphore(%arg10 : memref<!tpu.dma_semaphore, #tpu.memory_space<semaphore_mem>>) src(%dma_wait3A_178 : memref<50000x32xf32, #tpu.memory_space<hbm>>) dst(%dma_wait3A_168 : memref<128x32xf32, #tpu.memory_space<vmem>>)
        %dma_wait3A_179 = arith.constant 128 : i32
        %dma_wait3A_180 = arith.constant 0 : i32
        %dma_wait3A_181 = tpu.memref_slice %arg8[%dma_wait3A_179, %dma_wait3A_180] : memref<512x32xf32, #tpu.memory_space<vmem>> -> memref<128x32xf32, #tpu.memory_space<vmem>>
        %dma_wait3A_182 = arith.constant 0 : i32
        %dma_wait3A_183 = tpu.memref_slice %arg6[%add3A_165, %dma_wait3A_182] : memref<40x128xi32, #tpu.memory_space<vmem>> -> memref<1x128xi32, #tpu.memory_space<vmem>>
        %dma_wait3A_184 = tpu.memref_squeeze %dma_wait3A_183 : memref<1x128xi32, #tpu.memory_space<vmem>> -> memref<128xi32, #tpu.memory_space<vmem>>
        %dma_wait3A_185 = arith.constant 0 : i32
        %dma_wait3A_186 = arith.constant 0 : i32
        %dma_wait3A_187 = tpu.memref_slice %arg4[%arg0, %dma_wait3A_185, %dma_wait3A_186] : memref<2x50000x32xf32, #tpu.memory_space<hbm>> -> memref<1x50000x32xf32, #tpu.memory_space<hbm>>
        %dma_wait3A_188 = tpu.memref_squeeze %dma_wait3A_187 : memref<1x50000x32xf32, #tpu.memory_space<hbm>> -> memref<50000x32xf32, #tpu.memory_space<hbm>>
        %dma_wait3A_189 = arith.constant 0 : i32
        %dma_wait3A_190 = arith.constant 0 : i32
        %dma_wait3A_191 = tpu.memref_slice %dma_wait3A_188[%dma_wait3A_189, %dma_wait3A_190] : memref<50000x32xf32, #tpu.memory_space<hbm>> -> memref<50000x32xf32, #tpu.memory_space<hbm>>
        tpu.wait_indirect_dma semaphore(%arg10 : memref<!tpu.dma_semaphore, #tpu.memory_space<semaphore_mem>>) src(%dma_wait3A_191 : memref<50000x32xf32, #tpu.memory_space<hbm>>) dst(%dma_wait3A_181 : memref<128x32xf32, #tpu.memory_space<vmem>>)
        %add3A_192 = arith.constant 0 : i32
        %add3A_193 = arith.addi %mul3A_161, %add3A_192 : i32
        "tpu.region"() ({
          %run_scoped3A_296 = tpu.sem_alloc : memref<!tpu.dma_semaphore, #tpu.memory_space<semaphore_mem>>
          %dma_start3A_297 = arith.constant 0 : i32
          %dma_start3A_298 = arith.constant 0 : i32
          %dma_start3A_299 = tpu.memref_slice %arg8[%dma_start3A_297, %dma_start3A_298] : memref<512x32xf32, #tpu.memory_space<vmem>> -> memref<128x32xf32, #tpu.memory_space<vmem>>
          %dma_start3A_300 = arith.constant 0 : i32
          %dma_start3A_301 = tpu.memref_slice %arg7[%add3A_193, %dma_start3A_300] : memref<40x128xi32, #tpu.memory_space<vmem>> -> memref<1x128xi32, #tpu.memory_space<vmem>>
          %dma_start3A_302 = tpu.memref_squeeze %dma_start3A_301 : memref<1x128xi32, #tpu.memory_space<vmem>> -> memref<128xi32, #tpu.memory_space<vmem>>
          %dma_start3A_303 = arith.constant 0 : i32
          %dma_start3A_304 = arith.constant 0 : i32
          %dma_start3A_305 = tpu.memref_slice %arg9[%dma_start3A_303, %dma_start3A_304] : memref<50688x32xf32, #tpu.memory_space<vmem_shared>> -> memref<50688x32xf32, #tpu.memory_space<vmem_shared>>
          tpu.enqueue_indirect_dma source(%dma_start3A_299 : memref<128x32xf32, #tpu.memory_space<vmem>>) target(%dma_start3A_305 : memref<50688x32xf32, #tpu.memory_space<vmem_shared>>) offsets(%dma_start3A_302 : memref<128xi32, #tpu.memory_space<vmem>>) semaphore(%run_scoped3A_296 : memref<!tpu.dma_semaphore, #tpu.memory_space<semaphore_mem>>) {add = true}
          %dma_wait3A_306 = arith.constant 0 : i32
          %dma_wait3A_307 = arith.constant 0 : i32
          %dma_wait3A_308 = tpu.memref_slice %arg8[%dma_wait3A_306, %dma_wait3A_307] : memref<512x32xf32, #tpu.memory_space<vmem>> -> memref<128x32xf32, #tpu.memory_space<vmem>>
          %dma_wait3A_309 = arith.constant 0 : i32
          %dma_wait3A_310 = tpu.memref_slice %arg7[%add3A_193, %dma_wait3A_309] : memref<40x128xi32, #tpu.memory_space<vmem>> -> memref<1x128xi32, #tpu.memory_space<vmem>>
          %dma_wait3A_311 = tpu.memref_squeeze %dma_wait3A_310 : memref<1x128xi32, #tpu.memory_space<vmem>> -> memref<128xi32, #tpu.memory_space<vmem>>
          %dma_wait3A_312 = arith.constant 0 : i32
          %dma_wait3A_313 = arith.constant 0 : i32
          %dma_wait3A_314 = tpu.memref_slice %arg9[%dma_wait3A_312, %dma_wait3A_313] : memref<50688x32xf32, #tpu.memory_space<vmem_shared>> -> memref<50688x32xf32, #tpu.memory_space<vmem_shared>>
          tpu.wait_indirect_dma semaphore(%run_scoped3A_296 : memref<!tpu.dma_semaphore, #tpu.memory_space<semaphore_mem>>) src(%dma_wait3A_308 : memref<128x32xf32, #tpu.memory_space<vmem>>) dst(%dma_wait3A_314 : memref<50688x32xf32, #tpu.memory_space<vmem_shared>>)
          tpu.yield
        }) : () -> ()
        %add3A_194 = arith.constant 1 : i32
        %add3A_195 = arith.addi %mul3A_161, %add3A_194 : i32
        "tpu.region"() ({
          %run_scoped3A_296 = tpu.sem_alloc : memref<!tpu.dma_semaphore, #tpu.memory_space<semaphore_mem>>
          %dma_start3A_297 = arith.constant 128 : i32
          %dma_start3A_298 = arith.constant 0 : i32
          %dma_start3A_299 = tpu.memref_slice %arg8[%dma_start3A_297, %dma_start3A_298] : memref<512x32xf32, #tpu.memory_space<vmem>> -> memref<128x32xf32, #tpu.memory_space<vmem>>
          %dma_start3A_300 = arith.constant 0 : i32
          %dma_start3A_301 = tpu.memref_slice %arg7[%add3A_195, %dma_start3A_300] : memref<40x128xi32, #tpu.memory_space<vmem>> -> memref<1x128xi32, #tpu.memory_space<vmem>>
          %dma_start3A_302 = tpu.memref_squeeze %dma_start3A_301 : memref<1x128xi32, #tpu.memory_space<vmem>> -> memref<128xi32, #tpu.memory_space<vmem>>
          %dma_start3A_303 = arith.constant 0 : i32
          %dma_start3A_304 = arith.constant 0 : i32
          %dma_start3A_305 = tpu.memref_slice %arg9[%dma_start3A_303, %dma_start3A_304] : memref<50688x32xf32, #tpu.memory_space<vmem_shared>> -> memref<50688x32xf32, #tpu.memory_space<vmem_shared>>
          tpu.enqueue_indirect_dma source(%dma_start3A_299 : memref<128x32xf32, #tpu.memory_space<vmem>>) target(%dma_start3A_305 : memref<50688x32xf32, #tpu.memory_space<vmem_shared>>) offsets(%dma_start3A_302 : memref<128xi32, #tpu.memory_space<vmem>>) semaphore(%run_scoped3A_296 : memref<!tpu.dma_semaphore, #tpu.memory_space<semaphore_mem>>) {add = true}
          %dma_wait3A_306 = arith.constant 128 : i32
          %dma_wait3A_307 = arith.constant 0 : i32
          %dma_wait3A_308 = tpu.memref_slice %arg8[%dma_wait3A_306, %dma_wait3A_307] : memref<512x32xf32, #tpu.memory_space<vmem>> -> memref<128x32xf32, #tpu.memory_space<vmem>>
          %dma_wait3A_309 = arith.constant 0 : i32
          %dma_wait3A_310 = tpu.memref_slice %arg7[%add3A_195, %dma_wait3A_309] : memref<40x128xi32, #tpu.memory_space<vmem>> -> memref<1x128xi32, #tpu.memory_space<vmem>>
          %dma_wait3A_311 = tpu.memref_squeeze %dma_wait3A_310 : memref<1x128xi32, #tpu.memory_space<vmem>> -> memref<128xi32, #tpu.memory_space<vmem>>
          %dma_wait3A_312 = arith.constant 0 : i32
          %dma_wait3A_313 = arith.constant 0 : i32
          %dma_wait3A_314 = tpu.memref_slice %arg9[%dma_wait3A_312, %dma_wait3A_313] : memref<50688x32xf32, #tpu.memory_space<vmem_shared>> -> memref<50688x32xf32, #tpu.memory_space<vmem_shared>>
          tpu.wait_indirect_dma semaphore(%run_scoped3A_296 : memref<!tpu.dma_semaphore, #tpu.memory_space<semaphore_mem>>) src(%dma_wait3A_308 : memref<128x32xf32, #tpu.memory_space<vmem>>) dst(%dma_wait3A_314 : memref<50688x32xf32, #tpu.memory_space<vmem_shared>>)
          tpu.yield
        }) : () -> ()
        %add3A_196 = arith.constant 4 : i32
        %add3A_197 = arith.addi %mul3A_161, %add3A_196 : i32
        %add3A_198 = arith.constant 0 : i32
        %add3A_199 = arith.addi %add3A_197, %add3A_198 : i32
        %add3A_200 = arith.constant 1 : i32
        %add3A_201 = arith.addi %add3A_197, %add3A_200 : i32
        %dma_start3A_202 = arith.constant 0 : i32
        %dma_start3A_203 = arith.constant 0 : i32
        %dma_start3A_204 = tpu.memref_slice %arg8[%dma_start3A_202, %dma_start3A_203] : memref<512x32xf32, #tpu.memory_space<vmem>> -> memref<128x32xf32, #tpu.memory_space<vmem>>
        %dma_start3A_205 = arith.constant 0 : i32
        %dma_start3A_206 = tpu.memref_slice %arg6[%add3A_199, %dma_start3A_205] : memref<40x128xi32, #tpu.memory_space<vmem>> -> memref<1x128xi32, #tpu.memory_space<vmem>>
        %dma_start3A_207 = tpu.memref_squeeze %dma_start3A_206 : memref<1x128xi32, #tpu.memory_space<vmem>> -> memref<128xi32, #tpu.memory_space<vmem>>
        %dma_start3A_208 = arith.constant 0 : i32
        %dma_start3A_209 = arith.constant 0 : i32
        %dma_start3A_210 = tpu.memref_slice %arg4[%arg0, %dma_start3A_208, %dma_start3A_209] : memref<2x50000x32xf32, #tpu.memory_space<hbm>> -> memref<1x50000x32xf32, #tpu.memory_space<hbm>>
        %dma_start3A_211 = tpu.memref_squeeze %dma_start3A_210 : memref<1x50000x32xf32, #tpu.memory_space<hbm>> -> memref<50000x32xf32, #tpu.memory_space<hbm>>
        %dma_start3A_212 = arith.constant 0 : i32
        %dma_start3A_213 = arith.constant 0 : i32
        %dma_start3A_214 = tpu.memref_slice %dma_start3A_211[%dma_start3A_212, %dma_start3A_213] : memref<50000x32xf32, #tpu.memory_space<hbm>> -> memref<50000x32xf32, #tpu.memory_space<hbm>>
        tpu.enqueue_indirect_dma source(%dma_start3A_214 : memref<50000x32xf32, #tpu.memory_space<hbm>>) target(%dma_start3A_204 : memref<128x32xf32, #tpu.memory_space<vmem>>) offsets(%dma_start3A_207 : memref<128xi32, #tpu.memory_space<vmem>>) semaphore(%arg10 : memref<!tpu.dma_semaphore, #tpu.memory_space<semaphore_mem>>)
        %dma_start3A_215 = arith.constant 128 : i32
        %dma_start3A_216 = arith.constant 0 : i32
        %dma_start3A_217 = tpu.memref_slice %arg8[%dma_start3A_215, %dma_start3A_216] : memref<512x32xf32, #tpu.memory_space<vmem>> -> memref<128x32xf32, #tpu.memory_space<vmem>>
        %dma_start3A_218 = arith.constant 0 : i32
        %dma_start3A_219 = tpu.memref_slice %arg6[%add3A_201, %dma_start3A_218] : memref<40x128xi32, #tpu.memory_space<vmem>> -> memref<1x128xi32, #tpu.memory_space<vmem>>
        %dma_start3A_220 = tpu.memref_squeeze %dma_start3A_219 : memref<1x128xi32, #tpu.memory_space<vmem>> -> memref<128xi32, #tpu.memory_space<vmem>>
        %dma_start3A_221 = arith.constant 0 : i32
        %dma_start3A_222 = arith.constant 0 : i32
        %dma_start3A_223 = tpu.memref_slice %arg4[%arg0, %dma_start3A_221, %dma_start3A_222] : memref<2x50000x32xf32, #tpu.memory_space<hbm>> -> memref<1x50000x32xf32, #tpu.memory_space<hbm>>
        %dma_start3A_224 = tpu.memref_squeeze %dma_start3A_223 : memref<1x50000x32xf32, #tpu.memory_space<hbm>> -> memref<50000x32xf32, #tpu.memory_space<hbm>>
        %dma_start3A_225 = arith.constant 0 : i32
        %dma_start3A_226 = arith.constant 0 : i32
        %dma_start3A_227 = tpu.memref_slice %dma_start3A_224[%dma_start3A_225, %dma_start3A_226] : memref<50000x32xf32, #tpu.memory_space<hbm>> -> memref<50000x32xf32, #tpu.memory_space<hbm>>
        tpu.enqueue_indirect_dma source(%dma_start3A_227 : memref<50000x32xf32, #tpu.memory_space<hbm>>) target(%dma_start3A_217 : memref<128x32xf32, #tpu.memory_space<vmem>>) offsets(%dma_start3A_220 : memref<128xi32, #tpu.memory_space<vmem>>) semaphore(%arg10 : memref<!tpu.dma_semaphore, #tpu.memory_space<semaphore_mem>>)
        %add3A_228 = arith.constant 2 : i32
        %add3A_229 = arith.addi %mul3A_161, %add3A_228 : i32
        %add3A_230 = arith.constant 0 : i32
        %add3A_231 = arith.addi %add3A_229, %add3A_230 : i32
        %add3A_232 = arith.constant 1 : i32
        %add3A_233 = arith.addi %add3A_229, %add3A_232 : i32
        %dma_wait3A_234 = arith.constant 256 : i32
        %dma_wait3A_235 = arith.constant 0 : i32
        %dma_wait3A_236 = tpu.memref_slice %arg8[%dma_wait3A_234, %dma_wait3A_235] : memref<512x32xf32, #tpu.memory_space<vmem>> -> memref<128x32xf32, #tpu.memory_space<vmem>>
        %dma_wait3A_237 = arith.constant 0 : i32
        %dma_wait3A_238 = tpu.memref_slice %arg6[%add3A_231, %dma_wait3A_237] : memref<40x128xi32, #tpu.memory_space<vmem>> -> memref<1x128xi32, #tpu.memory_space<vmem>>
        %dma_wait3A_239 = tpu.memref_squeeze %dma_wait3A_238 : memref<1x128xi32, #tpu.memory_space<vmem>> -> memref<128xi32, #tpu.memory_space<vmem>>
        %dma_wait3A_240 = arith.constant 0 : i32
        %dma_wait3A_241 = arith.constant 0 : i32
        %dma_wait3A_242 = tpu.memref_slice %arg4[%arg0, %dma_wait3A_240, %dma_wait3A_241] : memref<2x50000x32xf32, #tpu.memory_space<hbm>> -> memref<1x50000x32xf32, #tpu.memory_space<hbm>>
        %dma_wait3A_243 = tpu.memref_squeeze %dma_wait3A_242 : memref<1x50000x32xf32, #tpu.memory_space<hbm>> -> memref<50000x32xf32, #tpu.memory_space<hbm>>
        %dma_wait3A_244 = arith.constant 0 : i32
        %dma_wait3A_245 = arith.constant 0 : i32
        %dma_wait3A_246 = tpu.memref_slice %dma_wait3A_243[%dma_wait3A_244, %dma_wait3A_245] : memref<50000x32xf32, #tpu.memory_space<hbm>> -> memref<50000x32xf32, #tpu.memory_space<hbm>>
        tpu.wait_indirect_dma semaphore(%arg11 : memref<!tpu.dma_semaphore, #tpu.memory_space<semaphore_mem>>) src(%dma_wait3A_246 : memref<50000x32xf32, #tpu.memory_space<hbm>>) dst(%dma_wait3A_236 : memref<128x32xf32, #tpu.memory_space<vmem>>)
        %dma_wait3A_247 = arith.constant 384 : i32
        %dma_wait3A_248 = arith.constant 0 : i32
        %dma_wait3A_249 = tpu.memref_slice %arg8[%dma_wait3A_247, %dma_wait3A_248] : memref<512x32xf32, #tpu.memory_space<vmem>> -> memref<128x32xf32, #tpu.memory_space<vmem>>
        %dma_wait3A_250 = arith.constant 0 : i32
        %dma_wait3A_251 = tpu.memref_slice %arg6[%add3A_233, %dma_wait3A_250] : memref<40x128xi32, #tpu.memory_space<vmem>> -> memref<1x128xi32, #tpu.memory_space<vmem>>
        %dma_wait3A_252 = tpu.memref_squeeze %dma_wait3A_251 : memref<1x128xi32, #tpu.memory_space<vmem>> -> memref<128xi32, #tpu.memory_space<vmem>>
        %dma_wait3A_253 = arith.constant 0 : i32
        %dma_wait3A_254 = arith.constant 0 : i32
        %dma_wait3A_255 = tpu.memref_slice %arg4[%arg0, %dma_wait3A_253, %dma_wait3A_254] : memref<2x50000x32xf32, #tpu.memory_space<hbm>> -> memref<1x50000x32xf32, #tpu.memory_space<hbm>>
        %dma_wait3A_256 = tpu.memref_squeeze %dma_wait3A_255 : memref<1x50000x32xf32, #tpu.memory_space<hbm>> -> memref<50000x32xf32, #tpu.memory_space<hbm>>
        %dma_wait3A_257 = arith.constant 0 : i32
        %dma_wait3A_258 = arith.constant 0 : i32
        %dma_wait3A_259 = tpu.memref_slice %dma_wait3A_256[%dma_wait3A_257, %dma_wait3A_258] : memref<50000x32xf32, #tpu.memory_space<hbm>> -> memref<50000x32xf32, #tpu.memory_space<hbm>>
        tpu.wait_indirect_dma semaphore(%arg11 : memref<!tpu.dma_semaphore, #tpu.memory_space<semaphore_mem>>) src(%dma_wait3A_259 : memref<50000x32xf32, #tpu.memory_space<hbm>>) dst(%dma_wait3A_249 : memref<128x32xf32, #tpu.memory_space<vmem>>)
        %add3A_260 = arith.constant 0 : i32
        %add3A_261 = arith.addi %add3A_229, %add3A_260 : i32
        "tpu.region"() ({
          %run_scoped3A_296 = tpu.sem_alloc : memref<!tpu.dma_semaphore, #tpu.memory_space<semaphore_mem>>
          %dma_start3A_297 = arith.constant 256 : i32
          %dma_start3A_298 = arith.constant 0 : i32
          %dma_start3A_299 = tpu.memref_slice %arg8[%dma_start3A_297, %dma_start3A_298] : memref<512x32xf32, #tpu.memory_space<vmem>> -> memref<128x32xf32, #tpu.memory_space<vmem>>
          %dma_start3A_300 = arith.constant 0 : i32
          %dma_start3A_301 = tpu.memref_slice %arg7[%add3A_261, %dma_start3A_300] : memref<40x128xi32, #tpu.memory_space<vmem>> -> memref<1x128xi32, #tpu.memory_space<vmem>>
          %dma_start3A_302 = tpu.memref_squeeze %dma_start3A_301 : memref<1x128xi32, #tpu.memory_space<vmem>> -> memref<128xi32, #tpu.memory_space<vmem>>
          %dma_start3A_303 = arith.constant 0 : i32
          %dma_start3A_304 = arith.constant 0 : i32
          %dma_start3A_305 = tpu.memref_slice %arg9[%dma_start3A_303, %dma_start3A_304] : memref<50688x32xf32, #tpu.memory_space<vmem_shared>> -> memref<50688x32xf32, #tpu.memory_space<vmem_shared>>
          tpu.enqueue_indirect_dma source(%dma_start3A_299 : memref<128x32xf32, #tpu.memory_space<vmem>>) target(%dma_start3A_305 : memref<50688x32xf32, #tpu.memory_space<vmem_shared>>) offsets(%dma_start3A_302 : memref<128xi32, #tpu.memory_space<vmem>>) semaphore(%run_scoped3A_296 : memref<!tpu.dma_semaphore, #tpu.memory_space<semaphore_mem>>) {add = true}
          %dma_wait3A_306 = arith.constant 256 : i32
          %dma_wait3A_307 = arith.constant 0 : i32
          %dma_wait3A_308 = tpu.memref_slice %arg8[%dma_wait3A_306, %dma_wait3A_307] : memref<512x32xf32, #tpu.memory_space<vmem>> -> memref<128x32xf32, #tpu.memory_space<vmem>>
          %dma_wait3A_309 = arith.constant 0 : i32
          %dma_wait3A_310 = tpu.memref_slice %arg7[%add3A_261, %dma_wait3A_309] : memref<40x128xi32, #tpu.memory_space<vmem>> -> memref<1x128xi32, #tpu.memory_space<vmem>>
          %dma_wait3A_311 = tpu.memref_squeeze %dma_wait3A_310 : memref<1x128xi32, #tpu.memory_space<vmem>> -> memref<128xi32, #tpu.memory_space<vmem>>
          %dma_wait3A_312 = arith.constant 0 : i32
          %dma_wait3A_313 = arith.constant 0 : i32
          %dma_wait3A_314 = tpu.memref_slice %arg9[%dma_wait3A_312, %dma_wait3A_313] : memref<50688x32xf32, #tpu.memory_space<vmem_shared>> -> memref<50688x32xf32, #tpu.memory_space<vmem_shared>>
          tpu.wait_indirect_dma semaphore(%run_scoped3A_296 : memref<!tpu.dma_semaphore, #tpu.memory_space<semaphore_mem>>) src(%dma_wait3A_308 : memref<128x32xf32, #tpu.memory_space<vmem>>) dst(%dma_wait3A_314 : memref<50688x32xf32, #tpu.memory_space<vmem_shared>>)
          tpu.yield
        }) : () -> ()
        %add3A_262 = arith.constant 1 : i32
        %add3A_263 = arith.addi %add3A_229, %add3A_262 : i32
        "tpu.region"() ({
          %run_scoped3A_296 = tpu.sem_alloc : memref<!tpu.dma_semaphore, #tpu.memory_space<semaphore_mem>>
          %dma_start3A_297 = arith.constant 384 : i32
          %dma_start3A_298 = arith.constant 0 : i32
          %dma_start3A_299 = tpu.memref_slice %arg8[%dma_start3A_297, %dma_start3A_298] : memref<512x32xf32, #tpu.memory_space<vmem>> -> memref<128x32xf32, #tpu.memory_space<vmem>>
          %dma_start3A_300 = arith.constant 0 : i32
          %dma_start3A_301 = tpu.memref_slice %arg7[%add3A_263, %dma_start3A_300] : memref<40x128xi32, #tpu.memory_space<vmem>> -> memref<1x128xi32, #tpu.memory_space<vmem>>
          %dma_start3A_302 = tpu.memref_squeeze %dma_start3A_301 : memref<1x128xi32, #tpu.memory_space<vmem>> -> memref<128xi32, #tpu.memory_space<vmem>>
          %dma_start3A_303 = arith.constant 0 : i32
          %dma_start3A_304 = arith.constant 0 : i32
          %dma_start3A_305 = tpu.memref_slice %arg9[%dma_start3A_303, %dma_start3A_304] : memref<50688x32xf32, #tpu.memory_space<vmem_shared>> -> memref<50688x32xf32, #tpu.memory_space<vmem_shared>>
          tpu.enqueue_indirect_dma source(%dma_start3A_299 : memref<128x32xf32, #tpu.memory_space<vmem>>) target(%dma_start3A_305 : memref<50688x32xf32, #tpu.memory_space<vmem_shared>>) offsets(%dma_start3A_302 : memref<128xi32, #tpu.memory_space<vmem>>) semaphore(%run_scoped3A_296 : memref<!tpu.dma_semaphore, #tpu.memory_space<semaphore_mem>>) {add = true}
          %dma_wait3A_306 = arith.constant 384 : i32
          %dma_wait3A_307 = arith.constant 0 : i32
          %dma_wait3A_308 = tpu.memref_slice %arg8[%dma_wait3A_306, %dma_wait3A_307] : memref<512x32xf32, #tpu.memory_space<vmem>> -> memref<128x32xf32, #tpu.memory_space<vmem>>
          %dma_wait3A_309 = arith.constant 0 : i32
          %dma_wait3A_310 = tpu.memref_slice %arg7[%add3A_263, %dma_wait3A_309] : memref<40x128xi32, #tpu.memory_space<vmem>> -> memref<1x128xi32, #tpu.memory_space<vmem>>
          %dma_wait3A_311 = tpu.memref_squeeze %dma_wait3A_310 : memref<1x128xi32, #tpu.memory_space<vmem>> -> memref<128xi32, #tpu.memory_space<vmem>>
          %dma_wait3A_312 = arith.constant 0 : i32
          %dma_wait3A_313 = arith.constant 0 : i32
          %dma_wait3A_314 = tpu.memref_slice %arg9[%dma_wait3A_312, %dma_wait3A_313] : memref<50688x32xf32, #tpu.memory_space<vmem_shared>> -> memref<50688x32xf32, #tpu.memory_space<vmem_shared>>
          tpu.wait_indirect_dma semaphore(%run_scoped3A_296 : memref<!tpu.dma_semaphore, #tpu.memory_space<semaphore_mem>>) src(%dma_wait3A_308 : memref<128x32xf32, #tpu.memory_space<vmem>>) dst(%dma_wait3A_314 : memref<50688x32xf32, #tpu.memory_space<vmem_shared>>)
          tpu.yield
        }) : () -> ()
        %add3A_264 = arith.constant 4 : i32
        %add3A_265 = arith.addi %add3A_229, %add3A_264 : i32
        %add3A_266 = arith.constant 0 : i32
        %add3A_267 = arith.addi %add3A_265, %add3A_266 : i32
        %add3A_268 = arith.constant 1 : i32
        %add3A_269 = arith.addi %add3A_265, %add3A_268 : i32
        %dma_start3A_270 = arith.constant 256 : i32
        %dma_start3A_271 = arith.constant 0 : i32
        %dma_start3A_272 = tpu.memref_slice %arg8[%dma_start3A_270, %dma_start3A_271] : memref<512x32xf32, #tpu.memory_space<vmem>> -> memref<128x32xf32, #tpu.memory_space<vmem>>
        %dma_start3A_273 = arith.constant 0 : i32
        %dma_start3A_274 = tpu.memref_slice %arg6[%add3A_267, %dma_start3A_273] : memref<40x128xi32, #tpu.memory_space<vmem>> -> memref<1x128xi32, #tpu.memory_space<vmem>>
        %dma_start3A_275 = tpu.memref_squeeze %dma_start3A_274 : memref<1x128xi32, #tpu.memory_space<vmem>> -> memref<128xi32, #tpu.memory_space<vmem>>
        %dma_start3A_276 = arith.constant 0 : i32
        %dma_start3A_277 = arith.constant 0 : i32
        %dma_start3A_278 = tpu.memref_slice %arg4[%arg0, %dma_start3A_276, %dma_start3A_277] : memref<2x50000x32xf32, #tpu.memory_space<hbm>> -> memref<1x50000x32xf32, #tpu.memory_space<hbm>>
        %dma_start3A_279 = tpu.memref_squeeze %dma_start3A_278 : memref<1x50000x32xf32, #tpu.memory_space<hbm>> -> memref<50000x32xf32, #tpu.memory_space<hbm>>
        %dma_start3A_280 = arith.constant 0 : i32
        %dma_start3A_281 = arith.constant 0 : i32
        %dma_start3A_282 = tpu.memref_slice %dma_start3A_279[%dma_start3A_280, %dma_start3A_281] : memref<50000x32xf32, #tpu.memory_space<hbm>> -> memref<50000x32xf32, #tpu.memory_space<hbm>>
        tpu.enqueue_indirect_dma source(%dma_start3A_282 : memref<50000x32xf32, #tpu.memory_space<hbm>>) target(%dma_start3A_272 : memref<128x32xf32, #tpu.memory_space<vmem>>) offsets(%dma_start3A_275 : memref<128xi32, #tpu.memory_space<vmem>>) semaphore(%arg11 : memref<!tpu.dma_semaphore, #tpu.memory_space<semaphore_mem>>)
        %dma_start3A_283 = arith.constant 384 : i32
        %dma_start3A_284 = arith.constant 0 : i32
        %dma_start3A_285 = tpu.memref_slice %arg8[%dma_start3A_283, %dma_start3A_284] : memref<512x32xf32, #tpu.memory_space<vmem>> -> memref<128x32xf32, #tpu.memory_space<vmem>>
        %dma_start3A_286 = arith.constant 0 : i32
        %dma_start3A_287 = tpu.memref_slice %arg6[%add3A_269, %dma_start3A_286] : memref<40x128xi32, #tpu.memory_space<vmem>> -> memref<1x128xi32, #tpu.memory_space<vmem>>
        %dma_start3A_288 = tpu.memref_squeeze %dma_start3A_287 : memref<1x128xi32, #tpu.memory_space<vmem>> -> memref<128xi32, #tpu.memory_space<vmem>>
        %dma_start3A_289 = arith.constant 0 : i32
        %dma_start3A_290 = arith.constant 0 : i32
        %dma_start3A_291 = tpu.memref_slice %arg4[%arg0, %dma_start3A_289, %dma_start3A_290] : memref<2x50000x32xf32, #tpu.memory_space<hbm>> -> memref<1x50000x32xf32, #tpu.memory_space<hbm>>
        %dma_start3A_292 = tpu.memref_squeeze %dma_start3A_291 : memref<1x50000x32xf32, #tpu.memory_space<hbm>> -> memref<50000x32xf32, #tpu.memory_space<hbm>>
        %dma_start3A_293 = arith.constant 0 : i32
        %dma_start3A_294 = arith.constant 0 : i32
        %dma_start3A_295 = tpu.memref_slice %dma_start3A_292[%dma_start3A_293, %dma_start3A_294] : memref<50000x32xf32, #tpu.memory_space<hbm>> -> memref<50000x32xf32, #tpu.memory_space<hbm>>
        tpu.enqueue_indirect_dma source(%dma_start3A_295 : memref<50000x32xf32, #tpu.memory_space<hbm>>) target(%dma_start3A_285 : memref<128x32xf32, #tpu.memory_space<vmem>>) offsets(%dma_start3A_288 : memref<128xi32, #tpu.memory_space<vmem>>) semaphore(%arg11 : memref<!tpu.dma_semaphore, #tpu.memory_space<semaphore_mem>>)
      }
      %scan3A_94 = arith.constant 9 : i32
      %dma_wait3A = arith.constant 36 : i32
      %dma_wait3A_95 = arith.constant 0 : i32
      %dma_wait3A_96 = arith.constant 0 : i32
      %dma_wait3A_97 = tpu.memref_slice %arg8[%dma_wait3A_95, %dma_wait3A_96] : memref<512x32xf32, #tpu.memory_space<vmem>> -> memref<128x32xf32, #tpu.memory_space<vmem>>
      %dma_wait3A_98 = arith.constant 0 : i32
      %dma_wait3A_99 = tpu.memref_slice %arg6[%dma_wait3A, %dma_wait3A_98] : memref<40x128xi32, #tpu.memory_space<vmem>> -> memref<1x128xi32, #tpu.memory_space<vmem>>
      %dma_wait3A_100 = tpu.memref_squeeze %dma_wait3A_99 : memref<1x128xi32, #tpu.memory_space<vmem>> -> memref<128xi32, #tpu.memory_space<vmem>>
      %dma_wait3A_101 = arith.constant 0 : i32
      %dma_wait3A_102 = arith.constant 0 : i32
      %dma_wait3A_103 = tpu.memref_slice %arg4[%arg0, %dma_wait3A_101, %dma_wait3A_102] : memref<2x50000x32xf32, #tpu.memory_space<hbm>> -> memref<1x50000x32xf32, #tpu.memory_space<hbm>>
      %dma_wait3A_104 = tpu.memref_squeeze %dma_wait3A_103 : memref<1x50000x32xf32, #tpu.memory_space<hbm>> -> memref<50000x32xf32, #tpu.memory_space<hbm>>
      %dma_wait3A_105 = arith.constant 0 : i32
      %dma_wait3A_106 = arith.constant 0 : i32
      %dma_wait3A_107 = tpu.memref_slice %dma_wait3A_104[%dma_wait3A_105, %dma_wait3A_106] : memref<50000x32xf32, #tpu.memory_space<hbm>> -> memref<50000x32xf32, #tpu.memory_space<hbm>>
      tpu.wait_indirect_dma semaphore(%arg10 : memref<!tpu.dma_semaphore, #tpu.memory_space<semaphore_mem>>) src(%dma_wait3A_107 : memref<50000x32xf32, #tpu.memory_space<hbm>>) dst(%dma_wait3A_97 : memref<128x32xf32, #tpu.memory_space<vmem>>)
      %dma_wait3A_108 = arith.constant 37 : i32
      %dma_wait3A_109 = arith.constant 128 : i32
      %dma_wait3A_110 = arith.constant 0 : i32
      %dma_wait3A_111 = tpu.memref_slice %arg8[%dma_wait3A_109, %dma_wait3A_110] : memref<512x32xf32, #tpu.memory_space<vmem>> -> memref<128x32xf32, #tpu.memory_space<vmem>>
      %dma_wait3A_112 = arith.constant 0 : i32
      %dma_wait3A_113 = tpu.memref_slice %arg6[%dma_wait3A_108, %dma_wait3A_112] : memref<40x128xi32, #tpu.memory_space<vmem>> -> memref<1x128xi32, #tpu.memory_space<vmem>>
      %dma_wait3A_114 = tpu.memref_squeeze %dma_wait3A_113 : memref<1x128xi32, #tpu.memory_space<vmem>> -> memref<128xi32, #tpu.memory_space<vmem>>
      %dma_wait3A_115 = arith.constant 0 : i32
      %dma_wait3A_116 = arith.constant 0 : i32
      %dma_wait3A_117 = tpu.memref_slice %arg4[%arg0, %dma_wait3A_115, %dma_wait3A_116] : memref<2x50000x32xf32, #tpu.memory_space<hbm>> -> memref<1x50000x32xf32, #tpu.memory_space<hbm>>
      %dma_wait3A_118 = tpu.memref_squeeze %dma_wait3A_117 : memref<1x50000x32xf32, #tpu.memory_space<hbm>> -> memref<50000x32xf32, #tpu.memory_space<hbm>>
      %dma_wait3A_119 = arith.constant 0 : i32
      %dma_wait3A_120 = arith.constant 0 : i32
      %dma_wait3A_121 = tpu.memref_slice %dma_wait3A_118[%dma_wait3A_119, %dma_wait3A_120] : memref<50000x32xf32, #tpu.memory_space<hbm>> -> memref<50000x32xf32, #tpu.memory_space<hbm>>
      tpu.wait_indirect_dma semaphore(%arg10 : memref<!tpu.dma_semaphore, #tpu.memory_space<semaphore_mem>>) src(%dma_wait3A_121 : memref<50000x32xf32, #tpu.memory_space<hbm>>) dst(%dma_wait3A_111 : memref<128x32xf32, #tpu.memory_space<vmem>>)
      %run_scoped3A = arith.constant 36 : i32
      "tpu.region"() ({
        %run_scoped3A_153 = tpu.sem_alloc : memref<!tpu.dma_semaphore, #tpu.memory_space<semaphore_mem>>
        %dma_start3A_154 = arith.constant 0 : i32
        %dma_start3A_155 = arith.constant 0 : i32
        %dma_start3A_156 = tpu.memref_slice %arg8[%dma_start3A_154, %dma_start3A_155] : memref<512x32xf32, #tpu.memory_space<vmem>> -> memref<128x32xf32, #tpu.memory_space<vmem>>
        %dma_start3A_157 = arith.constant 0 : i32
        %dma_start3A_158 = tpu.memref_slice %arg7[%run_scoped3A, %dma_start3A_157] : memref<40x128xi32, #tpu.memory_space<vmem>> -> memref<1x128xi32, #tpu.memory_space<vmem>>
        %dma_start3A_159 = tpu.memref_squeeze %dma_start3A_158 : memref<1x128xi32, #tpu.memory_space<vmem>> -> memref<128xi32, #tpu.memory_space<vmem>>
        %dma_start3A_160 = arith.constant 0 : i32
        %dma_start3A_161 = arith.constant 0 : i32
        %dma_start3A_162 = tpu.memref_slice %arg9[%dma_start3A_160, %dma_start3A_161] : memref<50688x32xf32, #tpu.memory_space<vmem_shared>> -> memref<50688x32xf32, #tpu.memory_space<vmem_shared>>
        tpu.enqueue_indirect_dma source(%dma_start3A_156 : memref<128x32xf32, #tpu.memory_space<vmem>>) target(%dma_start3A_162 : memref<50688x32xf32, #tpu.memory_space<vmem_shared>>) offsets(%dma_start3A_159 : memref<128xi32, #tpu.memory_space<vmem>>) semaphore(%run_scoped3A_153 : memref<!tpu.dma_semaphore, #tpu.memory_space<semaphore_mem>>) {add = true}
        %dma_wait3A_163 = arith.constant 0 : i32
        %dma_wait3A_164 = arith.constant 0 : i32
        %dma_wait3A_165 = tpu.memref_slice %arg8[%dma_wait3A_163, %dma_wait3A_164] : memref<512x32xf32, #tpu.memory_space<vmem>> -> memref<128x32xf32, #tpu.memory_space<vmem>>
        %dma_wait3A_166 = arith.constant 0 : i32
        %dma_wait3A_167 = tpu.memref_slice %arg7[%run_scoped3A, %dma_wait3A_166] : memref<40x128xi32, #tpu.memory_space<vmem>> -> memref<1x128xi32, #tpu.memory_space<vmem>>
        %dma_wait3A_168 = tpu.memref_squeeze %dma_wait3A_167 : memref<1x128xi32, #tpu.memory_space<vmem>> -> memref<128xi32, #tpu.memory_space<vmem>>
        %dma_wait3A_169 = arith.constant 0 : i32
        %dma_wait3A_170 = arith.constant 0 : i32
        %dma_wait3A_171 = tpu.memref_slice %arg9[%dma_wait3A_169, %dma_wait3A_170] : memref<50688x32xf32, #tpu.memory_space<vmem_shared>> -> memref<50688x32xf32, #tpu.memory_space<vmem_shared>>
        tpu.wait_indirect_dma semaphore(%run_scoped3A_153 : memref<!tpu.dma_semaphore, #tpu.memory_space<semaphore_mem>>) src(%dma_wait3A_165 : memref<128x32xf32, #tpu.memory_space<vmem>>) dst(%dma_wait3A_171 : memref<50688x32xf32, #tpu.memory_space<vmem_shared>>)
        tpu.yield
      }) : () -> ()
      %run_scoped3A_122 = arith.constant 37 : i32
      "tpu.region"() ({
        %run_scoped3A_153 = tpu.sem_alloc : memref<!tpu.dma_semaphore, #tpu.memory_space<semaphore_mem>>
        %dma_start3A_154 = arith.constant 128 : i32
        %dma_start3A_155 = arith.constant 0 : i32
        %dma_start3A_156 = tpu.memref_slice %arg8[%dma_start3A_154, %dma_start3A_155] : memref<512x32xf32, #tpu.memory_space<vmem>> -> memref<128x32xf32, #tpu.memory_space<vmem>>
        %dma_start3A_157 = arith.constant 0 : i32
        %dma_start3A_158 = tpu.memref_slice %arg7[%run_scoped3A_122, %dma_start3A_157] : memref<40x128xi32, #tpu.memory_space<vmem>> -> memref<1x128xi32, #tpu.memory_space<vmem>>
        %dma_start3A_159 = tpu.memref_squeeze %dma_start3A_158 : memref<1x128xi32, #tpu.memory_space<vmem>> -> memref<128xi32, #tpu.memory_space<vmem>>
        %dma_start3A_160 = arith.constant 0 : i32
        %dma_start3A_161 = arith.constant 0 : i32
        %dma_start3A_162 = tpu.memref_slice %arg9[%dma_start3A_160, %dma_start3A_161] : memref<50688x32xf32, #tpu.memory_space<vmem_shared>> -> memref<50688x32xf32, #tpu.memory_space<vmem_shared>>
        tpu.enqueue_indirect_dma source(%dma_start3A_156 : memref<128x32xf32, #tpu.memory_space<vmem>>) target(%dma_start3A_162 : memref<50688x32xf32, #tpu.memory_space<vmem_shared>>) offsets(%dma_start3A_159 : memref<128xi32, #tpu.memory_space<vmem>>) semaphore(%run_scoped3A_153 : memref<!tpu.dma_semaphore, #tpu.memory_space<semaphore_mem>>) {add = true}
        %dma_wait3A_163 = arith.constant 128 : i32
        %dma_wait3A_164 = arith.constant 0 : i32
        %dma_wait3A_165 = tpu.memref_slice %arg8[%dma_wait3A_163, %dma_wait3A_164] : memref<512x32xf32, #tpu.memory_space<vmem>> -> memref<128x32xf32, #tpu.memory_space<vmem>>
        %dma_wait3A_166 = arith.constant 0 : i32
        %dma_wait3A_167 = tpu.memref_slice %arg7[%run_scoped3A_122, %dma_wait3A_166] : memref<40x128xi32, #tpu.memory_space<vmem>> -> memref<1x128xi32, #tpu.memory_space<vmem>>
        %dma_wait3A_168 = tpu.memref_squeeze %dma_wait3A_167 : memref<1x128xi32, #tpu.memory_space<vmem>> -> memref<128xi32, #tpu.memory_space<vmem>>
        %dma_wait3A_169 = arith.constant 0 : i32
        %dma_wait3A_170 = arith.constant 0 : i32
        %dma_wait3A_171 = tpu.memref_slice %arg9[%dma_wait3A_169, %dma_wait3A_170] : memref<50688x32xf32, #tpu.memory_space<vmem_shared>> -> memref<50688x32xf32, #tpu.memory_space<vmem_shared>>
        tpu.wait_indirect_dma semaphore(%run_scoped3A_153 : memref<!tpu.dma_semaphore, #tpu.memory_space<semaphore_mem>>) src(%dma_wait3A_165 : memref<128x32xf32, #tpu.memory_space<vmem>>) dst(%dma_wait3A_171 : memref<50688x32xf32, #tpu.memory_space<vmem_shared>>)
        tpu.yield
      }) : () -> ()
      %dma_wait3A_123 = arith.constant 38 : i32
      %dma_wait3A_124 = arith.constant 256 : i32
      %dma_wait3A_125 = arith.constant 0 : i32
      %dma_wait3A_126 = tpu.memref_slice %arg8[%dma_wait3A_124, %dma_wait3A_125] : memref<512x32xf32, #tpu.memory_space<vmem>> -> memref<128x32xf32, #tpu.memory_space<vmem>>
      %dma_wait3A_127 = arith.constant 0 : i32
      %dma_wait3A_128 = tpu.memref_slice %arg6[%dma_wait3A_123, %dma_wait3A_127] : memref<40x128xi32, #tpu.memory_space<vmem>> -> memref<1x128xi32, #tpu.memory_space<vmem>>
      %dma_wait3A_129 = tpu.memref_squeeze %dma_wait3A_128 : memref<1x128xi32, #tpu.memory_space<vmem>> -> memref<128xi32, #tpu.memory_space<vmem>>
      %dma_wait3A_130 = arith.constant 0 : i32
      %dma_wait3A_131 = arith.constant 0 : i32
      %dma_wait3A_132 = tpu.memref_slice %arg4[%arg0, %dma_wait3A_130, %dma_wait3A_131] : memref<2x50000x32xf32, #tpu.memory_space<hbm>> -> memref<1x50000x32xf32, #tpu.memory_space<hbm>>
      %dma_wait3A_133 = tpu.memref_squeeze %dma_wait3A_132 : memref<1x50000x32xf32, #tpu.memory_space<hbm>> -> memref<50000x32xf32, #tpu.memory_space<hbm>>
      %dma_wait3A_134 = arith.constant 0 : i32
      %dma_wait3A_135 = arith.constant 0 : i32
      %dma_wait3A_136 = tpu.memref_slice %dma_wait3A_133[%dma_wait3A_134, %dma_wait3A_135] : memref<50000x32xf32, #tpu.memory_space<hbm>> -> memref<50000x32xf32, #tpu.memory_space<hbm>>
      tpu.wait_indirect_dma semaphore(%arg11 : memref<!tpu.dma_semaphore, #tpu.memory_space<semaphore_mem>>) src(%dma_wait3A_136 : memref<50000x32xf32, #tpu.memory_space<hbm>>) dst(%dma_wait3A_126 : memref<128x32xf32, #tpu.memory_space<vmem>>)
      %dma_wait3A_137 = arith.constant 39 : i32
      %dma_wait3A_138 = arith.constant 384 : i32
      %dma_wait3A_139 = arith.constant 0 : i32
      %dma_wait3A_140 = tpu.memref_slice %arg8[%dma_wait3A_138, %dma_wait3A_139] : memref<512x32xf32, #tpu.memory_space<vmem>> -> memref<128x32xf32, #tpu.memory_space<vmem>>
      %dma_wait3A_141 = arith.constant 0 : i32
      %dma_wait3A_142 = tpu.memref_slice %arg6[%dma_wait3A_137, %dma_wait3A_141] : memref<40x128xi32, #tpu.memory_space<vmem>> -> memref<1x128xi32, #tpu.memory_space<vmem>>
      %dma_wait3A_143 = tpu.memref_squeeze %dma_wait3A_142 : memref<1x128xi32, #tpu.memory_space<vmem>> -> memref<128xi32, #tpu.memory_space<vmem>>
      %dma_wait3A_144 = arith.constant 0 : i32
      %dma_wait3A_145 = arith.constant 0 : i32
      %dma_wait3A_146 = tpu.memref_slice %arg4[%arg0, %dma_wait3A_144, %dma_wait3A_145] : memref<2x50000x32xf32, #tpu.memory_space<hbm>> -> memref<1x50000x32xf32, #tpu.memory_space<hbm>>
      %dma_wait3A_147 = tpu.memref_squeeze %dma_wait3A_146 : memref<1x50000x32xf32, #tpu.memory_space<hbm>> -> memref<50000x32xf32, #tpu.memory_space<hbm>>
      %dma_wait3A_148 = arith.constant 0 : i32
      %dma_wait3A_149 = arith.constant 0 : i32
      %dma_wait3A_150 = tpu.memref_slice %dma_wait3A_147[%dma_wait3A_148, %dma_wait3A_149] : memref<50000x32xf32, #tpu.memory_space<hbm>> -> memref<50000x32xf32, #tpu.memory_space<hbm>>
      tpu.wait_indirect_dma semaphore(%arg11 : memref<!tpu.dma_semaphore, #tpu.memory_space<semaphore_mem>>) src(%dma_wait3A_150 : memref<50000x32xf32, #tpu.memory_space<hbm>>) dst(%dma_wait3A_140 : memref<128x32xf32, #tpu.memory_space<vmem>>)
      %run_scoped3A_151 = arith.constant 38 : i32
      "tpu.region"() ({
        %run_scoped3A_153 = tpu.sem_alloc : memref<!tpu.dma_semaphore, #tpu.memory_space<semaphore_mem>>
        %dma_start3A_154 = arith.constant 256 : i32
        %dma_start3A_155 = arith.constant 0 : i32
        %dma_start3A_156 = tpu.memref_slice %arg8[%dma_start3A_154, %dma_start3A_155] : memref<512x32xf32, #tpu.memory_space<vmem>> -> memref<128x32xf32, #tpu.memory_space<vmem>>
        %dma_start3A_157 = arith.constant 0 : i32
        %dma_start3A_158 = tpu.memref_slice %arg7[%run_scoped3A_151, %dma_start3A_157] : memref<40x128xi32, #tpu.memory_space<vmem>> -> memref<1x128xi32, #tpu.memory_space<vmem>>
        %dma_start3A_159 = tpu.memref_squeeze %dma_start3A_158 : memref<1x128xi32, #tpu.memory_space<vmem>> -> memref<128xi32, #tpu.memory_space<vmem>>
        %dma_start3A_160 = arith.constant 0 : i32
        %dma_start3A_161 = arith.constant 0 : i32
        %dma_start3A_162 = tpu.memref_slice %arg9[%dma_start3A_160, %dma_start3A_161] : memref<50688x32xf32, #tpu.memory_space<vmem_shared>> -> memref<50688x32xf32, #tpu.memory_space<vmem_shared>>
        tpu.enqueue_indirect_dma source(%dma_start3A_156 : memref<128x32xf32, #tpu.memory_space<vmem>>) target(%dma_start3A_162 : memref<50688x32xf32, #tpu.memory_space<vmem_shared>>) offsets(%dma_start3A_159 : memref<128xi32, #tpu.memory_space<vmem>>) semaphore(%run_scoped3A_153 : memref<!tpu.dma_semaphore, #tpu.memory_space<semaphore_mem>>) {add = true}
        %dma_wait3A_163 = arith.constant 256 : i32
        %dma_wait3A_164 = arith.constant 0 : i32
        %dma_wait3A_165 = tpu.memref_slice %arg8[%dma_wait3A_163, %dma_wait3A_164] : memref<512x32xf32, #tpu.memory_space<vmem>> -> memref<128x32xf32, #tpu.memory_space<vmem>>
        %dma_wait3A_166 = arith.constant 0 : i32
        %dma_wait3A_167 = tpu.memref_slice %arg7[%run_scoped3A_151, %dma_wait3A_166] : memref<40x128xi32, #tpu.memory_space<vmem>> -> memref<1x128xi32, #tpu.memory_space<vmem>>
        %dma_wait3A_168 = tpu.memref_squeeze %dma_wait3A_167 : memref<1x128xi32, #tpu.memory_space<vmem>> -> memref<128xi32, #tpu.memory_space<vmem>>
        %dma_wait3A_169 = arith.constant 0 : i32
        %dma_wait3A_170 = arith.constant 0 : i32
        %dma_wait3A_171 = tpu.memref_slice %arg9[%dma_wait3A_169, %dma_wait3A_170] : memref<50688x32xf32, #tpu.memory_space<vmem_shared>> -> memref<50688x32xf32, #tpu.memory_space<vmem_shared>>
        tpu.wait_indirect_dma semaphore(%run_scoped3A_153 : memref<!tpu.dma_semaphore, #tpu.memory_space<semaphore_mem>>) src(%dma_wait3A_165 : memref<128x32xf32, #tpu.memory_space<vmem>>) dst(%dma_wait3A_171 : memref<50688x32xf32, #tpu.memory_space<vmem_shared>>)
        tpu.yield
      }) : () -> ()
      %run_scoped3A_152 = arith.constant 39 : i32
      "tpu.region"() ({
        %run_scoped3A_153 = tpu.sem_alloc : memref<!tpu.dma_semaphore, #tpu.memory_space<semaphore_mem>>
        %dma_start3A_154 = arith.constant 384 : i32
        %dma_start3A_155 = arith.constant 0 : i32
        %dma_start3A_156 = tpu.memref_slice %arg8[%dma_start3A_154, %dma_start3A_155] : memref<512x32xf32, #tpu.memory_space<vmem>> -> memref<128x32xf32, #tpu.memory_space<vmem>>
        %dma_start3A_157 = arith.constant 0 : i32
        %dma_start3A_158 = tpu.memref_slice %arg7[%run_scoped3A_152, %dma_start3A_157] : memref<40x128xi32, #tpu.memory_space<vmem>> -> memref<1x128xi32, #tpu.memory_space<vmem>>
        %dma_start3A_159 = tpu.memref_squeeze %dma_start3A_158 : memref<1x128xi32, #tpu.memory_space<vmem>> -> memref<128xi32, #tpu.memory_space<vmem>>
        %dma_start3A_160 = arith.constant 0 : i32
        %dma_start3A_161 = arith.constant 0 : i32
        %dma_start3A_162 = tpu.memref_slice %arg9[%dma_start3A_160, %dma_start3A_161] : memref<50688x32xf32, #tpu.memory_space<vmem_shared>> -> memref<50688x32xf32, #tpu.memory_space<vmem_shared>>
        tpu.enqueue_indirect_dma source(%dma_start3A_156 : memref<128x32xf32, #tpu.memory_space<vmem>>) target(%dma_start3A_162 : memref<50688x32xf32, #tpu.memory_space<vmem_shared>>) offsets(%dma_start3A_159 : memref<128xi32, #tpu.memory_space<vmem>>) semaphore(%run_scoped3A_153 : memref<!tpu.dma_semaphore, #tpu.memory_space<semaphore_mem>>) {add = true}
        %dma_wait3A_163 = arith.constant 384 : i32
        %dma_wait3A_164 = arith.constant 0 : i32
        %dma_wait3A_165 = tpu.memref_slice %arg8[%dma_wait3A_163, %dma_wait3A_164] : memref<512x32xf32, #tpu.memory_space<vmem>> -> memref<128x32xf32, #tpu.memory_space<vmem>>
        %dma_wait3A_166 = arith.constant 0 : i32
        %dma_wait3A_167 = tpu.memref_slice %arg7[%run_scoped3A_152, %dma_wait3A_166] : memref<40x128xi32, #tpu.memory_space<vmem>> -> memref<1x128xi32, #tpu.memory_space<vmem>>
        %dma_wait3A_168 = tpu.memref_squeeze %dma_wait3A_167 : memref<1x128xi32, #tpu.memory_space<vmem>> -> memref<128xi32, #tpu.memory_space<vmem>>
        %dma_wait3A_169 = arith.constant 0 : i32
        %dma_wait3A_170 = arith.constant 0 : i32
        %dma_wait3A_171 = tpu.memref_slice %arg9[%dma_wait3A_169, %dma_wait3A_170] : memref<50688x32xf32, #tpu.memory_space<vmem_shared>> -> memref<50688x32xf32, #tpu.memory_space<vmem_shared>>
        tpu.wait_indirect_dma semaphore(%run_scoped3A_153 : memref<!tpu.dma_semaphore, #tpu.memory_space<semaphore_mem>>) src(%dma_wait3A_165 : memref<128x32xf32, #tpu.memory_space<vmem>>) dst(%dma_wait3A_171 : memref<50688x32xf32, #tpu.memory_space<vmem_shared>>)
        tpu.yield
      }) : () -> ()
    }
    %scan3A_23 = arith.constant 10 : i32
    %barrier3A_24 = arith.constant 0 : index
    tpu.barrier barrier_id(%barrier3A_24)
    "tpu.region"() ({
      %run_scoped3A = tpu.sem_alloc : memref<!tpu.dma_semaphore, #tpu.memory_space<semaphore_mem>>
      %dma_start3A = arith.constant 0 : i32
      %dma_start3A_25 = tpu.memref_slice %arg5[%arg0, %mul3A_5, %dma_start3A] : memref<2x50688x32xf32, #tpu.memory_space<hbm>> -> memref<1x3168x32xf32, #tpu.memory_space<hbm>>
      %dma_start3A_26 = tpu.memref_squeeze %dma_start3A_25 : memref<1x3168x32xf32, #tpu.memory_space<hbm>> -> memref<3168x32xf32, #tpu.memory_space<hbm>>
      %dma_start3A_27 = arith.constant 0 : i32
      %dma_start3A_28 = tpu.memref_slice %arg9[%mul3A_5, %dma_start3A_27] : memref<50688x32xf32, #tpu.memory_space<vmem_shared>> -> memref<3168x32xf32, #tpu.memory_space<vmem_shared>>
      tpu.enqueue_dma source(%dma_start3A_28 : memref<3168x32xf32, #tpu.memory_space<vmem_shared>>) target(%dma_start3A_26 : memref<3168x32xf32, #tpu.memory_space<hbm>>) target_semaphore(%run_scoped3A : memref<!tpu.dma_semaphore, #tpu.memory_space<semaphore_mem>>)
      %dma_wait3A = arith.constant 0 : i32
      %dma_wait3A_29 = tpu.memref_slice %arg5[%arg0, %mul3A_5, %dma_wait3A] : memref<2x50688x32xf32, #tpu.memory_space<hbm>> -> memref<1x3168x32xf32, #tpu.memory_space<hbm>>
      %dma_wait3A_30 = tpu.memref_squeeze %dma_wait3A_29 : memref<1x3168x32xf32, #tpu.memory_space<hbm>> -> memref<3168x32xf32, #tpu.memory_space<hbm>>
      %dma_wait3A_31 = arith.constant 0 : i32
      %dma_wait3A_32 = tpu.memref_slice %arg9[%mul3A_5, %dma_wait3A_31] : memref<50688x32xf32, #tpu.memory_space<vmem_shared>> -> memref<3168x32xf32, #tpu.memory_space<vmem_shared>>
      tpu.wait_dma2 semaphore(%run_scoped3A : memref<!tpu.dma_semaphore, #tpu.memory_space<semaphore_mem>>) src(%dma_wait3A_32 : memref<3168x32xf32, #tpu.memory_space<vmem_shared>>) dst(%dma_wait3A_30 : memref<3168x32xf32, #tpu.memory_space<hbm>>)
      tpu.yield
    }) : () -> ()
    return
  }
}

#map = affine_map<(d0, d1) -> (0, 0)>
#map1 = affine_map<(d0, d1) -> (0, 0, 0)>
module attributes {stable_mosaic.version = 14 : i64} {
  func.func @k(%arg0: i32, %arg1: i32, %arg2: memref<6400x128xi32, #tpu.memory_space<hbm>>, %arg3: memref<6400x128xi32, #tpu.memory_space<hbm>>, %arg4: memref<50688x16xf32, #tpu.memory_space<hbm>>, %arg5: memref<2x50688x16xf32, #tpu.memory_space<hbm>>, %arg6: memref<40x128xi32, #tpu.memory_space<vmem>>, %arg7: memref<40x128xi32, #tpu.memory_space<vmem>>, %arg8: memref<1024x16xf32, #tpu.memory_space<vmem>>, %arg9: memref<50688x16xf32, #tpu.memory_space<vmem_shared>>, %arg10: memref<!tpu.dma_semaphore, #tpu.memory_space<semaphore_mem>>, %arg11: memref<!tpu.dma_semaphore, #tpu.memory_space<semaphore_mem>>) attributes {dimension_semantics = [#tpu.dimension_semantics<core_parallel>, #tpu.dimension_semantics<subcore_parallel>], iteration_bounds = array<i64: 2, 16>, scalar_prefetch = 0 : i64, scratch_operands = 6 : i64, tpu.core_type = #tpu.core_type<sc_vector_subcore>, window_params = [{transform_indices = #map}, {transform_indices = #map}, {transform_indices = #map}, {transform_indices = #map1}]} {
    %mul3A = arith.constant 16 : i32
    %mul3A_0 = arith.muli %arg0, %mul3A : i32
    %add3A = arith.addi %mul3A_0, %arg1 : i32
    %mul3A_1 = arith.constant 200 : i32
    %mul3A_2 = arith.muli %add3A, %mul3A_1 : i32
    %broadcast_in_dim3A = arith.constant 0.000000e+00 : f32
    %broadcast_in_dim3A_3 = vector.broadcast %broadcast_in_dim3A : f32 to vector<16xf32>
    %scan3A = arith.constant 0 : i32
    %scan3A_4 = arith.constant 1024 : i32
    %scan3A_5 = arith.addi %scan3A, %scan3A_4 : i32
    %scan3A_6 = arith.constant 1 : i32
    scf.for %scan3A_24 = %scan3A to %scan3A_5 step %scan3A_6  : i32 {
      %mul3A_25 = arith.constant 1 : i32
      %mul3A_26 = arith.muli %scan3A_24, %mul3A_25 : i32
      %add3A_27 = arith.constant 0 : i32
      %add3A_28 = arith.addi %add3A_27, %mul3A_26 : i32
      %swap3A = arith.index_cast %add3A_28 : i32 to index
      %swap3A_29 = arith.constant 0 : index
      %swap3A_30 = tpu.vector_load %arg8[%swap3A, %swap3A_29] {strides = array<i32>} : memref<1024x16xf32, #tpu.memory_space<vmem>>, vector<1x16xf32>,
      %swap3A_31 = vector.shape_cast %swap3A_30 : vector<1x16xf32> to vector<16xf32>
      %swap3A_32 = vector.shape_cast %broadcast_in_dim3A_3 : vector<16xf32> to vector<1x16xf32>
      tpu.vector_store %arg8[%swap3A, %swap3A_29], %swap3A_32 {strides = array<i32>} : memref<1024x16xf32, #tpu.memory_space<vmem>>, vector<1x16xf32>,
    }
    %scan3A_7 = arith.constant 1024 : i32
    %mul3A_8 = arith.constant 3168 : i32
    %mul3A_9 = arith.muli %arg1, %mul3A_8 : i32
    %add3A_10 = arith.constant 0 : i32
    %add3A_11 = arith.addi %mul3A_9, %add3A_10 : i32
    "tpu.region"() ({
      %run_scoped3A = tpu.sem_alloc : memref<!tpu.dma_semaphore, #tpu.memory_space<semaphore_mem>>
      %dma_start3A = arith.constant 0 : i32
      %dma_start3A_24 = tpu.memref_slice %arg9[%add3A_11, %dma_start3A] : memref<50688x16xf32, #tpu.memory_space<vmem_shared>> -> memref<1024x16xf32, #tpu.memory_space<vmem_shared>>
      %dma_start3A_25 = arith.constant 0 : i32
      %dma_start3A_26 = tpu.memref_slice %arg9[%add3A_11, %dma_start3A_25] : memref<50688x16xf32, #tpu.memory_space<vmem_shared>> -> memref<1024x16xf32, #tpu.memory_space<vmem_shared>>
      tpu.enqueue_dma source(%arg8 : memref<1024x16xf32, #tpu.memory_space<vmem>>) target(%dma_start3A_26 : memref<1024x16xf32, #tpu.memory_space<vmem_shared>>) target_semaphore(%run_scoped3A : memref<!tpu.dma_semaphore, #tpu.memory_space<semaphore_mem>>)
      %dma_wait3A = arith.constant 0 : i32
      %dma_wait3A_27 = tpu.memref_slice %arg9[%add3A_11, %dma_wait3A] : memref<50688x16xf32, #tpu.memory_space<vmem_shared>> -> memref<1024x16xf32, #tpu.memory_space<vmem_shared>>
      %dma_wait3A_28 = arith.constant 0 : i32
      %dma_wait3A_29 = tpu.memref_slice %arg9[%add3A_11, %dma_wait3A_28] : memref<50688x16xf32, #tpu.memory_space<vmem_shared>> -> memref<1024x16xf32, #tpu.memory_space<vmem_shared>>
      tpu.wait_dma2 semaphore(%run_scoped3A : memref<!tpu.dma_semaphore, #tpu.memory_space<semaphore_mem>>) src(%arg8 : memref<1024x16xf32, #tpu.memory_space<vmem>>) dst(%dma_wait3A_29 : memref<1024x16xf32, #tpu.memory_space<vmem_shared>>)
      tpu.yield
    }) : () -> ()
    %add3A_12 = arith.constant 1024 : i32
    %add3A_13 = arith.addi %mul3A_9, %add3A_12 : i32
    "tpu.region"() ({
      %run_scoped3A = tpu.sem_alloc : memref<!tpu.dma_semaphore, #tpu.memory_space<semaphore_mem>>
      %dma_start3A = arith.constant 0 : i32
      %dma_start3A_24 = tpu.memref_slice %arg9[%add3A_13, %dma_start3A] : memref<50688x16xf32, #tpu.memory_space<vmem_shared>> -> memref<1024x16xf32, #tpu.memory_space<vmem_shared>>
      %dma_start3A_25 = arith.constant 0 : i32
      %dma_start3A_26 = tpu.memref_slice %arg9[%add3A_13, %dma_start3A_25] : memref<50688x16xf32, #tpu.memory_space<vmem_shared>> -> memref<1024x16xf32, #tpu.memory_space<vmem_shared>>
      tpu.enqueue_dma source(%arg8 : memref<1024x16xf32, #tpu.memory_space<vmem>>) target(%dma_start3A_26 : memref<1024x16xf32, #tpu.memory_space<vmem_shared>>) target_semaphore(%run_scoped3A : memref<!tpu.dma_semaphore, #tpu.memory_space<semaphore_mem>>)
      %dma_wait3A = arith.constant 0 : i32
      %dma_wait3A_27 = tpu.memref_slice %arg9[%add3A_13, %dma_wait3A] : memref<50688x16xf32, #tpu.memory_space<vmem_shared>> -> memref<1024x16xf32, #tpu.memory_space<vmem_shared>>
      %dma_wait3A_28 = arith.constant 0 : i32
      %dma_wait3A_29 = tpu.memref_slice %arg9[%add3A_13, %dma_wait3A_28] : memref<50688x16xf32, #tpu.memory_space<vmem_shared>> -> memref<1024x16xf32, #tpu.memory_space<vmem_shared>>
      tpu.wait_dma2 semaphore(%run_scoped3A : memref<!tpu.dma_semaphore, #tpu.memory_space<semaphore_mem>>) src(%arg8 : memref<1024x16xf32, #tpu.memory_space<vmem>>) dst(%dma_wait3A_29 : memref<1024x16xf32, #tpu.memory_space<vmem_shared>>)
      tpu.yield
    }) : () -> ()
    %add3A_14 = arith.constant 2048 : i32
    %add3A_15 = arith.addi %mul3A_9, %add3A_14 : i32
    "tpu.region"() ({
      %run_scoped3A = tpu.sem_alloc : memref<!tpu.dma_semaphore, #tpu.memory_space<semaphore_mem>>
      %dma_start3A = arith.constant 0 : i32
      %dma_start3A_24 = tpu.memref_slice %arg9[%add3A_15, %dma_start3A] : memref<50688x16xf32, #tpu.memory_space<vmem_shared>> -> memref<1024x16xf32, #tpu.memory_space<vmem_shared>>
      %dma_start3A_25 = arith.constant 0 : i32
      %dma_start3A_26 = tpu.memref_slice %arg9[%add3A_15, %dma_start3A_25] : memref<50688x16xf32, #tpu.memory_space<vmem_shared>> -> memref<1024x16xf32, #tpu.memory_space<vmem_shared>>
      tpu.enqueue_dma source(%arg8 : memref<1024x16xf32, #tpu.memory_space<vmem>>) target(%dma_start3A_26 : memref<1024x16xf32, #tpu.memory_space<vmem_shared>>) target_semaphore(%run_scoped3A : memref<!tpu.dma_semaphore, #tpu.memory_space<semaphore_mem>>)
      %dma_wait3A = arith.constant 0 : i32
      %dma_wait3A_27 = tpu.memref_slice %arg9[%add3A_15, %dma_wait3A] : memref<50688x16xf32, #tpu.memory_space<vmem_shared>> -> memref<1024x16xf32, #tpu.memory_space<vmem_shared>>
      %dma_wait3A_28 = arith.constant 0 : i32
      %dma_wait3A_29 = tpu.memref_slice %arg9[%add3A_15, %dma_wait3A_28] : memref<50688x16xf32, #tpu.memory_space<vmem_shared>> -> memref<1024x16xf32, #tpu.memory_space<vmem_shared>>
      tpu.wait_dma2 semaphore(%run_scoped3A : memref<!tpu.dma_semaphore, #tpu.memory_space<semaphore_mem>>) src(%arg8 : memref<1024x16xf32, #tpu.memory_space<vmem>>) dst(%dma_wait3A_29 : memref<1024x16xf32, #tpu.memory_space<vmem_shared>>)
      tpu.yield
    }) : () -> ()
    %add3A_16 = arith.constant 3072 : i32
    %add3A_17 = arith.addi %mul3A_9, %add3A_16 : i32
    "tpu.region"() ({
      %run_scoped3A = tpu.sem_alloc : memref<!tpu.dma_semaphore, #tpu.memory_space<semaphore_mem>>
      %dma_start3A = arith.constant 0 : i32
      %dma_start3A_24 = arith.constant 0 : i32
      %dma_start3A_25 = tpu.memref_slice %arg8[%dma_start3A, %dma_start3A_24] : memref<1024x16xf32, #tpu.memory_space<vmem>> -> memref<96x16xf32, #tpu.memory_space<vmem>>
      %dma_start3A_26 = arith.constant 0 : i32
      %dma_start3A_27 = tpu.memref_slice %arg9[%add3A_17, %dma_start3A_26] : memref<50688x16xf32, #tpu.memory_space<vmem_shared>> -> memref<96x16xf32, #tpu.memory_space<vmem_shared>>
      %dma_start3A_28 = arith.constant 0 : i32
      %dma_start3A_29 = tpu.memref_slice %arg9[%add3A_17, %dma_start3A_28] : memref<50688x16xf32, #tpu.memory_space<vmem_shared>> -> memref<96x16xf32, #tpu.memory_space<vmem_shared>>
      %dma_start3A_30 = arith.constant 0 : i32
      %dma_start3A_31 = arith.constant 0 : i32
      %dma_start3A_32 = tpu.memref_slice %arg8[%dma_start3A_30, %dma_start3A_31] : memref<1024x16xf32, #tpu.memory_space<vmem>> -> memref<96x16xf32, #tpu.memory_space<vmem>>
      tpu.enqueue_dma source(%dma_start3A_32 : memref<96x16xf32, #tpu.memory_space<vmem>>) target(%dma_start3A_29 : memref<96x16xf32, #tpu.memory_space<vmem_shared>>) target_semaphore(%run_scoped3A : memref<!tpu.dma_semaphore, #tpu.memory_space<semaphore_mem>>)
      %dma_wait3A = arith.constant 0 : i32
      %dma_wait3A_33 = arith.constant 0 : i32
      %dma_wait3A_34 = tpu.memref_slice %arg8[%dma_wait3A, %dma_wait3A_33] : memref<1024x16xf32, #tpu.memory_space<vmem>> -> memref<96x16xf32, #tpu.memory_space<vmem>>
      %dma_wait3A_35 = arith.constant 0 : i32
      %dma_wait3A_36 = tpu.memref_slice %arg9[%add3A_17, %dma_wait3A_35] : memref<50688x16xf32, #tpu.memory_space<vmem_shared>> -> memref<96x16xf32, #tpu.memory_space<vmem_shared>>
      %dma_wait3A_37 = arith.constant 0 : i32
      %dma_wait3A_38 = tpu.memref_slice %arg9[%add3A_17, %dma_wait3A_37] : memref<50688x16xf32, #tpu.memory_space<vmem_shared>> -> memref<96x16xf32, #tpu.memory_space<vmem_shared>>
      %dma_wait3A_39 = arith.constant 0 : i32
      %dma_wait3A_40 = arith.constant 0 : i32
      %dma_wait3A_41 = tpu.memref_slice %arg8[%dma_wait3A_39, %dma_wait3A_40] : memref<1024x16xf32, #tpu.memory_space<vmem>> -> memref<96x16xf32, #tpu.memory_space<vmem>>
      tpu.wait_dma2 semaphore(%run_scoped3A : memref<!tpu.dma_semaphore, #tpu.memory_space<semaphore_mem>>) src(%dma_wait3A_41 : memref<96x16xf32, #tpu.memory_space<vmem>>) dst(%dma_wait3A_38 : memref<96x16xf32, #tpu.memory_space<vmem_shared>>)
      tpu.yield
    }) : () -> ()
    %barrier3A = arith.constant 0 : index
    tpu.barrier barrier_id(%barrier3A)
    %scan3A_18 = arith.constant 0 : i32
    %scan3A_19 = arith.constant 5 : i32
    %scan3A_20 = arith.addi %scan3A_18, %scan3A_19 : i32
    %scan3A_21 = arith.constant 1 : i32
    scf.for %scan3A_24 = %scan3A_18 to %scan3A_20 step %scan3A_21  : i32 {
      %mul3A_25 = arith.constant 1 : i32
      %mul3A_26 = arith.muli %scan3A_24, %mul3A_25 : i32
      %add3A_27 = arith.constant 0 : i32
      %add3A_28 = arith.addi %add3A_27, %mul3A_26 : i32
      %mul3A_29 = arith.constant 40 : i32
      %mul3A_30 = arith.muli %add3A_28, %mul3A_29 : i32
      %add3A_31 = arith.addi %mul3A_2, %mul3A_30 : i32
      "tpu.region"() ({
        %run_scoped3A_202 = tpu.sem_alloc : memref<!tpu.dma_semaphore, #tpu.memory_space<semaphore_mem>>
        %dma_start3A_203 = arith.constant 0 : i32
        %dma_start3A_204 = tpu.memref_slice %arg2[%add3A_31, %dma_start3A_203] : memref<6400x128xi32, #tpu.memory_space<hbm>> -> memref<40x128xi32, #tpu.memory_space<hbm>>
        %dma_start3A_205 = arith.constant 0 : i32
        %dma_start3A_206 = tpu.memref_slice %arg2[%add3A_31, %dma_start3A_205] : memref<6400x128xi32, #tpu.memory_space<hbm>> -> memref<40x128xi32, #tpu.memory_space<hbm>>
        tpu.enqueue_dma source(%dma_start3A_206 : memref<40x128xi32, #tpu.memory_space<hbm>>) target(%arg6 : memref<40x128xi32, #tpu.memory_space<vmem>>) target_semaphore(%run_scoped3A_202 : memref<!tpu.dma_semaphore, #tpu.memory_space<semaphore_mem>>)
        %dma_wait3A_207 = arith.constant 0 : i32
        %dma_wait3A_208 = tpu.memref_slice %arg2[%add3A_31, %dma_wait3A_207] : memref<6400x128xi32, #tpu.memory_space<hbm>> -> memref<40x128xi32, #tpu.memory_space<hbm>>
        %dma_wait3A_209 = arith.constant 0 : i32
        %dma_wait3A_210 = tpu.memref_slice %arg2[%add3A_31, %dma_wait3A_209] : memref<6400x128xi32, #tpu.memory_space<hbm>> -> memref<40x128xi32, #tpu.memory_space<hbm>>
        tpu.wait_dma2 semaphore(%run_scoped3A_202 : memref<!tpu.dma_semaphore, #tpu.memory_space<semaphore_mem>>) src(%dma_wait3A_210 : memref<40x128xi32, #tpu.memory_space<hbm>>) dst(%arg6 : memref<40x128xi32, #tpu.memory_space<vmem>>)
        tpu.yield
      }) : () -> ()
      "tpu.region"() ({
        %run_scoped3A_202 = tpu.sem_alloc : memref<!tpu.dma_semaphore, #tpu.memory_space<semaphore_mem>>
        %dma_start3A_203 = arith.constant 0 : i32
        %dma_start3A_204 = tpu.memref_slice %arg3[%add3A_31, %dma_start3A_203] : memref<6400x128xi32, #tpu.memory_space<hbm>> -> memref<40x128xi32, #tpu.memory_space<hbm>>
        %dma_start3A_205 = arith.constant 0 : i32
        %dma_start3A_206 = tpu.memref_slice %arg3[%add3A_31, %dma_start3A_205] : memref<6400x128xi32, #tpu.memory_space<hbm>> -> memref<40x128xi32, #tpu.memory_space<hbm>>
        tpu.enqueue_dma source(%dma_start3A_206 : memref<40x128xi32, #tpu.memory_space<hbm>>) target(%arg7 : memref<40x128xi32, #tpu.memory_space<vmem>>) target_semaphore(%run_scoped3A_202 : memref<!tpu.dma_semaphore, #tpu.memory_space<semaphore_mem>>)
        %dma_wait3A_207 = arith.constant 0 : i32
        %dma_wait3A_208 = tpu.memref_slice %arg3[%add3A_31, %dma_wait3A_207] : memref<6400x128xi32, #tpu.memory_space<hbm>> -> memref<40x128xi32, #tpu.memory_space<hbm>>
        %dma_wait3A_209 = arith.constant 0 : i32
        %dma_wait3A_210 = tpu.memref_slice %arg3[%add3A_31, %dma_wait3A_209] : memref<6400x128xi32, #tpu.memory_space<hbm>> -> memref<40x128xi32, #tpu.memory_space<hbm>>
        tpu.wait_dma2 semaphore(%run_scoped3A_202 : memref<!tpu.dma_semaphore, #tpu.memory_space<semaphore_mem>>) src(%dma_wait3A_210 : memref<40x128xi32, #tpu.memory_space<hbm>>) dst(%arg7 : memref<40x128xi32, #tpu.memory_space<vmem>>)
        tpu.yield
      }) : () -> ()
      %dma_start3A = arith.constant 0 : i32
      %dma_start3A_32 = arith.constant 0 : i32
      %dma_start3A_33 = arith.constant 0 : i32
      %dma_start3A_34 = tpu.memref_slice %arg8[%dma_start3A_32, %dma_start3A_33] : memref<1024x16xf32, #tpu.memory_space<vmem>> -> memref<128x16xf32, #tpu.memory_space<vmem>>
      %dma_start3A_35 = arith.constant 0 : i32
      %dma_start3A_36 = tpu.memref_slice %arg6[%dma_start3A, %dma_start3A_35] : memref<40x128xi32, #tpu.memory_space<vmem>> -> memref<1x128xi32, #tpu.memory_space<vmem>>
      %dma_start3A_37 = tpu.memref_squeeze %dma_start3A_36 : memref<1x128xi32, #tpu.memory_space<vmem>> -> memref<128xi32, #tpu.memory_space<vmem>>
      %dma_start3A_38 = arith.constant 0 : i32
      %dma_start3A_39 = arith.constant 0 : i32
      %dma_start3A_40 = tpu.memref_slice %arg4[%dma_start3A_38, %dma_start3A_39] : memref<50688x16xf32, #tpu.memory_space<hbm>> -> memref<50688x16xf32, #tpu.memory_space<hbm>>
      tpu.enqueue_indirect_dma source(%dma_start3A_40 : memref<50688x16xf32, #tpu.memory_space<hbm>>) target(%dma_start3A_34 : memref<128x16xf32, #tpu.memory_space<vmem>>) offsets(%dma_start3A_37 : memref<128xi32, #tpu.memory_space<vmem>>) semaphore(%arg10 : memref<!tpu.dma_semaphore, #tpu.memory_space<semaphore_mem>>)
      %dma_start3A_41 = arith.constant 1 : i32
      %dma_start3A_42 = arith.constant 128 : i32
      %dma_start3A_43 = arith.constant 0 : i32
      %dma_start3A_44 = tpu.memref_slice %arg8[%dma_start3A_42, %dma_start3A_43] : memref<1024x16xf32, #tpu.memory_space<vmem>> -> memref<128x16xf32, #tpu.memory_space<vmem>>
      %dma_start3A_45 = arith.constant 0 : i32
      %dma_start3A_46 = tpu.memref_slice %arg6[%dma_start3A_41, %dma_start3A_45] : memref<40x128xi32, #tpu.memory_space<vmem>> -> memref<1x128xi32, #tpu.memory_space<vmem>>
      %dma_start3A_47 = tpu.memref_squeeze %dma_start3A_46 : memref<1x128xi32, #tpu.memory_space<vmem>> -> memref<128xi32, #tpu.memory_space<vmem>>
      %dma_start3A_48 = arith.constant 0 : i32
      %dma_start3A_49 = arith.constant 0 : i32
      %dma_start3A_50 = tpu.memref_slice %arg4[%dma_start3A_48, %dma_start3A_49] : memref<50688x16xf32, #tpu.memory_space<hbm>> -> memref<50688x16xf32, #tpu.memory_space<hbm>>
      tpu.enqueue_indirect_dma source(%dma_start3A_50 : memref<50688x16xf32, #tpu.memory_space<hbm>>) target(%dma_start3A_44 : memref<128x16xf32, #tpu.memory_space<vmem>>) offsets(%dma_start3A_47 : memref<128xi32, #tpu.memory_space<vmem>>) semaphore(%arg10 : memref<!tpu.dma_semaphore, #tpu.memory_space<semaphore_mem>>)
      %dma_start3A_51 = arith.constant 2 : i32
      %dma_start3A_52 = arith.constant 256 : i32
      %dma_start3A_53 = arith.constant 0 : i32
      %dma_start3A_54 = tpu.memref_slice %arg8[%dma_start3A_52, %dma_start3A_53] : memref<1024x16xf32, #tpu.memory_space<vmem>> -> memref<128x16xf32, #tpu.memory_space<vmem>>
      %dma_start3A_55 = arith.constant 0 : i32
      %dma_start3A_56 = tpu.memref_slice %arg6[%dma_start3A_51, %dma_start3A_55] : memref<40x128xi32, #tpu.memory_space<vmem>> -> memref<1x128xi32, #tpu.memory_space<vmem>>
      %dma_start3A_57 = tpu.memref_squeeze %dma_start3A_56 : memref<1x128xi32, #tpu.memory_space<vmem>> -> memref<128xi32, #tpu.memory_space<vmem>>
      %dma_start3A_58 = arith.constant 0 : i32
      %dma_start3A_59 = arith.constant 0 : i32
      %dma_start3A_60 = tpu.memref_slice %arg4[%dma_start3A_58, %dma_start3A_59] : memref<50688x16xf32, #tpu.memory_space<hbm>> -> memref<50688x16xf32, #tpu.memory_space<hbm>>
      tpu.enqueue_indirect_dma source(%dma_start3A_60 : memref<50688x16xf32, #tpu.memory_space<hbm>>) target(%dma_start3A_54 : memref<128x16xf32, #tpu.memory_space<vmem>>) offsets(%dma_start3A_57 : memref<128xi32, #tpu.memory_space<vmem>>) semaphore(%arg10 : memref<!tpu.dma_semaphore, #tpu.memory_space<semaphore_mem>>)
      %dma_start3A_61 = arith.constant 3 : i32
      %dma_start3A_62 = arith.constant 384 : i32
      %dma_start3A_63 = arith.constant 0 : i32
      %dma_start3A_64 = tpu.memref_slice %arg8[%dma_start3A_62, %dma_start3A_63] : memref<1024x16xf32, #tpu.memory_space<vmem>> -> memref<128x16xf32, #tpu.memory_space<vmem>>
      %dma_start3A_65 = arith.constant 0 : i32
      %dma_start3A_66 = tpu.memref_slice %arg6[%dma_start3A_61, %dma_start3A_65] : memref<40x128xi32, #tpu.memory_space<vmem>> -> memref<1x128xi32, #tpu.memory_space<vmem>>
      %dma_start3A_67 = tpu.memref_squeeze %dma_start3A_66 : memref<1x128xi32, #tpu.memory_space<vmem>> -> memref<128xi32, #tpu.memory_space<vmem>>
      %dma_start3A_68 = arith.constant 0 : i32
      %dma_start3A_69 = arith.constant 0 : i32
      %dma_start3A_70 = tpu.memref_slice %arg4[%dma_start3A_68, %dma_start3A_69] : memref<50688x16xf32, #tpu.memory_space<hbm>> -> memref<50688x16xf32, #tpu.memory_space<hbm>>
      tpu.enqueue_indirect_dma source(%dma_start3A_70 : memref<50688x16xf32, #tpu.memory_space<hbm>>) target(%dma_start3A_64 : memref<128x16xf32, #tpu.memory_space<vmem>>) offsets(%dma_start3A_67 : memref<128xi32, #tpu.memory_space<vmem>>) semaphore(%arg10 : memref<!tpu.dma_semaphore, #tpu.memory_space<semaphore_mem>>)
      %dma_start3A_71 = arith.constant 4 : i32
      %dma_start3A_72 = arith.constant 512 : i32
      %dma_start3A_73 = arith.constant 0 : i32
      %dma_start3A_74 = tpu.memref_slice %arg8[%dma_start3A_72, %dma_start3A_73] : memref<1024x16xf32, #tpu.memory_space<vmem>> -> memref<128x16xf32, #tpu.memory_space<vmem>>
      %dma_start3A_75 = arith.constant 0 : i32
      %dma_start3A_76 = tpu.memref_slice %arg6[%dma_start3A_71, %dma_start3A_75] : memref<40x128xi32, #tpu.memory_space<vmem>> -> memref<1x128xi32, #tpu.memory_space<vmem>>
      %dma_start3A_77 = tpu.memref_squeeze %dma_start3A_76 : memref<1x128xi32, #tpu.memory_space<vmem>> -> memref<128xi32, #tpu.memory_space<vmem>>
      %dma_start3A_78 = arith.constant 0 : i32
      %dma_start3A_79 = arith.constant 0 : i32
      %dma_start3A_80 = tpu.memref_slice %arg4[%dma_start3A_78, %dma_start3A_79] : memref<50688x16xf32, #tpu.memory_space<hbm>> -> memref<50688x16xf32, #tpu.memory_space<hbm>>
      tpu.enqueue_indirect_dma source(%dma_start3A_80 : memref<50688x16xf32, #tpu.memory_space<hbm>>) target(%dma_start3A_74 : memref<128x16xf32, #tpu.memory_space<vmem>>) offsets(%dma_start3A_77 : memref<128xi32, #tpu.memory_space<vmem>>) semaphore(%arg11 : memref<!tpu.dma_semaphore, #tpu.memory_space<semaphore_mem>>)
      %dma_start3A_81 = arith.constant 5 : i32
      %dma_start3A_82 = arith.constant 640 : i32
      %dma_start3A_83 = arith.constant 0 : i32
      %dma_start3A_84 = tpu.memref_slice %arg8[%dma_start3A_82, %dma_start3A_83] : memref<1024x16xf32, #tpu.memory_space<vmem>> -> memref<128x16xf32, #tpu.memory_space<vmem>>
      %dma_start3A_85 = arith.constant 0 : i32
      %dma_start3A_86 = tpu.memref_slice %arg6[%dma_start3A_81, %dma_start3A_85] : memref<40x128xi32, #tpu.memory_space<vmem>> -> memref<1x128xi32, #tpu.memory_space<vmem>>
      %dma_start3A_87 = tpu.memref_squeeze %dma_start3A_86 : memref<1x128xi32, #tpu.memory_space<vmem>> -> memref<128xi32, #tpu.memory_space<vmem>>
      %dma_start3A_88 = arith.constant 0 : i32
      %dma_start3A_89 = arith.constant 0 : i32
      %dma_start3A_90 = tpu.memref_slice %arg4[%dma_start3A_88, %dma_start3A_89] : memref<50688x16xf32, #tpu.memory_space<hbm>> -> memref<50688x16xf32, #tpu.memory_space<hbm>>
      tpu.enqueue_indirect_dma source(%dma_start3A_90 : memref<50688x16xf32, #tpu.memory_space<hbm>>) target(%dma_start3A_84 : memref<128x16xf32, #tpu.memory_space<vmem>>) offsets(%dma_start3A_87 : memref<128xi32, #tpu.memory_space<vmem>>) semaphore(%arg11 : memref<!tpu.dma_semaphore, #tpu.memory_space<semaphore_mem>>)
      %dma_start3A_91 = arith.constant 6 : i32
      %dma_start3A_92 = arith.constant 768 : i32
      %dma_start3A_93 = arith.constant 0 : i32
      %dma_start3A_94 = tpu.memref_slice %arg8[%dma_start3A_92, %dma_start3A_93] : memref<1024x16xf32, #tpu.memory_space<vmem>> -> memref<128x16xf32, #tpu.memory_space<vmem>>
      %dma_start3A_95 = arith.constant 0 : i32
      %dma_start3A_96 = tpu.memref_slice %arg6[%dma_start3A_91, %dma_start3A_95] : memref<40x128xi32, #tpu.memory_space<vmem>> -> memref<1x128xi32, #tpu.memory_space<vmem>>
      %dma_start3A_97 = tpu.memref_squeeze %dma_start3A_96 : memref<1x128xi32, #tpu.memory_space<vmem>> -> memref<128xi32, #tpu.memory_space<vmem>>
      %dma_start3A_98 = arith.constant 0 : i32
      %dma_start3A_99 = arith.constant 0 : i32
      %dma_start3A_100 = tpu.memref_slice %arg4[%dma_start3A_98, %dma_start3A_99] : memref<50688x16xf32, #tpu.memory_space<hbm>> -> memref<50688x16xf32, #tpu.memory_space<hbm>>
      tpu.enqueue_indirect_dma source(%dma_start3A_100 : memref<50688x16xf32, #tpu.memory_space<hbm>>) target(%dma_start3A_94 : memref<128x16xf32, #tpu.memory_space<vmem>>) offsets(%dma_start3A_97 : memref<128xi32, #tpu.memory_space<vmem>>) semaphore(%arg11 : memref<!tpu.dma_semaphore, #tpu.memory_space<semaphore_mem>>)
      %dma_start3A_101 = arith.constant 7 : i32
      %dma_start3A_102 = arith.constant 896 : i32
      %dma_start3A_103 = arith.constant 0 : i32
      %dma_start3A_104 = tpu.memref_slice %arg8[%dma_start3A_102, %dma_start3A_103] : memref<1024x16xf32, #tpu.memory_space<vmem>> -> memref<128x16xf32, #tpu.memory_space<vmem>>
      %dma_start3A_105 = arith.constant 0 : i32
      %dma_start3A_106 = tpu.memref_slice %arg6[%dma_start3A_101, %dma_start3A_105] : memref<40x128xi32, #tpu.memory_space<vmem>> -> memref<1x128xi32, #tpu.memory_space<vmem>>
      %dma_start3A_107 = tpu.memref_squeeze %dma_start3A_106 : memref<1x128xi32, #tpu.memory_space<vmem>> -> memref<128xi32, #tpu.memory_space<vmem>>
      %dma_start3A_108 = arith.constant 0 : i32
      %dma_start3A_109 = arith.constant 0 : i32
      %dma_start3A_110 = tpu.memref_slice %arg4[%dma_start3A_108, %dma_start3A_109] : memref<50688x16xf32, #tpu.memory_space<hbm>> -> memref<50688x16xf32, #tpu.memory_space<hbm>>
      tpu.enqueue_indirect_dma source(%dma_start3A_110 : memref<50688x16xf32, #tpu.memory_space<hbm>>) target(%dma_start3A_104 : memref<128x16xf32, #tpu.memory_space<vmem>>) offsets(%dma_start3A_107 : memref<128xi32, #tpu.memory_space<vmem>>) semaphore(%arg11 : memref<!tpu.dma_semaphore, #tpu.memory_space<semaphore_mem>>)
      %scan3A_111 = arith.constant 0 : i32
      %scan3A_112 = arith.constant 4 : i32
      %scan3A_113 = arith.addi %scan3A_111, %scan3A_112 : i32
      %scan3A_114 = arith.constant 1 : i32
      scf.for %scan3A_202 = %scan3A_111 to %scan3A_113 step %scan3A_114  : i32 {
        %mul3A_203 = arith.constant 1 : i32
        %mul3A_204 = arith.muli %scan3A_202, %mul3A_203 : i32
        %add3A_205 = arith.constant 0 : i32
        %add3A_206 = arith.addi %add3A_205, %mul3A_204 : i32
        %mul3A_207 = arith.constant 2 : i32
        %mul3A_208 = arith.muli %mul3A_207, %add3A_206 : i32
        %mul3A_209 = arith.constant 4 : i32
        %mul3A_210 = arith.muli %mul3A_208, %mul3A_209 : i32
        %add3A_211 = arith.constant 0 : i32
        %add3A_212 = arith.addi %mul3A_210, %add3A_211 : i32
        %add3A_213 = arith.constant 1 : i32
        %add3A_214 = arith.addi %mul3A_210, %add3A_213 : i32
        %add3A_215 = arith.constant 2 : i32
        %add3A_216 = arith.addi %mul3A_210, %add3A_215 : i32
        %add3A_217 = arith.constant 3 : i32
        %add3A_218 = arith.addi %mul3A_210, %add3A_217 : i32
        %dma_wait3A_219 = arith.constant 0 : i32
        %dma_wait3A_220 = arith.constant 0 : i32
        %dma_wait3A_221 = tpu.memref_slice %arg8[%dma_wait3A_219, %dma_wait3A_220] : memref<1024x16xf32, #tpu.memory_space<vmem>> -> memref<128x16xf32, #tpu.memory_space<vmem>>
        %dma_wait3A_222 = arith.constant 0 : i32
        %dma_wait3A_223 = tpu.memref_slice %arg6[%add3A_212, %dma_wait3A_222] : memref<40x128xi32, #tpu.memory_space<vmem>> -> memref<1x128xi32, #tpu.memory_space<vmem>>
        %dma_wait3A_224 = tpu.memref_squeeze %dma_wait3A_223 : memref<1x128xi32, #tpu.memory_space<vmem>> -> memref<128xi32, #tpu.memory_space<vmem>>
        %dma_wait3A_225 = arith.constant 0 : i32
        %dma_wait3A_226 = arith.constant 0 : i32
        %dma_wait3A_227 = tpu.memref_slice %arg4[%dma_wait3A_225, %dma_wait3A_226] : memref<50688x16xf32, #tpu.memory_space<hbm>> -> memref<50688x16xf32, #tpu.memory_space<hbm>>
        tpu.wait_indirect_dma semaphore(%arg10 : memref<!tpu.dma_semaphore, #tpu.memory_space<semaphore_mem>>) src(%dma_wait3A_227 : memref<50688x16xf32, #tpu.memory_space<hbm>>) dst(%dma_wait3A_221 : memref<128x16xf32, #tpu.memory_space<vmem>>)
        %dma_wait3A_228 = arith.constant 128 : i32
        %dma_wait3A_229 = arith.constant 0 : i32
        %dma_wait3A_230 = tpu.memref_slice %arg8[%dma_wait3A_228, %dma_wait3A_229] : memref<1024x16xf32, #tpu.memory_space<vmem>> -> memref<128x16xf32, #tpu.memory_space<vmem>>
        %dma_wait3A_231 = arith.constant 0 : i32
        %dma_wait3A_232 = tpu.memref_slice %arg6[%add3A_214, %dma_wait3A_231] : memref<40x128xi32, #tpu.memory_space<vmem>> -> memref<1x128xi32, #tpu.memory_space<vmem>>
        %dma_wait3A_233 = tpu.memref_squeeze %dma_wait3A_232 : memref<1x128xi32, #tpu.memory_space<vmem>> -> memref<128xi32, #tpu.memory_space<vmem>>
        %dma_wait3A_234 = arith.constant 0 : i32
        %dma_wait3A_235 = arith.constant 0 : i32
        %dma_wait3A_236 = tpu.memref_slice %arg4[%dma_wait3A_234, %dma_wait3A_235] : memref<50688x16xf32, #tpu.memory_space<hbm>> -> memref<50688x16xf32, #tpu.memory_space<hbm>>
        tpu.wait_indirect_dma semaphore(%arg10 : memref<!tpu.dma_semaphore, #tpu.memory_space<semaphore_mem>>) src(%dma_wait3A_236 : memref<50688x16xf32, #tpu.memory_space<hbm>>) dst(%dma_wait3A_230 : memref<128x16xf32, #tpu.memory_space<vmem>>)
        %dma_wait3A_237 = arith.constant 256 : i32
        %dma_wait3A_238 = arith.constant 0 : i32
        %dma_wait3A_239 = tpu.memref_slice %arg8[%dma_wait3A_237, %dma_wait3A_238] : memref<1024x16xf32, #tpu.memory_space<vmem>> -> memref<128x16xf32, #tpu.memory_space<vmem>>
        %dma_wait3A_240 = arith.constant 0 : i32
        %dma_wait3A_241 = tpu.memref_slice %arg6[%add3A_216, %dma_wait3A_240] : memref<40x128xi32, #tpu.memory_space<vmem>> -> memref<1x128xi32, #tpu.memory_space<vmem>>
        %dma_wait3A_242 = tpu.memref_squeeze %dma_wait3A_241 : memref<1x128xi32, #tpu.memory_space<vmem>> -> memref<128xi32, #tpu.memory_space<vmem>>
        %dma_wait3A_243 = arith.constant 0 : i32
        %dma_wait3A_244 = arith.constant 0 : i32
        %dma_wait3A_245 = tpu.memref_slice %arg4[%dma_wait3A_243, %dma_wait3A_244] : memref<50688x16xf32, #tpu.memory_space<hbm>> -> memref<50688x16xf32, #tpu.memory_space<hbm>>
        tpu.wait_indirect_dma semaphore(%arg10 : memref<!tpu.dma_semaphore, #tpu.memory_space<semaphore_mem>>) src(%dma_wait3A_245 : memref<50688x16xf32, #tpu.memory_space<hbm>>) dst(%dma_wait3A_239 : memref<128x16xf32, #tpu.memory_space<vmem>>)
        %dma_wait3A_246 = arith.constant 384 : i32
        %dma_wait3A_247 = arith.constant 0 : i32
        %dma_wait3A_248 = tpu.memref_slice %arg8[%dma_wait3A_246, %dma_wait3A_247] : memref<1024x16xf32, #tpu.memory_space<vmem>> -> memref<128x16xf32, #tpu.memory_space<vmem>>
        %dma_wait3A_249 = arith.constant 0 : i32
        %dma_wait3A_250 = tpu.memref_slice %arg6[%add3A_218, %dma_wait3A_249] : memref<40x128xi32, #tpu.memory_space<vmem>> -> memref<1x128xi32, #tpu.memory_space<vmem>>
        %dma_wait3A_251 = tpu.memref_squeeze %dma_wait3A_250 : memref<1x128xi32, #tpu.memory_space<vmem>> -> memref<128xi32, #tpu.memory_space<vmem>>
        %dma_wait3A_252 = arith.constant 0 : i32
        %dma_wait3A_253 = arith.constant 0 : i32
        %dma_wait3A_254 = tpu.memref_slice %arg4[%dma_wait3A_252, %dma_wait3A_253] : memref<50688x16xf32, #tpu.memory_space<hbm>> -> memref<50688x16xf32, #tpu.memory_space<hbm>>
        tpu.wait_indirect_dma semaphore(%arg10 : memref<!tpu.dma_semaphore, #tpu.memory_space<semaphore_mem>>) src(%dma_wait3A_254 : memref<50688x16xf32, #tpu.memory_space<hbm>>) dst(%dma_wait3A_248 : memref<128x16xf32, #tpu.memory_space<vmem>>)
        %add3A_255 = arith.constant 0 : i32
        %add3A_256 = arith.addi %mul3A_210, %add3A_255 : i32
        "tpu.region"() ({
          %run_scoped3A_409 = tpu.sem_alloc : memref<!tpu.dma_semaphore, #tpu.memory_space<semaphore_mem>>
          %dma_start3A_410 = arith.constant 0 : i32
          %dma_start3A_411 = arith.constant 0 : i32
          %dma_start3A_412 = tpu.memref_slice %arg8[%dma_start3A_410, %dma_start3A_411] : memref<1024x16xf32, #tpu.memory_space<vmem>> -> memref<128x16xf32, #tpu.memory_space<vmem>>
          %dma_start3A_413 = arith.constant 0 : i32
          %dma_start3A_414 = tpu.memref_slice %arg7[%add3A_256, %dma_start3A_413] : memref<40x128xi32, #tpu.memory_space<vmem>> -> memref<1x128xi32, #tpu.memory_space<vmem>>
          %dma_start3A_415 = tpu.memref_squeeze %dma_start3A_414 : memref<1x128xi32, #tpu.memory_space<vmem>> -> memref<128xi32, #tpu.memory_space<vmem>>
          %dma_start3A_416 = arith.constant 0 : i32
          %dma_start3A_417 = arith.constant 0 : i32
          %dma_start3A_418 = tpu.memref_slice %arg9[%dma_start3A_416, %dma_start3A_417] : memref<50688x16xf32, #tpu.memory_space<vmem_shared>> -> memref<50688x16xf32, #tpu.memory_space<vmem_shared>>
          tpu.enqueue_indirect_dma source(%dma_start3A_412 : memref<128x16xf32, #tpu.memory_space<vmem>>) target(%dma_start3A_418 : memref<50688x16xf32, #tpu.memory_space<vmem_shared>>) offsets(%dma_start3A_415 : memref<128xi32, #tpu.memory_space<vmem>>) semaphore(%run_scoped3A_409 : memref<!tpu.dma_semaphore, #tpu.memory_space<semaphore_mem>>) {add = true}
          %dma_wait3A_419 = arith.constant 0 : i32
          %dma_wait3A_420 = arith.constant 0 : i32
          %dma_wait3A_421 = tpu.memref_slice %arg8[%dma_wait3A_419, %dma_wait3A_420] : memref<1024x16xf32, #tpu.memory_space<vmem>> -> memref<128x16xf32, #tpu.memory_space<vmem>>
          %dma_wait3A_422 = arith.constant 0 : i32
          %dma_wait3A_423 = tpu.memref_slice %arg7[%add3A_256, %dma_wait3A_422] : memref<40x128xi32, #tpu.memory_space<vmem>> -> memref<1x128xi32, #tpu.memory_space<vmem>>
          %dma_wait3A_424 = tpu.memref_squeeze %dma_wait3A_423 : memref<1x128xi32, #tpu.memory_space<vmem>> -> memref<128xi32, #tpu.memory_space<vmem>>
          %dma_wait3A_425 = arith.constant 0 : i32
          %dma_wait3A_426 = arith.constant 0 : i32
          %dma_wait3A_427 = tpu.memref_slice %arg9[%dma_wait3A_425, %dma_wait3A_426] : memref<50688x16xf32, #tpu.memory_space<vmem_shared>> -> memref<50688x16xf32, #tpu.memory_space<vmem_shared>>
          tpu.wait_indirect_dma semaphore(%run_scoped3A_409 : memref<!tpu.dma_semaphore, #tpu.memory_space<semaphore_mem>>) src(%dma_wait3A_421 : memref<128x16xf32, #tpu.memory_space<vmem>>) dst(%dma_wait3A_427 : memref<50688x16xf32, #tpu.memory_space<vmem_shared>>)
          tpu.yield
        }) : () -> ()
        %add3A_257 = arith.constant 1 : i32
        %add3A_258 = arith.addi %mul3A_210, %add3A_257 : i32
        "tpu.region"() ({
          %run_scoped3A_409 = tpu.sem_alloc : memref<!tpu.dma_semaphore, #tpu.memory_space<semaphore_mem>>
          %dma_start3A_410 = arith.constant 128 : i32
          %dma_start3A_411 = arith.constant 0 : i32
          %dma_start3A_412 = tpu.memref_slice %arg8[%dma_start3A_410, %dma_start3A_411] : memref<1024x16xf32, #tpu.memory_space<vmem>> -> memref<128x16xf32, #tpu.memory_space<vmem>>
          %dma_start3A_413 = arith.constant 0 : i32
          %dma_start3A_414 = tpu.memref_slice %arg7[%add3A_258, %dma_start3A_413] : memref<40x128xi32, #tpu.memory_space<vmem>> -> memref<1x128xi32, #tpu.memory_space<vmem>>
          %dma_start3A_415 = tpu.memref_squeeze %dma_start3A_414 : memref<1x128xi32, #tpu.memory_space<vmem>> -> memref<128xi32, #tpu.memory_space<vmem>>
          %dma_start3A_416 = arith.constant 0 : i32
          %dma_start3A_417 = arith.constant 0 : i32
          %dma_start3A_418 = tpu.memref_slice %arg9[%dma_start3A_416, %dma_start3A_417] : memref<50688x16xf32, #tpu.memory_space<vmem_shared>> -> memref<50688x16xf32, #tpu.memory_space<vmem_shared>>
          tpu.enqueue_indirect_dma source(%dma_start3A_412 : memref<128x16xf32, #tpu.memory_space<vmem>>) target(%dma_start3A_418 : memref<50688x16xf32, #tpu.memory_space<vmem_shared>>) offsets(%dma_start3A_415 : memref<128xi32, #tpu.memory_space<vmem>>) semaphore(%run_scoped3A_409 : memref<!tpu.dma_semaphore, #tpu.memory_space<semaphore_mem>>) {add = true}
          %dma_wait3A_419 = arith.constant 128 : i32
          %dma_wait3A_420 = arith.constant 0 : i32
          %dma_wait3A_421 = tpu.memref_slice %arg8[%dma_wait3A_419, %dma_wait3A_420] : memref<1024x16xf32, #tpu.memory_space<vmem>> -> memref<128x16xf32, #tpu.memory_space<vmem>>
          %dma_wait3A_422 = arith.constant 0 : i32
          %dma_wait3A_423 = tpu.memref_slice %arg7[%add3A_258, %dma_wait3A_422] : memref<40x128xi32, #tpu.memory_space<vmem>> -> memref<1x128xi32, #tpu.memory_space<vmem>>
          %dma_wait3A_424 = tpu.memref_squeeze %dma_wait3A_423 : memref<1x128xi32, #tpu.memory_space<vmem>> -> memref<128xi32, #tpu.memory_space<vmem>>
          %dma_wait3A_425 = arith.constant 0 : i32
          %dma_wait3A_426 = arith.constant 0 : i32
          %dma_wait3A_427 = tpu.memref_slice %arg9[%dma_wait3A_425, %dma_wait3A_426] : memref<50688x16xf32, #tpu.memory_space<vmem_shared>> -> memref<50688x16xf32, #tpu.memory_space<vmem_shared>>
          tpu.wait_indirect_dma semaphore(%run_scoped3A_409 : memref<!tpu.dma_semaphore, #tpu.memory_space<semaphore_mem>>) src(%dma_wait3A_421 : memref<128x16xf32, #tpu.memory_space<vmem>>) dst(%dma_wait3A_427 : memref<50688x16xf32, #tpu.memory_space<vmem_shared>>)
          tpu.yield
        }) : () -> ()
        %add3A_259 = arith.constant 2 : i32
        %add3A_260 = arith.addi %mul3A_210, %add3A_259 : i32
        "tpu.region"() ({
          %run_scoped3A_409 = tpu.sem_alloc : memref<!tpu.dma_semaphore, #tpu.memory_space<semaphore_mem>>
          %dma_start3A_410 = arith.constant 256 : i32
          %dma_start3A_411 = arith.constant 0 : i32
          %dma_start3A_412 = tpu.memref_slice %arg8[%dma_start3A_410, %dma_start3A_411] : memref<1024x16xf32, #tpu.memory_space<vmem>> -> memref<128x16xf32, #tpu.memory_space<vmem>>
          %dma_start3A_413 = arith.constant 0 : i32
          %dma_start3A_414 = tpu.memref_slice %arg7[%add3A_260, %dma_start3A_413] : memref<40x128xi32, #tpu.memory_space<vmem>> -> memref<1x128xi32, #tpu.memory_space<vmem>>
          %dma_start3A_415 = tpu.memref_squeeze %dma_start3A_414 : memref<1x128xi32, #tpu.memory_space<vmem>> -> memref<128xi32, #tpu.memory_space<vmem>>
          %dma_start3A_416 = arith.constant 0 : i32
          %dma_start3A_417 = arith.constant 0 : i32
          %dma_start3A_418 = tpu.memref_slice %arg9[%dma_start3A_416, %dma_start3A_417] : memref<50688x16xf32, #tpu.memory_space<vmem_shared>> -> memref<50688x16xf32, #tpu.memory_space<vmem_shared>>
          tpu.enqueue_indirect_dma source(%dma_start3A_412 : memref<128x16xf32, #tpu.memory_space<vmem>>) target(%dma_start3A_418 : memref<50688x16xf32, #tpu.memory_space<vmem_shared>>) offsets(%dma_start3A_415 : memref<128xi32, #tpu.memory_space<vmem>>) semaphore(%run_scoped3A_409 : memref<!tpu.dma_semaphore, #tpu.memory_space<semaphore_mem>>) {add = true}
          %dma_wait3A_419 = arith.constant 256 : i32
          %dma_wait3A_420 = arith.constant 0 : i32
          %dma_wait3A_421 = tpu.memref_slice %arg8[%dma_wait3A_419, %dma_wait3A_420] : memref<1024x16xf32, #tpu.memory_space<vmem>> -> memref<128x16xf32, #tpu.memory_space<vmem>>
          %dma_wait3A_422 = arith.constant 0 : i32
          %dma_wait3A_423 = tpu.memref_slice %arg7[%add3A_260, %dma_wait3A_422] : memref<40x128xi32, #tpu.memory_space<vmem>> -> memref<1x128xi32, #tpu.memory_space<vmem>>
          %dma_wait3A_424 = tpu.memref_squeeze %dma_wait3A_423 : memref<1x128xi32, #tpu.memory_space<vmem>> -> memref<128xi32, #tpu.memory_space<vmem>>
          %dma_wait3A_425 = arith.constant 0 : i32
          %dma_wait3A_426 = arith.constant 0 : i32
          %dma_wait3A_427 = tpu.memref_slice %arg9[%dma_wait3A_425, %dma_wait3A_426] : memref<50688x16xf32, #tpu.memory_space<vmem_shared>> -> memref<50688x16xf32, #tpu.memory_space<vmem_shared>>
          tpu.wait_indirect_dma semaphore(%run_scoped3A_409 : memref<!tpu.dma_semaphore, #tpu.memory_space<semaphore_mem>>) src(%dma_wait3A_421 : memref<128x16xf32, #tpu.memory_space<vmem>>) dst(%dma_wait3A_427 : memref<50688x16xf32, #tpu.memory_space<vmem_shared>>)
          tpu.yield
        }) : () -> ()
        %add3A_261 = arith.constant 3 : i32
        %add3A_262 = arith.addi %mul3A_210, %add3A_261 : i32
        "tpu.region"() ({
          %run_scoped3A_409 = tpu.sem_alloc : memref<!tpu.dma_semaphore, #tpu.memory_space<semaphore_mem>>
          %dma_start3A_410 = arith.constant 384 : i32
          %dma_start3A_411 = arith.constant 0 : i32
          %dma_start3A_412 = tpu.memref_slice %arg8[%dma_start3A_410, %dma_start3A_411] : memref<1024x16xf32, #tpu.memory_space<vmem>> -> memref<128x16xf32, #tpu.memory_space<vmem>>
          %dma_start3A_413 = arith.constant 0 : i32
          %dma_start3A_414 = tpu.memref_slice %arg7[%add3A_262, %dma_start3A_413] : memref<40x128xi32, #tpu.memory_space<vmem>> -> memref<1x128xi32, #tpu.memory_space<vmem>>
          %dma_start3A_415 = tpu.memref_squeeze %dma_start3A_414 : memref<1x128xi32, #tpu.memory_space<vmem>> -> memref<128xi32, #tpu.memory_space<vmem>>
          %dma_start3A_416 = arith.constant 0 : i32
          %dma_start3A_417 = arith.constant 0 : i32
          %dma_start3A_418 = tpu.memref_slice %arg9[%dma_start3A_416, %dma_start3A_417] : memref<50688x16xf32, #tpu.memory_space<vmem_shared>> -> memref<50688x16xf32, #tpu.memory_space<vmem_shared>>
          tpu.enqueue_indirect_dma source(%dma_start3A_412 : memref<128x16xf32, #tpu.memory_space<vmem>>) target(%dma_start3A_418 : memref<50688x16xf32, #tpu.memory_space<vmem_shared>>) offsets(%dma_start3A_415 : memref<128xi32, #tpu.memory_space<vmem>>) semaphore(%run_scoped3A_409 : memref<!tpu.dma_semaphore, #tpu.memory_space<semaphore_mem>>) {add = true}
          %dma_wait3A_419 = arith.constant 384 : i32
          %dma_wait3A_420 = arith.constant 0 : i32
          %dma_wait3A_421 = tpu.memref_slice %arg8[%dma_wait3A_419, %dma_wait3A_420] : memref<1024x16xf32, #tpu.memory_space<vmem>> -> memref<128x16xf32, #tpu.memory_space<vmem>>
          %dma_wait3A_422 = arith.constant 0 : i32
          %dma_wait3A_423 = tpu.memref_slice %arg7[%add3A_262, %dma_wait3A_422] : memref<40x128xi32, #tpu.memory_space<vmem>> -> memref<1x128xi32, #tpu.memory_space<vmem>>
          %dma_wait3A_424 = tpu.memref_squeeze %dma_wait3A_423 : memref<1x128xi32, #tpu.memory_space<vmem>> -> memref<128xi32, #tpu.memory_space<vmem>>
          %dma_wait3A_425 = arith.constant 0 : i32
          %dma_wait3A_426 = arith.constant 0 : i32
          %dma_wait3A_427 = tpu.memref_slice %arg9[%dma_wait3A_425, %dma_wait3A_426] : memref<50688x16xf32, #tpu.memory_space<vmem_shared>> -> memref<50688x16xf32, #tpu.memory_space<vmem_shared>>
          tpu.wait_indirect_dma semaphore(%run_scoped3A_409 : memref<!tpu.dma_semaphore, #tpu.memory_space<semaphore_mem>>) src(%dma_wait3A_421 : memref<128x16xf32, #tpu.memory_space<vmem>>) dst(%dma_wait3A_427 : memref<50688x16xf32, #tpu.memory_space<vmem_shared>>)
          tpu.yield
        }) : () -> ()
        %add3A_263 = arith.constant 8 : i32
        %add3A_264 = arith.addi %mul3A_210, %add3A_263 : i32
        %add3A_265 = arith.constant 0 : i32
        %add3A_266 = arith.addi %add3A_264, %add3A_265 : i32
        %add3A_267 = arith.constant 1 : i32
        %add3A_268 = arith.addi %add3A_264, %add3A_267 : i32
        %add3A_269 = arith.constant 2 : i32
        %add3A_270 = arith.addi %add3A_264, %add3A_269 : i32
        %add3A_271 = arith.constant 3 : i32
        %add3A_272 = arith.addi %add3A_264, %add3A_271 : i32
        %dma_start3A_273 = arith.constant 0 : i32
        %dma_start3A_274 = arith.constant 0 : i32
        %dma_start3A_275 = tpu.memref_slice %arg8[%dma_start3A_273, %dma_start3A_274] : memref<1024x16xf32, #tpu.memory_space<vmem>> -> memref<128x16xf32, #tpu.memory_space<vmem>>
        %dma_start3A_276 = arith.constant 0 : i32
        %dma_start3A_277 = tpu.memref_slice %arg6[%add3A_266, %dma_start3A_276] : memref<40x128xi32, #tpu.memory_space<vmem>> -> memref<1x128xi32, #tpu.memory_space<vmem>>
        %dma_start3A_278 = tpu.memref_squeeze %dma_start3A_277 : memref<1x128xi32, #tpu.memory_space<vmem>> -> memref<128xi32, #tpu.memory_space<vmem>>
        %dma_start3A_279 = arith.constant 0 : i32
        %dma_start3A_280 = arith.constant 0 : i32
        %dma_start3A_281 = tpu.memref_slice %arg4[%dma_start3A_279, %dma_start3A_280] : memref<50688x16xf32, #tpu.memory_space<hbm>> -> memref<50688x16xf32, #tpu.memory_space<hbm>>
        tpu.enqueue_indirect_dma source(%dma_start3A_281 : memref<50688x16xf32, #tpu.memory_space<hbm>>) target(%dma_start3A_275 : memref<128x16xf32, #tpu.memory_space<vmem>>) offsets(%dma_start3A_278 : memref<128xi32, #tpu.memory_space<vmem>>) semaphore(%arg10 : memref<!tpu.dma_semaphore, #tpu.memory_space<semaphore_mem>>)
        %dma_start3A_282 = arith.constant 128 : i32
        %dma_start3A_283 = arith.constant 0 : i32
        %dma_start3A_284 = tpu.memref_slice %arg8[%dma_start3A_282, %dma_start3A_283] : memref<1024x16xf32, #tpu.memory_space<vmem>> -> memref<128x16xf32, #tpu.memory_space<vmem>>
        %dma_start3A_285 = arith.constant 0 : i32
        %dma_start3A_286 = tpu.memref_slice %arg6[%add3A_268, %dma_start3A_285] : memref<40x128xi32, #tpu.memory_space<vmem>> -> memref<1x128xi32, #tpu.memory_space<vmem>>
        %dma_start3A_287 = tpu.memref_squeeze %dma_start3A_286 : memref<1x128xi32, #tpu.memory_space<vmem>> -> memref<128xi32, #tpu.memory_space<vmem>>
        %dma_start3A_288 = arith.constant 0 : i32
        %dma_start3A_289 = arith.constant 0 : i32
        %dma_start3A_290 = tpu.memref_slice %arg4[%dma_start3A_288, %dma_start3A_289] : memref<50688x16xf32, #tpu.memory_space<hbm>> -> memref<50688x16xf32, #tpu.memory_space<hbm>>
        tpu.enqueue_indirect_dma source(%dma_start3A_290 : memref<50688x16xf32, #tpu.memory_space<hbm>>) target(%dma_start3A_284 : memref<128x16xf32, #tpu.memory_space<vmem>>) offsets(%dma_start3A_287 : memref<128xi32, #tpu.memory_space<vmem>>) semaphore(%arg10 : memref<!tpu.dma_semaphore, #tpu.memory_space<semaphore_mem>>)
        %dma_start3A_291 = arith.constant 256 : i32
        %dma_start3A_292 = arith.constant 0 : i32
        %dma_start3A_293 = tpu.memref_slice %arg8[%dma_start3A_291, %dma_start3A_292] : memref<1024x16xf32, #tpu.memory_space<vmem>> -> memref<128x16xf32, #tpu.memory_space<vmem>>
        %dma_start3A_294 = arith.constant 0 : i32
        %dma_start3A_295 = tpu.memref_slice %arg6[%add3A_270, %dma_start3A_294] : memref<40x128xi32, #tpu.memory_space<vmem>> -> memref<1x128xi32, #tpu.memory_space<vmem>>
        %dma_start3A_296 = tpu.memref_squeeze %dma_start3A_295 : memref<1x128xi32, #tpu.memory_space<vmem>> -> memref<128xi32, #tpu.memory_space<vmem>>
        %dma_start3A_297 = arith.constant 0 : i32
        %dma_start3A_298 = arith.constant 0 : i32
        %dma_start3A_299 = tpu.memref_slice %arg4[%dma_start3A_297, %dma_start3A_298] : memref<50688x16xf32, #tpu.memory_space<hbm>> -> memref<50688x16xf32, #tpu.memory_space<hbm>>
        tpu.enqueue_indirect_dma source(%dma_start3A_299 : memref<50688x16xf32, #tpu.memory_space<hbm>>) target(%dma_start3A_293 : memref<128x16xf32, #tpu.memory_space<vmem>>) offsets(%dma_start3A_296 : memref<128xi32, #tpu.memory_space<vmem>>) semaphore(%arg10 : memref<!tpu.dma_semaphore, #tpu.memory_space<semaphore_mem>>)
        %dma_start3A_300 = arith.constant 384 : i32
        %dma_start3A_301 = arith.constant 0 : i32
        %dma_start3A_302 = tpu.memref_slice %arg8[%dma_start3A_300, %dma_start3A_301] : memref<1024x16xf32, #tpu.memory_space<vmem>> -> memref<128x16xf32, #tpu.memory_space<vmem>>
        %dma_start3A_303 = arith.constant 0 : i32
        %dma_start3A_304 = tpu.memref_slice %arg6[%add3A_272, %dma_start3A_303] : memref<40x128xi32, #tpu.memory_space<vmem>> -> memref<1x128xi32, #tpu.memory_space<vmem>>
        %dma_start3A_305 = tpu.memref_squeeze %dma_start3A_304 : memref<1x128xi32, #tpu.memory_space<vmem>> -> memref<128xi32, #tpu.memory_space<vmem>>
        %dma_start3A_306 = arith.constant 0 : i32
        %dma_start3A_307 = arith.constant 0 : i32
        %dma_start3A_308 = tpu.memref_slice %arg4[%dma_start3A_306, %dma_start3A_307] : memref<50688x16xf32, #tpu.memory_space<hbm>> -> memref<50688x16xf32, #tpu.memory_space<hbm>>
        tpu.enqueue_indirect_dma source(%dma_start3A_308 : memref<50688x16xf32, #tpu.memory_space<hbm>>) target(%dma_start3A_302 : memref<128x16xf32, #tpu.memory_space<vmem>>) offsets(%dma_start3A_305 : memref<128xi32, #tpu.memory_space<vmem>>) semaphore(%arg10 : memref<!tpu.dma_semaphore, #tpu.memory_space<semaphore_mem>>)
        %add3A_309 = arith.constant 4 : i32
        %add3A_310 = arith.addi %mul3A_210, %add3A_309 : i32
        %add3A_311 = arith.constant 0 : i32
        %add3A_312 = arith.addi %add3A_310, %add3A_311 : i32
        %add3A_313 = arith.constant 1 : i32
        %add3A_314 = arith.addi %add3A_310, %add3A_313 : i32
        %add3A_315 = arith.constant 2 : i32
        %add3A_316 = arith.addi %add3A_310, %add3A_315 : i32
        %add3A_317 = arith.constant 3 : i32
        %add3A_318 = arith.addi %add3A_310, %add3A_317 : i32
        %dma_wait3A_319 = arith.constant 512 : i32
        %dma_wait3A_320 = arith.constant 0 : i32
        %dma_wait3A_321 = tpu.memref_slice %arg8[%dma_wait3A_319, %dma_wait3A_320] : memref<1024x16xf32, #tpu.memory_space<vmem>> -> memref<128x16xf32, #tpu.memory_space<vmem>>
        %dma_wait3A_322 = arith.constant 0 : i32
        %dma_wait3A_323 = tpu.memref_slice %arg6[%add3A_312, %dma_wait3A_322] : memref<40x128xi32, #tpu.memory_space<vmem>> -> memref<1x128xi32, #tpu.memory_space<vmem>>
        %dma_wait3A_324 = tpu.memref_squeeze %dma_wait3A_323 : memref<1x128xi32, #tpu.memory_space<vmem>> -> memref<128xi32, #tpu.memory_space<vmem>>
        %dma_wait3A_325 = arith.constant 0 : i32
        %dma_wait3A_326 = arith.constant 0 : i32
        %dma_wait3A_327 = tpu.memref_slice %arg4[%dma_wait3A_325, %dma_wait3A_326] : memref<50688x16xf32, #tpu.memory_space<hbm>> -> memref<50688x16xf32, #tpu.memory_space<hbm>>
        tpu.wait_indirect_dma semaphore(%arg11 : memref<!tpu.dma_semaphore, #tpu.memory_space<semaphore_mem>>) src(%dma_wait3A_327 : memref<50688x16xf32, #tpu.memory_space<hbm>>) dst(%dma_wait3A_321 : memref<128x16xf32, #tpu.memory_space<vmem>>)
        %dma_wait3A_328 = arith.constant 640 : i32
        %dma_wait3A_329 = arith.constant 0 : i32
        %dma_wait3A_330 = tpu.memref_slice %arg8[%dma_wait3A_328, %dma_wait3A_329] : memref<1024x16xf32, #tpu.memory_space<vmem>> -> memref<128x16xf32, #tpu.memory_space<vmem>>
        %dma_wait3A_331 = arith.constant 0 : i32
        %dma_wait3A_332 = tpu.memref_slice %arg6[%add3A_314, %dma_wait3A_331] : memref<40x128xi32, #tpu.memory_space<vmem>> -> memref<1x128xi32, #tpu.memory_space<vmem>>
        %dma_wait3A_333 = tpu.memref_squeeze %dma_wait3A_332 : memref<1x128xi32, #tpu.memory_space<vmem>> -> memref<128xi32, #tpu.memory_space<vmem>>
        %dma_wait3A_334 = arith.constant 0 : i32
        %dma_wait3A_335 = arith.constant 0 : i32
        %dma_wait3A_336 = tpu.memref_slice %arg4[%dma_wait3A_334, %dma_wait3A_335] : memref<50688x16xf32, #tpu.memory_space<hbm>> -> memref<50688x16xf32, #tpu.memory_space<hbm>>
        tpu.wait_indirect_dma semaphore(%arg11 : memref<!tpu.dma_semaphore, #tpu.memory_space<semaphore_mem>>) src(%dma_wait3A_336 : memref<50688x16xf32, #tpu.memory_space<hbm>>) dst(%dma_wait3A_330 : memref<128x16xf32, #tpu.memory_space<vmem>>)
        %dma_wait3A_337 = arith.constant 768 : i32
        %dma_wait3A_338 = arith.constant 0 : i32
        %dma_wait3A_339 = tpu.memref_slice %arg8[%dma_wait3A_337, %dma_wait3A_338] : memref<1024x16xf32, #tpu.memory_space<vmem>> -> memref<128x16xf32, #tpu.memory_space<vmem>>
        %dma_wait3A_340 = arith.constant 0 : i32
        %dma_wait3A_341 = tpu.memref_slice %arg6[%add3A_316, %dma_wait3A_340] : memref<40x128xi32, #tpu.memory_space<vmem>> -> memref<1x128xi32, #tpu.memory_space<vmem>>
        %dma_wait3A_342 = tpu.memref_squeeze %dma_wait3A_341 : memref<1x128xi32, #tpu.memory_space<vmem>> -> memref<128xi32, #tpu.memory_space<vmem>>
        %dma_wait3A_343 = arith.constant 0 : i32
        %dma_wait3A_344 = arith.constant 0 : i32
        %dma_wait3A_345 = tpu.memref_slice %arg4[%dma_wait3A_343, %dma_wait3A_344] : memref<50688x16xf32, #tpu.memory_space<hbm>> -> memref<50688x16xf32, #tpu.memory_space<hbm>>
        tpu.wait_indirect_dma semaphore(%arg11 : memref<!tpu.dma_semaphore, #tpu.memory_space<semaphore_mem>>) src(%dma_wait3A_345 : memref<50688x16xf32, #tpu.memory_space<hbm>>) dst(%dma_wait3A_339 : memref<128x16xf32, #tpu.memory_space<vmem>>)
        %dma_wait3A_346 = arith.constant 896 : i32
        %dma_wait3A_347 = arith.constant 0 : i32
        %dma_wait3A_348 = tpu.memref_slice %arg8[%dma_wait3A_346, %dma_wait3A_347] : memref<1024x16xf32, #tpu.memory_space<vmem>> -> memref<128x16xf32, #tpu.memory_space<vmem>>
        %dma_wait3A_349 = arith.constant 0 : i32
        %dma_wait3A_350 = tpu.memref_slice %arg6[%add3A_318, %dma_wait3A_349] : memref<40x128xi32, #tpu.memory_space<vmem>> -> memref<1x128xi32, #tpu.memory_space<vmem>>
        %dma_wait3A_351 = tpu.memref_squeeze %dma_wait3A_350 : memref<1x128xi32, #tpu.memory_space<vmem>> -> memref<128xi32, #tpu.memory_space<vmem>>
        %dma_wait3A_352 = arith.constant 0 : i32
        %dma_wait3A_353 = arith.constant 0 : i32
        %dma_wait3A_354 = tpu.memref_slice %arg4[%dma_wait3A_352, %dma_wait3A_353] : memref<50688x16xf32, #tpu.memory_space<hbm>> -> memref<50688x16xf32, #tpu.memory_space<hbm>>
        tpu.wait_indirect_dma semaphore(%arg11 : memref<!tpu.dma_semaphore, #tpu.memory_space<semaphore_mem>>) src(%dma_wait3A_354 : memref<50688x16xf32, #tpu.memory_space<hbm>>) dst(%dma_wait3A_348 : memref<128x16xf32, #tpu.memory_space<vmem>>)
        %add3A_355 = arith.constant 0 : i32
        %add3A_356 = arith.addi %add3A_310, %add3A_355 : i32
        "tpu.region"() ({
          %run_scoped3A_409 = tpu.sem_alloc : memref<!tpu.dma_semaphore, #tpu.memory_space<semaphore_mem>>
          %dma_start3A_410 = arith.constant 512 : i32
          %dma_start3A_411 = arith.constant 0 : i32
          %dma_start3A_412 = tpu.memref_slice %arg8[%dma_start3A_410, %dma_start3A_411] : memref<1024x16xf32, #tpu.memory_space<vmem>> -> memref<128x16xf32, #tpu.memory_space<vmem>>
          %dma_start3A_413 = arith.constant 0 : i32
          %dma_start3A_414 = tpu.memref_slice %arg7[%add3A_356, %dma_start3A_413] : memref<40x128xi32, #tpu.memory_space<vmem>> -> memref<1x128xi32, #tpu.memory_space<vmem>>
          %dma_start3A_415 = tpu.memref_squeeze %dma_start3A_414 : memref<1x128xi32, #tpu.memory_space<vmem>> -> memref<128xi32, #tpu.memory_space<vmem>>
          %dma_start3A_416 = arith.constant 0 : i32
          %dma_start3A_417 = arith.constant 0 : i32
          %dma_start3A_418 = tpu.memref_slice %arg9[%dma_start3A_416, %dma_start3A_417] : memref<50688x16xf32, #tpu.memory_space<vmem_shared>> -> memref<50688x16xf32, #tpu.memory_space<vmem_shared>>
          tpu.enqueue_indirect_dma source(%dma_start3A_412 : memref<128x16xf32, #tpu.memory_space<vmem>>) target(%dma_start3A_418 : memref<50688x16xf32, #tpu.memory_space<vmem_shared>>) offsets(%dma_start3A_415 : memref<128xi32, #tpu.memory_space<vmem>>) semaphore(%run_scoped3A_409 : memref<!tpu.dma_semaphore, #tpu.memory_space<semaphore_mem>>) {add = true}
          %dma_wait3A_419 = arith.constant 512 : i32
          %dma_wait3A_420 = arith.constant 0 : i32
          %dma_wait3A_421 = tpu.memref_slice %arg8[%dma_wait3A_419, %dma_wait3A_420] : memref<1024x16xf32, #tpu.memory_space<vmem>> -> memref<128x16xf32, #tpu.memory_space<vmem>>
          %dma_wait3A_422 = arith.constant 0 : i32
          %dma_wait3A_423 = tpu.memref_slice %arg7[%add3A_356, %dma_wait3A_422] : memref<40x128xi32, #tpu.memory_space<vmem>> -> memref<1x128xi32, #tpu.memory_space<vmem>>
          %dma_wait3A_424 = tpu.memref_squeeze %dma_wait3A_423 : memref<1x128xi32, #tpu.memory_space<vmem>> -> memref<128xi32, #tpu.memory_space<vmem>>
          %dma_wait3A_425 = arith.constant 0 : i32
          %dma_wait3A_426 = arith.constant 0 : i32
          %dma_wait3A_427 = tpu.memref_slice %arg9[%dma_wait3A_425, %dma_wait3A_426] : memref<50688x16xf32, #tpu.memory_space<vmem_shared>> -> memref<50688x16xf32, #tpu.memory_space<vmem_shared>>
          tpu.wait_indirect_dma semaphore(%run_scoped3A_409 : memref<!tpu.dma_semaphore, #tpu.memory_space<semaphore_mem>>) src(%dma_wait3A_421 : memref<128x16xf32, #tpu.memory_space<vmem>>) dst(%dma_wait3A_427 : memref<50688x16xf32, #tpu.memory_space<vmem_shared>>)
          tpu.yield
        }) : () -> ()
        %add3A_357 = arith.constant 1 : i32
        %add3A_358 = arith.addi %add3A_310, %add3A_357 : i32
        "tpu.region"() ({
          %run_scoped3A_409 = tpu.sem_alloc : memref<!tpu.dma_semaphore, #tpu.memory_space<semaphore_mem>>
          %dma_start3A_410 = arith.constant 640 : i32
          %dma_start3A_411 = arith.constant 0 : i32
          %dma_start3A_412 = tpu.memref_slice %arg8[%dma_start3A_410, %dma_start3A_411] : memref<1024x16xf32, #tpu.memory_space<vmem>> -> memref<128x16xf32, #tpu.memory_space<vmem>>
          %dma_start3A_413 = arith.constant 0 : i32
          %dma_start3A_414 = tpu.memref_slice %arg7[%add3A_358, %dma_start3A_413] : memref<40x128xi32, #tpu.memory_space<vmem>> -> memref<1x128xi32, #tpu.memory_space<vmem>>
          %dma_start3A_415 = tpu.memref_squeeze %dma_start3A_414 : memref<1x128xi32, #tpu.memory_space<vmem>> -> memref<128xi32, #tpu.memory_space<vmem>>
          %dma_start3A_416 = arith.constant 0 : i32
          %dma_start3A_417 = arith.constant 0 : i32
          %dma_start3A_418 = tpu.memref_slice %arg9[%dma_start3A_416, %dma_start3A_417] : memref<50688x16xf32, #tpu.memory_space<vmem_shared>> -> memref<50688x16xf32, #tpu.memory_space<vmem_shared>>
          tpu.enqueue_indirect_dma source(%dma_start3A_412 : memref<128x16xf32, #tpu.memory_space<vmem>>) target(%dma_start3A_418 : memref<50688x16xf32, #tpu.memory_space<vmem_shared>>) offsets(%dma_start3A_415 : memref<128xi32, #tpu.memory_space<vmem>>) semaphore(%run_scoped3A_409 : memref<!tpu.dma_semaphore, #tpu.memory_space<semaphore_mem>>) {add = true}
          %dma_wait3A_419 = arith.constant 640 : i32
          %dma_wait3A_420 = arith.constant 0 : i32
          %dma_wait3A_421 = tpu.memref_slice %arg8[%dma_wait3A_419, %dma_wait3A_420] : memref<1024x16xf32, #tpu.memory_space<vmem>> -> memref<128x16xf32, #tpu.memory_space<vmem>>
          %dma_wait3A_422 = arith.constant 0 : i32
          %dma_wait3A_423 = tpu.memref_slice %arg7[%add3A_358, %dma_wait3A_422] : memref<40x128xi32, #tpu.memory_space<vmem>> -> memref<1x128xi32, #tpu.memory_space<vmem>>
          %dma_wait3A_424 = tpu.memref_squeeze %dma_wait3A_423 : memref<1x128xi32, #tpu.memory_space<vmem>> -> memref<128xi32, #tpu.memory_space<vmem>>
          %dma_wait3A_425 = arith.constant 0 : i32
          %dma_wait3A_426 = arith.constant 0 : i32
          %dma_wait3A_427 = tpu.memref_slice %arg9[%dma_wait3A_425, %dma_wait3A_426] : memref<50688x16xf32, #tpu.memory_space<vmem_shared>> -> memref<50688x16xf32, #tpu.memory_space<vmem_shared>>
          tpu.wait_indirect_dma semaphore(%run_scoped3A_409 : memref<!tpu.dma_semaphore, #tpu.memory_space<semaphore_mem>>) src(%dma_wait3A_421 : memref<128x16xf32, #tpu.memory_space<vmem>>) dst(%dma_wait3A_427 : memref<50688x16xf32, #tpu.memory_space<vmem_shared>>)
          tpu.yield
        }) : () -> ()
        %add3A_359 = arith.constant 2 : i32
        %add3A_360 = arith.addi %add3A_310, %add3A_359 : i32
        "tpu.region"() ({
          %run_scoped3A_409 = tpu.sem_alloc : memref<!tpu.dma_semaphore, #tpu.memory_space<semaphore_mem>>
          %dma_start3A_410 = arith.constant 768 : i32
          %dma_start3A_411 = arith.constant 0 : i32
          %dma_start3A_412 = tpu.memref_slice %arg8[%dma_start3A_410, %dma_start3A_411] : memref<1024x16xf32, #tpu.memory_space<vmem>> -> memref<128x16xf32, #tpu.memory_space<vmem>>
          %dma_start3A_413 = arith.constant 0 : i32
          %dma_start3A_414 = tpu.memref_slice %arg7[%add3A_360, %dma_start3A_413] : memref<40x128xi32, #tpu.memory_space<vmem>> -> memref<1x128xi32, #tpu.memory_space<vmem>>
          %dma_start3A_415 = tpu.memref_squeeze %dma_start3A_414 : memref<1x128xi32, #tpu.memory_space<vmem>> -> memref<128xi32, #tpu.memory_space<vmem>>
          %dma_start3A_416 = arith.constant 0 : i32
          %dma_start3A_417 = arith.constant 0 : i32
          %dma_start3A_418 = tpu.memref_slice %arg9[%dma_start3A_416, %dma_start3A_417] : memref<50688x16xf32, #tpu.memory_space<vmem_shared>> -> memref<50688x16xf32, #tpu.memory_space<vmem_shared>>
          tpu.enqueue_indirect_dma source(%dma_start3A_412 : memref<128x16xf32, #tpu.memory_space<vmem>>) target(%dma_start3A_418 : memref<50688x16xf32, #tpu.memory_space<vmem_shared>>) offsets(%dma_start3A_415 : memref<128xi32, #tpu.memory_space<vmem>>) semaphore(%run_scoped3A_409 : memref<!tpu.dma_semaphore, #tpu.memory_space<semaphore_mem>>) {add = true}
          %dma_wait3A_419 = arith.constant 768 : i32
          %dma_wait3A_420 = arith.constant 0 : i32
          %dma_wait3A_421 = tpu.memref_slice %arg8[%dma_wait3A_419, %dma_wait3A_420] : memref<1024x16xf32, #tpu.memory_space<vmem>> -> memref<128x16xf32, #tpu.memory_space<vmem>>
          %dma_wait3A_422 = arith.constant 0 : i32
          %dma_wait3A_423 = tpu.memref_slice %arg7[%add3A_360, %dma_wait3A_422] : memref<40x128xi32, #tpu.memory_space<vmem>> -> memref<1x128xi32, #tpu.memory_space<vmem>>
          %dma_wait3A_424 = tpu.memref_squeeze %dma_wait3A_423 : memref<1x128xi32, #tpu.memory_space<vmem>> -> memref<128xi32, #tpu.memory_space<vmem>>
          %dma_wait3A_425 = arith.constant 0 : i32
          %dma_wait3A_426 = arith.constant 0 : i32
          %dma_wait3A_427 = tpu.memref_slice %arg9[%dma_wait3A_425, %dma_wait3A_426] : memref<50688x16xf32, #tpu.memory_space<vmem_shared>> -> memref<50688x16xf32, #tpu.memory_space<vmem_shared>>
          tpu.wait_indirect_dma semaphore(%run_scoped3A_409 : memref<!tpu.dma_semaphore, #tpu.memory_space<semaphore_mem>>) src(%dma_wait3A_421 : memref<128x16xf32, #tpu.memory_space<vmem>>) dst(%dma_wait3A_427 : memref<50688x16xf32, #tpu.memory_space<vmem_shared>>)
          tpu.yield
        }) : () -> ()
        %add3A_361 = arith.constant 3 : i32
        %add3A_362 = arith.addi %add3A_310, %add3A_361 : i32
        "tpu.region"() ({
          %run_scoped3A_409 = tpu.sem_alloc : memref<!tpu.dma_semaphore, #tpu.memory_space<semaphore_mem>>
          %dma_start3A_410 = arith.constant 896 : i32
          %dma_start3A_411 = arith.constant 0 : i32
          %dma_start3A_412 = tpu.memref_slice %arg8[%dma_start3A_410, %dma_start3A_411] : memref<1024x16xf32, #tpu.memory_space<vmem>> -> memref<128x16xf32, #tpu.memory_space<vmem>>
          %dma_start3A_413 = arith.constant 0 : i32
          %dma_start3A_414 = tpu.memref_slice %arg7[%add3A_362, %dma_start3A_413] : memref<40x128xi32, #tpu.memory_space<vmem>> -> memref<1x128xi32, #tpu.memory_space<vmem>>
          %dma_start3A_415 = tpu.memref_squeeze %dma_start3A_414 : memref<1x128xi32, #tpu.memory_space<vmem>> -> memref<128xi32, #tpu.memory_space<vmem>>
          %dma_start3A_416 = arith.constant 0 : i32
          %dma_start3A_417 = arith.constant 0 : i32
          %dma_start3A_418 = tpu.memref_slice %arg9[%dma_start3A_416, %dma_start3A_417] : memref<50688x16xf32, #tpu.memory_space<vmem_shared>> -> memref<50688x16xf32, #tpu.memory_space<vmem_shared>>
          tpu.enqueue_indirect_dma source(%dma_start3A_412 : memref<128x16xf32, #tpu.memory_space<vmem>>) target(%dma_start3A_418 : memref<50688x16xf32, #tpu.memory_space<vmem_shared>>) offsets(%dma_start3A_415 : memref<128xi32, #tpu.memory_space<vmem>>) semaphore(%run_scoped3A_409 : memref<!tpu.dma_semaphore, #tpu.memory_space<semaphore_mem>>) {add = true}
          %dma_wait3A_419 = arith.constant 896 : i32
          %dma_wait3A_420 = arith.constant 0 : i32
          %dma_wait3A_421 = tpu.memref_slice %arg8[%dma_wait3A_419, %dma_wait3A_420] : memref<1024x16xf32, #tpu.memory_space<vmem>> -> memref<128x16xf32, #tpu.memory_space<vmem>>
          %dma_wait3A_422 = arith.constant 0 : i32
          %dma_wait3A_423 = tpu.memref_slice %arg7[%add3A_362, %dma_wait3A_422] : memref<40x128xi32, #tpu.memory_space<vmem>> -> memref<1x128xi32, #tpu.memory_space<vmem>>
          %dma_wait3A_424 = tpu.memref_squeeze %dma_wait3A_423 : memref<1x128xi32, #tpu.memory_space<vmem>> -> memref<128xi32, #tpu.memory_space<vmem>>
          %dma_wait3A_425 = arith.constant 0 : i32
          %dma_wait3A_426 = arith.constant 0 : i32
          %dma_wait3A_427 = tpu.memref_slice %arg9[%dma_wait3A_425, %dma_wait3A_426] : memref<50688x16xf32, #tpu.memory_space<vmem_shared>> -> memref<50688x16xf32, #tpu.memory_space<vmem_shared>>
          tpu.wait_indirect_dma semaphore(%run_scoped3A_409 : memref<!tpu.dma_semaphore, #tpu.memory_space<semaphore_mem>>) src(%dma_wait3A_421 : memref<128x16xf32, #tpu.memory_space<vmem>>) dst(%dma_wait3A_427 : memref<50688x16xf32, #tpu.memory_space<vmem_shared>>)
          tpu.yield
        }) : () -> ()
        %add3A_363 = arith.constant 8 : i32
        %add3A_364 = arith.addi %add3A_310, %add3A_363 : i32
        %add3A_365 = arith.constant 0 : i32
        %add3A_366 = arith.addi %add3A_364, %add3A_365 : i32
        %add3A_367 = arith.constant 1 : i32
        %add3A_368 = arith.addi %add3A_364, %add3A_367 : i32
        %add3A_369 = arith.constant 2 : i32
        %add3A_370 = arith.addi %add3A_364, %add3A_369 : i32
        %add3A_371 = arith.constant 3 : i32
        %add3A_372 = arith.addi %add3A_364, %add3A_371 : i32
        %dma_start3A_373 = arith.constant 512 : i32
        %dma_start3A_374 = arith.constant 0 : i32
        %dma_start3A_375 = tpu.memref_slice %arg8[%dma_start3A_373, %dma_start3A_374] : memref<1024x16xf32, #tpu.memory_space<vmem>> -> memref<128x16xf32, #tpu.memory_space<vmem>>
        %dma_start3A_376 = arith.constant 0 : i32
        %dma_start3A_377 = tpu.memref_slice %arg6[%add3A_366, %dma_start3A_376] : memref<40x128xi32, #tpu.memory_space<vmem>> -> memref<1x128xi32, #tpu.memory_space<vmem>>
        %dma_start3A_378 = tpu.memref_squeeze %dma_start3A_377 : memref<1x128xi32, #tpu.memory_space<vmem>> -> memref<128xi32, #tpu.memory_space<vmem>>
        %dma_start3A_379 = arith.constant 0 : i32
        %dma_start3A_380 = arith.constant 0 : i32
        %dma_start3A_381 = tpu.memref_slice %arg4[%dma_start3A_379, %dma_start3A_380] : memref<50688x16xf32, #tpu.memory_space<hbm>> -> memref<50688x16xf32, #tpu.memory_space<hbm>>
        tpu.enqueue_indirect_dma source(%dma_start3A_381 : memref<50688x16xf32, #tpu.memory_space<hbm>>) target(%dma_start3A_375 : memref<128x16xf32, #tpu.memory_space<vmem>>) offsets(%dma_start3A_378 : memref<128xi32, #tpu.memory_space<vmem>>) semaphore(%arg11 : memref<!tpu.dma_semaphore, #tpu.memory_space<semaphore_mem>>)
        %dma_start3A_382 = arith.constant 640 : i32
        %dma_start3A_383 = arith.constant 0 : i32
        %dma_start3A_384 = tpu.memref_slice %arg8[%dma_start3A_382, %dma_start3A_383] : memref<1024x16xf32, #tpu.memory_space<vmem>> -> memref<128x16xf32, #tpu.memory_space<vmem>>
        %dma_start3A_385 = arith.constant 0 : i32
        %dma_start3A_386 = tpu.memref_slice %arg6[%add3A_368, %dma_start3A_385] : memref<40x128xi32, #tpu.memory_space<vmem>> -> memref<1x128xi32, #tpu.memory_space<vmem>>
        %dma_start3A_387 = tpu.memref_squeeze %dma_start3A_386 : memref<1x128xi32, #tpu.memory_space<vmem>> -> memref<128xi32, #tpu.memory_space<vmem>>
        %dma_start3A_388 = arith.constant 0 : i32
        %dma_start3A_389 = arith.constant 0 : i32
        %dma_start3A_390 = tpu.memref_slice %arg4[%dma_start3A_388, %dma_start3A_389] : memref<50688x16xf32, #tpu.memory_space<hbm>> -> memref<50688x16xf32, #tpu.memory_space<hbm>>
        tpu.enqueue_indirect_dma source(%dma_start3A_390 : memref<50688x16xf32, #tpu.memory_space<hbm>>) target(%dma_start3A_384 : memref<128x16xf32, #tpu.memory_space<vmem>>) offsets(%dma_start3A_387 : memref<128xi32, #tpu.memory_space<vmem>>) semaphore(%arg11 : memref<!tpu.dma_semaphore, #tpu.memory_space<semaphore_mem>>)
        %dma_start3A_391 = arith.constant 768 : i32
        %dma_start3A_392 = arith.constant 0 : i32
        %dma_start3A_393 = tpu.memref_slice %arg8[%dma_start3A_391, %dma_start3A_392] : memref<1024x16xf32, #tpu.memory_space<vmem>> -> memref<128x16xf32, #tpu.memory_space<vmem>>
        %dma_start3A_394 = arith.constant 0 : i32
        %dma_start3A_395 = tpu.memref_slice %arg6[%add3A_370, %dma_start3A_394] : memref<40x128xi32, #tpu.memory_space<vmem>> -> memref<1x128xi32, #tpu.memory_space<vmem>>
        %dma_start3A_396 = tpu.memref_squeeze %dma_start3A_395 : memref<1x128xi32, #tpu.memory_space<vmem>> -> memref<128xi32, #tpu.memory_space<vmem>>
        %dma_start3A_397 = arith.constant 0 : i32
        %dma_start3A_398 = arith.constant 0 : i32
        %dma_start3A_399 = tpu.memref_slice %arg4[%dma_start3A_397, %dma_start3A_398] : memref<50688x16xf32, #tpu.memory_space<hbm>> -> memref<50688x16xf32, #tpu.memory_space<hbm>>
        tpu.enqueue_indirect_dma source(%dma_start3A_399 : memref<50688x16xf32, #tpu.memory_space<hbm>>) target(%dma_start3A_393 : memref<128x16xf32, #tpu.memory_space<vmem>>) offsets(%dma_start3A_396 : memref<128xi32, #tpu.memory_space<vmem>>) semaphore(%arg11 : memref<!tpu.dma_semaphore, #tpu.memory_space<semaphore_mem>>)
        %dma_start3A_400 = arith.constant 896 : i32
        %dma_start3A_401 = arith.constant 0 : i32
        %dma_start3A_402 = tpu.memref_slice %arg8[%dma_start3A_400, %dma_start3A_401] : memref<1024x16xf32, #tpu.memory_space<vmem>> -> memref<128x16xf32, #tpu.memory_space<vmem>>
        %dma_start3A_403 = arith.constant 0 : i32
        %dma_start3A_404 = tpu.memref_slice %arg6[%add3A_372, %dma_start3A_403] : memref<40x128xi32, #tpu.memory_space<vmem>> -> memref<1x128xi32, #tpu.memory_space<vmem>>
        %dma_start3A_405 = tpu.memref_squeeze %dma_start3A_404 : memref<1x128xi32, #tpu.memory_space<vmem>> -> memref<128xi32, #tpu.memory_space<vmem>>
        %dma_start3A_406 = arith.constant 0 : i32
        %dma_start3A_407 = arith.constant 0 : i32
        %dma_start3A_408 = tpu.memref_slice %arg4[%dma_start3A_406, %dma_start3A_407] : memref<50688x16xf32, #tpu.memory_space<hbm>> -> memref<50688x16xf32, #tpu.memory_space<hbm>>
        tpu.enqueue_indirect_dma source(%dma_start3A_408 : memref<50688x16xf32, #tpu.memory_space<hbm>>) target(%dma_start3A_402 : memref<128x16xf32, #tpu.memory_space<vmem>>) offsets(%dma_start3A_405 : memref<128xi32, #tpu.memory_space<vmem>>) semaphore(%arg11 : memref<!tpu.dma_semaphore, #tpu.memory_space<semaphore_mem>>)
      }
      %scan3A_115 = arith.constant 4 : i32
      %dma_wait3A = arith.constant 32 : i32
      %dma_wait3A_116 = arith.constant 0 : i32
      %dma_wait3A_117 = arith.constant 0 : i32
      %dma_wait3A_118 = tpu.memref_slice %arg8[%dma_wait3A_116, %dma_wait3A_117] : memref<1024x16xf32, #tpu.memory_space<vmem>> -> memref<128x16xf32, #tpu.memory_space<vmem>>
      %dma_wait3A_119 = arith.constant 0 : i32
      %dma_wait3A_120 = tpu.memref_slice %arg6[%dma_wait3A, %dma_wait3A_119] : memref<40x128xi32, #tpu.memory_space<vmem>> -> memref<1x128xi32, #tpu.memory_space<vmem>>
      %dma_wait3A_121 = tpu.memref_squeeze %dma_wait3A_120 : memref<1x128xi32, #tpu.memory_space<vmem>> -> memref<128xi32, #tpu.memory_space<vmem>>
      %dma_wait3A_122 = arith.constant 0 : i32
      %dma_wait3A_123 = arith.constant 0 : i32
      %dma_wait3A_124 = tpu.memref_slice %arg4[%dma_wait3A_122, %dma_wait3A_123] : memref<50688x16xf32, #tpu.memory_space<hbm>> -> memref<50688x16xf32, #tpu.memory_space<hbm>>
      tpu.wait_indirect_dma semaphore(%arg10 : memref<!tpu.dma_semaphore, #tpu.memory_space<semaphore_mem>>) src(%dma_wait3A_124 : memref<50688x16xf32, #tpu.memory_space<hbm>>) dst(%dma_wait3A_118 : memref<128x16xf32, #tpu.memory_space<vmem>>)
      %dma_wait3A_125 = arith.constant 33 : i32
      %dma_wait3A_126 = arith.constant 128 : i32
      %dma_wait3A_127 = arith.constant 0 : i32
      %dma_wait3A_128 = tpu.memref_slice %arg8[%dma_wait3A_126, %dma_wait3A_127] : memref<1024x16xf32, #tpu.memory_space<vmem>> -> memref<128x16xf32, #tpu.memory_space<vmem>>
      %dma_wait3A_129 = arith.constant 0 : i32
      %dma_wait3A_130 = tpu.memref_slice %arg6[%dma_wait3A_125, %dma_wait3A_129] : memref<40x128xi32, #tpu.memory_space<vmem>> -> memref<1x128xi32, #tpu.memory_space<vmem>>
      %dma_wait3A_131 = tpu.memref_squeeze %dma_wait3A_130 : memref<1x128xi32, #tpu.memory_space<vmem>> -> memref<128xi32, #tpu.memory_space<vmem>>
      %dma_wait3A_132 = arith.constant 0 : i32
      %dma_wait3A_133 = arith.constant 0 : i32
      %dma_wait3A_134 = tpu.memref_slice %arg4[%dma_wait3A_132, %dma_wait3A_133] : memref<50688x16xf32, #tpu.memory_space<hbm>> -> memref<50688x16xf32, #tpu.memory_space<hbm>>
      tpu.wait_indirect_dma semaphore(%arg10 : memref<!tpu.dma_semaphore, #tpu.memory_space<semaphore_mem>>) src(%dma_wait3A_134 : memref<50688x16xf32, #tpu.memory_space<hbm>>) dst(%dma_wait3A_128 : memref<128x16xf32, #tpu.memory_space<vmem>>)
      %dma_wait3A_135 = arith.constant 34 : i32
      %dma_wait3A_136 = arith.constant 256 : i32
      %dma_wait3A_137 = arith.constant 0 : i32
      %dma_wait3A_138 = tpu.memref_slice %arg8[%dma_wait3A_136, %dma_wait3A_137] : memref<1024x16xf32, #tpu.memory_space<vmem>> -> memref<128x16xf32, #tpu.memory_space<vmem>>
      %dma_wait3A_139 = arith.constant 0 : i32
      %dma_wait3A_140 = tpu.memref_slice %arg6[%dma_wait3A_135, %dma_wait3A_139] : memref<40x128xi32, #tpu.memory_space<vmem>> -> memref<1x128xi32, #tpu.memory_space<vmem>>
      %dma_wait3A_141 = tpu.memref_squeeze %dma_wait3A_140 : memref<1x128xi32, #tpu.memory_space<vmem>> -> memref<128xi32, #tpu.memory_space<vmem>>
      %dma_wait3A_142 = arith.constant 0 : i32
      %dma_wait3A_143 = arith.constant 0 : i32
      %dma_wait3A_144 = tpu.memref_slice %arg4[%dma_wait3A_142, %dma_wait3A_143] : memref<50688x16xf32, #tpu.memory_space<hbm>> -> memref<50688x16xf32, #tpu.memory_space<hbm>>
      tpu.wait_indirect_dma semaphore(%arg10 : memref<!tpu.dma_semaphore, #tpu.memory_space<semaphore_mem>>) src(%dma_wait3A_144 : memref<50688x16xf32, #tpu.memory_space<hbm>>) dst(%dma_wait3A_138 : memref<128x16xf32, #tpu.memory_space<vmem>>)
      %dma_wait3A_145 = arith.constant 35 : i32
      %dma_wait3A_146 = arith.constant 384 : i32
      %dma_wait3A_147 = arith.constant 0 : i32
      %dma_wait3A_148 = tpu.memref_slice %arg8[%dma_wait3A_146, %dma_wait3A_147] : memref<1024x16xf32, #tpu.memory_space<vmem>> -> memref<128x16xf32, #tpu.memory_space<vmem>>
      %dma_wait3A_149 = arith.constant 0 : i32
      %dma_wait3A_150 = tpu.memref_slice %arg6[%dma_wait3A_145, %dma_wait3A_149] : memref<40x128xi32, #tpu.memory_space<vmem>> -> memref<1x128xi32, #tpu.memory_space<vmem>>
      %dma_wait3A_151 = tpu.memref_squeeze %dma_wait3A_150 : memref<1x128xi32, #tpu.memory_space<vmem>> -> memref<128xi32, #tpu.memory_space<vmem>>
      %dma_wait3A_152 = arith.constant 0 : i32
      %dma_wait3A_153 = arith.constant 0 : i32
      %dma_wait3A_154 = tpu.memref_slice %arg4[%dma_wait3A_152, %dma_wait3A_153] : memref<50688x16xf32, #tpu.memory_space<hbm>> -> memref<50688x16xf32, #tpu.memory_space<hbm>>
      tpu.wait_indirect_dma semaphore(%arg10 : memref<!tpu.dma_semaphore, #tpu.memory_space<semaphore_mem>>) src(%dma_wait3A_154 : memref<50688x16xf32, #tpu.memory_space<hbm>>) dst(%dma_wait3A_148 : memref<128x16xf32, #tpu.memory_space<vmem>>)
      %run_scoped3A = arith.constant 32 : i32
      "tpu.region"() ({
        %run_scoped3A_202 = tpu.sem_alloc : memref<!tpu.dma_semaphore, #tpu.memory_space<semaphore_mem>>
        %dma_start3A_203 = arith.constant 0 : i32
        %dma_start3A_204 = arith.constant 0 : i32
        %dma_start3A_205 = tpu.memref_slice %arg8[%dma_start3A_203, %dma_start3A_204] : memref<1024x16xf32, #tpu.memory_space<vmem>> -> memref<128x16xf32, #tpu.memory_space<vmem>>
        %dma_start3A_206 = arith.constant 0 : i32
        %dma_start3A_207 = tpu.memref_slice %arg7[%run_scoped3A, %dma_start3A_206] : memref<40x128xi32, #tpu.memory_space<vmem>> -> memref<1x128xi32, #tpu.memory_space<vmem>>
        %dma_start3A_208 = tpu.memref_squeeze %dma_start3A_207 : memref<1x128xi32, #tpu.memory_space<vmem>> -> memref<128xi32, #tpu.memory_space<vmem>>
        %dma_start3A_209 = arith.constant 0 : i32
        %dma_start3A_210 = arith.constant 0 : i32
        %dma_start3A_211 = tpu.memref_slice %arg9[%dma_start3A_209, %dma_start3A_210] : memref<50688x16xf32, #tpu.memory_space<vmem_shared>> -> memref<50688x16xf32, #tpu.memory_space<vmem_shared>>
        tpu.enqueue_indirect_dma source(%dma_start3A_205 : memref<128x16xf32, #tpu.memory_space<vmem>>) target(%dma_start3A_211 : memref<50688x16xf32, #tpu.memory_space<vmem_shared>>) offsets(%dma_start3A_208 : memref<128xi32, #tpu.memory_space<vmem>>) semaphore(%run_scoped3A_202 : memref<!tpu.dma_semaphore, #tpu.memory_space<semaphore_mem>>) {add = true}
        %dma_wait3A_212 = arith.constant 0 : i32
        %dma_wait3A_213 = arith.constant 0 : i32
        %dma_wait3A_214 = tpu.memref_slice %arg8[%dma_wait3A_212, %dma_wait3A_213] : memref<1024x16xf32, #tpu.memory_space<vmem>> -> memref<128x16xf32, #tpu.memory_space<vmem>>
        %dma_wait3A_215 = arith.constant 0 : i32
        %dma_wait3A_216 = tpu.memref_slice %arg7[%run_scoped3A, %dma_wait3A_215] : memref<40x128xi32, #tpu.memory_space<vmem>> -> memref<1x128xi32, #tpu.memory_space<vmem>>
        %dma_wait3A_217 = tpu.memref_squeeze %dma_wait3A_216 : memref<1x128xi32, #tpu.memory_space<vmem>> -> memref<128xi32, #tpu.memory_space<vmem>>
        %dma_wait3A_218 = arith.constant 0 : i32
        %dma_wait3A_219 = arith.constant 0 : i32
        %dma_wait3A_220 = tpu.memref_slice %arg9[%dma_wait3A_218, %dma_wait3A_219] : memref<50688x16xf32, #tpu.memory_space<vmem_shared>> -> memref<50688x16xf32, #tpu.memory_space<vmem_shared>>
        tpu.wait_indirect_dma semaphore(%run_scoped3A_202 : memref<!tpu.dma_semaphore, #tpu.memory_space<semaphore_mem>>) src(%dma_wait3A_214 : memref<128x16xf32, #tpu.memory_space<vmem>>) dst(%dma_wait3A_220 : memref<50688x16xf32, #tpu.memory_space<vmem_shared>>)
        tpu.yield
      }) : () -> ()
      %run_scoped3A_155 = arith.constant 33 : i32
      "tpu.region"() ({
        %run_scoped3A_202 = tpu.sem_alloc : memref<!tpu.dma_semaphore, #tpu.memory_space<semaphore_mem>>
        %dma_start3A_203 = arith.constant 128 : i32
        %dma_start3A_204 = arith.constant 0 : i32
        %dma_start3A_205 = tpu.memref_slice %arg8[%dma_start3A_203, %dma_start3A_204] : memref<1024x16xf32, #tpu.memory_space<vmem>> -> memref<128x16xf32, #tpu.memory_space<vmem>>
        %dma_start3A_206 = arith.constant 0 : i32
        %dma_start3A_207 = tpu.memref_slice %arg7[%run_scoped3A_155, %dma_start3A_206] : memref<40x128xi32, #tpu.memory_space<vmem>> -> memref<1x128xi32, #tpu.memory_space<vmem>>
        %dma_start3A_208 = tpu.memref_squeeze %dma_start3A_207 : memref<1x128xi32, #tpu.memory_space<vmem>> -> memref<128xi32, #tpu.memory_space<vmem>>
        %dma_start3A_209 = arith.constant 0 : i32
        %dma_start3A_210 = arith.constant 0 : i32
        %dma_start3A_211 = tpu.memref_slice %arg9[%dma_start3A_209, %dma_start3A_210] : memref<50688x16xf32, #tpu.memory_space<vmem_shared>> -> memref<50688x16xf32, #tpu.memory_space<vmem_shared>>
        tpu.enqueue_indirect_dma source(%dma_start3A_205 : memref<128x16xf32, #tpu.memory_space<vmem>>) target(%dma_start3A_211 : memref<50688x16xf32, #tpu.memory_space<vmem_shared>>) offsets(%dma_start3A_208 : memref<128xi32, #tpu.memory_space<vmem>>) semaphore(%run_scoped3A_202 : memref<!tpu.dma_semaphore, #tpu.memory_space<semaphore_mem>>) {add = true}
        %dma_wait3A_212 = arith.constant 128 : i32
        %dma_wait3A_213 = arith.constant 0 : i32
        %dma_wait3A_214 = tpu.memref_slice %arg8[%dma_wait3A_212, %dma_wait3A_213] : memref<1024x16xf32, #tpu.memory_space<vmem>> -> memref<128x16xf32, #tpu.memory_space<vmem>>
        %dma_wait3A_215 = arith.constant 0 : i32
        %dma_wait3A_216 = tpu.memref_slice %arg7[%run_scoped3A_155, %dma_wait3A_215] : memref<40x128xi32, #tpu.memory_space<vmem>> -> memref<1x128xi32, #tpu.memory_space<vmem>>
        %dma_wait3A_217 = tpu.memref_squeeze %dma_wait3A_216 : memref<1x128xi32, #tpu.memory_space<vmem>> -> memref<128xi32, #tpu.memory_space<vmem>>
        %dma_wait3A_218 = arith.constant 0 : i32
        %dma_wait3A_219 = arith.constant 0 : i32
        %dma_wait3A_220 = tpu.memref_slice %arg9[%dma_wait3A_218, %dma_wait3A_219] : memref<50688x16xf32, #tpu.memory_space<vmem_shared>> -> memref<50688x16xf32, #tpu.memory_space<vmem_shared>>
        tpu.wait_indirect_dma semaphore(%run_scoped3A_202 : memref<!tpu.dma_semaphore, #tpu.memory_space<semaphore_mem>>) src(%dma_wait3A_214 : memref<128x16xf32, #tpu.memory_space<vmem>>) dst(%dma_wait3A_220 : memref<50688x16xf32, #tpu.memory_space<vmem_shared>>)
        tpu.yield
      }) : () -> ()
      %run_scoped3A_156 = arith.constant 34 : i32
      "tpu.region"() ({
        %run_scoped3A_202 = tpu.sem_alloc : memref<!tpu.dma_semaphore, #tpu.memory_space<semaphore_mem>>
        %dma_start3A_203 = arith.constant 256 : i32
        %dma_start3A_204 = arith.constant 0 : i32
        %dma_start3A_205 = tpu.memref_slice %arg8[%dma_start3A_203, %dma_start3A_204] : memref<1024x16xf32, #tpu.memory_space<vmem>> -> memref<128x16xf32, #tpu.memory_space<vmem>>
        %dma_start3A_206 = arith.constant 0 : i32
        %dma_start3A_207 = tpu.memref_slice %arg7[%run_scoped3A_156, %dma_start3A_206] : memref<40x128xi32, #tpu.memory_space<vmem>> -> memref<1x128xi32, #tpu.memory_space<vmem>>
        %dma_start3A_208 = tpu.memref_squeeze %dma_start3A_207 : memref<1x128xi32, #tpu.memory_space<vmem>> -> memref<128xi32, #tpu.memory_space<vmem>>
        %dma_start3A_209 = arith.constant 0 : i32
        %dma_start3A_210 = arith.constant 0 : i32
        %dma_start3A_211 = tpu.memref_slice %arg9[%dma_start3A_209, %dma_start3A_210] : memref<50688x16xf32, #tpu.memory_space<vmem_shared>> -> memref<50688x16xf32, #tpu.memory_space<vmem_shared>>
        tpu.enqueue_indirect_dma source(%dma_start3A_205 : memref<128x16xf32, #tpu.memory_space<vmem>>) target(%dma_start3A_211 : memref<50688x16xf32, #tpu.memory_space<vmem_shared>>) offsets(%dma_start3A_208 : memref<128xi32, #tpu.memory_space<vmem>>) semaphore(%run_scoped3A_202 : memref<!tpu.dma_semaphore, #tpu.memory_space<semaphore_mem>>) {add = true}
        %dma_wait3A_212 = arith.constant 256 : i32
        %dma_wait3A_213 = arith.constant 0 : i32
        %dma_wait3A_214 = tpu.memref_slice %arg8[%dma_wait3A_212, %dma_wait3A_213] : memref<1024x16xf32, #tpu.memory_space<vmem>> -> memref<128x16xf32, #tpu.memory_space<vmem>>
        %dma_wait3A_215 = arith.constant 0 : i32
        %dma_wait3A_216 = tpu.memref_slice %arg7[%run_scoped3A_156, %dma_wait3A_215] : memref<40x128xi32, #tpu.memory_space<vmem>> -> memref<1x128xi32, #tpu.memory_space<vmem>>
        %dma_wait3A_217 = tpu.memref_squeeze %dma_wait3A_216 : memref<1x128xi32, #tpu.memory_space<vmem>> -> memref<128xi32, #tpu.memory_space<vmem>>
        %dma_wait3A_218 = arith.constant 0 : i32
        %dma_wait3A_219 = arith.constant 0 : i32
        %dma_wait3A_220 = tpu.memref_slice %arg9[%dma_wait3A_218, %dma_wait3A_219] : memref<50688x16xf32, #tpu.memory_space<vmem_shared>> -> memref<50688x16xf32, #tpu.memory_space<vmem_shared>>
        tpu.wait_indirect_dma semaphore(%run_scoped3A_202 : memref<!tpu.dma_semaphore, #tpu.memory_space<semaphore_mem>>) src(%dma_wait3A_214 : memref<128x16xf32, #tpu.memory_space<vmem>>) dst(%dma_wait3A_220 : memref<50688x16xf32, #tpu.memory_space<vmem_shared>>)
        tpu.yield
      }) : () -> ()
      %run_scoped3A_157 = arith.constant 35 : i32
      "tpu.region"() ({
        %run_scoped3A_202 = tpu.sem_alloc : memref<!tpu.dma_semaphore, #tpu.memory_space<semaphore_mem>>
        %dma_start3A_203 = arith.constant 384 : i32
        %dma_start3A_204 = arith.constant 0 : i32
        %dma_start3A_205 = tpu.memref_slice %arg8[%dma_start3A_203, %dma_start3A_204] : memref<1024x16xf32, #tpu.memory_space<vmem>> -> memref<128x16xf32, #tpu.memory_space<vmem>>
        %dma_start3A_206 = arith.constant 0 : i32
        %dma_start3A_207 = tpu.memref_slice %arg7[%run_scoped3A_157, %dma_start3A_206] : memref<40x128xi32, #tpu.memory_space<vmem>> -> memref<1x128xi32, #tpu.memory_space<vmem>>
        %dma_start3A_208 = tpu.memref_squeeze %dma_start3A_207 : memref<1x128xi32, #tpu.memory_space<vmem>> -> memref<128xi32, #tpu.memory_space<vmem>>
        %dma_start3A_209 = arith.constant 0 : i32
        %dma_start3A_210 = arith.constant 0 : i32
        %dma_start3A_211 = tpu.memref_slice %arg9[%dma_start3A_209, %dma_start3A_210] : memref<50688x16xf32, #tpu.memory_space<vmem_shared>> -> memref<50688x16xf32, #tpu.memory_space<vmem_shared>>
        tpu.enqueue_indirect_dma source(%dma_start3A_205 : memref<128x16xf32, #tpu.memory_space<vmem>>) target(%dma_start3A_211 : memref<50688x16xf32, #tpu.memory_space<vmem_shared>>) offsets(%dma_start3A_208 : memref<128xi32, #tpu.memory_space<vmem>>) semaphore(%run_scoped3A_202 : memref<!tpu.dma_semaphore, #tpu.memory_space<semaphore_mem>>) {add = true}
        %dma_wait3A_212 = arith.constant 384 : i32
        %dma_wait3A_213 = arith.constant 0 : i32
        %dma_wait3A_214 = tpu.memref_slice %arg8[%dma_wait3A_212, %dma_wait3A_213] : memref<1024x16xf32, #tpu.memory_space<vmem>> -> memref<128x16xf32, #tpu.memory_space<vmem>>
        %dma_wait3A_215 = arith.constant 0 : i32
        %dma_wait3A_216 = tpu.memref_slice %arg7[%run_scoped3A_157, %dma_wait3A_215] : memref<40x128xi32, #tpu.memory_space<vmem>> -> memref<1x128xi32, #tpu.memory_space<vmem>>
        %dma_wait3A_217 = tpu.memref_squeeze %dma_wait3A_216 : memref<1x128xi32, #tpu.memory_space<vmem>> -> memref<128xi32, #tpu.memory_space<vmem>>
        %dma_wait3A_218 = arith.constant 0 : i32
        %dma_wait3A_219 = arith.constant 0 : i32
        %dma_wait3A_220 = tpu.memref_slice %arg9[%dma_wait3A_218, %dma_wait3A_219] : memref<50688x16xf32, #tpu.memory_space<vmem_shared>> -> memref<50688x16xf32, #tpu.memory_space<vmem_shared>>
        tpu.wait_indirect_dma semaphore(%run_scoped3A_202 : memref<!tpu.dma_semaphore, #tpu.memory_space<semaphore_mem>>) src(%dma_wait3A_214 : memref<128x16xf32, #tpu.memory_space<vmem>>) dst(%dma_wait3A_220 : memref<50688x16xf32, #tpu.memory_space<vmem_shared>>)
        tpu.yield
      }) : () -> ()
      %dma_wait3A_158 = arith.constant 36 : i32
      %dma_wait3A_159 = arith.constant 512 : i32
      %dma_wait3A_160 = arith.constant 0 : i32
      %dma_wait3A_161 = tpu.memref_slice %arg8[%dma_wait3A_159, %dma_wait3A_160] : memref<1024x16xf32, #tpu.memory_space<vmem>> -> memref<128x16xf32, #tpu.memory_space<vmem>>
      %dma_wait3A_162 = arith.constant 0 : i32
      %dma_wait3A_163 = tpu.memref_slice %arg6[%dma_wait3A_158, %dma_wait3A_162] : memref<40x128xi32, #tpu.memory_space<vmem>> -> memref<1x128xi32, #tpu.memory_space<vmem>>
      %dma_wait3A_164 = tpu.memref_squeeze %dma_wait3A_163 : memref<1x128xi32, #tpu.memory_space<vmem>> -> memref<128xi32, #tpu.memory_space<vmem>>
      %dma_wait3A_165 = arith.constant 0 : i32
      %dma_wait3A_166 = arith.constant 0 : i32
      %dma_wait3A_167 = tpu.memref_slice %arg4[%dma_wait3A_165, %dma_wait3A_166] : memref<50688x16xf32, #tpu.memory_space<hbm>> -> memref<50688x16xf32, #tpu.memory_space<hbm>>
      tpu.wait_indirect_dma semaphore(%arg11 : memref<!tpu.dma_semaphore, #tpu.memory_space<semaphore_mem>>) src(%dma_wait3A_167 : memref<50688x16xf32, #tpu.memory_space<hbm>>) dst(%dma_wait3A_161 : memref<128x16xf32, #tpu.memory_space<vmem>>)
      %dma_wait3A_168 = arith.constant 37 : i32
      %dma_wait3A_169 = arith.constant 640 : i32
      %dma_wait3A_170 = arith.constant 0 : i32
      %dma_wait3A_171 = tpu.memref_slice %arg8[%dma_wait3A_169, %dma_wait3A_170] : memref<1024x16xf32, #tpu.memory_space<vmem>> -> memref<128x16xf32, #tpu.memory_space<vmem>>
      %dma_wait3A_172 = arith.constant 0 : i32
      %dma_wait3A_173 = tpu.memref_slice %arg6[%dma_wait3A_168, %dma_wait3A_172] : memref<40x128xi32, #tpu.memory_space<vmem>> -> memref<1x128xi32, #tpu.memory_space<vmem>>
      %dma_wait3A_174 = tpu.memref_squeeze %dma_wait3A_173 : memref<1x128xi32, #tpu.memory_space<vmem>> -> memref<128xi32, #tpu.memory_space<vmem>>
      %dma_wait3A_175 = arith.constant 0 : i32
      %dma_wait3A_176 = arith.constant 0 : i32
      %dma_wait3A_177 = tpu.memref_slice %arg4[%dma_wait3A_175, %dma_wait3A_176] : memref<50688x16xf32, #tpu.memory_space<hbm>> -> memref<50688x16xf32, #tpu.memory_space<hbm>>
      tpu.wait_indirect_dma semaphore(%arg11 : memref<!tpu.dma_semaphore, #tpu.memory_space<semaphore_mem>>) src(%dma_wait3A_177 : memref<50688x16xf32, #tpu.memory_space<hbm>>) dst(%dma_wait3A_171 : memref<128x16xf32, #tpu.memory_space<vmem>>)
      %dma_wait3A_178 = arith.constant 38 : i32
      %dma_wait3A_179 = arith.constant 768 : i32
      %dma_wait3A_180 = arith.constant 0 : i32
      %dma_wait3A_181 = tpu.memref_slice %arg8[%dma_wait3A_179, %dma_wait3A_180] : memref<1024x16xf32, #tpu.memory_space<vmem>> -> memref<128x16xf32, #tpu.memory_space<vmem>>
      %dma_wait3A_182 = arith.constant 0 : i32
      %dma_wait3A_183 = tpu.memref_slice %arg6[%dma_wait3A_178, %dma_wait3A_182] : memref<40x128xi32, #tpu.memory_space<vmem>> -> memref<1x128xi32, #tpu.memory_space<vmem>>
      %dma_wait3A_184 = tpu.memref_squeeze %dma_wait3A_183 : memref<1x128xi32, #tpu.memory_space<vmem>> -> memref<128xi32, #tpu.memory_space<vmem>>
      %dma_wait3A_185 = arith.constant 0 : i32
      %dma_wait3A_186 = arith.constant 0 : i32
      %dma_wait3A_187 = tpu.memref_slice %arg4[%dma_wait3A_185, %dma_wait3A_186] : memref<50688x16xf32, #tpu.memory_space<hbm>> -> memref<50688x16xf32, #tpu.memory_space<hbm>>
      tpu.wait_indirect_dma semaphore(%arg11 : memref<!tpu.dma_semaphore, #tpu.memory_space<semaphore_mem>>) src(%dma_wait3A_187 : memref<50688x16xf32, #tpu.memory_space<hbm>>) dst(%dma_wait3A_181 : memref<128x16xf32, #tpu.memory_space<vmem>>)
      %dma_wait3A_188 = arith.constant 39 : i32
      %dma_wait3A_189 = arith.constant 896 : i32
      %dma_wait3A_190 = arith.constant 0 : i32
      %dma_wait3A_191 = tpu.memref_slice %arg8[%dma_wait3A_189, %dma_wait3A_190] : memref<1024x16xf32, #tpu.memory_space<vmem>> -> memref<128x16xf32, #tpu.memory_space<vmem>>
      %dma_wait3A_192 = arith.constant 0 : i32
      %dma_wait3A_193 = tpu.memref_slice %arg6[%dma_wait3A_188, %dma_wait3A_192] : memref<40x128xi32, #tpu.memory_space<vmem>> -> memref<1x128xi32, #tpu.memory_space<vmem>>
      %dma_wait3A_194 = tpu.memref_squeeze %dma_wait3A_193 : memref<1x128xi32, #tpu.memory_space<vmem>> -> memref<128xi32, #tpu.memory_space<vmem>>
      %dma_wait3A_195 = arith.constant 0 : i32
      %dma_wait3A_196 = arith.constant 0 : i32
      %dma_wait3A_197 = tpu.memref_slice %arg4[%dma_wait3A_195, %dma_wait3A_196] : memref<50688x16xf32, #tpu.memory_space<hbm>> -> memref<50688x16xf32, #tpu.memory_space<hbm>>
      tpu.wait_indirect_dma semaphore(%arg11 : memref<!tpu.dma_semaphore, #tpu.memory_space<semaphore_mem>>) src(%dma_wait3A_197 : memref<50688x16xf32, #tpu.memory_space<hbm>>) dst(%dma_wait3A_191 : memref<128x16xf32, #tpu.memory_space<vmem>>)
      %run_scoped3A_198 = arith.constant 36 : i32
      "tpu.region"() ({
        %run_scoped3A_202 = tpu.sem_alloc : memref<!tpu.dma_semaphore, #tpu.memory_space<semaphore_mem>>
        %dma_start3A_203 = arith.constant 512 : i32
        %dma_start3A_204 = arith.constant 0 : i32
        %dma_start3A_205 = tpu.memref_slice %arg8[%dma_start3A_203, %dma_start3A_204] : memref<1024x16xf32, #tpu.memory_space<vmem>> -> memref<128x16xf32, #tpu.memory_space<vmem>>
        %dma_start3A_206 = arith.constant 0 : i32
        %dma_start3A_207 = tpu.memref_slice %arg7[%run_scoped3A_198, %dma_start3A_206] : memref<40x128xi32, #tpu.memory_space<vmem>> -> memref<1x128xi32, #tpu.memory_space<vmem>>
        %dma_start3A_208 = tpu.memref_squeeze %dma_start3A_207 : memref<1x128xi32, #tpu.memory_space<vmem>> -> memref<128xi32, #tpu.memory_space<vmem>>
        %dma_start3A_209 = arith.constant 0 : i32
        %dma_start3A_210 = arith.constant 0 : i32
        %dma_start3A_211 = tpu.memref_slice %arg9[%dma_start3A_209, %dma_start3A_210] : memref<50688x16xf32, #tpu.memory_space<vmem_shared>> -> memref<50688x16xf32, #tpu.memory_space<vmem_shared>>
        tpu.enqueue_indirect_dma source(%dma_start3A_205 : memref<128x16xf32, #tpu.memory_space<vmem>>) target(%dma_start3A_211 : memref<50688x16xf32, #tpu.memory_space<vmem_shared>>) offsets(%dma_start3A_208 : memref<128xi32, #tpu.memory_space<vmem>>) semaphore(%run_scoped3A_202 : memref<!tpu.dma_semaphore, #tpu.memory_space<semaphore_mem>>) {add = true}
        %dma_wait3A_212 = arith.constant 512 : i32
        %dma_wait3A_213 = arith.constant 0 : i32
        %dma_wait3A_214 = tpu.memref_slice %arg8[%dma_wait3A_212, %dma_wait3A_213] : memref<1024x16xf32, #tpu.memory_space<vmem>> -> memref<128x16xf32, #tpu.memory_space<vmem>>
        %dma_wait3A_215 = arith.constant 0 : i32
        %dma_wait3A_216 = tpu.memref_slice %arg7[%run_scoped3A_198, %dma_wait3A_215] : memref<40x128xi32, #tpu.memory_space<vmem>> -> memref<1x128xi32, #tpu.memory_space<vmem>>
        %dma_wait3A_217 = tpu.memref_squeeze %dma_wait3A_216 : memref<1x128xi32, #tpu.memory_space<vmem>> -> memref<128xi32, #tpu.memory_space<vmem>>
        %dma_wait3A_218 = arith.constant 0 : i32
        %dma_wait3A_219 = arith.constant 0 : i32
        %dma_wait3A_220 = tpu.memref_slice %arg9[%dma_wait3A_218, %dma_wait3A_219] : memref<50688x16xf32, #tpu.memory_space<vmem_shared>> -> memref<50688x16xf32, #tpu.memory_space<vmem_shared>>
        tpu.wait_indirect_dma semaphore(%run_scoped3A_202 : memref<!tpu.dma_semaphore, #tpu.memory_space<semaphore_mem>>) src(%dma_wait3A_214 : memref<128x16xf32, #tpu.memory_space<vmem>>) dst(%dma_wait3A_220 : memref<50688x16xf32, #tpu.memory_space<vmem_shared>>)
        tpu.yield
      }) : () -> ()
      %run_scoped3A_199 = arith.constant 37 : i32
      "tpu.region"() ({
        %run_scoped3A_202 = tpu.sem_alloc : memref<!tpu.dma_semaphore, #tpu.memory_space<semaphore_mem>>
        %dma_start3A_203 = arith.constant 640 : i32
        %dma_start3A_204 = arith.constant 0 : i32
        %dma_start3A_205 = tpu.memref_slice %arg8[%dma_start3A_203, %dma_start3A_204] : memref<1024x16xf32, #tpu.memory_space<vmem>> -> memref<128x16xf32, #tpu.memory_space<vmem>>
        %dma_start3A_206 = arith.constant 0 : i32
        %dma_start3A_207 = tpu.memref_slice %arg7[%run_scoped3A_199, %dma_start3A_206] : memref<40x128xi32, #tpu.memory_space<vmem>> -> memref<1x128xi32, #tpu.memory_space<vmem>>
        %dma_start3A_208 = tpu.memref_squeeze %dma_start3A_207 : memref<1x128xi32, #tpu.memory_space<vmem>> -> memref<128xi32, #tpu.memory_space<vmem>>
        %dma_start3A_209 = arith.constant 0 : i32
        %dma_start3A_210 = arith.constant 0 : i32
        %dma_start3A_211 = tpu.memref_slice %arg9[%dma_start3A_209, %dma_start3A_210] : memref<50688x16xf32, #tpu.memory_space<vmem_shared>> -> memref<50688x16xf32, #tpu.memory_space<vmem_shared>>
        tpu.enqueue_indirect_dma source(%dma_start3A_205 : memref<128x16xf32, #tpu.memory_space<vmem>>) target(%dma_start3A_211 : memref<50688x16xf32, #tpu.memory_space<vmem_shared>>) offsets(%dma_start3A_208 : memref<128xi32, #tpu.memory_space<vmem>>) semaphore(%run_scoped3A_202 : memref<!tpu.dma_semaphore, #tpu.memory_space<semaphore_mem>>) {add = true}
        %dma_wait3A_212 = arith.constant 640 : i32
        %dma_wait3A_213 = arith.constant 0 : i32
        %dma_wait3A_214 = tpu.memref_slice %arg8[%dma_wait3A_212, %dma_wait3A_213] : memref<1024x16xf32, #tpu.memory_space<vmem>> -> memref<128x16xf32, #tpu.memory_space<vmem>>
        %dma_wait3A_215 = arith.constant 0 : i32
        %dma_wait3A_216 = tpu.memref_slice %arg7[%run_scoped3A_199, %dma_wait3A_215] : memref<40x128xi32, #tpu.memory_space<vmem>> -> memref<1x128xi32, #tpu.memory_space<vmem>>
        %dma_wait3A_217 = tpu.memref_squeeze %dma_wait3A_216 : memref<1x128xi32, #tpu.memory_space<vmem>> -> memref<128xi32, #tpu.memory_space<vmem>>
        %dma_wait3A_218 = arith.constant 0 : i32
        %dma_wait3A_219 = arith.constant 0 : i32
        %dma_wait3A_220 = tpu.memref_slice %arg9[%dma_wait3A_218, %dma_wait3A_219] : memref<50688x16xf32, #tpu.memory_space<vmem_shared>> -> memref<50688x16xf32, #tpu.memory_space<vmem_shared>>
        tpu.wait_indirect_dma semaphore(%run_scoped3A_202 : memref<!tpu.dma_semaphore, #tpu.memory_space<semaphore_mem>>) src(%dma_wait3A_214 : memref<128x16xf32, #tpu.memory_space<vmem>>) dst(%dma_wait3A_220 : memref<50688x16xf32, #tpu.memory_space<vmem_shared>>)
        tpu.yield
      }) : () -> ()
      %run_scoped3A_200 = arith.constant 38 : i32
      "tpu.region"() ({
        %run_scoped3A_202 = tpu.sem_alloc : memref<!tpu.dma_semaphore, #tpu.memory_space<semaphore_mem>>
        %dma_start3A_203 = arith.constant 768 : i32
        %dma_start3A_204 = arith.constant 0 : i32
        %dma_start3A_205 = tpu.memref_slice %arg8[%dma_start3A_203, %dma_start3A_204] : memref<1024x16xf32, #tpu.memory_space<vmem>> -> memref<128x16xf32, #tpu.memory_space<vmem>>
        %dma_start3A_206 = arith.constant 0 : i32
        %dma_start3A_207 = tpu.memref_slice %arg7[%run_scoped3A_200, %dma_start3A_206] : memref<40x128xi32, #tpu.memory_space<vmem>> -> memref<1x128xi32, #tpu.memory_space<vmem>>
        %dma_start3A_208 = tpu.memref_squeeze %dma_start3A_207 : memref<1x128xi32, #tpu.memory_space<vmem>> -> memref<128xi32, #tpu.memory_space<vmem>>
        %dma_start3A_209 = arith.constant 0 : i32
        %dma_start3A_210 = arith.constant 0 : i32
        %dma_start3A_211 = tpu.memref_slice %arg9[%dma_start3A_209, %dma_start3A_210] : memref<50688x16xf32, #tpu.memory_space<vmem_shared>> -> memref<50688x16xf32, #tpu.memory_space<vmem_shared>>
        tpu.enqueue_indirect_dma source(%dma_start3A_205 : memref<128x16xf32, #tpu.memory_space<vmem>>) target(%dma_start3A_211 : memref<50688x16xf32, #tpu.memory_space<vmem_shared>>) offsets(%dma_start3A_208 : memref<128xi32, #tpu.memory_space<vmem>>) semaphore(%run_scoped3A_202 : memref<!tpu.dma_semaphore, #tpu.memory_space<semaphore_mem>>) {add = true}
        %dma_wait3A_212 = arith.constant 768 : i32
        %dma_wait3A_213 = arith.constant 0 : i32
        %dma_wait3A_214 = tpu.memref_slice %arg8[%dma_wait3A_212, %dma_wait3A_213] : memref<1024x16xf32, #tpu.memory_space<vmem>> -> memref<128x16xf32, #tpu.memory_space<vmem>>
        %dma_wait3A_215 = arith.constant 0 : i32
        %dma_wait3A_216 = tpu.memref_slice %arg7[%run_scoped3A_200, %dma_wait3A_215] : memref<40x128xi32, #tpu.memory_space<vmem>> -> memref<1x128xi32, #tpu.memory_space<vmem>>
        %dma_wait3A_217 = tpu.memref_squeeze %dma_wait3A_216 : memref<1x128xi32, #tpu.memory_space<vmem>> -> memref<128xi32, #tpu.memory_space<vmem>>
        %dma_wait3A_218 = arith.constant 0 : i32
        %dma_wait3A_219 = arith.constant 0 : i32
        %dma_wait3A_220 = tpu.memref_slice %arg9[%dma_wait3A_218, %dma_wait3A_219] : memref<50688x16xf32, #tpu.memory_space<vmem_shared>> -> memref<50688x16xf32, #tpu.memory_space<vmem_shared>>
        tpu.wait_indirect_dma semaphore(%run_scoped3A_202 : memref<!tpu.dma_semaphore, #tpu.memory_space<semaphore_mem>>) src(%dma_wait3A_214 : memref<128x16xf32, #tpu.memory_space<vmem>>) dst(%dma_wait3A_220 : memref<50688x16xf32, #tpu.memory_space<vmem_shared>>)
        tpu.yield
      }) : () -> ()
      %run_scoped3A_201 = arith.constant 39 : i32
      "tpu.region"() ({
        %run_scoped3A_202 = tpu.sem_alloc : memref<!tpu.dma_semaphore, #tpu.memory_space<semaphore_mem>>
        %dma_start3A_203 = arith.constant 896 : i32
        %dma_start3A_204 = arith.constant 0 : i32
        %dma_start3A_205 = tpu.memref_slice %arg8[%dma_start3A_203, %dma_start3A_204] : memref<1024x16xf32, #tpu.memory_space<vmem>> -> memref<128x16xf32, #tpu.memory_space<vmem>>
        %dma_start3A_206 = arith.constant 0 : i32
        %dma_start3A_207 = tpu.memref_slice %arg7[%run_scoped3A_201, %dma_start3A_206] : memref<40x128xi32, #tpu.memory_space<vmem>> -> memref<1x128xi32, #tpu.memory_space<vmem>>
        %dma_start3A_208 = tpu.memref_squeeze %dma_start3A_207 : memref<1x128xi32, #tpu.memory_space<vmem>> -> memref<128xi32, #tpu.memory_space<vmem>>
        %dma_start3A_209 = arith.constant 0 : i32
        %dma_start3A_210 = arith.constant 0 : i32
        %dma_start3A_211 = tpu.memref_slice %arg9[%dma_start3A_209, %dma_start3A_210] : memref<50688x16xf32, #tpu.memory_space<vmem_shared>> -> memref<50688x16xf32, #tpu.memory_space<vmem_shared>>
        tpu.enqueue_indirect_dma source(%dma_start3A_205 : memref<128x16xf32, #tpu.memory_space<vmem>>) target(%dma_start3A_211 : memref<50688x16xf32, #tpu.memory_space<vmem_shared>>) offsets(%dma_start3A_208 : memref<128xi32, #tpu.memory_space<vmem>>) semaphore(%run_scoped3A_202 : memref<!tpu.dma_semaphore, #tpu.memory_space<semaphore_mem>>) {add = true}
        %dma_wait3A_212 = arith.constant 896 : i32
        %dma_wait3A_213 = arith.constant 0 : i32
        %dma_wait3A_214 = tpu.memref_slice %arg8[%dma_wait3A_212, %dma_wait3A_213] : memref<1024x16xf32, #tpu.memory_space<vmem>> -> memref<128x16xf32, #tpu.memory_space<vmem>>
        %dma_wait3A_215 = arith.constant 0 : i32
        %dma_wait3A_216 = tpu.memref_slice %arg7[%run_scoped3A_201, %dma_wait3A_215] : memref<40x128xi32, #tpu.memory_space<vmem>> -> memref<1x128xi32, #tpu.memory_space<vmem>>
        %dma_wait3A_217 = tpu.memref_squeeze %dma_wait3A_216 : memref<1x128xi32, #tpu.memory_space<vmem>> -> memref<128xi32, #tpu.memory_space<vmem>>
        %dma_wait3A_218 = arith.constant 0 : i32
        %dma_wait3A_219 = arith.constant 0 : i32
        %dma_wait3A_220 = tpu.memref_slice %arg9[%dma_wait3A_218, %dma_wait3A_219] : memref<50688x16xf32, #tpu.memory_space<vmem_shared>> -> memref<50688x16xf32, #tpu.memory_space<vmem_shared>>
        tpu.wait_indirect_dma semaphore(%run_scoped3A_202 : memref<!tpu.dma_semaphore, #tpu.memory_space<semaphore_mem>>) src(%dma_wait3A_214 : memref<128x16xf32, #tpu.memory_space<vmem>>) dst(%dma_wait3A_220 : memref<50688x16xf32, #tpu.memory_space<vmem_shared>>)
        tpu.yield
      }) : () -> ()
    }
    %scan3A_22 = arith.constant 5 : i32
    %barrier3A_23 = arith.constant 0 : index
    tpu.barrier barrier_id(%barrier3A_23)
    "tpu.region"() ({
      %run_scoped3A = tpu.sem_alloc : memref<!tpu.dma_semaphore, #tpu.memory_space<semaphore_mem>>
      %dma_start3A = arith.constant 0 : i32
      %dma_start3A_24 = tpu.memref_slice %arg5[%arg0, %mul3A_9, %dma_start3A] : memref<2x50688x16xf32, #tpu.memory_space<hbm>> -> memref<1x3168x16xf32, #tpu.memory_space<hbm>>
      %dma_start3A_25 = tpu.memref_squeeze %dma_start3A_24 : memref<1x3168x16xf32, #tpu.memory_space<hbm>> -> memref<3168x16xf32, #tpu.memory_space<hbm>>
      %dma_start3A_26 = arith.constant 0 : i32
      %dma_start3A_27 = tpu.memref_slice %arg9[%mul3A_9, %dma_start3A_26] : memref<50688x16xf32, #tpu.memory_space<vmem_shared>> -> memref<3168x16xf32, #tpu.memory_space<vmem_shared>>
      tpu.enqueue_dma source(%dma_start3A_27 : memref<3168x16xf32, #tpu.memory_space<vmem_shared>>) target(%dma_start3A_25 : memref<3168x16xf32, #tpu.memory_space<hbm>>) target_semaphore(%run_scoped3A : memref<!tpu.dma_semaphore, #tpu.memory_space<semaphore_mem>>)
      %dma_wait3A = arith.constant 0 : i32
      %dma_wait3A_28 = tpu.memref_slice %arg5[%arg0, %mul3A_9, %dma_wait3A] : memref<2x50688x16xf32, #tpu.memory_space<hbm>> -> memref<1x3168x16xf32, #tpu.memory_space<hbm>>
      %dma_wait3A_29 = tpu.memref_squeeze %dma_wait3A_28 : memref<1x3168x16xf32, #tpu.memory_space<hbm>> -> memref<3168x16xf32, #tpu.memory_space<hbm>>
      %dma_wait3A_30 = arith.constant 0 : i32
      %dma_wait3A_31 = tpu.memref_slice %arg9[%mul3A_9, %dma_wait3A_30] : memref<50688x16xf32, #tpu.memory_space<vmem_shared>> -> memref<3168x16xf32, #tpu.memory_space<vmem_shared>>
      tpu.wait_dma2 semaphore(%run_scoped3A : memref<!tpu.dma_semaphore, #tpu.memory_space<semaphore_mem>>) src(%dma_wait3A_31 : memref<3168x16xf32, #tpu.memory_space<vmem_shared>>) dst(%dma_wait3A_29 : memref<3168x16xf32, #tpu.memory_space<hbm>>)
      tpu.yield
    }) : () -> ()
    return
  }
}

module attributes {stable_mosaic.version = 14 : i64} {
  func.func @body(%arg0: i32, %arg1: memref<2x2304xf32, #tpu.memory_space<vmem>>, %arg2: memref<2304x16xf32, #tpu.memory_space<vmem>>, %arg3: memref<2304x1xf32, #tpu.memory_space<vmem>>, %arg4: memref<2304x16xf32, #tpu.memory_space<vmem>>) attributes {dimension_semantics = [#tpu.dimension_semantics<arbitrary>], iteration_bounds = array<i64: 22>, scalar_prefetch = 0 : i64, scratch_operands = 0 : i64, tpu.core_type = #tpu.core_type<tc>, window_params = [{transform_indices = @transform_0, window_bounds = array<i64: 2, 2304>}, {transform_indices = @transform_1, window_bounds = array<i64: 2304, 16>}, {transform_indices = @transform_2, window_bounds = array<i64: 2304, 1>}, {transform_indices = @transform_3, window_bounds = array<i64: 2304, 16>}]} {
    %broadcast_in_dim3A = arith.constant 1.000000e+00 : f32
    %broadcast_in_dim3A_0 = vector.broadcast %broadcast_in_dim3A : f32 to vector<2x1xf32>
    %get3A = arith.constant 0 : index
    %get3A_1 = arith.constant 0 : index
    %get3A_2 = vector.load %arg1[%get3A, %get3A_1] : memref<2x2304xf32, #tpu.memory_space<vmem>>, vector<2x2304xf32>
    %dot_general3A = arith.constant dense<0.000000e+00> : vector<2304x1xf32>
    %dot_general3A_3 = tpu.matmul %get3A_2, %broadcast_in_dim3A_0, %dot_general3A {dimension_numbers = #tpu.dot_dimension_numbers<[0], [0], [1], [1], [0, 1, 1, 1], [], []>, precision = #tpu.contract_precision<fp32>, transpose_lhs_hint = false} : vector<2x2304xf32>, vector<2x1xf32>, vector<2304x1xf32> -> vector<2304x1xf32>
    %add3A = arith.constant 1.000000e+00 : f32
    %add3A_4 = vector.broadcast %add3A : f32 to vector<2304x1xf32>
    %add3A_5 = arith.addf %add3A_4, %dot_general3A_3 : vector<2304x1xf32>
    %rsqrt3A = math.rsqrt %add3A_5 : vector<2304x1xf32>
    %swap3A = arith.constant 0 : index
    %swap3A_6 = arith.constant 0 : index
    %swap3A_7 = vector.load %arg3[%swap3A, %swap3A_6] : memref<2304x1xf32, #tpu.memory_space<vmem>>, vector<2304x1xf32>
    tpu.vector_store %arg3[%swap3A, %swap3A_6], %rsqrt3A {strides = array<i32>} : memref<2304x1xf32, #tpu.memory_space<vmem>>, vector<2304x1xf32>,
    %get3A_8 = arith.constant 0 : index
    %get3A_9 = arith.constant 0 : index
    %get3A_10 = vector.load %arg2[%get3A_8, %get3A_9] : memref<2304x16xf32, #tpu.memory_space<vmem>>, vector<2304x16xf32>
    %mul3A = vector.broadcast %rsqrt3A : vector<2304x1xf32> to vector<2304x16xf32>
    %mul3A_11 = arith.mulf %get3A_10, %mul3A : vector<2304x16xf32>
    %swap3A_12 = arith.constant 0 : index
    %swap3A_13 = arith.constant 0 : index
    %swap3A_14 = vector.load %arg4[%swap3A_12, %swap3A_13] : memref<2304x16xf32, #tpu.memory_space<vmem>>, vector<2304x16xf32>
    tpu.vector_store %arg4[%swap3A_12, %swap3A_13], %mul3A_11 {strides = array<i32>} : memref<2304x16xf32, #tpu.memory_space<vmem>>, vector<2304x16xf32>,
    return
  }
  func.func @transform_0(%arg0: i32) -> (i32, i32) {
    %c0_i32 = arith.constant 0 : i32
    %c0_i32_0 = arith.constant 0 : i32
    return %c0_i32, %arg0 : i32, i32
  }
  func.func @transform_1(%arg0: i32) -> (i32, i32) {
    %c0_i32 = arith.constant 0 : i32
    %c0_i32_0 = arith.constant 0 : i32
    return %arg0, %c0_i32 : i32, i32
  }
  func.func @transform_2(%arg0: i32) -> (i32, i32) {
    %c0_i32 = arith.constant 0 : i32
    %c0_i32_0 = arith.constant 0 : i32
    return %arg0, %c0_i32 : i32, i32
  }
  func.func @transform_3(%arg0: i32) -> (i32, i32) {
    %c0_i32 = arith.constant 0 : i32
    %c0_i32_0 = arith.constant 0 : i32
    return %arg0, %c0_i32 : i32, i32
  }
}

module attributes {stable_mosaic.version = 14 : i64} {
  func.func @body(%arg0: i32, %arg1: memref<2x2000x16xf32, #tpu.memory_space<vmem>>, %arg2: memref<2000x16xf32, #tpu.memory_space<vmem>>, %arg3: memref<2000x1xf32, #tpu.memory_space<vmem>>, %arg4: memref<16x64xf32, #tpu.memory_space<vmem>>, %arg5: memref<1x64xf32, #tpu.memory_space<vmem>>, %arg6: memref<1x64xf32, #tpu.memory_space<vmem>>, %arg7: memref<1x64xf32, #tpu.memory_space<vmem>>, %arg8: memref<2000x16xf32, #tpu.memory_space<vmem>>, %arg9: memref<16x64xf32, #tpu.memory_space<vmem>>, %arg10: memref<8x64xf32, #tpu.memory_space<vmem>>, %arg11: memref<16x16xf32, #tpu.memory_space<vmem>>, %arg12: memref<8x16xf32, #tpu.memory_space<vmem>>) attributes {dimension_semantics = [#tpu.dimension_semantics<arbitrary>], iteration_bounds = array<i64: 25>, scalar_prefetch = 0 : i64, scratch_operands = 2 : i64, tpu.core_type = #tpu.core_type<tc>, window_params = [{transform_indices = @transform_0, window_bounds = array<i64: 2, 2000, 16>}, {transform_indices = @transform_1, window_bounds = array<i64: 2000, 16>}, {transform_indices = @transform_2, window_bounds = array<i64: 2000, 1>}, {pipeline_mode = #tpu.pipeline_mode<synchronous>, transform_indices = @transform_3, window_bounds = array<i64: 16, 64>}, {pipeline_mode = #tpu.pipeline_mode<synchronous>, transform_indices = @transform_4, window_bounds = array<i64: 1, 64>}, {pipeline_mode = #tpu.pipeline_mode<synchronous>, transform_indices = @transform_5, window_bounds = array<i64: 1, 64>}, {pipeline_mode = #tpu.pipeline_mode<synchronous>, transform_indices = @transform_6, window_bounds = array<i64: 1, 64>}, {transform_indices = @transform_7, window_bounds = array<i64: 2000, 16>}, {pipeline_mode = #tpu.pipeline_mode<synchronous>, transform_indices = @transform_8, window_bounds = array<i64: 16, 64>}, {pipeline_mode = #tpu.pipeline_mode<synchronous>, transform_indices = @transform_9, window_bounds = array<i64: 8, 64>}]} {
    %get3A = arith.constant 0 : index
    %get3A_0 = arith.constant 0 : index
    %get3A_1 = arith.constant 0 : index
    %get3A_2 = vector.load %arg1[%get3A, %get3A_0, %get3A_1] : memref<2x2000x16xf32, #tpu.memory_space<vmem>>, vector<2x2000x16xf32>
    %slice3A = vector.extract_strided_slice %get3A_2 {offsets = [0, 0, 0], sizes = [1, 2000, 16], strides = [1, 1, 1]} : vector<2x2000x16xf32> to vector<1x2000x16xf32>
    %squeeze3A = vector.shape_cast %slice3A : vector<1x2000x16xf32> to vector<2000x16xf32>
    %slice3A_3 = vector.extract_strided_slice %get3A_2 {offsets = [1, 0, 0], sizes = [1, 2000, 16], strides = [1, 1, 1]} : vector<2x2000x16xf32> to vector<1x2000x16xf32>
    %squeeze3A_4 = vector.shape_cast %slice3A_3 : vector<1x2000x16xf32> to vector<2000x16xf32>
    %add3A = arith.addf %squeeze3A, %squeeze3A_4 : vector<2000x16xf32>
    %get3A_5 = arith.constant 0 : index
    %get3A_6 = arith.constant 0 : index
    %get3A_7 = vector.load %arg2[%get3A_5, %get3A_6] : memref<2000x16xf32, #tpu.memory_space<vmem>>, vector<2000x16xf32>
    %add3A_8 = arith.addf %add3A, %get3A_7 : vector<2000x16xf32>
    %get3A_9 = arith.constant 0 : index
    %get3A_10 = arith.constant 0 : index
    %get3A_11 = vector.load %arg3[%get3A_9, %get3A_10] : memref<2000x1xf32, #tpu.memory_space<vmem>>, vector<2000x1xf32>
    %mul3A = vector.broadcast %get3A_11 : vector<2000x1xf32> to vector<2000x16xf32>
    %mul3A_12 = arith.mulf %add3A_8, %mul3A : vector<2000x16xf32>
    %swap3A = arith.constant 0 : index
    %swap3A_13 = arith.constant 0 : index
    %swap3A_14 = vector.load %arg8[%swap3A, %swap3A_13] : memref<2000x16xf32, #tpu.memory_space<vmem>>, vector<2000x16xf32>
    tpu.vector_store %arg8[%swap3A, %swap3A_13], %mul3A_12 {strides = array<i32>} : memref<2000x16xf32, #tpu.memory_space<vmem>>, vector<2000x16xf32>,
    %dot_general3A = arith.constant dense<0.000000e+00> : vector<16x16xf32>
    %dot_general3A_15 = tpu.matmul %mul3A_12, %mul3A_12, %dot_general3A {dimension_numbers = #tpu.dot_dimension_numbers<[0], [0], [1], [1], [0, 1, 1, 1], [], []>, precision = #tpu.contract_precision<fp32>, transpose_lhs_hint = false} : vector<2000x16xf32>, vector<2000x16xf32>, vector<16x16xf32> -> vector<16x16xf32>
    %reduce_sum3A = arith.constant dense<0.000000e+00> : vector<16xf32>
    %reduce_sum3A_16 = vector.multi_reduction <add>, %mul3A_12, %reduce_sum3A [0] : vector<2000x16xf32> to vector<16xf32>
    %broadcast_in_dim3A = vector.shape_cast %reduce_sum3A_16 : vector<16xf32> to vector<1x16xf32>
    %broadcast_in_dim3A_17 = vector.shape_cast %broadcast_in_dim3A : vector<1x16xf32> to vector<1x16xf32>
    %broadcast_in_dim3A_18 = vector.broadcast %broadcast_in_dim3A_17 : vector<1x16xf32> to vector<8x16xf32>
    %eq3A = arith.constant 0 : i32
    %eq3A_19 = arith.cmpi eq, %arg0, %eq3A : i32
    %convert_element_type3A = arith.extui %eq3A_19 : i1 to i32
    %cond3A = arith.constant 0 : i32
    %cond3A_20 = arith.cmpi ne, %convert_element_type3A, %cond3A : i32
    scf.if %cond3A_20 {
      %swap3A_30 = arith.constant 0 : index
      %swap3A_31 = arith.constant 0 : index
      %swap3A_32 = vector.load %arg11[%swap3A_30, %swap3A_31] : memref<16x16xf32, #tpu.memory_space<vmem>>, vector<16x16xf32>
      tpu.vector_store %arg11[%swap3A_30, %swap3A_31], %dot_general3A_15 {strides = array<i32>} : memref<16x16xf32, #tpu.memory_space<vmem>>, vector<16x16xf32>,
      %swap3A_33 = arith.constant 0 : index
      %swap3A_34 = arith.constant 0 : index
      %swap3A_35 = vector.load %arg12[%swap3A_33, %swap3A_34] : memref<8x16xf32, #tpu.memory_space<vmem>>, vector<8x16xf32>
      tpu.vector_store %arg12[%swap3A_33, %swap3A_34], %broadcast_in_dim3A_18 {strides = array<i32>} : memref<8x16xf32, #tpu.memory_space<vmem>>, vector<8x16xf32>,
    } else {
    }
    %gt3A = arith.constant 0 : i32
    %gt3A_21 = arith.cmpi sgt, %arg0, %gt3A : i32
    %convert_element_type3A_22 = arith.extui %gt3A_21 : i1 to i32
    %cond3A_23 = arith.constant 0 : i32
    %cond3A_24 = arith.cmpi ne, %convert_element_type3A_22, %cond3A_23 : i32
    scf.if %cond3A_24 {
      %get3A_30 = arith.constant 0 : index
      %get3A_31 = arith.constant 0 : index
      %get3A_32 = vector.load %arg11[%get3A_30, %get3A_31] : memref<16x16xf32, #tpu.memory_space<vmem>>, vector<16x16xf32>
      %add3A_33 = arith.addf %get3A_32, %dot_general3A_15 : vector<16x16xf32>
      %swap3A_34 = arith.constant 0 : index
      %swap3A_35 = arith.constant 0 : index
      %swap3A_36 = vector.load %arg11[%swap3A_34, %swap3A_35] : memref<16x16xf32, #tpu.memory_space<vmem>>, vector<16x16xf32>
      tpu.vector_store %arg11[%swap3A_34, %swap3A_35], %add3A_33 {strides = array<i32>} : memref<16x16xf32, #tpu.memory_space<vmem>>, vector<16x16xf32>,
      %get3A_37 = arith.constant 0 : index
      %get3A_38 = arith.constant 0 : index
      %get3A_39 = vector.load %arg12[%get3A_37, %get3A_38] : memref<8x16xf32, #tpu.memory_space<vmem>>, vector<8x16xf32>
      %add3A_40 = arith.addf %get3A_39, %broadcast_in_dim3A_18 : vector<8x16xf32>
      %swap3A_41 = arith.constant 0 : index
      %swap3A_42 = arith.constant 0 : index
      %swap3A_43 = vector.load %arg12[%swap3A_41, %swap3A_42] : memref<8x16xf32, #tpu.memory_space<vmem>>, vector<8x16xf32>
      tpu.vector_store %arg12[%swap3A_41, %swap3A_42], %add3A_40 {strides = array<i32>} : memref<8x16xf32, #tpu.memory_space<vmem>>, vector<8x16xf32>,
    } else {
    }
    %eq3A_25 = arith.constant 24 : i32
    %eq3A_26 = arith.cmpi eq, %arg0, %eq3A_25 : i32
    %convert_element_type3A_27 = arith.extui %eq3A_26 : i1 to i32
    %cond3A_28 = arith.constant 0 : i32
    %cond3A_29 = arith.cmpi ne, %convert_element_type3A_27, %cond3A_28 : i32
    scf.if %cond3A_29 {
      %get3A_30 = arith.constant 0 : index
      %get3A_31 = arith.constant 0 : index
      %get3A_32 = vector.load %arg11[%get3A_30, %get3A_31] : memref<16x16xf32, #tpu.memory_space<vmem>>, vector<16x16xf32>
      %get3A_33 = arith.constant 0 : index
      %get3A_34 = arith.constant 0 : index
      %get3A_35 = vector.load %arg12[%get3A_33, %get3A_34] : memref<8x16xf32, #tpu.memory_space<vmem>>, vector<8x16xf32>
      %get3A_36 = arith.constant 0 : index
      %get3A_37 = arith.constant 0 : index
      %get3A_38 = vector.load %arg4[%get3A_36, %get3A_37] : memref<16x64xf32, #tpu.memory_space<vmem>>, vector<16x64xf32>
      %get3A_39 = arith.constant 0 : index
      %get3A_40 = arith.constant 0 : index
      %get3A_41 = vector.load %arg5[%get3A_39, %get3A_40] : memref<1x64xf32, #tpu.memory_space<vmem>>, vector<1x64xf32>
      %get3A_42 = arith.constant 0 : index
      %get3A_43 = arith.constant 0 : index
      %get3A_44 = vector.load %arg6[%get3A_42, %get3A_43] : memref<1x64xf32, #tpu.memory_space<vmem>>, vector<1x64xf32>
      %get3A_45 = arith.constant 0 : index
      %get3A_46 = arith.constant 0 : index
      %get3A_47 = vector.load %arg7[%get3A_45, %get3A_46] : memref<1x64xf32, #tpu.memory_space<vmem>>, vector<1x64xf32>
      %slice3A_48 = vector.extract_strided_slice %get3A_35 {offsets = [0, 0], sizes = [1, 16], strides = [1, 1]} : vector<8x16xf32> to vector<1x16xf32>
      %div3A = arith.constant 5.000000e+04 : f32
      %div3A_49 = vector.broadcast %div3A : f32 to vector<1x16xf32>
      %div3A_50 = arith.divf %slice3A_48, %div3A_49 : vector<1x16xf32>
      %dot_general3A_51 = arith.constant dense<0.000000e+00> : vector<16x16xf32>
      %dot_general3A_52 = tpu.matmul %div3A_50, %div3A_50, %dot_general3A_51 {dimension_numbers = #tpu.dot_dimension_numbers<[0], [0], [1], [1], [0, 1, 1, 1], [], []>, precision = #tpu.contract_precision<fp32>, transpose_lhs_hint = false} : vector<1x16xf32>, vector<1x16xf32>, vector<16x16xf32> -> vector<16x16xf32>
      %div3A_53 = arith.constant 5.000000e+04 : f32
      %div3A_54 = vector.broadcast %div3A_53 : f32 to vector<16x16xf32>
      %div3A_55 = arith.divf %get3A_32, %div3A_54 : vector<16x16xf32>
      %sub3A = arith.subf %div3A_55, %dot_general3A_52 : vector<16x16xf32>
      %dot_general3A_56 = arith.constant dense<0.000000e+00> : vector<1x64xf32>
      %dot_general3A_57 = tpu.matmul %div3A_50, %get3A_38, %dot_general3A_56 {dimension_numbers = #tpu.dot_dimension_numbers<[1], [0], [0], [1], [0, 0, 1, 1], [], []>, precision = #tpu.contract_precision<fp32>, transpose_lhs_hint = false} : vector<1x16xf32>, vector<16x64xf32>, vector<1x64xf32> -> vector<1x64xf32>
      %add3A_58 = arith.addf %dot_general3A_57, %get3A_41 : vector<1x64xf32>
      %dot_general3A_59 = arith.constant dense<0.000000e+00> : vector<16x64xf32>
      %dot_general3A_60 = tpu.matmul %sub3A, %get3A_38, %dot_general3A_59 {dimension_numbers = #tpu.dot_dimension_numbers<[1], [0], [0], [1], [0, 0, 1, 1], [], []>, precision = #tpu.contract_precision<fp32>, transpose_lhs_hint = false} : vector<16x16xf32>, vector<16x64xf32>, vector<16x64xf32> -> vector<16x64xf32>
      %mul3A_61 = arith.mulf %get3A_38, %dot_general3A_60 : vector<16x64xf32>
      %reduce_sum3A_62 = arith.constant dense<0.000000e+00> : vector<64xf32>
      %reduce_sum3A_63 = vector.multi_reduction <add>, %mul3A_61, %reduce_sum3A_62 [0] : vector<16x64xf32> to vector<64xf32>
      %broadcast_in_dim3A_64 = vector.shape_cast %reduce_sum3A_63 : vector<64xf32> to vector<1x64xf32>
      %add3A_65 = arith.constant 9.99999974E-6 : f32
      %add3A_66 = vector.broadcast %add3A_65 : f32 to vector<1x64xf32>
      %add3A_67 = arith.addf %broadcast_in_dim3A_64, %add3A_66 : vector<1x64xf32>
      %rsqrt3A = math.rsqrt %add3A_67 : vector<1x64xf32>
      %mul3A_68 = arith.mulf %get3A_44, %rsqrt3A : vector<1x64xf32>
      %mul3A_69 = vector.broadcast %mul3A_68 : vector<1x64xf32> to vector<16x64xf32>
      %mul3A_70 = arith.mulf %get3A_38, %mul3A_69 : vector<16x64xf32>
      %sub3A_71 = arith.subf %get3A_41, %add3A_58 : vector<1x64xf32>
      %mul3A_72 = arith.mulf %sub3A_71, %mul3A_68 : vector<1x64xf32>
      %add3A_73 = arith.addf %mul3A_72, %get3A_47 : vector<1x64xf32>
      %swap3A_74 = arith.constant 0 : index
      %swap3A_75 = arith.constant 0 : index
      %swap3A_76 = vector.load %arg9[%swap3A_74, %swap3A_75] : memref<16x64xf32, #tpu.memory_space<vmem>>, vector<16x64xf32>
      tpu.vector_store %arg9[%swap3A_74, %swap3A_75], %mul3A_70 {strides = array<i32>} : memref<16x64xf32, #tpu.memory_space<vmem>>, vector<16x64xf32>,
      %broadcast_in_dim3A_77 = vector.shape_cast %add3A_73 : vector<1x64xf32> to vector<1x64xf32>
      %broadcast_in_dim3A_78 = vector.broadcast %broadcast_in_dim3A_77 : vector<1x64xf32> to vector<8x64xf32>
      %swap3A_79 = arith.constant 0 : index
      %swap3A_80 = arith.constant 0 : index
      %swap3A_81 = vector.load %arg10[%swap3A_79, %swap3A_80] : memref<8x64xf32, #tpu.memory_space<vmem>>, vector<8x64xf32>
      tpu.vector_store %arg10[%swap3A_79, %swap3A_80], %broadcast_in_dim3A_78 {strides = array<i32>} : memref<8x64xf32, #tpu.memory_space<vmem>>, vector<8x64xf32>,
    } else {
    }
    return
  }
  func.func @transform_0(%arg0: i32) -> (i32, i32, i32) {
    %c0_i32 = arith.constant 0 : i32
    %c0_i32_0 = arith.constant 0 : i32
    %c0_i32_1 = arith.constant 0 : i32
    return %c0_i32, %arg0, %c0_i32_0 : i32, i32, i32
  }
  func.func @transform_1(%arg0: i32) -> (i32, i32) {
    %c0_i32 = arith.constant 0 : i32
    %c0_i32_0 = arith.constant 0 : i32
    return %arg0, %c0_i32 : i32, i32
  }
  func.func @transform_2(%arg0: i32) -> (i32, i32) {
    %c0_i32 = arith.constant 0 : i32
    %c0_i32_0 = arith.constant 0 : i32
    return %arg0, %c0_i32 : i32, i32
  }
  func.func @transform_3(%arg0: i32) -> (i32, i32) {
    %c0_i32 = arith.constant 0 : i32
    %c0_i32_0 = arith.constant 0 : i32
    %c0_i32_1 = arith.constant 0 : i32
    return %c0_i32, %c0_i32_0 : i32, i32
  }
  func.func @transform_4(%arg0: i32) -> (i32, i32) {
    %c0_i32 = arith.constant 0 : i32
    %c0_i32_0 = arith.constant 0 : i32
    %c0_i32_1 = arith.constant 0 : i32
    return %c0_i32, %c0_i32_0 : i32, i32
  }
  func.func @transform_5(%arg0: i32) -> (i32, i32) {
    %c0_i32 = arith.constant 0 : i32
    %c0_i32_0 = arith.constant 0 : i32
    %c0_i32_1 = arith.constant 0 : i32
    return %c0_i32, %c0_i32_0 : i32, i32
  }
  func.func @transform_6(%arg0: i32) -> (i32, i32) {
    %c0_i32 = arith.constant 0 : i32
    %c0_i32_0 = arith.constant 0 : i32
    %c0_i32_1 = arith.constant 0 : i32
    return %c0_i32, %c0_i32_0 : i32, i32
  }
  func.func @transform_7(%arg0: i32) -> (i32, i32) {
    %c0_i32 = arith.constant 0 : i32
    %c0_i32_0 = arith.constant 0 : i32
    return %arg0, %c0_i32 : i32, i32
  }
  func.func @transform_8(%arg0: i32) -> (i32, i32) {
    %c0_i32 = arith.constant 0 : i32
    %c0_i32_0 = arith.constant 0 : i32
    %c0_i32_1 = arith.constant 0 : i32
    return %c0_i32, %c0_i32_0 : i32, i32
  }
  func.func @transform_9(%arg0: i32) -> (i32, i32) {
    %c0_i32 = arith.constant 0 : i32
    %c0_i32_0 = arith.constant 0 : i32
    %c0_i32_1 = arith.constant 0 : i32
    return %c0_i32, %c0_i32_0 : i32, i32
  }
}

module attributes {stable_mosaic.version = 14 : i64} {
  func.func @body(%arg0: i32, %arg1: i32, %arg2: memref<2000x16xf32, #tpu.memory_space<vmem>>, %arg3: memref<2000x1xf32, #tpu.memory_space<vmem>>, %arg4: memref<16x64xf32, #tpu.memory_space<vmem>>, %arg5: memref<8x64xf32, #tpu.memory_space<vmem>>, %arg6: memref<1x2000x32xf32, #tpu.memory_space<vmem>>) attributes {dimension_semantics = [#tpu.dimension_semantics<arbitrary>, #tpu.dimension_semantics<arbitrary>], iteration_bounds = array<i64: 2, 25>, scalar_prefetch = 0 : i64, scratch_operands = 0 : i64, tpu.core_type = #tpu.core_type<tc>, window_params = [{transform_indices = @transform_0, window_bounds = array<i64: 2000, 16>}, {transform_indices = @transform_1, window_bounds = array<i64: 2000, 1>}, {pipeline_mode = #tpu.pipeline_mode<synchronous>, transform_indices = @transform_2, window_bounds = array<i64: 16, 64>}, {pipeline_mode = #tpu.pipeline_mode<synchronous>, transform_indices = @transform_3, window_bounds = array<i64: 8, 64>}, {transform_indices = @transform_4, window_bounds = array<i64: 1, 2000, 32>}]} {
    %get3A = arith.constant 0 : index
    %get3A_0 = arith.constant 0 : index
    %get3A_1 = vector.load %arg2[%get3A, %get3A_0] : memref<2000x16xf32, #tpu.memory_space<vmem>>, vector<2000x16xf32>
    %get3A_2 = arith.constant 0 : index
    %get3A_3 = arith.constant 0 : index
    %get3A_4 = vector.load %arg4[%get3A_2, %get3A_3] : memref<16x64xf32, #tpu.memory_space<vmem>>, vector<16x64xf32>
    %dot_general3A = arith.constant dense<0.000000e+00> : vector<2000x64xf32>
    %dot_general3A_5 = tpu.matmul %get3A_1, %get3A_4, %dot_general3A {dimension_numbers = #tpu.dot_dimension_numbers<[1], [0], [0], [1], [0, 0, 1, 1], [], []>, precision = #tpu.contract_precision<fp32>, transpose_lhs_hint = false} : vector<2000x16xf32>, vector<16x64xf32>, vector<2000x64xf32> -> vector<2000x64xf32>
    %get3A_6 = arith.constant 0 : index
    %get3A_7 = arith.constant 0 : index
    %get3A_8 = vector.load %arg5[%get3A_6, %get3A_7] : memref<8x64xf32, #tpu.memory_space<vmem>>, vector<1x64xf32>
    %add3A = vector.broadcast %get3A_8 : vector<1x64xf32> to vector<2000x64xf32>
    %add3A_9 = arith.addf %dot_general3A_5, %add3A : vector<2000x64xf32>
    %max3A = arith.constant 0.000000e+00 : f32
    %max3A_10 = vector.broadcast %max3A : f32 to vector<2000x64xf32>
    %max3A_11 = arith.maximumf %add3A_9, %max3A_10 : vector<2000x64xf32>
    %get3A_12 = arith.constant 0 : index
    %get3A_13 = arith.constant 0 : index
    %get3A_14 = vector.load %arg3[%get3A_12, %get3A_13] : memref<2000x1xf32, #tpu.memory_space<vmem>>, vector<2000x1xf32>
    %mul3A = vector.broadcast %get3A_14 : vector<2000x1xf32> to vector<2000x64xf32>
    %mul3A_15 = arith.mulf %max3A_11, %mul3A : vector<2000x64xf32>
    %eq3A = arith.constant 0 : i32
    %eq3A_16 = arith.cmpi eq, %arg0, %eq3A : i32
    %convert_element_type3A = arith.extui %eq3A_16 : i1 to i32
    %cond3A = arith.constant 0 : i32
    %cond3A_17 = arith.cmpi ne, %convert_element_type3A, %cond3A : i32
    scf.if %cond3A_17 {
      %slice3A = vector.extract_strided_slice %mul3A_15 {offsets = [0, 0], sizes = [2000, 32], strides = [1, 1]} : vector<2000x64xf32> to vector<2000x32xf32>
      %reshape3A = vector.shape_cast %slice3A : vector<2000x32xf32> to vector<1x2000x32xf32>
      %swap3A = arith.constant 0 : index
      %swap3A_23 = arith.constant 0 : index
      %swap3A_24 = arith.constant 0 : index
      %swap3A_25 = vector.load %arg6[%swap3A, %swap3A_23, %swap3A_24] : memref<1x2000x32xf32, #tpu.memory_space<vmem>>, vector<1x2000x32xf32>
      tpu.vector_store %arg6[%swap3A, %swap3A_23, %swap3A_24], %reshape3A {strides = array<i32>} : memref<1x2000x32xf32, #tpu.memory_space<vmem>>, vector<1x2000x32xf32>,
    } else {
    }
    %eq3A_18 = arith.constant 1 : i32
    %eq3A_19 = arith.cmpi eq, %arg0, %eq3A_18 : i32
    %convert_element_type3A_20 = arith.extui %eq3A_19 : i1 to i32
    %cond3A_21 = arith.constant 0 : i32
    %cond3A_22 = arith.cmpi ne, %convert_element_type3A_20, %cond3A_21 : i32
    scf.if %cond3A_22 {
      %slice3A = vector.extract_strided_slice %mul3A_15 {offsets = [0, 32], sizes = [2000, 32], strides = [1, 1]} : vector<2000x64xf32> to vector<2000x32xf32>
      %reshape3A = vector.shape_cast %slice3A : vector<2000x32xf32> to vector<1x2000x32xf32>
      %swap3A = arith.constant 0 : index
      %swap3A_23 = arith.constant 0 : index
      %swap3A_24 = arith.constant 0 : index
      %swap3A_25 = vector.load %arg6[%swap3A, %swap3A_23, %swap3A_24] : memref<1x2000x32xf32, #tpu.memory_space<vmem>>, vector<1x2000x32xf32>
      tpu.vector_store %arg6[%swap3A, %swap3A_23, %swap3A_24], %reshape3A {strides = array<i32>} : memref<1x2000x32xf32, #tpu.memory_space<vmem>>, vector<1x2000x32xf32>,
    } else {
    }
    return
  }
  func.func @transform_0(%arg0: i32, %arg1: i32) -> (i32, i32) {
    %c0_i32 = arith.constant 0 : i32
    %c0_i32_0 = arith.constant 0 : i32
    return %arg1, %c0_i32 : i32, i32
  }
  func.func @transform_1(%arg0: i32, %arg1: i32) -> (i32, i32) {
    %c0_i32 = arith.constant 0 : i32
    %c0_i32_0 = arith.constant 0 : i32
    return %arg1, %c0_i32 : i32, i32
  }
  func.func @transform_2(%arg0: i32, %arg1: i32) -> (i32, i32) {
    %c0_i32 = arith.constant 0 : i32
    %c0_i32_0 = arith.constant 0 : i32
    %c0_i32_1 = arith.constant 0 : i32
    return %c0_i32, %c0_i32_0 : i32, i32
  }
  func.func @transform_3(%arg0: i32, %arg1: i32) -> (i32, i32) {
    %c0_i32 = arith.constant 0 : i32
    %c0_i32_0 = arith.constant 0 : i32
    %c0_i32_1 = arith.constant 0 : i32
    return %c0_i32, %c0_i32_0 : i32, i32
  }
  func.func @transform_4(%arg0: i32, %arg1: i32) -> (i32, i32, i32) {
    %c0_i32 = arith.constant 0 : i32
    %c0_i32_0 = arith.constant 0 : i32
    return %arg0, %arg1, %c0_i32 : i32, i32, i32
  }
}

module attributes {stable_mosaic.version = 14 : i64} {
  func.func @body(%arg0: i32, %arg1: memref<2x2000x32xf32, #tpu.memory_space<vmem>>, %arg2: memref<2x2000x32xf32, #tpu.memory_space<vmem>>, %arg3: memref<2000x1xf32, #tpu.memory_space<vmem>>, %arg4: memref<64x64xf32, #tpu.memory_space<vmem>>, %arg5: memref<1x64xf32, #tpu.memory_space<vmem>>, %arg6: memref<1x64xf32, #tpu.memory_space<vmem>>, %arg7: memref<1x64xf32, #tpu.memory_space<vmem>>, %arg8: memref<128x16xf32, #tpu.memory_space<vmem>>, %arg9: memref<16x64xf32, #tpu.memory_space<vmem>>, %arg10: memref<1x64xf32, #tpu.memory_space<vmem>>, %arg11: memref<64x64xf32, #tpu.memory_space<vmem>>, %arg12: memref<2000x64xf32, #tpu.memory_space<vmem>>, %arg13: memref<64x64xf32, #tpu.memory_space<vmem>>, %arg14: memref<8x64xf32, #tpu.memory_space<vmem>>, %arg15: memref<128x64xf32, #tpu.memory_space<vmem>>, %arg16: memref<64x64xf32, #tpu.memory_space<vmem>>, %arg17: memref<8x64xf32, #tpu.memory_space<vmem>>) attributes {dimension_semantics = [#tpu.dimension_semantics<arbitrary>], iteration_bounds = array<i64: 25>, scalar_prefetch = 0 : i64, scratch_operands = 2 : i64, tpu.core_type = #tpu.core_type<tc>, window_params = [{transform_indices = @transform_0, window_bounds = array<i64: 2, 2000, 32>}, {transform_indices = @transform_1, window_bounds = array<i64: 2, 2000, 32>}, {transform_indices = @transform_2, window_bounds = array<i64: 2000, 1>}, {pipeline_mode = #tpu.pipeline_mode<synchronous>, transform_indices = @transform_3, window_bounds = array<i64: 64, 64>}, {pipeline_mode = #tpu.pipeline_mode<synchronous>, transform_indices = @transform_4, window_bounds = array<i64: 1, 64>}, {pipeline_mode = #tpu.pipeline_mode<synchronous>, transform_indices = @transform_5, window_bounds = array<i64: 1, 64>}, {pipeline_mode = #tpu.pipeline_mode<synchronous>, transform_indices = @transform_6, window_bounds = array<i64: 1, 64>}, {pipeline_mode = #tpu.pipeline_mode<synchronous>, transform_indices = @transform_7, window_bounds = array<i64: 128, 16>}, {pipeline_mode = #tpu.pipeline_mode<synchronous>, transform_indices = @transform_8, window_bounds = array<i64: 16, 64>}, {pipeline_mode = #tpu.pipeline_mode<synchronous>, transform_indices = @transform_9, window_bounds = array<i64: 1, 64>}, {pipeline_mode = #tpu.pipeline_mode<synchronous>, transform_indices = @transform_10, window_bounds = array<i64: 64, 64>}, {transform_indices = @transform_11, window_bounds = array<i64: 2000, 64>}, {pipeline_mode = #tpu.pipeline_mode<synchronous>, transform_indices = @transform_12, window_bounds = array<i64: 64, 64>}, {pipeline_mode = #tpu.pipeline_mode<synchronous>, transform_indices = @transform_13, window_bounds = array<i64: 8, 64>}, {pipeline_mode = #tpu.pipeline_mode<synchronous>, transform_indices = @transform_14, window_bounds = array<i64: 128, 64>}]} {
    %get3A = arith.constant 0 : index
    %get3A_0 = arith.constant 0 : index
    %get3A_1 = arith.constant 0 : index
    %get3A_2 = vector.load %arg1[%get3A, %get3A_0, %get3A_1] : memref<2x2000x32xf32, #tpu.memory_space<vmem>>, vector<2x2000x32xf32>
    %get3A_3 = arith.constant 0 : index
    %get3A_4 = arith.constant 0 : index
    %get3A_5 = arith.constant 0 : index
    %get3A_6 = vector.load %arg2[%get3A_3, %get3A_4, %get3A_5] : memref<2x2000x32xf32, #tpu.memory_space<vmem>>, vector<2x2000x32xf32>
    %add3A = arith.addf %get3A_2, %get3A_6 : vector<2x2000x32xf32>
    %slice3A = vector.extract_strided_slice %add3A {offsets = [0, 0, 0], sizes = [1, 2000, 32], strides = [1, 1, 1]} : vector<2x2000x32xf32> to vector<1x2000x32xf32>
    %squeeze3A = vector.shape_cast %slice3A : vector<1x2000x32xf32> to vector<2000x32xf32>
    %slice3A_7 = vector.extract_strided_slice %add3A {offsets = [1, 0, 0], sizes = [1, 2000, 32], strides = [1, 1, 1]} : vector<2x2000x32xf32> to vector<1x2000x32xf32>
    %squeeze3A_8 = vector.shape_cast %slice3A_7 : vector<1x2000x32xf32> to vector<2000x32xf32>
    %concatenate3A = tpu.concatenate %squeeze3A, %squeeze3A_8 in 1 : vector<2000x32xf32>, vector<2000x32xf32> -> vector<2000x64xf32>
    %get3A_9 = arith.constant 0 : index
    %get3A_10 = arith.constant 0 : index
    %get3A_11 = vector.load %arg3[%get3A_9, %get3A_10] : memref<2000x1xf32, #tpu.memory_space<vmem>>, vector<2000x1xf32>
    %mul3A = vector.broadcast %get3A_11 : vector<2000x1xf32> to vector<2000x64xf32>
    %mul3A_12 = arith.mulf %concatenate3A, %mul3A : vector<2000x64xf32>
    %swap3A = arith.constant 0 : index
    %swap3A_13 = arith.constant 0 : index
    %swap3A_14 = vector.load %arg12[%swap3A, %swap3A_13] : memref<2000x64xf32, #tpu.memory_space<vmem>>, vector<2000x64xf32>
    tpu.vector_store %arg12[%swap3A, %swap3A_13], %mul3A_12 {strides = array<i32>} : memref<2000x64xf32, #tpu.memory_space<vmem>>, vector<2000x64xf32>,
    %dot_general3A = arith.constant dense<0.000000e+00> : vector<64x64xf32>
    %dot_general3A_15 = tpu.matmul %mul3A_12, %mul3A_12, %dot_general3A {dimension_numbers = #tpu.dot_dimension_numbers<[0], [0], [1], [1], [0, 1, 1, 1], [], []>, precision = #tpu.contract_precision<fp32>, transpose_lhs_hint = false} : vector<2000x64xf32>, vector<2000x64xf32>, vector<64x64xf32> -> vector<64x64xf32>
    %reduce_sum3A = arith.constant dense<0.000000e+00> : vector<64xf32>
    %reduce_sum3A_16 = vector.multi_reduction <add>, %mul3A_12, %reduce_sum3A [0] : vector<2000x64xf32> to vector<64xf32>
    %broadcast_in_dim3A = vector.shape_cast %reduce_sum3A_16 : vector<64xf32> to vector<1x64xf32>
    %broadcast_in_dim3A_17 = vector.shape_cast %broadcast_in_dim3A : vector<1x64xf32> to vector<1x64xf32>
    %broadcast_in_dim3A_18 = vector.broadcast %broadcast_in_dim3A_17 : vector<1x64xf32> to vector<8x64xf32>
    %eq3A = arith.constant 0 : i32
    %eq3A_19 = arith.cmpi eq, %arg0, %eq3A : i32
    %convert_element_type3A = arith.extui %eq3A_19 : i1 to i32
    %cond3A = arith.constant 0 : i32
    %cond3A_20 = arith.cmpi ne, %convert_element_type3A, %cond3A : i32
    scf.if %cond3A_20 {
      %swap3A_30 = arith.constant 0 : index
      %swap3A_31 = arith.constant 0 : index
      %swap3A_32 = vector.load %arg16[%swap3A_30, %swap3A_31] : memref<64x64xf32, #tpu.memory_space<vmem>>, vector<64x64xf32>
      tpu.vector_store %arg16[%swap3A_30, %swap3A_31], %dot_general3A_15 {strides = array<i32>} : memref<64x64xf32, #tpu.memory_space<vmem>>, vector<64x64xf32>,
      %swap3A_33 = arith.constant 0 : index
      %swap3A_34 = arith.constant 0 : index
      %swap3A_35 = vector.load %arg17[%swap3A_33, %swap3A_34] : memref<8x64xf32, #tpu.memory_space<vmem>>, vector<8x64xf32>
      tpu.vector_store %arg17[%swap3A_33, %swap3A_34], %broadcast_in_dim3A_18 {strides = array<i32>} : memref<8x64xf32, #tpu.memory_space<vmem>>, vector<8x64xf32>,
    } else {
    }
    %gt3A = arith.constant 0 : i32
    %gt3A_21 = arith.cmpi sgt, %arg0, %gt3A : i32
    %convert_element_type3A_22 = arith.extui %gt3A_21 : i1 to i32
    %cond3A_23 = arith.constant 0 : i32
    %cond3A_24 = arith.cmpi ne, %convert_element_type3A_22, %cond3A_23 : i32
    scf.if %cond3A_24 {
      %get3A_30 = arith.constant 0 : index
      %get3A_31 = arith.constant 0 : index
      %get3A_32 = vector.load %arg16[%get3A_30, %get3A_31] : memref<64x64xf32, #tpu.memory_space<vmem>>, vector<64x64xf32>
      %add3A_33 = arith.addf %get3A_32, %dot_general3A_15 : vector<64x64xf32>
      %swap3A_34 = arith.constant 0 : index
      %swap3A_35 = arith.constant 0 : index
      %swap3A_36 = vector.load %arg16[%swap3A_34, %swap3A_35] : memref<64x64xf32, #tpu.memory_space<vmem>>, vector<64x64xf32>
      tpu.vector_store %arg16[%swap3A_34, %swap3A_35], %add3A_33 {strides = array<i32>} : memref<64x64xf32, #tpu.memory_space<vmem>>, vector<64x64xf32>,
      %get3A_37 = arith.constant 0 : index
      %get3A_38 = arith.constant 0 : index
      %get3A_39 = vector.load %arg17[%get3A_37, %get3A_38] : memref<8x64xf32, #tpu.memory_space<vmem>>, vector<8x64xf32>
      %add3A_40 = arith.addf %get3A_39, %broadcast_in_dim3A_18 : vector<8x64xf32>
      %swap3A_41 = arith.constant 0 : index
      %swap3A_42 = arith.constant 0 : index
      %swap3A_43 = vector.load %arg17[%swap3A_41, %swap3A_42] : memref<8x64xf32, #tpu.memory_space<vmem>>, vector<8x64xf32>
      tpu.vector_store %arg17[%swap3A_41, %swap3A_42], %add3A_40 {strides = array<i32>} : memref<8x64xf32, #tpu.memory_space<vmem>>, vector<8x64xf32>,
    } else {
    }
    %eq3A_25 = arith.constant 24 : i32
    %eq3A_26 = arith.cmpi eq, %arg0, %eq3A_25 : i32
    %convert_element_type3A_27 = arith.extui %eq3A_26 : i1 to i32
    %cond3A_28 = arith.constant 0 : i32
    %cond3A_29 = arith.cmpi ne, %convert_element_type3A_27, %cond3A_28 : i32
    scf.if %cond3A_29 {
      %get3A_30 = arith.constant 0 : index
      %get3A_31 = arith.constant 0 : index
      %get3A_32 = vector.load %arg16[%get3A_30, %get3A_31] : memref<64x64xf32, #tpu.memory_space<vmem>>, vector<64x64xf32>
      %get3A_33 = arith.constant 0 : index
      %get3A_34 = arith.constant 0 : index
      %get3A_35 = vector.load %arg17[%get3A_33, %get3A_34] : memref<8x64xf32, #tpu.memory_space<vmem>>, vector<8x64xf32>
      %get3A_36 = arith.constant 0 : index
      %get3A_37 = arith.constant 0 : index
      %get3A_38 = vector.load %arg4[%get3A_36, %get3A_37] : memref<64x64xf32, #tpu.memory_space<vmem>>, vector<64x64xf32>
      %get3A_39 = arith.constant 0 : index
      %get3A_40 = arith.constant 0 : index
      %get3A_41 = vector.load %arg5[%get3A_39, %get3A_40] : memref<1x64xf32, #tpu.memory_space<vmem>>, vector<1x64xf32>
      %get3A_42 = arith.constant 0 : index
      %get3A_43 = arith.constant 0 : index
      %get3A_44 = vector.load %arg6[%get3A_42, %get3A_43] : memref<1x64xf32, #tpu.memory_space<vmem>>, vector<1x64xf32>
      %get3A_45 = arith.constant 0 : index
      %get3A_46 = arith.constant 0 : index
      %get3A_47 = vector.load %arg7[%get3A_45, %get3A_46] : memref<1x64xf32, #tpu.memory_space<vmem>>, vector<1x64xf32>
      %slice3A_48 = vector.extract_strided_slice %get3A_35 {offsets = [0, 0], sizes = [1, 64], strides = [1, 1]} : vector<8x64xf32> to vector<1x64xf32>
      %div3A = arith.constant 5.000000e+04 : f32
      %div3A_49 = vector.broadcast %div3A : f32 to vector<1x64xf32>
      %div3A_50 = arith.divf %slice3A_48, %div3A_49 : vector<1x64xf32>
      %dot_general3A_51 = arith.constant dense<0.000000e+00> : vector<64x64xf32>
      %dot_general3A_52 = tpu.matmul %div3A_50, %div3A_50, %dot_general3A_51 {dimension_numbers = #tpu.dot_dimension_numbers<[0], [0], [1], [1], [0, 1, 1, 1], [], []>, precision = #tpu.contract_precision<fp32>, transpose_lhs_hint = false} : vector<1x64xf32>, vector<1x64xf32>, vector<64x64xf32> -> vector<64x64xf32>
      %div3A_53 = arith.constant 5.000000e+04 : f32
      %div3A_54 = vector.broadcast %div3A_53 : f32 to vector<64x64xf32>
      %div3A_55 = arith.divf %get3A_32, %div3A_54 : vector<64x64xf32>
      %sub3A = arith.subf %div3A_55, %dot_general3A_52 : vector<64x64xf32>
      %dot_general3A_56 = arith.constant dense<0.000000e+00> : vector<1x64xf32>
      %dot_general3A_57 = tpu.matmul %div3A_50, %get3A_38, %dot_general3A_56 {dimension_numbers = #tpu.dot_dimension_numbers<[1], [0], [0], [1], [0, 0, 1, 1], [], []>, precision = #tpu.contract_precision<fp32>, transpose_lhs_hint = false} : vector<1x64xf32>, vector<64x64xf32>, vector<1x64xf32> -> vector<1x64xf32>
      %add3A_58 = arith.addf %dot_general3A_57, %get3A_41 : vector<1x64xf32>
      %dot_general3A_59 = arith.constant dense<0.000000e+00> : vector<64x64xf32>
      %dot_general3A_60 = tpu.matmul %sub3A, %get3A_38, %dot_general3A_59 {dimension_numbers = #tpu.dot_dimension_numbers<[1], [0], [0], [1], [0, 0, 1, 1], [], []>, precision = #tpu.contract_precision<fp32>, transpose_lhs_hint = false} : vector<64x64xf32>, vector<64x64xf32>, vector<64x64xf32> -> vector<64x64xf32>
      %mul3A_61 = arith.mulf %get3A_38, %dot_general3A_60 : vector<64x64xf32>
      %reduce_sum3A_62 = arith.constant dense<0.000000e+00> : vector<64xf32>
      %reduce_sum3A_63 = vector.multi_reduction <add>, %mul3A_61, %reduce_sum3A_62 [0] : vector<64x64xf32> to vector<64xf32>
      %broadcast_in_dim3A_64 = vector.shape_cast %reduce_sum3A_63 : vector<64xf32> to vector<1x64xf32>
      %add3A_65 = arith.constant 9.99999974E-6 : f32
      %add3A_66 = vector.broadcast %add3A_65 : f32 to vector<1x64xf32>
      %add3A_67 = arith.addf %broadcast_in_dim3A_64, %add3A_66 : vector<1x64xf32>
      %rsqrt3A = math.rsqrt %add3A_67 : vector<1x64xf32>
      %mul3A_68 = arith.mulf %get3A_44, %rsqrt3A : vector<1x64xf32>
      %mul3A_69 = vector.broadcast %mul3A_68 : vector<1x64xf32> to vector<64x64xf32>
      %mul3A_70 = arith.mulf %get3A_38, %mul3A_69 : vector<64x64xf32>
      %sub3A_71 = arith.subf %get3A_41, %add3A_58 : vector<1x64xf32>
      %mul3A_72 = arith.mulf %sub3A_71, %mul3A_68 : vector<1x64xf32>
      %add3A_73 = arith.addf %mul3A_72, %get3A_47 : vector<1x64xf32>
      %swap3A_74 = arith.constant 0 : index
      %swap3A_75 = arith.constant 0 : index
      %swap3A_76 = vector.load %arg13[%swap3A_74, %swap3A_75] : memref<64x64xf32, #tpu.memory_space<vmem>>, vector<64x64xf32>
      tpu.vector_store %arg13[%swap3A_74, %swap3A_75], %mul3A_70 {strides = array<i32>} : memref<64x64xf32, #tpu.memory_space<vmem>>, vector<64x64xf32>,
      %broadcast_in_dim3A_77 = vector.shape_cast %add3A_73 : vector<1x64xf32> to vector<1x64xf32>
      %broadcast_in_dim3A_78 = vector.broadcast %broadcast_in_dim3A_77 : vector<1x64xf32> to vector<8x64xf32>
      %swap3A_79 = arith.constant 0 : index
      %swap3A_80 = arith.constant 0 : index
      %swap3A_81 = vector.load %arg14[%swap3A_79, %swap3A_80] : memref<8x64xf32, #tpu.memory_space<vmem>>, vector<8x64xf32>
      tpu.vector_store %arg14[%swap3A_79, %swap3A_80], %broadcast_in_dim3A_78 {strides = array<i32>} : memref<8x64xf32, #tpu.memory_space<vmem>>, vector<8x64xf32>,
      %get3A_82 = arith.constant 0 : index
      %get3A_83 = arith.constant 0 : index
      %get3A_84 = vector.load %arg8[%get3A_82, %get3A_83] : memref<128x16xf32, #tpu.memory_space<vmem>>, vector<128x16xf32>
      %get3A_85 = arith.constant 0 : index
      %get3A_86 = arith.constant 0 : index
      %get3A_87 = vector.load %arg9[%get3A_85, %get3A_86] : memref<16x64xf32, #tpu.memory_space<vmem>>, vector<16x64xf32>
      %dot_general3A_88 = arith.constant dense<0.000000e+00> : vector<128x64xf32>
      %dot_general3A_89 = tpu.matmul %get3A_84, %get3A_87, %dot_general3A_88 {dimension_numbers = #tpu.dot_dimension_numbers<[1], [0], [0], [1], [0, 0, 1, 1], [], []>, precision = #tpu.contract_precision<fp32>, transpose_lhs_hint = false} : vector<128x16xf32>, vector<16x64xf32>, vector<128x64xf32> -> vector<128x64xf32>
      %get3A_90 = arith.constant 0 : index
      %get3A_91 = arith.constant 0 : index
      %get3A_92 = vector.load %arg10[%get3A_90, %get3A_91] : memref<1x64xf32, #tpu.memory_space<vmem>>, vector<1x64xf32>
      %add3A_93 = vector.broadcast %get3A_92 : vector<1x64xf32> to vector<128x64xf32>
      %add3A_94 = arith.addf %dot_general3A_89, %add3A_93 : vector<128x64xf32>
      %max3A = arith.constant 0.000000e+00 : f32
      %max3A_95 = vector.broadcast %max3A : f32 to vector<128x64xf32>
      %max3A_96 = arith.maximumf %add3A_94, %max3A_95 : vector<128x64xf32>
      %get3A_97 = arith.constant 0 : index
      %get3A_98 = arith.constant 0 : index
      %get3A_99 = vector.load %arg11[%get3A_97, %get3A_98] : memref<64x64xf32, #tpu.memory_space<vmem>>, vector<64x64xf32>
      %dot_general3A_100 = arith.constant dense<0.000000e+00> : vector<128x64xf32>
      %dot_general3A_101 = tpu.matmul %max3A_96, %get3A_99, %dot_general3A_100 {dimension_numbers = #tpu.dot_dimension_numbers<[1], [0], [0], [1], [0, 0, 1, 1], [], []>, precision = #tpu.contract_precision<fp32>, transpose_lhs_hint = false} : vector<128x64xf32>, vector<64x64xf32>, vector<128x64xf32> -> vector<128x64xf32>
      %swap3A_102 = arith.constant 0 : index
      %swap3A_103 = arith.constant 0 : index
      %swap3A_104 = vector.load %arg15[%swap3A_102, %swap3A_103] : memref<128x64xf32, #tpu.memory_space<vmem>>, vector<128x64xf32>
      tpu.vector_store %arg15[%swap3A_102, %swap3A_103], %dot_general3A_101 {strides = array<i32>} : memref<128x64xf32, #tpu.memory_space<vmem>>, vector<128x64xf32>,
    } else {
    }
    return
  }
  func.func @transform_0(%arg0: i32) -> (i32, i32, i32) {
    %c0_i32 = arith.constant 0 : i32
    %c0_i32_0 = arith.constant 0 : i32
    %c0_i32_1 = arith.constant 0 : i32
    return %c0_i32, %arg0, %c0_i32_0 : i32, i32, i32
  }
  func.func @transform_1(%arg0: i32) -> (i32, i32, i32) {
    %c0_i32 = arith.constant 0 : i32
    %c0_i32_0 = arith.constant 0 : i32
    %c0_i32_1 = arith.constant 0 : i32
    return %c0_i32, %arg0, %c0_i32_0 : i32, i32, i32
  }
  func.func @transform_2(%arg0: i32) -> (i32, i32) {
    %c0_i32 = arith.constant 0 : i32
    %c0_i32_0 = arith.constant 0 : i32
    return %arg0, %c0_i32 : i32, i32
  }
  func.func @transform_3(%arg0: i32) -> (i32, i32) {
    %c0_i32 = arith.constant 0 : i32
    %c0_i32_0 = arith.constant 0 : i32
    %c0_i32_1 = arith.constant 0 : i32
    return %c0_i32, %c0_i32_0 : i32, i32
  }
  func.func @transform_4(%arg0: i32) -> (i32, i32) {
    %c0_i32 = arith.constant 0 : i32
    %c0_i32_0 = arith.constant 0 : i32
    %c0_i32_1 = arith.constant 0 : i32
    return %c0_i32, %c0_i32_0 : i32, i32
  }
  func.func @transform_5(%arg0: i32) -> (i32, i32) {
    %c0_i32 = arith.constant 0 : i32
    %c0_i32_0 = arith.constant 0 : i32
    %c0_i32_1 = arith.constant 0 : i32
    return %c0_i32, %c0_i32_0 : i32, i32
  }
  func.func @transform_6(%arg0: i32) -> (i32, i32) {
    %c0_i32 = arith.constant 0 : i32
    %c0_i32_0 = arith.constant 0 : i32
    %c0_i32_1 = arith.constant 0 : i32
    return %c0_i32, %c0_i32_0 : i32, i32
  }
  func.func @transform_7(%arg0: i32) -> (i32, i32) {
    %c0_i32 = arith.constant 0 : i32
    %c0_i32_0 = arith.constant 0 : i32
    %c0_i32_1 = arith.constant 0 : i32
    return %c0_i32, %c0_i32_0 : i32, i32
  }
  func.func @transform_8(%arg0: i32) -> (i32, i32) {
    %c0_i32 = arith.constant 0 : i32
    %c0_i32_0 = arith.constant 0 : i32
    %c0_i32_1 = arith.constant 0 : i32
    return %c0_i32, %c0_i32_0 : i32, i32
  }
  func.func @transform_9(%arg0: i32) -> (i32, i32) {
    %c0_i32 = arith.constant 0 : i32
    %c0_i32_0 = arith.constant 0 : i32
    %c0_i32_1 = arith.constant 0 : i32
    return %c0_i32, %c0_i32_0 : i32, i32
  }
  func.func @transform_10(%arg0: i32) -> (i32, i32) {
    %c0_i32 = arith.constant 0 : i32
    %c0_i32_0 = arith.constant 0 : i32
    %c0_i32_1 = arith.constant 0 : i32
    return %c0_i32, %c0_i32_0 : i32, i32
  }
  func.func @transform_11(%arg0: i32) -> (i32, i32) {
    %c0_i32 = arith.constant 0 : i32
    %c0_i32_0 = arith.constant 0 : i32
    return %arg0, %c0_i32 : i32, i32
  }
  func.func @transform_12(%arg0: i32) -> (i32, i32) {
    %c0_i32 = arith.constant 0 : i32
    %c0_i32_0 = arith.constant 0 : i32
    %c0_i32_1 = arith.constant 0 : i32
    return %c0_i32, %c0_i32_0 : i32, i32
  }
  func.func @transform_13(%arg0: i32) -> (i32, i32) {
    %c0_i32 = arith.constant 0 : i32
    %c0_i32_0 = arith.constant 0 : i32
    %c0_i32_1 = arith.constant 0 : i32
    return %c0_i32, %c0_i32_0 : i32, i32
  }
  func.func @transform_14(%arg0: i32) -> (i32, i32) {
    %c0_i32 = arith.constant 0 : i32
    %c0_i32_0 = arith.constant 0 : i32
    %c0_i32_1 = arith.constant 0 : i32
    return %c0_i32, %c0_i32_0 : i32, i32
  }
}

module attributes {stable_mosaic.version = 14 : i64} {
  func.func @body(%arg0: i32, %arg1: memref<2000x64xf32, #tpu.memory_space<vmem>>, %arg2: memref<2000x1xf32, #tpu.memory_space<vmem>>, %arg3: memref<64x64xf32, #tpu.memory_space<vmem>>, %arg4: memref<8x64xf32, #tpu.memory_space<vmem>>, %arg5: memref<128x64xf32, #tpu.memory_space<vmem>>, %arg6: memref<64x64xf32, #tpu.memory_space<vmem>>, %arg7: memref<1x64xf32, #tpu.memory_space<vmem>>, %arg8: memref<64x4xf32, #tpu.memory_space<vmem>>, %arg9: memref<1x4xf32, #tpu.memory_space<vmem>>, %arg10: memref<2000x4xf32, #tpu.memory_space<vmem>>) attributes {dimension_semantics = [#tpu.dimension_semantics<arbitrary>], iteration_bounds = array<i64: 25>, scalar_prefetch = 0 : i64, scratch_operands = 0 : i64, tpu.core_type = #tpu.core_type<tc>, window_params = [{transform_indices = @transform_0, window_bounds = array<i64: 2000, 64>}, {transform_indices = @transform_1, window_bounds = array<i64: 2000, 1>}, {pipeline_mode = #tpu.pipeline_mode<synchronous>, transform_indices = @transform_2, window_bounds = array<i64: 64, 64>}, {pipeline_mode = #tpu.pipeline_mode<synchronous>, transform_indices = @transform_3, window_bounds = array<i64: 8, 64>}, {pipeline_mode = #tpu.pipeline_mode<synchronous>, transform_indices = @transform_4, window_bounds = array<i64: 128, 64>}, {pipeline_mode = #tpu.pipeline_mode<synchronous>, transform_indices = @transform_5, window_bounds = array<i64: 64, 64>}, {pipeline_mode = #tpu.pipeline_mode<synchronous>, transform_indices = @transform_6, window_bounds = array<i64: 1, 64>}, {pipeline_mode = #tpu.pipeline_mode<synchronous>, transform_indices = @transform_7, window_bounds = array<i64: 64, 4>}, {pipeline_mode = #tpu.pipeline_mode<synchronous>, transform_indices = @transform_8, window_bounds = array<i64: 1, 4>}, {transform_indices = @transform_9, window_bounds = array<i64: 2000, 4>}]} {
    %get3A = arith.constant 0 : index
    %get3A_0 = arith.constant 0 : index
    %get3A_1 = vector.load %arg1[%get3A, %get3A_0] : memref<2000x64xf32, #tpu.memory_space<vmem>>, vector<2000x64xf32>
    %get3A_2 = arith.constant 0 : index
    %get3A_3 = arith.constant 0 : index
    %get3A_4 = vector.load %arg3[%get3A_2, %get3A_3] : memref<64x64xf32, #tpu.memory_space<vmem>>, vector<64x64xf32>
    %dot_general3A = arith.constant dense<0.000000e+00> : vector<2000x64xf32>
    %dot_general3A_5 = tpu.matmul %get3A_1, %get3A_4, %dot_general3A {dimension_numbers = #tpu.dot_dimension_numbers<[1], [0], [0], [1], [0, 0, 1, 1], [], []>, precision = #tpu.contract_precision<fp32>, transpose_lhs_hint = false} : vector<2000x64xf32>, vector<64x64xf32>, vector<2000x64xf32> -> vector<2000x64xf32>
    %get3A_6 = arith.constant 0 : index
    %get3A_7 = arith.constant 0 : index
    %get3A_8 = vector.load %arg4[%get3A_6, %get3A_7] : memref<8x64xf32, #tpu.memory_space<vmem>>, vector<1x64xf32>
    %add3A = vector.broadcast %get3A_8 : vector<1x64xf32> to vector<2000x64xf32>
    %add3A_9 = arith.addf %dot_general3A_5, %add3A : vector<2000x64xf32>
    %max3A = arith.constant 0.000000e+00 : f32
    %max3A_10 = vector.broadcast %max3A : f32 to vector<2000x64xf32>
    %max3A_11 = arith.maximumf %add3A_9, %max3A_10 : vector<2000x64xf32>
    %get3A_12 = arith.constant 0 : index
    %get3A_13 = arith.constant 0 : index
    %get3A_14 = vector.load %arg2[%get3A_12, %get3A_13] : memref<2000x1xf32, #tpu.memory_space<vmem>>, vector<2000x1xf32>
    %iota3A = tpu.iota {dimensions = array<i32: 1>} : vector<1x128xi32>
    %convert_element_type3A = arith.sitofp %iota3A : vector<1x128xi32> to vector<1x128xf32>
    %eq3A = vector.broadcast %get3A_14 : vector<2000x1xf32> to vector<2000x128xf32>
    %eq3A_15 = vector.broadcast %convert_element_type3A : vector<1x128xf32> to vector<2000x128xf32>
    %eq3A_16 = arith.cmpf oeq, %eq3A, %eq3A_15 : vector<2000x128xf32>
    %convert_element_type3A_17 = arith.extui %eq3A_16 : vector<2000x128xi1> to vector<2000x128xi32>
    %convert_element_type3A_18 = arith.sitofp %convert_element_type3A_17 : vector<2000x128xi32> to vector<2000x128xf32>
    %get3A_19 = arith.constant 0 : index
    %get3A_20 = arith.constant 0 : index
    %get3A_21 = vector.load %arg5[%get3A_19, %get3A_20] : memref<128x64xf32, #tpu.memory_space<vmem>>, vector<128x64xf32>
    %dot_general3A_22 = arith.constant dense<0.000000e+00> : vector<2000x64xf32>
    %dot_general3A_23 = tpu.matmul %convert_element_type3A_18, %get3A_21, %dot_general3A_22 {dimension_numbers = #tpu.dot_dimension_numbers<[1], [0], [0], [1], [0, 0, 1, 1], [], []>, precision = #tpu.contract_precision<fp32>, transpose_lhs_hint = false} : vector<2000x128xf32>, vector<128x64xf32>, vector<2000x64xf32> -> vector<2000x64xf32>
    %get3A_24 = arith.constant 0 : index
    %get3A_25 = arith.constant 0 : index
    %get3A_26 = vector.load %arg6[%get3A_24, %get3A_25] : memref<64x64xf32, #tpu.memory_space<vmem>>, vector<64x64xf32>
    %dot_general3A_27 = arith.constant dense<0.000000e+00> : vector<2000x64xf32>
    %dot_general3A_28 = tpu.matmul %max3A_11, %get3A_26, %dot_general3A_27 {dimension_numbers = #tpu.dot_dimension_numbers<[1], [0], [0], [1], [0, 0, 1, 1], [], []>, precision = #tpu.contract_precision<fp32>, transpose_lhs_hint = false} : vector<2000x64xf32>, vector<64x64xf32>, vector<2000x64xf32> -> vector<2000x64xf32>
    %add3A_29 = arith.addf %dot_general3A_28, %dot_general3A_23 : vector<2000x64xf32>
    %get3A_30 = arith.constant 0 : index
    %get3A_31 = arith.constant 0 : index
    %get3A_32 = vector.load %arg7[%get3A_30, %get3A_31] : memref<1x64xf32, #tpu.memory_space<vmem>>, vector<1x64xf32>
    %add3A_33 = vector.broadcast %get3A_32 : vector<1x64xf32> to vector<2000x64xf32>
    %add3A_34 = arith.addf %add3A_29, %add3A_33 : vector<2000x64xf32>
    %max3A_35 = arith.constant 0.000000e+00 : f32
    %max3A_36 = vector.broadcast %max3A_35 : f32 to vector<2000x64xf32>
    %max3A_37 = arith.maximumf %add3A_34, %max3A_36 : vector<2000x64xf32>
    %get3A_38 = arith.constant 0 : index
    %get3A_39 = arith.constant 0 : index
    %get3A_40 = vector.load %arg8[%get3A_38, %get3A_39] : memref<64x4xf32, #tpu.memory_space<vmem>>, vector<64x4xf32>
    %dot_general3A_41 = arith.constant dense<0.000000e+00> : vector<2000x4xf32>
    %dot_general3A_42 = tpu.matmul %max3A_37, %get3A_40, %dot_general3A_41 {dimension_numbers = #tpu.dot_dimension_numbers<[1], [0], [0], [1], [0, 0, 1, 1], [], []>, precision = #tpu.contract_precision<fp32>, transpose_lhs_hint = false} : vector<2000x64xf32>, vector<64x4xf32>, vector<2000x4xf32> -> vector<2000x4xf32>
    %get3A_43 = arith.constant 0 : index
    %get3A_44 = arith.constant 0 : index
    %get3A_45 = vector.load %arg9[%get3A_43, %get3A_44] : memref<1x4xf32, #tpu.memory_space<vmem>>, vector<1x4xf32>
    %add3A_46 = vector.broadcast %get3A_45 : vector<1x4xf32> to vector<2000x4xf32>
    %add3A_47 = arith.addf %dot_general3A_42, %add3A_46 : vector<2000x4xf32>
    %swap3A = arith.constant 0 : index
    %swap3A_48 = arith.constant 0 : index
    %swap3A_49 = vector.load %arg10[%swap3A, %swap3A_48] : memref<2000x4xf32, #tpu.memory_space<vmem>>, vector<2000x4xf32>
    tpu.vector_store %arg10[%swap3A, %swap3A_48], %add3A_47 {strides = array<i32>} : memref<2000x4xf32, #tpu.memory_space<vmem>>, vector<2000x4xf32>,
    return
  }
  func.func @transform_0(%arg0: i32) -> (i32, i32) {
    %c0_i32 = arith.constant 0 : i32
    %c0_i32_0 = arith.constant 0 : i32
    return %arg0, %c0_i32 : i32, i32
  }
  func.func @transform_1(%arg0: i32) -> (i32, i32) {
    %c0_i32 = arith.constant 0 : i32
    %c0_i32_0 = arith.constant 0 : i32
    return %arg0, %c0_i32 : i32, i32
  }
  func.func @transform_2(%arg0: i32) -> (i32, i32) {
    %c0_i32 = arith.constant 0 : i32
    %c0_i32_0 = arith.constant 0 : i32
    %c0_i32_1 = arith.constant 0 : i32
    return %c0_i32, %c0_i32_0 : i32, i32
  }
  func.func @transform_3(%arg0: i32) -> (i32, i32) {
    %c0_i32 = arith.constant 0 : i32
    %c0_i32_0 = arith.constant 0 : i32
    %c0_i32_1 = arith.constant 0 : i32
    return %c0_i32, %c0_i32_0 : i32, i32
  }
  func.func @transform_4(%arg0: i32) -> (i32, i32) {
    %c0_i32 = arith.constant 0 : i32
    %c0_i32_0 = arith.constant 0 : i32
    %c0_i32_1 = arith.constant 0 : i32
    return %c0_i32, %c0_i32_0 : i32, i32
  }
  func.func @transform_5(%arg0: i32) -> (i32, i32) {
    %c0_i32 = arith.constant 0 : i32
    %c0_i32_0 = arith.constant 0 : i32
    %c0_i32_1 = arith.constant 0 : i32
    return %c0_i32, %c0_i32_0 : i32, i32
  }
  func.func @transform_6(%arg0: i32) -> (i32, i32) {
    %c0_i32 = arith.constant 0 : i32
    %c0_i32_0 = arith.constant 0 : i32
    %c0_i32_1 = arith.constant 0 : i32
    return %c0_i32, %c0_i32_0 : i32, i32
  }
  func.func @transform_7(%arg0: i32) -> (i32, i32) {
    %c0_i32 = arith.constant 0 : i32
    %c0_i32_0 = arith.constant 0 : i32
    %c0_i32_1 = arith.constant 0 : i32
    return %c0_i32, %c0_i32_0 : i32, i32
  }
  func.func @transform_8(%arg0: i32) -> (i32, i32) {
    %c0_i32 = arith.constant 0 : i32
    %c0_i32_0 = arith.constant 0 : i32
    %c0_i32_1 = arith.constant 0 : i32
    return %c0_i32, %c0_i32_0 : i32, i32
  }
  func.func @transform_9(%arg0: i32) -> (i32, i32) {
    %c0_i32 = arith.constant 0 : i32
    %c0_i32_0 = arith.constant 0 : i32
    return %arg0, %c0_i32 : i32, i32
  }
}

</mosaic_0001>

<sc_bundles>
// kernel: kernel.10.cloned.1.call-start
scs
__scs_entry_jumppad:
0x0: {  	(pc) =	sbr.rel $0x88, $3  }
0x1: {  	(tag) =	ssettag $0x0;
	lr =	simm.s32 $0x1  }
0x2: {  	[smem:$0x3F8F] =	sst lr;
	_ =	strace $0xD0000000  }
0x3: {  	_ = 	snop  }
0x4: {  	_ = 	snop  }
0x5: {  	_ = 	snop  }
0x6: {  	_ = 	snop  }
0x7: {  	_ = 	snop  }
__scs_overlays_trampoline_lowered:
0x8: {  	[smem:$0x3F9E] =	sst s0  }
0x9: {  	[smem:$0x3F9F] =	sst s1  }
0xa: {  	[smem:$0x3FA0] =	sst s2  }
0xb: {  	[smem:$0x3FA1] =	sst s3  }
0xc: {  	[smem:$0x3FA2] =	sst s4  }
0xd: {  	[smem:$0x3FA3] =	sst s5  }
0xe: {  	[smem:$0x3FA4] =	sst s6  }
0xf: {  	[smem:$0x3FA5] =	sst s7  }
0x10: {  	[smem:$0x3FA6] =	sst s8  }
0x11: {  	[smem:$0x3FA7] =	sst s9;
	s0 =	simm.s32 @!p0 $0x0  }
0x12: {  	s1 =	sld [smem:$0x3F8D];
	s0 =	simm.s32 @p0 $0x1  }
0x13: {  	[smem:$0x3FA8] =	sst s0;
	s0 =	simm.s32 @!p1 $0x0  }
0x14: {  	s2 =	sld [smem:$0x3F8C];
	s0 =	simm.s32 @p1 $0x1  }
0x15: {  	[smem:$0x3FA9] =	sst s0;
	s0 =	simm.s32 @!p2 $0x0  }
0x16: {  	s3 =	sld [smem:$0x3FDB];
	s0 =	simm.s32 @p2 $0x1  }
0x17: {  	s4 =	simm.s32 $0x1BF5;
	[smem:$0x3FAB] =	sst s0  }
0x18: {  	s0 =	sld [smem:$0x3F8E];
	_ =	swait.ge [sflag:s4], $0x0  }
0x19: {  	s7 =	sld [smem:$0x3F8F]  }
0x1a: {  	s8 =	sadd.s32 $0xFFFFE003, lr  }
0x1b: {  	s9 =	sadd.s32 $0xFFFFFEF7, lr;
	s5 =	simm.s32 $0xFFFFFFFF;
	p2 =	slt.u32 s8, $0xFFFFF086  }
0x1c: {  	p1 =	slt.u32 s9, $0xF7A;
	s5 =	simm.s32 @!p2 $0x0  }
0x1d: {  	s5 =	simm.s32 @p1 $0x1;
	p0 =	seq.s32 s7, s2  }
0x1e: {  	s7 =	smul.u32 @!p0 $0xF7A, s2;
	p2 =	seq.s32 @!p0 s5, $0x0  }
0x1f: {  	s9 =	smul.u32 $0xF7A, s1;
	s8 =	simm.s32 @!p0 $0x1BF5;
	p2 =	por !p2, p0  }
0x20: {  	[sflag:s8] =	ssyncset.s32 @!p0 $0xFFFFF086;
	s6 =	sadd.s32 @!p0 s3, s7;
	s7 =	simm.s32 @!p0 $0x108  }
0x21: {  	s3 =	sadd.s32 s3, s9;
	s6 =	sadd.s32 @!p0 $0x88, s6;
	s7 =	simm.s32 @p2 $0x1082  }
0x22: {  	[simem:s7], [sflag:s8] =	dma.local @!p0 [hbm:s6], $0xF7A  }
0x23: {  	s9 =	sor.u32 $0xD0000000, s2;
	s6 =	simm.s32 $0x108;
	_ =	swait.ge @!p0 [sflag:s8], $0x0  }
0x24: {  	s3 =	sadd.s32 $0x88, s3;
	s6 =	simm.s32 @!p1 $0x1082;
	[sflag:s4] =	ssyncset.s32 $0xFFFFF086  }
0x25: {  	[simem:s6], [sflag:s4] =	dma.local [hbm:s3], $0xF7A  }
0x26: {  	[smem:$0x3F8F] =	sst s1;
	(tag) =	ssettag s2;
	_ =	strace s9  }
0x27: {  	s1 =	sld [smem:$0x3F9F]  }
0x28: {  	s2 =	sld [smem:$0x3FA0]  }
0x29: {  	s4 =	sld [smem:$0x3FA2]  }
0x2a: {  	p0 =	seq.s32 s5, $0x0;
	s5 =	sld [smem:$0x3FA3]  }
0x2b: {  	s6 =	sld [smem:$0x3FA4]  }
0x2c: {  	s7 =	sld [smem:$0x3FA5]  }
0x2d: {  	s3 =	simm.s32 $0x108;
	s8 =	sld [smem:$0x3FA6]  }
0x2e: {  	s3 =	simm.s32 @!p0 $0x1082;
	s9 =	sld [smem:$0x3FA7]  }
0x2f: {  	lr =	sadd.s32 s0, s3;
	s0 =	sld [smem:$0x3F9E]  }
0x30: {  	s3 =	sld [smem:$0x3FA1]  }
0x31: {  	[smem:$0x3FAA] =	sst s10  }
0x32: {  	s10 =	sld [smem:$0x3FA8];
	_ =	sdelay $0x3  }
0x33: {  	p0 =	seq.s32 s10, $0x1;
	s10 =	sld [smem:$0x3FAA];
	_ =	sdelay $0x3  }
0x34: {  	[smem:$0x3FAA] =	sst s10  }
0x35: {  	s10 =	sld [smem:$0x3FA9];
	_ =	sdelay $0x3  }
0x36: {  	p1 =	seq.s32 s10, $0x1;
	s10 =	sld [smem:$0x3FAA];
	_ =	sdelay $0x3  }
0x37: {  	[smem:$0x3FAA] =	sst s10  }
0x38: {  	s10 =	sld [smem:$0x3FAB]  }
0x39: {  	_ = 	snop;
	(pc) =	sbr.ind lr, $3  }
0x3a: {  	_ = 	snop  }
0x3b: {  	_ = 	snop  }
0x3c: {  	p2 =	seq.s32 s10, $0x1;
	s10 =	sld [smem:$0x3FAA]  }
0x3d: {  	_ =	shalt  }
0x3e: {  	_ =	shalt  }
0x3f: {  	_ =	shalt  }
0x40: {  	_ =	shalt  }
0x41: {  	_ =	shalt  }
0x42: {  	_ =	shalt  }
0x43: {  	_ =	shalt  }
0x44: {  	_ =	shalt  }
0x45: {  	_ =	shalt  }
0x46: {  	_ =	shalt  }
0x47: {  	_ =	shalt  }
0x48: {  	_ =	shalt  }
0x49: {  	_ =	shalt  }
0x4a: {  	_ =	shalt  }
0x4b: {  	_ =	shalt  }
0x4c: {  	_ =	shalt  }
0x4d: {  	_ =	shalt  }
0x4e: {  	_ =	shalt  }
0x4f: {  	_ =	shalt  }
0x50: {  	_ =	shalt  }
0x51: {  	_ =	shalt  }
0x52: {  	_ =	shalt  }
0x53: {  	_ =	shalt  }
0x54: {  	_ =	shalt  }
0x55: {  	_ =	shalt  }
0x56: {  	_ =	shalt  }
0x57: {  	_ =	shalt  }
0x58: {  	_ =	shalt  }
0x59: {  	_ =	shalt  }
0x5a: {  	_ =	shalt  }
0x5b: {  	_ =	shalt  }
0x5c: {  	_ =	shalt  }
0x5d: {  	_ =	shalt  }
0x5e: {  	_ =	shalt  }
0x5f: {  	_ =	shalt  }
0x60: {  	_ =	shalt  }
0x61: {  	_ =	shalt  }
0x62: {  	_ =	shalt  }
0x63: {  	_ =	shalt  }
0x64: {  	_ =	shalt  }
0x65: {  	_ =	shalt  }
0x66: {  	_ =	shalt  }
0x67: {  	_ =	shalt  }
0x68: {  	_ =	shalt  }
0x69: {  	_ =	shalt  }
0x6a: {  	_ =	shalt  }
0x6b: {  	_ =	shalt  }
0x6c: {  	_ =	shalt  }
0x6d: {  	_ =	shalt  }
0x6e: {  	_ =	shalt  }
0x6f: {  	_ =	shalt  }
0x70: {  	_ =	shalt  }
0x71: {  	_ =	shalt  }
0x72: {  	_ =	shalt  }
0x73: {  	_ =	shalt  }
0x74: {  	_ =	shalt  }
0x75: {  	_ =	shalt  }
0x76: {  	_ =	shalt  }
0x77: {  	_ =	shalt  }
0x78: {  	_ =	shalt  }
0x79: {  	_ =	shalt  }
0x7a: {  	_ =	shalt  }
0x7b: {  	_ =	shalt  }
0x7c: {  	_ =	shalt  }
0x7d: {  	_ =	shalt  }
0x7e: {  	_ =	shalt  }
0x7f: {  	_ =	shalt  }
0x80: {  	_ =	shalt  }
0x81: {  	_ =	shalt  }
0x82: {  	_ =	shalt  }
0x83: {  	_ =	shalt  }
0x84: {  	_ =	shalt  }
0x85: {  	_ =	shalt  }
0x86: {  	_ =	shalt  }
0x87: {  	_ =	shalt  }
.Lfunc_end0:
.L_simem_size_0:
called_computation_lowered:
.L_overlay_start_0:
0x88: {  	s2 =	sld [smem:$0x3FD9]  }
0x89: {  	s3 =	sld [smem:$0x3FFE];
	_ =	sdelay $0x1  }
0x8a: {  	s1 =	srdreg.scid  }
0x8b: {  	s0 =	sand.u32 $0x1, s1  }
0x8c: {  	s17 =	sshll.u32 s0, $0xA;
	s2 =	sadd.s32 s3, s2  }
0x8d: {  	s2 =	sadd.s32 s2, s17  }
0x8e: {  	[smem:$0x3FB6] =	sst s2  }
0x8f: {  	_ = 	snop  }
0x90: {  	s2 =	sld [smem:$0x3FD0];
	(tm) =	ssettm $0x1  }
0x91: {  	s18 =	sld [smem:$0x3FFB];
	_ =	sdelay $0x3  }
0x92: {  	_ =	strace s18  }
0x93: {  	s3 =	sld [smem:$0x3FFC];
	_ =	sdelay $0x3  }
0x94: {  	_ =	strace s3  }
0x95: {  	s3 =	sld [smem:$0x3FFD];
	_ =	sdelay $0x3  }
0x96: {  	_ =	strace s3  }
0x97: {  	_ =	strace $0x8FFFFFFF  }
0x98: {  	s19 =	sld [smem:$0x3FDB];
	_ =	sdelay $0x1  }
0x99: {  	s4 =	simm.s32 $_scs_section_size  }
0x9a: {  	s5 =	simm.s32 $_size__tile_overlayer_lowered;
	s6 =	simm.s32 $_tile_overlayer_lowered  }
0x9b: {  	s22 =	simm.s32 $0x1BFF;
	s21 =	sshll.u32 s6, $0x1;
	s3 =	sadd.s32 s4, s19  }
0x9c: {  	s7 =	simm.s32 $0x0;
	s20 =	sshll.u32 s5, $0x1;
	s5 =	sadd.s32 s21, s3  }
0x9d: {  	[timem:s7], [sflag:s22] =	dma.local [hbm:s5], s20  }
0x9e: {  	_ =	swait.ge [sflag:s22], s20  }
0x9f: {  	s4 =	ssub.s32 $0x0, s20;
	[sflag:s22] =	ssyncset.done $0x0  }
0xa0: {  	[sflag:s22] =	ssyncadd.s32 s4;
	_ =	sdelay $0x1  }
0xa1: {  	s23 =	simm.s32 $0x1B8B  }
0xa2: {  	_ =	swait.ge [sflag:s23], $0x1  }
0xa3: {  	[sflag:s23] =	ssyncset.done $0x0  }
0xa4: {  	s25 =	simm.s32 $0x1B8E;
	s24 =	sld [smem:$0x3FFE];
	[sflag:s23] =	ssyncadd.s32 $0xFFFFFFFF  }
0xa5: {  	s26 =	simm.s32 $execute0_lowered;
	[smem:$0x3FD2] =	sst s25  }
0xa6: {  	s5 =	sshll.u32 s26, $0x1;
	_ =	strace $0x80000046;
	[dreg:$0x1] =	wrdreg $0xFFFFFFFF  }
0xa7: {  	s28 =	simm.s32 $_size_execute0_lowered;
	s3 =	sadd.s32 s3, s5;
	[dreg:$0x0] =	wrdreg $0x0  }
0xa8: {  	s5 =	sshll.u32 s28, $0x1;
	[dreg:$0x2] =	wrdreg s3  }
0xa9: {  	[dreg:$0x3] =	wrdreg s5  }
0xaa: {  	[dreg:$0x4] =	wrdreg $0xC0  }
0xab: {  	_ =	task [dreg:s7], $0x5FFFF  }
0xac: {  	[dreg:$0x1] =	wrdreg $0xFFFFFFFF  }
0xad: {  	[dreg:$0x0] =	wrdreg $0x60  }
0xae: {  	[dreg:$0x2] =	wrdreg s24  }
0xaf: {  	[dreg:$0x3] =	wrdreg s2  }
0xb0: {  	[dreg:$0x4] =	wrdreg $0x10E00  }
0xb1: {  	[dreg:$0x5] =	wrdreg $0x9  }
0xb2: {  	_ =	task.clear_ibuf [dreg:s7], $0x6FFFF;
	_ =	strace $0x90000046  }
0xb3: {  	s29 =	simm.s32 $0x9;
	_ =	strace $0x80000048  }
0xb4: {  	_ =	swait.ge [sflag:s29], $0x1  }
0xb5: {  	[sflag:s29] =	ssyncadd.s32 $0xFFFFFFFF  }
0xb6: {  	_ =	strace $0x90000048  }
0xb7: {  	_ =	sfence  }
0xb8: {  	s30 =	sld [smem:$0x0];
	_ =	sdelay $0x2  }
0xb9: {  	s31 =	sshll.u32 s1, $0xD;
	s1 =	sshrl.u32 s1, $0x2  }
0xba: {  	s3 =	sand.u32 $0x4000, s31;
	s1 =	sadd.s32 s1, s30  }
0xbb: {  	s0 =	sor.u32 s3, s0;
	s1 =	sshll.u32 s1, $0x11  }
0xbc: {  	s0 =	sor.u32 s1, s0  }
0xbd: {  	s0 =	sadd.s32 $0x8F2B, s0  }
0xbe: {  	[sflag:s0] =	ssyncadd.remote.s32 $0x1  }
0xbf: {  	_ =	sfence.sel $0xFFFF  }
0xc0: {  	[dreg:$0x0] =	wrdreg $0xFFFFFFFF;
	(pc) =	sbr.abs _section_cstart, $3  }
0xc1: {  	[dreg:$0x1] =	wrdreg $0xFFFFFFFF  }
0xc2: {  	_ =	task.clear_ibuf [dreg:s7], $0x2FFFF;
	_ =	strace $0x9FFFFFFF  }
0xc3: {  	(tm) =	ssettm $0x7FFFFFFF  }
tec
execute0_lowered:
.L_overlay_start_1:
0x0: {  	(tag) =	ssettag $0x1  }
0x1: {  	s4 =	rddreg [dreg:$0x0]  }
0x2: {  	s5 =	rddreg [dreg:$0x1]  }
0x3: {  	s0 =	srdreg.scid;
	s2 =	rddreg [dreg:$0x2]  }
0x4: {  	s1 =	rddreg [dreg:$0x3];
	s3 =	simm.s32 $0x0;
	s11 =	simm.s32 $0x400  }
0x5: {  	s12 =	simm.s32 $0x100;
	s13 =	simm.s32 $0x180;
	s6 =	sand.u32 $0x1, s0  }
0x6: {  	s14 =	simm.s32 $0x200;
	s0 =	stileid.u32;
	s7 =	smul.u32 $0x64000, s6  }
0x7: {  	s15 =	simm.s32 $0x280;
	s16 =	simm.s32 $0x300;
	s8 =	smul.u32 $0x6400, s0  }
0x8: {  	s17 =	simm.s32 $0x380;
	s18 =	simm.s32 $0x0;
	s9 =	smul.u32 $0xC60, s0  }
0x9: {  	[smem:$0x7FF] =	sst s3;
	s10 =	smul.u32 $0xC600, s6;
	s6 =	ssub.s32 $0x2, s6  }
0xa: {  	_ =	strace $0x80000047;
	s30 =	sshrl.u32 s6, $0x1;
	s7 =	sadd.s32 s8, s7  }
0xb: {  	s10 =	sadd.s32 s9, s10;
	s6 =	ssub.s32 s6, s30;
	s8 =	simm.s32 $0x480  }
0xc: {  	s7 =	sshrl.u32 s7, $0x3;
	s31 =	sshrl.u32 s10, $0x3;
	s6 =	smax.u32 s6, $0x1  }
0xd: {  	s10 =	simm.s32 $0x80;
	s7 =	sadd.s32 s7, s4;
	s4 =	sadd.s32 s9, s2  }
0xe: {  	v0 =	vimm.f32 $1.000000000e+00;
	v1 =	vimm.f32 $0.0e+00;
	s5 =	sadd.s32 s5, s31;
	s9 =	simm.s32 $0x1;
	s7 =	sadd.s32 $0x1C000, s7  }
.LBB2_1:
0xf: {  	[tilespmem:$0x400] =	vst v0  }
0x10: {  	[tilespmem:$0x410] =	vst v0  }
0x11: {  	[tilespmem:$0x420] =	vst v0  }
0x12: {  	[tilespmem:$0x430] =	vst v0  }
0x13: {  	[tilespmem:$0x440] =	vst v0  }
0x14: {  	[tilespmem:$0x450] =	vst v0  }
0x15: {  	[tilespmem:$0x460] =	vst v0  }
0x16: {  	[tilespmem:$0x470] =	vst v0;
	s19 =	simm.s32 $0x40;
	s20 =	simm.s32 $0x0  }
.LBB2_2:
0x17: {  	p0 =	sne.s32 s19, $0x3140;
	[tilespmem:s20+$0x480] =	vst v1;
	s20 =	smov.u32 s19;
	s19 =	sadd.s32 $0x40, s19  }
.Ltmp0:
0x18: {  	(pc) =	sbr.rel @p0 .LBB2_2-.Ltmp0, $2  }
0x19: {  	_ =	sdelay $0x2  }
0x1a: {  	s20 =	sshra.s32 s20, $0x2  }
0x1b: {  	[tilespmem:s20+$0x480] =	vst v1  }
0x1c: {  	[spmem:s4] =	stream.linear.scatter [tilespmem:s8], [sflag:$0x1], $0xC60, $0x38;
	[tilespmem:$0x1D40] =	vst v63  }
0x1d: {  	_ =	swait.ge [sflag:s9], $0xC60  }
0x1e: {  	[sflag:s9] =	ssyncset.done $0x0  }
0x1f: {  	[sflag:s9] =	ssyncadd.s32 $0xFFFFF3A0  }
0x20: {  	s19 =	sadd.s32 $0x0, s7;
	[bflag:$0x0] =	sbarrier.arrive $0xFFFF  }
0x21: {  	[tilespmem:s3], [sflag:$0x1] =	stream.linear.gather [hbm4b:s19+s3], $0x400, $0x38;
	[tilespmem:$0x1D40] =	vst v63  }
0x22: {  	_ =	swait.ge [sflag:s9], $0x400  }
0x23: {  	[sflag:s9] =	ssyncset.done $0x0  }
0x24: {  	[sflag:s9] =	ssyncadd.s32 $0xFFFFFC00  }
0x25: {  	[spmem:s2] =	stream.indirect.scatter.add.f32 [tilespmem:s11], [sflag:$0x1], $0x1, s3, s10, $0xb8;
	[tilespmem:$0x1D40] =	vst v63  }
0x26: {  	_ =	swait.ge [sflag:s9], $0x80  }
0x27: {  	[sflag:s9] =	ssyncset.done $0x0  }
0x28: {  	[sflag:s9] =	ssyncadd.s32 $0xFFFFFF80  }
0x29: {  	[spmem:s2] =	stream.indirect.scatter.add.f32 [tilespmem:s11], [sflag:$0x1], $0x1, s10, s10, $0xb8;
	[tilespmem:$0x1D40] =	vst v63  }
0x2a: {  	_ =	swait.ge [sflag:s9], $0x80  }
0x2b: {  	[sflag:s9] =	ssyncset.done $0x0  }
0x2c: {  	[sflag:s9] =	ssyncadd.s32 $0xFFFFFF80  }
0x2d: {  	[spmem:s2] =	stream.indirect.scatter.add.f32 [tilespmem:s11], [sflag:$0x1], $0x1, s12, s10, $0xb8;
	[tilespmem:$0x1D40] =	vst v63  }
0x2e: {  	_ =	swait.ge [sflag:s9], $0x80  }
0x2f: {  	[sflag:s9] =	ssyncset.done $0x0  }
0x30: {  	[sflag:s9] =	ssyncadd.s32 $0xFFFFFF80  }
0x31: {  	[spmem:s2] =	stream.indirect.scatter.add.f32 [tilespmem:s11], [sflag:$0x1], $0x1, s13, s10, $0xb8;
	[tilespmem:$0x1D40] =	vst v63  }
0x32: {  	_ =	swait.ge [sflag:s9], $0x80  }
0x33: {  	[sflag:s9] =	ssyncset.done $0x0  }
0x34: {  	[sflag:s9] =	ssyncadd.s32 $0xFFFFFF80  }
0x35: {  	[spmem:s2] =	stream.indirect.scatter.add.f32 [tilespmem:s11], [sflag:$0x1], $0x1, s14, s10, $0xb8;
	[tilespmem:$0x1D40] =	vst v63  }
0x36: {  	_ =	swait.ge [sflag:s9], $0x80  }
0x37: {  	[sflag:s9] =	ssyncset.done $0x0  }
0x38: {  	[sflag:s9] =	ssyncadd.s32 $0xFFFFFF80  }
0x39: {  	[spmem:s2] =	stream.indirect.scatter.add.f32 [tilespmem:s11], [sflag:$0x1], $0x1, s15, s10, $0xb8;
	[tilespmem:$0x1D40] =	vst v63  }
0x3a: {  	_ =	swait.ge [sflag:s9], $0x80  }
0x3b: {  	[sflag:s9] =	ssyncset.done $0x0  }
0x3c: {  	[sflag:s9] =	ssyncadd.s32 $0xFFFFFF80  }
0x3d: {  	[spmem:s2] =	stream.indirect.scatter.add.f32 [tilespmem:s11], [sflag:$0x1], $0x1, s16, s10, $0xb8;
	[tilespmem:$0x1D40] =	vst v63  }
0x3e: {  	_ =	swait.ge [sflag:s9], $0x80  }
0x3f: {  	[sflag:s9] =	ssyncset.done $0x0  }
0x40: {  	[sflag:s9] =	ssyncadd.s32 $0xFFFFFF80  }
0x41: {  	[spmem:s2] =	stream.indirect.scatter.add.f32 [tilespmem:s11], [sflag:$0x1], $0x1, s17, s10, $0xb8;
	[tilespmem:$0x1D40] =	vst v63  }
0x42: {  	_ =	swait.ge [sflag:s9], $0x80  }
0x43: {  	s21 =	simm.s32 $0x100;
	s19 =	simm.s32 $0x80;
	[sflag:s9] =	ssyncset.done $0x0  }
.LBB2_4:
0x44: {  	s22 =	sadd.s32 s19, s7  }
0x45: {  	[sflag:s9] =	ssyncadd.s32 $0xFFFFFF80;
	s19 =	smov.u32 s21;
	s20 =	sadd.s32 $0x80, s21  }
0x46: {  	[tilespmem:s3], [sflag:$0x1] =	stream.linear.gather [hbm4b:s22+s3], $0x400, $0x38;
	[tilespmem:$0x1D40] =	vst v63  }
0x47: {  	p0 =	sne.s32 s21, $0xC00;
	_ =	swait.ge [sflag:s9], $0x400  }
0x48: {  	[sflag:s9] =	ssyncset.done $0x0  }
0x49: {  	[sflag:s9] =	ssyncadd.s32 $0xFFFFFC00  }
0x4a: {  	[spmem:s2] =	stream.indirect.scatter.add.f32 [tilespmem:s11], [sflag:$0x1], $0x1, s3, s10, $0xb8;
	[tilespmem:$0x1D40] =	vst v63  }
0x4b: {  	_ =	swait.ge [sflag:s9], $0x80  }
0x4c: {  	[sflag:s9] =	ssyncset.done $0x0  }
0x4d: {  	[sflag:s9] =	ssyncadd.s32 $0xFFFFFF80  }
0x4e: {  	[spmem:s2] =	stream.indirect.scatter.add.f32 [tilespmem:s11], [sflag:$0x1], $0x1, s10, s10, $0xb8;
	[tilespmem:$0x1D40] =	vst v63  }
0x4f: {  	_ =	swait.ge [sflag:s9], $0x80  }
0x50: {  	[sflag:s9] =	ssyncset.done $0x0  }
0x51: {  	[sflag:s9] =	ssyncadd.s32 $0xFFFFFF80  }
0x52: {  	[spmem:s2] =	stream.indirect.scatter.add.f32 [tilespmem:s11], [sflag:$0x1], $0x1, s12, s10, $0xb8;
	[tilespmem:$0x1D40] =	vst v63  }
0x53: {  	_ =	swait.ge [sflag:s9], $0x80  }
0x54: {  	[sflag:s9] =	ssyncset.done $0x0  }
0x55: {  	[sflag:s9] =	ssyncadd.s32 $0xFFFFFF80  }
0x56: {  	[spmem:s2] =	stream.indirect.scatter.add.f32 [tilespmem:s11], [sflag:$0x1], $0x1, s13, s10, $0xb8;
	[tilespmem:$0x1D40] =	vst v63  }
0x57: {  	_ =	swait.ge [sflag:s9], $0x80  }
0x58: {  	[sflag:s9] =	ssyncset.done $0x0  }
0x59: {  	[sflag:s9] =	ssyncadd.s32 $0xFFFFFF80  }
0x5a: {  	[spmem:s2] =	stream.indirect.scatter.add.f32 [tilespmem:s11], [sflag:$0x1], $0x1, s14, s10, $0xb8;
	[tilespmem:$0x1D40] =	vst v63  }
0x5b: {  	_ =	swait.ge [sflag:s9], $0x80  }
0x5c: {  	[sflag:s9] =	ssyncset.done $0x0  }
0x5d: {  	[sflag:s9] =	ssyncadd.s32 $0xFFFFFF80  }
0x5e: {  	[spmem:s2] =	stream.indirect.scatter.add.f32 [tilespmem:s11], [sflag:$0x1], $0x1, s15, s10, $0xb8;
	[tilespmem:$0x1D40] =	vst v63  }
0x5f: {  	_ =	swait.ge [sflag:s9], $0x80  }
0x60: {  	[sflag:s9] =	ssyncset.done $0x0  }
0x61: {  	[sflag:s9] =	ssyncadd.s32 $0xFFFFFF80  }
0x62: {  	[spmem:s2] =	stream.indirect.scatter.add.f32 [tilespmem:s11], [sflag:$0x1], $0x1, s16, s10, $0xb8;
	[tilespmem:$0x1D40] =	vst v63  }
0x63: {  	_ =	swait.ge [sflag:s9], $0x80  }
.Ltmp1:
0x64: {  	[sflag:s9] =	ssyncset.done $0x0;
	(pc) =	sbr.rel @p0 .LBB2_4-.Ltmp1, $4  }
0x65: {  	[sflag:s9] =	ssyncadd.s32 $0xFFFFFF80  }
0x66: {  	[spmem:s2] =	stream.indirect.scatter.add.f32 [tilespmem:s11], [sflag:$0x1], $0x1, s17, s10, $0xb8;
	[tilespmem:$0x1D40] =	vst v63  }
0x67: {  	_ =	swait.ge [sflag:s9], $0x80  }
0x68: {  	s21 =	smov.u32 s20;
	[sflag:s9] =	ssyncset.done $0x0  }
0x69: {  	s19 =	sadd.s32 s19, s7;
	[sflag:s9] =	ssyncadd.s32 $0xFFFFFF80  }
0x6a: {  	[tilespmem:s3], [sflag:$0x1] =	stream.linear.gather [hbm4b:s19+s3], $0x400, $0x38;
	[tilespmem:$0x1D40] =	vst v63  }
0x6b: {  	_ =	swait.ge [sflag:s9], $0x400  }
0x6c: {  	[sflag:s9] =	ssyncset.done $0x0  }
0x6d: {  	[sflag:s9] =	ssyncadd.s32 $0xFFFFFC00  }
0x6e: {  	[spmem:s2] =	stream.indirect.scatter.add.f32 [tilespmem:s11], [sflag:$0x1], $0x1, s3, s10, $0xb8;
	[tilespmem:$0x1D40] =	vst v63  }
0x6f: {  	_ =	swait.ge [sflag:s9], $0x80  }
0x70: {  	[sflag:s9] =	ssyncset.done $0x0  }
0x71: {  	[sflag:s9] =	ssyncadd.s32 $0xFFFFFF80  }
0x72: {  	[spmem:s2] =	stream.indirect.scatter.add.f32 [tilespmem:s11], [sflag:$0x1], $0x1, s10, s10, $0xb8;
	[tilespmem:$0x1D40] =	vst v63  }
0x73: {  	_ =	swait.ge [sflag:s9], $0x80  }
0x74: {  	[sflag:s9] =	ssyncset.done $0x0  }
0x75: {  	[sflag:s9] =	ssyncadd.s32 $0xFFFFFF80  }
0x76: {  	[spmem:s2] =	stream.indirect.scatter.add.f32 [tilespmem:s11], [sflag:$0x1], $0x1, s12, s10, $0xb8;
	[tilespmem:$0x1D40] =	vst v63  }
0x77: {  	_ =	swait.ge [sflag:s9], $0x80  }
0x78: {  	[sflag:s9] =	ssyncset.done $0x0  }
0x79: {  	[sflag:s9] =	ssyncadd.s32 $0xFFFFFF80  }
0x7a: {  	[spmem:s2] =	stream.indirect.scatter.add.f32 [tilespmem:s11], [sflag:$0x1], $0x1, s13, s10, $0xb8;
	[tilespmem:$0x1D40] =	vst v63  }
0x7b: {  	_ =	swait.ge [sflag:s9], $0x80  }
0x7c: {  	[sflag:s9] =	ssyncset.done $0x0  }
0x7d: {  	[sflag:s9] =	ssyncadd.s32 $0xFFFFFF80  }
0x7e: {  	[spmem:s2] =	stream.indirect.scatter.add.f32 [tilespmem:s11], [sflag:$0x1], $0x1, s14, s10, $0xb8;
	[tilespmem:$0x1D40] =	vst v63  }
0x7f: {  	_ =	swait.ge [sflag:s9], $0x80  }
0x80: {  	[sflag:s9] =	ssyncset.done $0x0  }
0x81: {  	[sflag:s9] =	ssyncadd.s32 $0xFFFFFF80  }
0x82: {  	[spmem:s2] =	stream.indirect.scatter.add.f32 [tilespmem:s11], [sflag:$0x1], $0x1, s15, s10, $0xb8;
	[tilespmem:$0x1D40] =	vst v63  }
0x83: {  	_ =	swait.ge [sflag:s9], $0x80  }
0x84: {  	[sflag:s9] =	ssyncset.done $0x0  }
0x85: {  	[sflag:s9] =	ssyncadd.s32 $0xFFFFFF80  }
0x86: {  	[spmem:s2] =	stream.indirect.scatter.add.f32 [tilespmem:s11], [sflag:$0x1], $0x1, s16, s10, $0xb8;
	[tilespmem:$0x1D40] =	vst v63  }
0x87: {  	_ =	swait.ge [sflag:s9], $0x80  }
0x88: {  	[sflag:s9] =	ssyncset.done $0x0  }
0x89: {  	[sflag:s9] =	ssyncadd.s32 $0xFFFFFF80  }
0x8a: {  	[spmem:s2] =	stream.indirect.scatter.add.f32 [tilespmem:s11], [sflag:$0x1], $0x1, s17, s10, $0xb8;
	[tilespmem:$0x1D40] =	vst v63  }
0x8b: {  	_ =	swait.ge [sflag:s9], $0x80  }
0x8c: {  	[sflag:s9] =	ssyncset.done $0x0  }
0x8d: {  	[sflag:s9] =	ssyncadd.s32 $0xFFFFFF80  }
0x8e: {  	[bflag:$0x0] =	sbarrier.arrive $0xFFFF  }
0x8f: {  	[tilespmem:s8], [sflag:$0x1] =	stream.linear.gather [spmem:s4], $0xC60, $0x38;
	[tilespmem:$0x1D40] =	vst v63  }
0x90: {  	s18 =	sadd.s32 $0x1, s18;
	_ =	swait.ge [sflag:s9], $0xC60  }
0x91: {  	p0 =	sne.s32 s18, s6;
	[sflag:s9] =	ssyncset.done $0x0  }
.Ltmp2:
0x92: {  	[sflag:s9] =	ssyncadd.s32 $0xFFFFF3A0;
	(pc) =	sbr.rel @p0 .LBB2_1-.Ltmp2, $4  }
0x93: {  	[hbm4b:s5+s3] =	stream.linear.scatter [tilespmem:s8], [sflag:$0x1], $0xC60, $0x38;
	[tilespmem:$0x1D40] =	vst v63  }
0x94: {  	_ =	swait.ge [sflag:s9], $0xC60  }
0x95: {  	[sflag:s9] =	ssyncset.done $0x0  }
0x96: {  	[sflag:s9] =	ssyncadd.s32 $0xFFFFF3A0  }
0x97: {  	_ =	sfence.sel $0x180000  }
0x98: {  	[bflag:$0x0] =	sbarrier.arrive $0xFFFF  }
0x99: {  	p0 =	sne.s32 s0, $0x0;
	_ =	strace $0x90000047  }
0x9a: {  	s0 =	sadd.s32 @!p0 $0x100000, s1;
	[bflag:$0x2] =	sbarrier.arrive $0xFFFF  }
0x9b: {  	[sflag:s0] =	ssyncadd.tile.s32 @!p0 $0x1;
	_ =	shalt  }
.Lfunc_end2:
_tile_overlayer_lowered:
.L_overlay_start_2:
0x9c: {  	(tag) =	ssettag $0x2  }
0x9d: {  	s0 =	rddreg [dreg:$0x0];
	s2 =	stileid.u32  }
0x9e: {  	s1 =	rddreg [dreg:$0x1];
	p0 =	sne.s32 s2, $0x0  }
0x9f: {  	s3 =	rddreg [dreg:$0x2];
	[bflag:$0x3] =	sbarrier.arrive $0xFFFF;
	s2 =	simm.s32 @!p0 $0x1C01  }
0xa0: {  	[timem:s3], [sflag:s2] =	dma.local @!p0 [hbm:s0], s1  }
0xa1: {  	s0 =	simm.s32 @!p0 $0x1  }
0xa2: {  	_ =	swait.ge @!p0 [sflag:s0], s1  }
0xa3: {  	s1 =	ssub.s32 @!p0 $0x0, s1;
	[sflag:s0] =	ssyncset.done @!p0 $0x0  }
0xa4: {  	[sflag:s0] =	ssyncadd.s32 @!p0 s1  }
0xa5: {  	[bflag:$0x3] =	sbarrier.arrive $0xFFFF  }
0xa6: {  	_ =	shalt  }

// kernel: kernel.13.cloned.1.call-start
scs
__scs_entry_jumppad:
0x0: {  	(pc) =	sbr.rel $0x88, $3  }
0x1: {  	(tag) =	ssettag $0x0;
	lr =	simm.s32 $0x1  }
0x2: {  	[smem:$0x3F8F] =	sst lr;
	_ =	strace $0xD0000000  }
0x3: {  	_ = 	snop  }
0x4: {  	_ = 	snop  }
0x5: {  	_ = 	snop  }
0x6: {  	_ = 	snop  }
0x7: {  	_ = 	snop  }
__scs_overlays_trampoline_lowered:
0x8: {  	[smem:$0x3F9E] =	sst s0  }
0x9: {  	[smem:$0x3F9F] =	sst s1  }
0xa: {  	[smem:$0x3FA0] =	sst s2  }
0xb: {  	[smem:$0x3FA1] =	sst s3  }
0xc: {  	[smem:$0x3FA2] =	sst s4  }
0xd: {  	[smem:$0x3FA3] =	sst s5  }
0xe: {  	[smem:$0x3FA4] =	sst s6  }
0xf: {  	[smem:$0x3FA5] =	sst s7  }
0x10: {  	[smem:$0x3FA6] =	sst s8  }
0x11: {  	[smem:$0x3FA7] =	sst s9;
	s0 =	simm.s32 @!p0 $0x0  }
0x12: {  	s1 =	sld [smem:$0x3F8D];
	s0 =	simm.s32 @p0 $0x1  }
0x13: {  	[smem:$0x3FA8] =	sst s0;
	s0 =	simm.s32 @!p1 $0x0  }
0x14: {  	s2 =	sld [smem:$0x3F8C];
	s0 =	simm.s32 @p1 $0x1  }
0x15: {  	[smem:$0x3FA9] =	sst s0;
	s0 =	simm.s32 @!p2 $0x0  }
0x16: {  	s3 =	sld [smem:$0x3FDB];
	s0 =	simm.s32 @p2 $0x1  }
0x17: {  	s4 =	simm.s32 $0x1BF5;
	[smem:$0x3FAB] =	sst s0  }
0x18: {  	s0 =	sld [smem:$0x3F8E];
	_ =	swait.ge [sflag:s4], $0x0  }
0x19: {  	s7 =	sld [smem:$0x3F8F]  }
0x1a: {  	s8 =	sadd.s32 $0xFFFFE003, lr  }
0x1b: {  	s9 =	sadd.s32 $0xFFFFFEF7, lr;
	s5 =	simm.s32 $0xFFFFFFFF;
	p2 =	slt.u32 s8, $0xFFFFF086  }
0x1c: {  	p1 =	slt.u32 s9, $0xF7A;
	s5 =	simm.s32 @!p2 $0x0  }
0x1d: {  	s5 =	simm.s32 @p1 $0x1;
	p0 =	seq.s32 s7, s2  }
0x1e: {  	s7 =	smul.u32 @!p0 $0xF7A, s2;
	p2 =	seq.s32 @!p0 s5, $0x0  }
0x1f: {  	s9 =	smul.u32 $0xF7A, s1;
	s8 =	simm.s32 @!p0 $0x1BF5;
	p2 =	por !p2, p0  }
0x20: {  	[sflag:s8] =	ssyncset.s32 @!p0 $0xFFFFF086;
	s6 =	sadd.s32 @!p0 s3, s7;
	s7 =	simm.s32 @!p0 $0x108  }
0x21: {  	s3 =	sadd.s32 s3, s9;
	s6 =	sadd.s32 @!p0 $0x88, s6;
	s7 =	simm.s32 @p2 $0x1082  }
0x22: {  	[simem:s7], [sflag:s8] =	dma.local @!p0 [hbm:s6], $0xF7A  }
0x23: {  	s9 =	sor.u32 $0xD0000000, s2;
	s6 =	simm.s32 $0x108;
	_ =	swait.ge @!p0 [sflag:s8], $0x0  }
0x24: {  	s3 =	sadd.s32 $0x88, s3;
	s6 =	simm.s32 @!p1 $0x1082;
	[sflag:s4] =	ssyncset.s32 $0xFFFFF086  }
0x25: {  	[simem:s6], [sflag:s4] =	dma.local [hbm:s3], $0xF7A  }
0x26: {  	[smem:$0x3F8F] =	sst s1;
	(tag) =	ssettag s2;
	_ =	strace s9  }
0x27: {  	s1 =	sld [smem:$0x3F9F]  }
0x28: {  	s2 =	sld [smem:$0x3FA0]  }
0x29: {  	s4 =	sld [smem:$0x3FA2]  }
0x2a: {  	p0 =	seq.s32 s5, $0x0;
	s5 =	sld [smem:$0x3FA3]  }
0x2b: {  	s6 =	sld [smem:$0x3FA4]  }
0x2c: {  	s7 =	sld [smem:$0x3FA5]  }
0x2d: {  	s3 =	simm.s32 $0x108;
	s8 =	sld [smem:$0x3FA6]  }
0x2e: {  	s3 =	simm.s32 @!p0 $0x1082;
	s9 =	sld [smem:$0x3FA7]  }
0x2f: {  	lr =	sadd.s32 s0, s3;
	s0 =	sld [smem:$0x3F9E]  }
0x30: {  	s3 =	sld [smem:$0x3FA1]  }
0x31: {  	[smem:$0x3FAA] =	sst s10  }
0x32: {  	s10 =	sld [smem:$0x3FA8];
	_ =	sdelay $0x3  }
0x33: {  	p0 =	seq.s32 s10, $0x1;
	s10 =	sld [smem:$0x3FAA];
	_ =	sdelay $0x3  }
0x34: {  	[smem:$0x3FAA] =	sst s10  }
0x35: {  	s10 =	sld [smem:$0x3FA9];
	_ =	sdelay $0x3  }
0x36: {  	p1 =	seq.s32 s10, $0x1;
	s10 =	sld [smem:$0x3FAA];
	_ =	sdelay $0x3  }
0x37: {  	[smem:$0x3FAA] =	sst s10  }
0x38: {  	s10 =	sld [smem:$0x3FAB]  }
0x39: {  	_ = 	snop;
	(pc) =	sbr.ind lr, $3  }
0x3a: {  	_ = 	snop  }
0x3b: {  	_ = 	snop  }
0x3c: {  	p2 =	seq.s32 s10, $0x1;
	s10 =	sld [smem:$0x3FAA]  }
0x3d: {  	_ =	shalt  }
0x3e: {  	_ =	shalt  }
0x3f: {  	_ =	shalt  }
0x40: {  	_ =	shalt  }
0x41: {  	_ =	shalt  }
0x42: {  	_ =	shalt  }
0x43: {  	_ =	shalt  }
0x44: {  	_ =	shalt  }
0x45: {  	_ =	shalt  }
0x46: {  	_ =	shalt  }
0x47: {  	_ =	shalt  }
0x48: {  	_ =	shalt  }
0x49: {  	_ =	shalt  }
0x4a: {  	_ =	shalt  }
0x4b: {  	_ =	shalt  }
0x4c: {  	_ =	shalt  }
0x4d: {  	_ =	shalt  }
0x4e: {  	_ =	shalt  }
0x4f: {  	_ =	shalt  }
0x50: {  	_ =	shalt  }
0x51: {  	_ =	shalt  }
0x52: {  	_ =	shalt  }
0x53: {  	_ =	shalt  }
0x54: {  	_ =	shalt  }
0x55: {  	_ =	shalt  }
0x56: {  	_ =	shalt  }
0x57: {  	_ =	shalt  }
0x58: {  	_ =	shalt  }
0x59: {  	_ =	shalt  }
0x5a: {  	_ =	shalt  }
0x5b: {  	_ =	shalt  }
0x5c: {  	_ =	shalt  }
0x5d: {  	_ =	shalt  }
0x5e: {  	_ =	shalt  }
0x5f: {  	_ =	shalt  }
0x60: {  	_ =	shalt  }
0x61: {  	_ =	shalt  }
0x62: {  	_ =	shalt  }
0x63: {  	_ =	shalt  }
0x64: {  	_ =	shalt  }
0x65: {  	_ =	shalt  }
0x66: {  	_ =	shalt  }
0x67: {  	_ =	shalt  }
0x68: {  	_ =	shalt  }
0x69: {  	_ =	shalt  }
0x6a: {  	_ =	shalt  }
0x6b: {  	_ =	shalt  }
0x6c: {  	_ =	shalt  }
0x6d: {  	_ =	shalt  }
0x6e: {  	_ =	shalt  }
0x6f: {  	_ =	shalt  }
0x70: {  	_ =	shalt  }
0x71: {  	_ =	shalt  }
0x72: {  	_ =	shalt  }
0x73: {  	_ =	shalt  }
0x74: {  	_ =	shalt  }
0x75: {  	_ =	shalt  }
0x76: {  	_ =	shalt  }
0x77: {  	_ =	shalt  }
0x78: {  	_ =	shalt  }
0x79: {  	_ =	shalt  }
0x7a: {  	_ =	shalt  }
0x7b: {  	_ =	shalt  }
0x7c: {  	_ =	shalt  }
0x7d: {  	_ =	shalt  }
0x7e: {  	_ =	shalt  }
0x7f: {  	_ =	shalt  }
0x80: {  	_ =	shalt  }
0x81: {  	_ =	shalt  }
0x82: {  	_ =	shalt  }
0x83: {  	_ =	shalt  }
0x84: {  	_ =	shalt  }
0x85: {  	_ =	shalt  }
0x86: {  	_ =	shalt  }
0x87: {  	_ =	shalt  }
.Lfunc_end0:
.L_simem_size_0:
called_computation.1_lowered:
.L_overlay_start_0:
0x88: {  	s2 =	sld [smem:$0x3FD9]  }
0x89: {  	s3 =	sld [smem:$0x3FFE];
	_ =	sdelay $0x1  }
0x8a: {  	s1 =	srdreg.scid  }
0x8b: {  	s0 =	sand.u32 $0x1, s1  }
0x8c: {  	s16 =	sshll.u32 s0, $0xA;
	s2 =	sadd.s32 s3, s2  }
0x8d: {  	s2 =	sadd.s32 s2, s16  }
0x8e: {  	[smem:$0x3FB6] =	sst s2  }
0x8f: {  	_ = 	snop  }
0x90: {  	(tm) =	ssettm $0x1  }
0x91: {  	s17 =	sld [smem:$0x3FFB];
	_ =	sdelay $0x3  }
0x92: {  	_ =	strace s17  }
0x93: {  	s2 =	sld [smem:$0x3FFC];
	_ =	sdelay $0x3  }
0x94: {  	_ =	strace s2  }
0x95: {  	s2 =	sld [smem:$0x3FFD];
	_ =	sdelay $0x3  }
0x96: {  	_ =	strace s2  }
0x97: {  	_ =	strace $0x8FFFFFFF  }
0x98: {  	s18 =	sld [smem:$0x3FDB];
	_ =	sdelay $0x1  }
0x99: {  	s19 =	simm.s32 $_scs_section_size  }
0x9a: {  	s4 =	simm.s32 $_size__tile_overlayer_lowered;
	s5 =	simm.s32 $_tile_overlayer_lowered  }
0x9b: {  	s22 =	simm.s32 $0x1BFF;
	s21 =	sshll.u32 s5, $0x1;
	s2 =	sadd.s32 s19, s18  }
0x9c: {  	s6 =	simm.s32 $0x0;
	s20 =	sshll.u32 s4, $0x1;
	s4 =	sadd.s32 s21, s2  }
0x9d: {  	[timem:s6], [sflag:s22] =	dma.local [hbm:s4], s20  }
0x9e: {  	_ =	swait.ge [sflag:s22], s20  }
0x9f: {  	s3 =	ssub.s32 $0x0, s20;
	[sflag:s22] =	ssyncset.done $0x0  }
0xa0: {  	[sflag:s22] =	ssyncadd.s32 s3;
	_ =	sdelay $0x1  }
0xa1: {  	s23 =	simm.s32 $0x1B8B  }
0xa2: {  	_ =	swait.ge [sflag:s23], $0x1  }
0xa3: {  	[sflag:s23] =	ssyncset.done $0x0  }
0xa4: {  	s25 =	simm.s32 $0x1B8E;
	s24 =	sld [smem:$0x3FFE];
	[sflag:s23] =	ssyncadd.s32 $0xFFFFFFFF  }
0xa5: {  	s26 =	simm.s32 $execute0_lowered;
	[smem:$0x3FD2] =	sst s25  }
0xa6: {  	s4 =	sshll.u32 s26, $0x1;
	_ =	strace $0x80000049;
	[dreg:$0x1] =	wrdreg $0xFFFFFFFF  }
0xa7: {  	s28 =	simm.s32 $_size_execute0_lowered;
	s2 =	sadd.s32 s2, s4;
	[dreg:$0x0] =	wrdreg $0x0  }
0xa8: {  	s4 =	sshll.u32 s28, $0x1;
	[dreg:$0x2] =	wrdreg s2  }
0xa9: {  	[dreg:$0x3] =	wrdreg s4  }
0xaa: {  	[dreg:$0x4] =	wrdreg $0xC0  }
0xab: {  	_ =	task [dreg:s6], $0x5FFFF  }
0xac: {  	[dreg:$0x1] =	wrdreg $0xFFFFFFFF  }
0xad: {  	[dreg:$0x0] =	wrdreg $0x60  }
0xae: {  	[dreg:$0x2] =	wrdreg s24  }
0xaf: {  	[dreg:$0x3] =	wrdreg $0x68000  }
0xb0: {  	[dreg:$0x4] =	wrdreg $0x9  }
0xb1: {  	_ =	task.clear_ibuf [dreg:s6], $0x5FFFF;
	_ =	strace $0x90000049  }
0xb2: {  	s29 =	simm.s32 $0x9;
	_ =	strace $0x8000004B  }
0xb3: {  	_ =	swait.ge [sflag:s29], $0x1  }
0xb4: {  	[sflag:s29] =	ssyncadd.s32 $0xFFFFFFFF  }
0xb5: {  	_ =	strace $0x9000004B  }
0xb6: {  	_ =	sfence  }
0xb7: {  	s30 =	sld [smem:$0x0];
	_ =	sdelay $0x2  }
0xb8: {  	s31 =	sshll.u32 s1, $0xD;
	s1 =	sshrl.u32 s1, $0x2  }
0xb9: {  	s3 =	sand.u32 $0x4000, s31;
	s1 =	sadd.s32 s1, s30  }
0xba: {  	s0 =	sor.u32 s3, s0;
	s1 =	sshll.u32 s1, $0x11  }
0xbb: {  	s0 =	sor.u32 s1, s0  }
0xbc: {  	s0 =	sadd.s32 $0x8F2B, s0  }
0xbd: {  	[sflag:s0] =	ssyncadd.remote.s32 $0x1  }
0xbe: {  	_ =	sfence.sel $0xFFFF  }
0xbf: {  	[dreg:$0x0] =	wrdreg $0xFFFFFFFF;
	(pc) =	sbr.abs _section_cstart, $3  }
0xc0: {  	[dreg:$0x1] =	wrdreg $0xFFFFFFFF  }
0xc1: {  	_ =	task.clear_ibuf [dreg:s6], $0x2FFFF;
	_ =	strace $0x9FFFFFFF  }
0xc2: {  	(tm) =	ssettm $0x7FFFFFFF  }
0xc3: {  	_ =	shalt  }
tec
execute0_lowered:
.L_overlay_start_1:
0x0: {  	(tag) =	ssettag $0x1  }
0x1: {  	s0 =	rddreg [dreg:$0x0]  }
0x2: {  	s2 =	rddreg [dreg:$0x1]  }
0x3: {  	s1 =	srdreg.scid;
	s10 =	stileid.u32  }
0x4: {  	s19 =	simm.s32 $0x0;
	s14 =	simm.s32 $0x2800;
	s15 =	simm.s32 $0x3  }
0x5: {  	s17 =	simm.s32 $0x80;
	s18 =	simm.s32 $0x3000;
	s20 =	simm.s32 $0x3800  }
0x6: {  	s22 =	simm.s32 $0x4000;
	s29 =	simm.s32 $0x5800;
	s30 =	simm.s32 $0x380  }
0x7: {  	s31 =	simm.s32 $0x6000;
	s11 =	simm.s32 $0x2500;
	s12 =	simm.s32 $0x2580  }
0x8: {  	s13 =	simm.s32 $0x2600;
	s16 =	simm.s32 $0x2780;
	s3 =	smul.u32 $0xC600, s10  }
0x9: {  	s1 =	sand.u32 $0x1, s1;
	[smem:$0x7FF] =	sst s19;
	s8 =	smul.u32 $0x31800, s10  }
0xa: {  	s4 =	sadd.s32 $0x3000, s0;
	s5 =	sadd.s32 $0x1C000, s0;
	s6 =	smul.u32 $0xC6000, s1  }
0xb: {  	_ =	strace $0x8000004A;
	s23 =	ssub.s32 $0x2, s1;
	s1 =	sshll.u32 s1, $0x4  }
0xc: {  	s9 =	sshrl.u32 s23, $0x1;
	s1 =	sor.u32 s10, s1;
	s8 =	sshrl.u32 s8, $0x2  }
0xd: {  	s10 =	simm.s32 $0x2480;
	s7 =	sadd.s32 s3, s6;
	s6 =	sadd.s32 $0x35000, s0  }
0xe: {  	s9 =	ssub.s32 s23, s9;
	s24 =	sadd.s32 s8, s2;
	s23 =	sadd.s32 s3, s2  }
0xf: {  	s8 =	simm.s32 $0x2680;
	s3 =	simm.s32 $0x2700;
	s7 =	sshrl.u32 s7, $0x3  }
0x10: {  	s25 =	sadd.s32 $0x4000, s24;
	s26 =	sadd.s32 $0x8000, s24;
	[dreg:$0x4] =	wrdreg s23  }
0x11: {  	s28 =	smax.u32 s9, $0x1;
	s9 =	simm.s32 $0x2400;
	[dreg:$0x5] =	wrdreg s25  }
0x12: {  	s0 =	sadd.s32 s7, s0;
	s7 =	smul.u32 $0xC8, s1;
	[dreg:$0x6] =	wrdreg s26  }
0x13: {  	s1 =	sadd.s32 $0xC000, s24;
	[dreg:$0x9] =	wrdreg s28;
	s24 =	simm.s32 $0x4800  }
0x14: {  	s26 =	simm.s32 $0x5000;
	[dreg:$0x7] =	wrdreg s1;
	s0 =	sadd.s32 $0x4DC00, s0  }
0x15: {  	v0 =	vimm.f32 $0.0e+00;
	s1 =	simm.s32 $0x2;
	[dreg:$0x8] =	wrdreg s0;
	s0 =	simm.s32 $0x1  }
.LBB2_1:
0x16: {  	[dreg:$0x3] =	wrdreg s19;
	s19 =	simm.s32 $0x40;
	s21 =	simm.s32 $0x0  }
.LBB2_2:
0x17: {  	p0 =	sne.s32 s19, $0xFFC0;
	[tilespmem:s21+$0x2800] =	vst v0;
	s21 =	smov.u32 s19;
	s19 =	sadd.s32 $0x40, s19  }
.Ltmp0:
0x18: {  	(pc) =	sbr.rel @p0 .LBB2_2-.Ltmp0, $2  }
0x19: {  	_ =	sdelay $0x2  }
0x1a: {  	s21 =	sshra.s32 s21, $0x2  }
0x1b: {  	[tilespmem:s21+$0x2800] =	vst v0  }
0x1c: {  	[spmem:s23] =	stream.linear.scatter [tilespmem:s14], [sflag:$0x3], $0x4000, $0x38;
	[tilespmem:$0x12E00] =	vst v63  }
0x1d: {  	_ =	swait.ge [sflag:s15], $0x4000  }
0x1e: {  	[sflag:s15] =	ssyncset.done $0x0  }
0x1f: {  	s19 =	rddreg [dreg:$0x5];
	[sflag:s15] =	ssyncadd.s32 $0xFFFFC000  }
0x20: {  	[spmem:s19] =	stream.linear.scatter [tilespmem:s14], [sflag:$0x3], $0x4000, $0x38;
	[tilespmem:$0x12E00] =	vst v63  }
0x21: {  	_ =	swait.ge [sflag:s15], $0x4000  }
0x22: {  	[sflag:s15] =	ssyncset.done $0x0  }
0x23: {  	s25 =	rddreg [dreg:$0x6];
	[sflag:s15] =	ssyncadd.s32 $0xFFFFC000  }
0x24: {  	[spmem:s25] =	stream.linear.scatter [tilespmem:s14], [sflag:$0x3], $0x4000, $0x38;
	[tilespmem:$0x12E00] =	vst v63  }
0x25: {  	_ =	swait.ge [sflag:s15], $0x4000  }
0x26: {  	[sflag:s15] =	ssyncset.done $0x0  }
0x27: {  	s28 =	rddreg [dreg:$0x7];
	[sflag:s15] =	ssyncadd.s32 $0xFFFFC000  }
0x28: {  	[spmem:s28] =	stream.linear.scatter [tilespmem:s14], [sflag:$0x3], $0x600, $0x38;
	[tilespmem:$0x12E00] =	vst v63  }
0x29: {  	_ =	swait.ge [sflag:s15], $0x600  }
0x2a: {  	[sflag:s15] =	ssyncset.done $0x0  }
0x2b: {  	[sflag:s15] =	ssyncadd.s32 $0xFFFFFA00  }
0x2c: {  	s21 =	simm.s32 $0x0;
	s19 =	simm.s32 $0x0;
	[bflag:$0x0] =	sbarrier.arrive $0xFFFF  }
.LBB2_4:
0x2d: {  	s23 =	smul.u32 $0x28, s21;
	_ =	sdelay $0x1  }
0x2e: {  	s23 =	sadd.s32 s7, s23  }
0x2f: {  	s23 =	sshll.u32 s23, $0x4  }
0x30: {  	s25 =	sadd.s32 s4, s23  }
0x31: {  	[tilespmem:s19], [sflag:$0x3] =	stream.linear.gather [hbm4b:s25+s19], $0x1400, $0x38;
	[tilespmem:$0x12E00] =	vst v63  }
0x32: {  	_ =	swait.ge [sflag:s15], $0x1400  }
0x33: {  	[sflag:s15] =	ssyncset.done $0x0  }
0x34: {  	s28 =	simm.s32 $0x1400;
	s23 =	sadd.s32 s5, s23;
	[sflag:s15] =	ssyncadd.s32 $0xFFFFEC00  }
0x35: {  	[tilespmem:s28], [sflag:$0x3] =	stream.linear.gather [hbm4b:s23+s19], $0x1400, $0x38;
	[tilespmem:$0x12E00] =	vst v63  }
0x36: {  	_ =	swait.ge [sflag:s15], $0x1400  }
0x37: {  	[sflag:s15] =	ssyncset.done $0x0  }
0x38: {  	[sflag:s15] =	ssyncadd.s32 $0xFFFFEC00  }
0x39: {  	[tilespmem:s14], [sflag:$0x1] =	stream.indirect.gather [hbm4b:s6+s17], $0x10, s19, s17, $0xb8;
	[tilespmem:$0x12E00] =	vst v63  }
0x3a: {  	_ = 	snop  }
0x3b: {  	[tilespmem:s18], [sflag:$0x1] =	stream.indirect.gather [hbm4b:s6+s17], $0x10, s17, s17, $0xb8;
	[tilespmem:$0x12E00] =	vst v63  }
0x3c: {  	s25 =	simm.s32 $0x100  }
0x3d: {  	[tilespmem:s20], [sflag:$0x1] =	stream.indirect.gather [hbm4b:s6+s17], $0x10, s25, s17, $0xb8;
	[tilespmem:$0x12E00] =	vst v63  }
0x3e: {  	s28 =	simm.s32 $0x180  }
0x3f: {  	[tilespmem:s22], [sflag:$0x1] =	stream.indirect.gather [hbm4b:s6+s17], $0x10, s28, s17, $0xb8;
	[tilespmem:$0x12E00] =	vst v63  }
0x40: {  	s25 =	simm.s32 $0x200  }
0x41: {  	[tilespmem:s24], [sflag:$0x2] =	stream.indirect.gather [hbm4b:s6+s17], $0x10, s25, s17, $0xb8;
	[tilespmem:$0x12E00] =	vst v63  }
0x42: {  	s28 =	simm.s32 $0x280  }
0x43: {  	[tilespmem:s26], [sflag:$0x2] =	stream.indirect.gather [hbm4b:s6+s17], $0x10, s28, s17, $0xb8;
	[tilespmem:$0x12E00] =	vst v63  }
0x44: {  	s25 =	simm.s32 $0x300  }
0x45: {  	[tilespmem:s29], [sflag:$0x2] =	stream.indirect.gather [hbm4b:s6+s17], $0x10, s25, s17, $0xb8;
	[tilespmem:$0x12E00] =	vst v63  }
0x46: {  	_ = 	snop  }
0x47: {  	[tilespmem:s31], [sflag:$0x2] =	stream.indirect.gather [hbm4b:s6+s17], $0x10, s30, s17, $0xb8;
	[tilespmem:$0x12E00] =	vst v63  }
0x48: {  	_ =	swait.ge [sflag:s0], $0x800  }
0x49: {  	[sflag:s0] =	ssyncset.done $0x0  }
0x4a: {  	[sflag:s0] =	ssyncadd.s32 $0xFFFFF800  }
0x4b: {  	_ =	swait.ge [sflag:s0], $0x800  }
0x4c: {  	[sflag:s0] =	ssyncset.done $0x0  }
0x4d: {  	[sflag:s0] =	ssyncadd.s32 $0xFFFFF800  }
0x4e: {  	_ =	swait.ge [sflag:s0], $0x800  }
0x4f: {  	[sflag:s0] =	ssyncset.done $0x0  }
0x50: {  	[sflag:s0] =	ssyncadd.s32 $0xFFFFF800  }
0x51: {  	_ =	swait.ge [sflag:s0], $0x800  }
0x52: {  	[sflag:s0] =	ssyncset.done $0x0  }
0x53: {  	s28 =	simm.s32 $0x1400;
	[sflag:s0] =	ssyncadd.s32 $0xFFFFF800  }
0x54: {  	[spmem:s2] =	stream.indirect.scatter.add.f32 [tilespmem:s14], [sflag:$0x3], $0x10, s28, s17, $0xb8;
	[tilespmem:$0x12E00] =	vst v63  }
0x55: {  	_ =	swait.ge [sflag:s15], $0x800  }
0x56: {  	[sflag:s15] =	ssyncset.done $0x0  }
0x57: {  	s25 =	simm.s32 $0x1480;
	[sflag:s15] =	ssyncadd.s32 $0xFFFFF800  }
0x58: {  	[spmem:s2] =	stream.indirect.scatter.add.f32 [tilespmem:s18], [sflag:$0x3], $0x10, s25, s17, $0xb8;
	[tilespmem:$0x12E00] =	vst v63  }
0x59: {  	_ =	swait.ge [sflag:s15], $0x800  }
0x5a: {  	[sflag:s15] =	ssyncset.done $0x0  }
0x5b: {  	s28 =	simm.s32 $0x1500;
	[sflag:s15] =	ssyncadd.s32 $0xFFFFF800  }
0x5c: {  	[spmem:s2] =	stream.indirect.scatter.add.f32 [tilespmem:s20], [sflag:$0x3], $0x10, s28, s17, $0xb8;
	[tilespmem:$0x12E00] =	vst v63  }
0x5d: {  	_ =	swait.ge [sflag:s15], $0x800  }
0x5e: {  	[sflag:s15] =	ssyncset.done $0x0  }
0x5f: {  	s25 =	simm.s32 $0x1580;
	[sflag:s15] =	ssyncadd.s32 $0xFFFFF800  }
0x60: {  	[spmem:s2] =	stream.indirect.scatter.add.f32 [tilespmem:s22], [sflag:$0x3], $0x10, s25, s17, $0xb8;
	[tilespmem:$0x12E00] =	vst v63  }
0x61: {  	_ =	swait.ge [sflag:s15], $0x800  }
0x62: {  	[sflag:s15] =	ssyncset.done $0x0  }
0x63: {  	s28 =	simm.s32 $0x400;
	[sflag:s15] =	ssyncadd.s32 $0xFFFFF800  }
0x64: {  	[tilespmem:s14], [sflag:$0x1] =	stream.indirect.gather [hbm4b:s6+s17], $0x10, s28, s17, $0xb8;
	[tilespmem:$0x12E00] =	vst v63  }
0x65: {  	s25 =	simm.s32 $0x480  }
0x66: {  	[tilespmem:s18], [sflag:$0x1] =	stream.indirect.gather [hbm4b:s6+s17], $0x10, s25, s17, $0xb8;
	[tilespmem:$0x12E00] =	vst v63  }
0x67: {  	s28 =	simm.s32 $0x500  }
0x68: {  	[tilespmem:s20], [sflag:$0x1] =	stream.indirect.gather [hbm4b:s6+s17], $0x10, s28, s17, $0xb8;
	[tilespmem:$0x12E00] =	vst v63  }
0x69: {  	s25 =	simm.s32 $0x580  }
0x6a: {  	[tilespmem:s22], [sflag:$0x1] =	stream.indirect.gather [hbm4b:s6+s17], $0x10, s25, s17, $0xb8;
	[tilespmem:$0x12E00] =	vst v63  }
0x6b: {  	_ =	swait.ge [sflag:s1], $0x800  }
0x6c: {  	[sflag:s1] =	ssyncset.done $0x0  }
0x6d: {  	[sflag:s1] =	ssyncadd.s32 $0xFFFFF800  }
0x6e: {  	_ =	swait.ge [sflag:s1], $0x800  }
0x6f: {  	[sflag:s1] =	ssyncset.done $0x0  }
0x70: {  	[sflag:s1] =	ssyncadd.s32 $0xFFFFF800  }
0x71: {  	_ =	swait.ge [sflag:s1], $0x800  }
0x72: {  	[sflag:s1] =	ssyncset.done $0x0  }
0x73: {  	[sflag:s1] =	ssyncadd.s32 $0xFFFFF800  }
0x74: {  	_ =	swait.ge [sflag:s1], $0x800  }
0x75: {  	[sflag:s1] =	ssyncset.done $0x0  }
0x76: {  	s28 =	simm.s32 $0x1600;
	[sflag:s1] =	ssyncadd.s32 $0xFFFFF800  }
0x77: {  	[spmem:s2] =	stream.indirect.scatter.add.f32 [tilespmem:s24], [sflag:$0x3], $0x10, s28, s17, $0xb8;
	[tilespmem:$0x12E00] =	vst v63  }
0x78: {  	_ =	swait.ge [sflag:s15], $0x800  }
0x79: {  	[sflag:s15] =	ssyncset.done $0x0  }
0x7a: {  	s25 =	simm.s32 $0x1680;
	[sflag:s15] =	ssyncadd.s32 $0xFFFFF800  }
0x7b: {  	[spmem:s2] =	stream.indirect.scatter.add.f32 [tilespmem:s26], [sflag:$0x3], $0x10, s25, s17, $0xb8;
	[tilespmem:$0x12E00] =	vst v63  }
0x7c: {  	_ =	swait.ge [sflag:s15], $0x800  }
0x7d: {  	[sflag:s15] =	ssyncset.done $0x0  }
0x7e: {  	s28 =	simm.s32 $0x1700;
	[sflag:s15] =	ssyncadd.s32 $0xFFFFF800  }
0x7f: {  	[spmem:s2] =	stream.indirect.scatter.add.f32 [tilespmem:s29], [sflag:$0x3], $0x10, s28, s17, $0xb8;
	[tilespmem:$0x12E00] =	vst v63  }
0x80: {  	_ =	swait.ge [sflag:s15], $0x800  }
0x81: {  	[sflag:s15] =	ssyncset.done $0x0  }
0x82: {  	s25 =	simm.s32 $0x1780;
	[sflag:s15] =	ssyncadd.s32 $0xFFFFF800  }
0x83: {  	[spmem:s2] =	stream.indirect.scatter.add.f32 [tilespmem:s31], [sflag:$0x3], $0x10, s25, s17, $0xb8;
	[tilespmem:$0x12E00] =	vst v63  }
0x84: {  	_ =	swait.ge [sflag:s15], $0x800  }
0x85: {  	[sflag:s15] =	ssyncset.done $0x0  }
0x86: {  	s28 =	simm.s32 $0x600;
	[sflag:s15] =	ssyncadd.s32 $0xFFFFF800  }
0x87: {  	[tilespmem:s24], [sflag:$0x2] =	stream.indirect.gather [hbm4b:s6+s17], $0x10, s28, s17, $0xb8;
	[tilespmem:$0x12E00] =	vst v63  }
0x88: {  	s25 =	simm.s32 $0x680  }
0x89: {  	[tilespmem:s26], [sflag:$0x2] =	stream.indirect.gather [hbm4b:s6+s17], $0x10, s25, s17, $0xb8;
	[tilespmem:$0x12E00] =	vst v63  }
0x8a: {  	s23 =	simm.s32 $0x1000;
	s28 =	simm.s32 $0x700;
	s25 =	simm.s32 $0x780  }
0x8b: {  	[tilespmem:s29], [sflag:$0x2] =	stream.indirect.gather [hbm4b:s6+s17], $0x10, s28, s17, $0xb8;
	[tilespmem:$0x12E00] =	vst v63  }
.LBB2_5:
0x8c: {  	[tilespmem:s31], [sflag:$0x2] =	stream.indirect.gather [hbm4b:s6+s17], $0x10, s25, s17, $0xb8;
	[tilespmem:$0x12E00] =	vst v63  }
0x8d: {  	s25 =	smov.u32 s23  }
0x8e: {  	p0 =	sne.s32 s23, $0x3000;
	s23 =	sadd.s32 $0x1000, s23;
	_ =	swait.ge [sflag:s0], $0x800  }
0x8f: {  	[sflag:s0] =	ssyncset.done $0x0  }
0x90: {  	[sflag:s0] =	ssyncadd.s32 $0xFFFFF800  }
0x91: {  	_ =	swait.ge [sflag:s0], $0x800  }
0x92: {  	[sflag:s0] =	ssyncset.done $0x0  }
0x93: {  	[sflag:s0] =	ssyncadd.s32 $0xFFFFF800  }
0x94: {  	_ =	swait.ge [sflag:s0], $0x800  }
0x95: {  	[sflag:s0] =	ssyncset.done $0x0  }
0x96: {  	[sflag:s0] =	ssyncadd.s32 $0xFFFFF800  }
0x97: {  	_ =	swait.ge [sflag:s0], $0x800  }
0x98: {  	s25 =	sshra.s32 s25, $0x2;
	[sflag:s0] =	ssyncset.done $0x0  }
0x99: {  	s28 =	sadd.s32 $0x1400, s25;
	[sflag:s0] =	ssyncadd.s32 $0xFFFFF800  }
0x9a: {  	[spmem:s2] =	stream.indirect.scatter.add.f32 [tilespmem:s14], [sflag:$0x3], $0x10, s28, s17, $0xb8;
	[tilespmem:$0x12E00] =	vst v63  }
0x9b: {  	_ =	swait.ge [sflag:s15], $0x800  }
0x9c: {  	[sflag:s15] =	ssyncset.done $0x0  }
0x9d: {  	s28 =	sadd.s32 $0x1480, s25;
	[sflag:s15] =	ssyncadd.s32 $0xFFFFF800  }
0x9e: {  	[spmem:s2] =	stream.indirect.scatter.add.f32 [tilespmem:s18], [sflag:$0x3], $0x10, s28, s17, $0xb8;
	[tilespmem:$0x12E00] =	vst v63  }
0x9f: {  	_ =	swait.ge [sflag:s15], $0x800  }
0xa0: {  	[sflag:s15] =	ssyncset.done $0x0  }
0xa1: {  	s28 =	sadd.s32 $0x1500, s25;
	[sflag:s15] =	ssyncadd.s32 $0xFFFFF800  }
0xa2: {  	[spmem:s2] =	stream.indirect.scatter.add.f32 [tilespmem:s20], [sflag:$0x3], $0x10, s28, s17, $0xb8;
	[tilespmem:$0x12E00] =	vst v63  }
0xa3: {  	_ =	swait.ge [sflag:s15], $0x800  }
0xa4: {  	[sflag:s15] =	ssyncset.done $0x0  }
0xa5: {  	s28 =	sadd.s32 $0x1580, s25;
	[sflag:s15] =	ssyncadd.s32 $0xFFFFF800  }
0xa6: {  	[spmem:s2] =	stream.indirect.scatter.add.f32 [tilespmem:s22], [sflag:$0x3], $0x10, s28, s17, $0xb8;
	[tilespmem:$0x12E00] =	vst v63  }
0xa7: {  	_ =	swait.ge [sflag:s15], $0x800  }
0xa8: {  	[sflag:s15] =	ssyncset.done $0x0  }
0xa9: {  	s28 =	sadd.s32 $0x400, s25;
	[sflag:s15] =	ssyncadd.s32 $0xFFFFF800  }
0xaa: {  	[tilespmem:s14], [sflag:$0x1] =	stream.indirect.gather [hbm4b:s6+s17], $0x10, s28, s17, $0xb8;
	[tilespmem:$0x12E00] =	vst v63  }
0xab: {  	s28 =	sadd.s32 $0x480, s25  }
0xac: {  	[tilespmem:s18], [sflag:$0x1] =	stream.indirect.gather [hbm4b:s6+s17], $0x10, s28, s17, $0xb8;
	[tilespmem:$0x12E00] =	vst v63  }
0xad: {  	s28 =	sadd.s32 $0x500, s25  }
0xae: {  	[tilespmem:s20], [sflag:$0x1] =	stream.indirect.gather [hbm4b:s6+s17], $0x10, s28, s17, $0xb8;
	[tilespmem:$0x12E00] =	vst v63  }
0xaf: {  	s28 =	sadd.s32 $0x580, s25  }
0xb0: {  	[tilespmem:s22], [sflag:$0x1] =	stream.indirect.gather [hbm4b:s6+s17], $0x10, s28, s17, $0xb8;
	[tilespmem:$0x12E00] =	vst v63  }
0xb1: {  	_ =	swait.ge [sflag:s1], $0x800  }
0xb2: {  	[sflag:s1] =	ssyncset.done $0x0  }
0xb3: {  	[sflag:s1] =	ssyncadd.s32 $0xFFFFF800  }
0xb4: {  	_ =	swait.ge [sflag:s1], $0x800  }
0xb5: {  	[sflag:s1] =	ssyncset.done $0x0  }
0xb6: {  	[sflag:s1] =	ssyncadd.s32 $0xFFFFF800  }
0xb7: {  	_ =	swait.ge [sflag:s1], $0x800  }
0xb8: {  	[sflag:s1] =	ssyncset.done $0x0  }
0xb9: {  	[sflag:s1] =	ssyncadd.s32 $0xFFFFF800  }
0xba: {  	_ =	swait.ge [sflag:s1], $0x800  }
0xbb: {  	[sflag:s1] =	ssyncset.done $0x0  }
0xbc: {  	s28 =	sadd.s32 $0x1600, s25;
	[sflag:s1] =	ssyncadd.s32 $0xFFFFF800  }
0xbd: {  	[spmem:s2] =	stream.indirect.scatter.add.f32 [tilespmem:s24], [sflag:$0x3], $0x10, s28, s17, $0xb8;
	[tilespmem:$0x12E00] =	vst v63  }
0xbe: {  	_ =	swait.ge [sflag:s15], $0x800  }
0xbf: {  	[sflag:s15] =	ssyncset.done $0x0  }
0xc0: {  	s28 =	sadd.s32 $0x1680, s25;
	[sflag:s15] =	ssyncadd.s32 $0xFFFFF800  }
0xc1: {  	[spmem:s2] =	stream.indirect.scatter.add.f32 [tilespmem:s26], [sflag:$0x3], $0x10, s28, s17, $0xb8;
	[tilespmem:$0x12E00] =	vst v63  }
0xc2: {  	_ =	swait.ge [sflag:s15], $0x800  }
0xc3: {  	[sflag:s15] =	ssyncset.done $0x0  }
0xc4: {  	s28 =	sadd.s32 $0x1700, s25;
	[sflag:s15] =	ssyncadd.s32 $0xFFFFF800  }
0xc5: {  	[spmem:s2] =	stream.indirect.scatter.add.f32 [tilespmem:s29], [sflag:$0x3], $0x10, s28, s17, $0xb8;
	[tilespmem:$0x12E00] =	vst v63  }
0xc6: {  	_ =	swait.ge [sflag:s15], $0x800  }
0xc7: {  	[sflag:s15] =	ssyncset.done $0x0  }
0xc8: {  	s28 =	sadd.s32 $0x1780, s25;
	[sflag:s15] =	ssyncadd.s32 $0xFFFFF800  }
0xc9: {  	[spmem:s2] =	stream.indirect.scatter.add.f32 [tilespmem:s31], [sflag:$0x3], $0x10, s28, s17, $0xb8;
	[tilespmem:$0x12E00] =	vst v63  }
0xca: {  	_ =	swait.ge [sflag:s15], $0x800  }
0xcb: {  	[sflag:s15] =	ssyncset.done $0x0  }
0xcc: {  	s28 =	sadd.s32 $0x600, s25;
	[sflag:s15] =	ssyncadd.s32 $0xFFFFF800  }
0xcd: {  	[tilespmem:s24], [sflag:$0x2] =	stream.indirect.gather [hbm4b:s6+s17], $0x10, s28, s17, $0xb8;
	[tilespmem:$0x12E00] =	vst v63  }
.Ltmp1:
0xce: {  	s28 =	sadd.s32 $0x680, s25;
	(pc) =	sbr.rel @p0 .LBB2_5-.Ltmp1, $4  }
0xcf: {  	[tilespmem:s26], [sflag:$0x2] =	stream.indirect.gather [hbm4b:s6+s17], $0x10, s28, s17, $0xb8;
	[tilespmem:$0x12E00] =	vst v63  }
0xd0: {  	s28 =	sadd.s32 $0x700, s25  }
0xd1: {  	[tilespmem:s29], [sflag:$0x2] =	stream.indirect.gather [hbm4b:s6+s17], $0x10, s28, s17, $0xb8;
	[tilespmem:$0x12E00] =	vst v63  }
0xd2: {  	s25 =	sadd.s32 $0x780, s25  }
0xd3: {  	[tilespmem:s31], [sflag:$0x2] =	stream.indirect.gather [hbm4b:s6+s17], $0x10, s25, s17, $0xb8;
	[tilespmem:$0x12E00] =	vst v63  }
0xd4: {  	_ =	swait.ge [sflag:s0], $0x800  }
0xd5: {  	[sflag:s0] =	ssyncset.done $0x0  }
0xd6: {  	[sflag:s0] =	ssyncadd.s32 $0xFFFFF800  }
0xd7: {  	_ =	swait.ge [sflag:s0], $0x800  }
0xd8: {  	[sflag:s0] =	ssyncset.done $0x0  }
0xd9: {  	[sflag:s0] =	ssyncadd.s32 $0xFFFFF800  }
0xda: {  	_ =	swait.ge [sflag:s0], $0x800  }
0xdb: {  	[sflag:s0] =	ssyncset.done $0x0  }
0xdc: {  	[sflag:s0] =	ssyncadd.s32 $0xFFFFF800  }
0xdd: {  	_ =	swait.ge [sflag:s0], $0x800  }
0xde: {  	[sflag:s0] =	ssyncset.done $0x0  }
0xdf: {  	[sflag:s0] =	ssyncadd.s32 $0xFFFFF800  }
0xe0: {  	[spmem:s2] =	stream.indirect.scatter.add.f32 [tilespmem:s14], [sflag:$0x3], $0x10, s9, s17, $0xb8;
	[tilespmem:$0x12E00] =	vst v63  }
0xe1: {  	_ =	swait.ge [sflag:s15], $0x800  }
0xe2: {  	[sflag:s15] =	ssyncset.done $0x0  }
0xe3: {  	[sflag:s15] =	ssyncadd.s32 $0xFFFFF800  }
0xe4: {  	[spmem:s2] =	stream.indirect.scatter.add.f32 [tilespmem:s18], [sflag:$0x3], $0x10, s10, s17, $0xb8;
	[tilespmem:$0x12E00] =	vst v63  }
0xe5: {  	_ =	swait.ge [sflag:s15], $0x800  }
0xe6: {  	[sflag:s15] =	ssyncset.done $0x0  }
0xe7: {  	[sflag:s15] =	ssyncadd.s32 $0xFFFFF800  }
0xe8: {  	[spmem:s2] =	stream.indirect.scatter.add.f32 [tilespmem:s20], [sflag:$0x3], $0x10, s11, s17, $0xb8;
	[tilespmem:$0x12E00] =	vst v63  }
0xe9: {  	_ =	swait.ge [sflag:s15], $0x800  }
0xea: {  	[sflag:s15] =	ssyncset.done $0x0  }
0xeb: {  	[sflag:s15] =	ssyncadd.s32 $0xFFFFF800  }
0xec: {  	[spmem:s2] =	stream.indirect.scatter.add.f32 [tilespmem:s22], [sflag:$0x3], $0x10, s12, s17, $0xb8;
	[tilespmem:$0x12E00] =	vst v63  }
0xed: {  	_ =	swait.ge [sflag:s15], $0x800  }
0xee: {  	[sflag:s15] =	ssyncset.done $0x0  }
0xef: {  	[sflag:s15] =	ssyncadd.s32 $0xFFFFF800  }
0xf0: {  	_ =	swait.ge [sflag:s1], $0x800  }
0xf1: {  	[sflag:s1] =	ssyncset.done $0x0  }
0xf2: {  	[sflag:s1] =	ssyncadd.s32 $0xFFFFF800  }
0xf3: {  	_ =	swait.ge [sflag:s1], $0x800  }
0xf4: {  	[sflag:s1] =	ssyncset.done $0x0  }
0xf5: {  	[sflag:s1] =	ssyncadd.s32 $0xFFFFF800  }
0xf6: {  	_ =	swait.ge [sflag:s1], $0x800  }
0xf7: {  	[sflag:s1] =	ssyncset.done $0x0  }
0xf8: {  	[sflag:s1] =	ssyncadd.s32 $0xFFFFF800  }
0xf9: {  	_ =	swait.ge [sflag:s1], $0x800  }
0xfa: {  	[sflag:s1] =	ssyncset.done $0x0  }
0xfb: {  	[sflag:s1] =	ssyncadd.s32 $0xFFFFF800  }
0xfc: {  	[spmem:s2] =	stream.indirect.scatter.add.f32 [tilespmem:s24], [sflag:$0x3], $0x10, s13, s17, $0xb8;
	[tilespmem:$0x12E00] =	vst v63  }
0xfd: {  	_ =	swait.ge [sflag:s15], $0x800  }
0xfe: {  	[sflag:s15] =	ssyncset.done $0x0  }
0xff: {  	[sflag:s15] =	ssyncadd.s32 $0xFFFFF800  }
0x100: {  	[spmem:s2] =	stream.indirect.scatter.add.f32 [tilespmem:s26], [sflag:$0x3], $0x10, s8, s17, $0xb8;
	[tilespmem:$0x12E00] =	vst v63  }
0x101: {  	_ =	swait.ge [sflag:s15], $0x800  }
0x102: {  	[sflag:s15] =	ssyncset.done $0x0  }
0x103: {  	[sflag:s15] =	ssyncadd.s32 $0xFFFFF800  }
0x104: {  	[spmem:s2] =	stream.indirect.scatter.add.f32 [tilespmem:s29], [sflag:$0x3], $0x10, s3, s17, $0xb8;
	[tilespmem:$0x12E00] =	vst v63  }
0x105: {  	s21 =	sadd.s32 $0x1, s21;
	_ =	swait.ge [sflag:s15], $0x800  }
0x106: {  	p0 =	sne.s32 s21, $0x5;
	[sflag:s15] =	ssyncset.done $0x0  }
.Ltmp2:
0x107: {  	[sflag:s15] =	ssyncadd.s32 $0xFFFFF800;
	(pc) =	sbr.rel @p0 .LBB2_4-.Ltmp2, $4  }
0x108: {  	[spmem:s2] =	stream.indirect.scatter.add.f32 [tilespmem:s31], [sflag:$0x3], $0x10, s16, s17, $0xb8;
	[tilespmem:$0x12E00] =	vst v63  }
0x109: {  	_ =	swait.ge [sflag:s15], $0x800  }
0x10a: {  	[sflag:s15] =	ssyncset.done $0x0  }
0x10b: {  	[sflag:s15] =	ssyncadd.s32 $0xFFFFF800  }
0x10c: {  	s19 =	stileid.u32;
	[bflag:$0x0] =	sbarrier.arrive $0xFFFF  }
0x10d: {  	s19 =	sshll.u32 s19, $0x6;
	s23 =	rddreg [dreg:$0x4]  }
0x10e: {  	s25 =	rddreg [dreg:$0x8];
	s19 =	sor.u32 $0x1C03, s19;
	s21 =	sshrl.u32 s23, $0x3  }
0x10f: {  	[hbm:s25], [sflag:s19] =	dma.local [spmem:s21], $0x18C0  }
0x110: {  	_ =	swait.ge [sflag:s15], $0x18C0  }
0x111: {  	s25 =	rddreg [dreg:$0x3]  }
0x112: {  	s28 =	rddreg [dreg:$0x9];
	s19 =	sadd.s32 $0x1, s25  }
0x113: {  	p0 =	sne.s32 s19, s28  }
.Ltmp3:
0x114: {  	_ = 	snop;
	(pc) =	sbr.rel @p0 .LBB2_1-.Ltmp3, $3  }
0x115: {  	_ =	sdelay $0x1  }
0x116: {  	[sflag:s15] =	ssyncset.done $0x0  }
0x117: {  	[sflag:s15] =	ssyncadd.s32 $0xFFFFE740  }
0x118: {  	_ =	sfence.sel $0x180000  }
0x119: {  	[bflag:$0x0] =	sbarrier.arrive $0xFFFF  }
0x11a: {  	_ =	strace $0x9000004A  }
0x11b: {  	s0 =	stileid.u32;
	[bflag:$0x2] =	sbarrier.arrive $0xFFFF  }
0x11c: {  	p0 =	sne.s32 s0, $0x0;
	s0 =	rddreg [dreg:$0x2]  }
0x11d: {  	s0 =	sadd.s32 @!p0 $0x100000, s0  }
0x11e: {  	[sflag:s0] =	ssyncadd.tile.s32 @!p0 $0x1;
	_ =	shalt  }
.Lfunc_end2:
_tile_overlayer_lowered:
.L_overlay_start_2:
0x11f: {  	(tag) =	ssettag $0x2  }
0x120: {  	s0 =	rddreg [dreg:$0x0];
	s2 =	stileid.u32  }
0x121: {  	s1 =	rddreg [dreg:$0x1];
	p0 =	sne.s32 s2, $0x0  }
0x122: {  	s3 =	rddreg [dreg:$0x2];
	[bflag:$0x3] =	sbarrier.arrive $0xFFFF;
	s2 =	simm.s32 @!p0 $0x1C03  }
0x123: {  	[timem:s3], [sflag:s2] =	dma.local @!p0 [hbm:s0], s1  }
0x124: {  	s0 =	simm.s32 @!p0 $0x3  }
0x125: {  	_ =	swait.ge @!p0 [sflag:s0], s1  }
0x126: {  	s1 =	ssub.s32 @!p0 $0x0, s1;
	[sflag:s0] =	ssyncset.done @!p0 $0x0  }
0x127: {  	[sflag:s0] =	ssyncadd.s32 @!p0 s1  }
0x128: {  	[bflag:$0x3] =	sbarrier.arrive $0xFFFF  }
0x129: {  	_ =	shalt  }

// kernel: kernel.16.cloned.1.call-start
scs
__scs_entry_jumppad:
0x0: {  	(pc) =	sbr.rel $0x88, $3  }
0x1: {  	(tag) =	ssettag $0x0;
	lr =	simm.s32 $0x1  }
0x2: {  	[smem:$0x3F8F] =	sst lr;
	_ =	strace $0xD0000000  }
0x3: {  	_ = 	snop  }
0x4: {  	_ = 	snop  }
0x5: {  	_ = 	snop  }
0x6: {  	_ = 	snop  }
0x7: {  	_ = 	snop  }
__scs_overlays_trampoline_lowered:
0x8: {  	[smem:$0x3F9E] =	sst s0  }
0x9: {  	[smem:$0x3F9F] =	sst s1  }
0xa: {  	[smem:$0x3FA0] =	sst s2  }
0xb: {  	[smem:$0x3FA1] =	sst s3  }
0xc: {  	[smem:$0x3FA2] =	sst s4  }
0xd: {  	[smem:$0x3FA3] =	sst s5  }
0xe: {  	[smem:$0x3FA4] =	sst s6  }
0xf: {  	[smem:$0x3FA5] =	sst s7  }
0x10: {  	[smem:$0x3FA6] =	sst s8  }
0x11: {  	[smem:$0x3FA7] =	sst s9;
	s0 =	simm.s32 @!p0 $0x0  }
0x12: {  	s1 =	sld [smem:$0x3F8D];
	s0 =	simm.s32 @p0 $0x1  }
0x13: {  	[smem:$0x3FA8] =	sst s0;
	s0 =	simm.s32 @!p1 $0x0  }
0x14: {  	s2 =	sld [smem:$0x3F8C];
	s0 =	simm.s32 @p1 $0x1  }
0x15: {  	[smem:$0x3FA9] =	sst s0;
	s0 =	simm.s32 @!p2 $0x0  }
0x16: {  	s3 =	sld [smem:$0x3FDB];
	s0 =	simm.s32 @p2 $0x1  }
0x17: {  	s4 =	simm.s32 $0x1BF5;
	[smem:$0x3FAB] =	sst s0  }
0x18: {  	s0 =	sld [smem:$0x3F8E];
	_ =	swait.ge [sflag:s4], $0x0  }
0x19: {  	s7 =	sld [smem:$0x3F8F]  }
0x1a: {  	s8 =	sadd.s32 $0xFFFFE003, lr  }
0x1b: {  	s9 =	sadd.s32 $0xFFFFFEF7, lr;
	s5 =	simm.s32 $0xFFFFFFFF;
	p2 =	slt.u32 s8, $0xFFFFF086  }
0x1c: {  	p1 =	slt.u32 s9, $0xF7A;
	s5 =	simm.s32 @!p2 $0x0  }
0x1d: {  	s5 =	simm.s32 @p1 $0x1;
	p0 =	seq.s32 s7, s2  }
0x1e: {  	s7 =	smul.u32 @!p0 $0xF7A, s2;
	p2 =	seq.s32 @!p0 s5, $0x0  }
0x1f: {  	s9 =	smul.u32 $0xF7A, s1;
	s8 =	simm.s32 @!p0 $0x1BF5;
	p2 =	por !p2, p0  }
0x20: {  	[sflag:s8] =	ssyncset.s32 @!p0 $0xFFFFF086;
	s6 =	sadd.s32 @!p0 s3, s7;
	s7 =	simm.s32 @!p0 $0x108  }
0x21: {  	s3 =	sadd.s32 s3, s9;
	s6 =	sadd.s32 @!p0 $0x88, s6;
	s7 =	simm.s32 @p2 $0x1082  }
0x22: {  	[simem:s7], [sflag:s8] =	dma.local @!p0 [hbm:s6], $0xF7A  }
0x23: {  	s9 =	sor.u32 $0xD0000000, s2;
	s6 =	simm.s32 $0x108;
	_ =	swait.ge @!p0 [sflag:s8], $0x0  }
0x24: {  	s3 =	sadd.s32 $0x88, s3;
	s6 =	simm.s32 @!p1 $0x1082;
	[sflag:s4] =	ssyncset.s32 $0xFFFFF086  }
0x25: {  	[simem:s6], [sflag:s4] =	dma.local [hbm:s3], $0xF7A  }
0x26: {  	[smem:$0x3F8F] =	sst s1;
	(tag) =	ssettag s2;
	_ =	strace s9  }
0x27: {  	s1 =	sld [smem:$0x3F9F]  }
0x28: {  	s2 =	sld [smem:$0x3FA0]  }
0x29: {  	s4 =	sld [smem:$0x3FA2]  }
0x2a: {  	p0 =	seq.s32 s5, $0x0;
	s5 =	sld [smem:$0x3FA3]  }
0x2b: {  	s6 =	sld [smem:$0x3FA4]  }
0x2c: {  	s7 =	sld [smem:$0x3FA5]  }
0x2d: {  	s3 =	simm.s32 $0x108;
	s8 =	sld [smem:$0x3FA6]  }
0x2e: {  	s3 =	simm.s32 @!p0 $0x1082;
	s9 =	sld [smem:$0x3FA7]  }
0x2f: {  	lr =	sadd.s32 s0, s3;
	s0 =	sld [smem:$0x3F9E]  }
0x30: {  	s3 =	sld [smem:$0x3FA1]  }
0x31: {  	[smem:$0x3FAA] =	sst s10  }
0x32: {  	s10 =	sld [smem:$0x3FA8];
	_ =	sdelay $0x3  }
0x33: {  	p0 =	seq.s32 s10, $0x1;
	s10 =	sld [smem:$0x3FAA];
	_ =	sdelay $0x3  }
0x34: {  	[smem:$0x3FAA] =	sst s10  }
0x35: {  	s10 =	sld [smem:$0x3FA9];
	_ =	sdelay $0x3  }
0x36: {  	p1 =	seq.s32 s10, $0x1;
	s10 =	sld [smem:$0x3FAA];
	_ =	sdelay $0x3  }
0x37: {  	[smem:$0x3FAA] =	sst s10  }
0x38: {  	s10 =	sld [smem:$0x3FAB]  }
0x39: {  	_ = 	snop;
	(pc) =	sbr.ind lr, $3  }
0x3a: {  	_ = 	snop  }
0x3b: {  	_ = 	snop  }
0x3c: {  	p2 =	seq.s32 s10, $0x1;
	s10 =	sld [smem:$0x3FAA]  }
0x3d: {  	_ =	shalt  }
0x3e: {  	_ =	shalt  }
0x3f: {  	_ =	shalt  }
0x40: {  	_ =	shalt  }
0x41: {  	_ =	shalt  }
0x42: {  	_ =	shalt  }
0x43: {  	_ =	shalt  }
0x44: {  	_ =	shalt  }
0x45: {  	_ =	shalt  }
0x46: {  	_ =	shalt  }
0x47: {  	_ =	shalt  }
0x48: {  	_ =	shalt  }
0x49: {  	_ =	shalt  }
0x4a: {  	_ =	shalt  }
0x4b: {  	_ =	shalt  }
0x4c: {  	_ =	shalt  }
0x4d: {  	_ =	shalt  }
0x4e: {  	_ =	shalt  }
0x4f: {  	_ =	shalt  }
0x50: {  	_ =	shalt  }
0x51: {  	_ =	shalt  }
0x52: {  	_ =	shalt  }
0x53: {  	_ =	shalt  }
0x54: {  	_ =	shalt  }
0x55: {  	_ =	shalt  }
0x56: {  	_ =	shalt  }
0x57: {  	_ =	shalt  }
0x58: {  	_ =	shalt  }
0x59: {  	_ =	shalt  }
0x5a: {  	_ =	shalt  }
0x5b: {  	_ =	shalt  }
0x5c: {  	_ =	shalt  }
0x5d: {  	_ =	shalt  }
0x5e: {  	_ =	shalt  }
0x5f: {  	_ =	shalt  }
0x60: {  	_ =	shalt  }
0x61: {  	_ =	shalt  }
0x62: {  	_ =	shalt  }
0x63: {  	_ =	shalt  }
0x64: {  	_ =	shalt  }
0x65: {  	_ =	shalt  }
0x66: {  	_ =	shalt  }
0x67: {  	_ =	shalt  }
0x68: {  	_ =	shalt  }
0x69: {  	_ =	shalt  }
0x6a: {  	_ =	shalt  }
0x6b: {  	_ =	shalt  }
0x6c: {  	_ =	shalt  }
0x6d: {  	_ =	shalt  }
0x6e: {  	_ =	shalt  }
0x6f: {  	_ =	shalt  }
0x70: {  	_ =	shalt  }
0x71: {  	_ =	shalt  }
0x72: {  	_ =	shalt  }
0x73: {  	_ =	shalt  }
0x74: {  	_ =	shalt  }
0x75: {  	_ =	shalt  }
0x76: {  	_ =	shalt  }
0x77: {  	_ =	shalt  }
0x78: {  	_ =	shalt  }
0x79: {  	_ =	shalt  }
0x7a: {  	_ =	shalt  }
0x7b: {  	_ =	shalt  }
0x7c: {  	_ =	shalt  }
0x7d: {  	_ =	shalt  }
0x7e: {  	_ =	shalt  }
0x7f: {  	_ =	shalt  }
0x80: {  	_ =	shalt  }
0x81: {  	_ =	shalt  }
0x82: {  	_ =	shalt  }
0x83: {  	_ =	shalt  }
0x84: {  	_ =	shalt  }
0x85: {  	_ =	shalt  }
0x86: {  	_ =	shalt  }
0x87: {  	_ =	shalt  }
.Lfunc_end0:
.L_simem_size_0:
called_computation.2_lowered:
.L_overlay_start_0:
0x88: {  	s2 =	sld [smem:$0x3FD9]  }
0x89: {  	s3 =	sld [smem:$0x3FFE];
	_ =	sdelay $0x1  }
0x8a: {  	s1 =	srdreg.scid  }
0x8b: {  	s0 =	sand.u32 $0x1, s1  }
0x8c: {  	s16 =	sshll.u32 s0, $0xA;
	s2 =	sadd.s32 s3, s2  }
0x8d: {  	s2 =	sadd.s32 s2, s16  }
0x8e: {  	[smem:$0x3FB6] =	sst s2  }
0x8f: {  	_ = 	snop  }
0x90: {  	(tm) =	ssettm $0x1  }
0x91: {  	s17 =	sld [smem:$0x3FFB];
	_ =	sdelay $0x3  }
0x92: {  	_ =	strace s17  }
0x93: {  	s2 =	sld [smem:$0x3FFC];
	_ =	sdelay $0x3  }
0x94: {  	_ =	strace s2  }
0x95: {  	s2 =	sld [smem:$0x3FFD];
	_ =	sdelay $0x3  }
0x96: {  	_ =	strace s2  }
0x97: {  	_ =	strace $0x8FFFFFFF  }
0x98: {  	s18 =	sld [smem:$0x3FDB];
	_ =	sdelay $0x1  }
0x99: {  	s19 =	simm.s32 $_scs_section_size  }
0x9a: {  	s4 =	simm.s32 $_size__tile_overlayer_lowered;
	s5 =	simm.s32 $_tile_overlayer_lowered  }
0x9b: {  	s22 =	simm.s32 $0x1BFF;
	s21 =	sshll.u32 s5, $0x1;
	s2 =	sadd.s32 s19, s18  }
0x9c: {  	s6 =	simm.s32 $0x0;
	s20 =	sshll.u32 s4, $0x1;
	s4 =	sadd.s32 s21, s2  }
0x9d: {  	[timem:s6], [sflag:s22] =	dma.local [hbm:s4], s20  }
0x9e: {  	_ =	swait.ge [sflag:s22], s20  }
0x9f: {  	s3 =	ssub.s32 $0x0, s20;
	[sflag:s22] =	ssyncset.done $0x0  }
0xa0: {  	[sflag:s22] =	ssyncadd.s32 s3;
	_ =	sdelay $0x1  }
0xa1: {  	s23 =	simm.s32 $0x1B8B  }
0xa2: {  	_ =	swait.ge [sflag:s23], $0x1  }
0xa3: {  	[sflag:s23] =	ssyncset.done $0x0  }
0xa4: {  	s25 =	simm.s32 $0x1B8E;
	s24 =	sld [smem:$0x3FFE];
	[sflag:s23] =	ssyncadd.s32 $0xFFFFFFFF  }
0xa5: {  	s26 =	simm.s32 $execute0_lowered;
	[smem:$0x3FD2] =	sst s25  }
0xa6: {  	s4 =	sshll.u32 s26, $0x1;
	_ =	strace $0x8000004C;
	[dreg:$0x1] =	wrdreg $0xFFFFFFFF  }
0xa7: {  	s28 =	simm.s32 $_size_execute0_lowered;
	s2 =	sadd.s32 s2, s4;
	[dreg:$0x0] =	wrdreg $0x0  }
0xa8: {  	s4 =	sshll.u32 s28, $0x1;
	[dreg:$0x2] =	wrdreg s2  }
0xa9: {  	[dreg:$0x3] =	wrdreg s4  }
0xaa: {  	[dreg:$0x4] =	wrdreg $0xC0  }
0xab: {  	_ =	task [dreg:s6], $0x5FFFF  }
0xac: {  	[dreg:$0x1] =	wrdreg $0xFFFFFFFF  }
0xad: {  	[dreg:$0x0] =	wrdreg $0x60  }
0xae: {  	[dreg:$0x2] =	wrdreg s24  }
0xaf: {  	[dreg:$0x3] =	wrdreg $0x68000  }
0xb0: {  	[dreg:$0x4] =	wrdreg $0x9  }
0xb1: {  	_ =	task.clear_ibuf [dreg:s6], $0x5FFFF;
	_ =	strace $0x9000004C  }
0xb2: {  	s29 =	simm.s32 $0x9;
	_ =	strace $0x8000004E  }
0xb3: {  	_ =	swait.ge [sflag:s29], $0x1  }
0xb4: {  	[sflag:s29] =	ssyncadd.s32 $0xFFFFFFFF  }
0xb5: {  	_ =	strace $0x9000004E  }
0xb6: {  	_ =	sfence  }
0xb7: {  	s30 =	sld [smem:$0x0];
	_ =	sdelay $0x2  }
0xb8: {  	s31 =	sshll.u32 s1, $0xD;
	s1 =	sshrl.u32 s1, $0x2  }
0xb9: {  	s3 =	sand.u32 $0x4000, s31;
	s1 =	sadd.s32 s1, s30  }
0xba: {  	s0 =	sor.u32 s3, s0;
	s1 =	sshll.u32 s1, $0x11  }
0xbb: {  	s0 =	sor.u32 s1, s0  }
0xbc: {  	s0 =	sadd.s32 $0x8F2B, s0  }
0xbd: {  	[sflag:s0] =	ssyncadd.remote.s32 $0x1  }
0xbe: {  	_ =	sfence.sel $0xFFFF  }
0xbf: {  	[dreg:$0x0] =	wrdreg $0xFFFFFFFF;
	(pc) =	sbr.abs _section_cstart, $3  }
0xc0: {  	[dreg:$0x1] =	wrdreg $0xFFFFFFFF  }
0xc1: {  	_ =	task.clear_ibuf [dreg:s6], $0x2FFFF;
	_ =	strace $0x9FFFFFFF  }
0xc2: {  	(tm) =	ssettm $0x7FFFFFFF  }
0xc3: {  	_ =	shalt  }
tec
execute0_lowered:
.L_overlay_start_1:
0x0: {  	(tag) =	ssettag $0x1  }
0x1: {  	s0 =	rddreg [dreg:$0x0]  }
0x2: {  	s1 =	rddreg [dreg:$0x1];
	s2 =	srdreg.scid  }
0x3: {  	s4 =	simm.s32 $0x0;
	s10 =	stileid.u32;
	s17 =	simm.s32 $0x2800  }
0x4: {  	s18 =	simm.s32 $0x3;
	s19 =	simm.s32 $0x1400;
	s20 =	simm.s32 $0x80  }
0x5: {  	s21 =	simm.s32 $0x3800;
	s22 =	simm.s32 $0x100;
	s28 =	simm.s32 $0x2  }
0x6: {  	s29 =	simm.s32 $0x2600;
	s30 =	simm.s32 $0x2680;
	s6 =	smul.u32 $0x18C00, s10  }
0x7: {  	s31 =	simm.s32 $0x2700;
	s2 =	sand.u32 $0x1, s2;
	s8 =	smul.u32 $0x63000, s10  }
0x8: {  	[smem:$0x7FF] =	sst s4;
	s4 =	sadd.s32 $0x3000, s0;
	s3 =	smul.u32 $0x30D40, s2  }
0x9: {  	s5 =	sadd.s32 $0x1C000, s0;
	s7 =	smul.u32 $0x18C000, s2;
	s2 =	ssub.s32 $0x2, s2  }
0xa: {  	s13 =	smul.u32 $0x190, s10;
	_ =	strace $0x8000004D;
	s9 =	sshrl.u32 s2, $0x1  }
0xb: {  	s8 =	sshrl.u32 s8, $0x2;
	s3 =	sadd.s32 s3, s0;
	s7 =	sadd.s32 s6, s7  }
0xc: {  	s2 =	ssub.s32 s2, s9;
	s23 =	sadd.s32 s8, s1;
	s6 =	sadd.s32 s6, s1  }
0xd: {  	s7 =	sshrl.u32 s7, $0x3;
	s8 =	sadd.s32 $0x4000, s23;
	s24 =	sadd.s32 $0x8000, s23  }
0xe: {  	s25 =	sadd.s32 $0xC000, s23;
	s26 =	sadd.s32 $0x10000, s23;
	s11 =	sadd.s32 $0x14000, s23  }
0xf: {  	s12 =	sadd.s32 $0x18000, s23;
	s14 =	sadd.s32 $0x35000, s3;
	[dreg:$0x3] =	wrdreg s8  }
0x10: {  	s16 =	smax.u32 s2, $0x1;
	s23 =	simm.s32 $0x4800;
	[dreg:$0x4] =	wrdreg s24  }
0x11: {  	s2 =	simm.s32 $0x0;
	s0 =	sadd.s32 s7, s0;
	[dreg:$0x5] =	wrdreg s25  }
0x12: {  	[dreg:$0x6] =	wrdreg s26;
	s24 =	simm.s32 $0x180;
	s25 =	simm.s32 $0x5800  }
0x13: {  	v0 =	vimm.f32 $0.0e+00;
	s26 =	simm.s32 $0x1;
	s15 =	sadd.s32 $0x96C00, s0;
	s0 =	simm.s32 $0x2780  }
.LBB2_1:
0x14: {  	s7 =	simm.s32 $0x0  }
0x15: {  	s3 =	sand.u32 $0xFF80, s7  }
0x16: {  	s7 =	sand.u32 $0x10, s7;
	s8 =	sshrl.u32 s3, $0x2  }
0x17: {  	s3 =	simm.s32 $0x40;
	s8 =	sor.u32 s7, s8;
	s7 =	simm.s32 $0x0  }
.LBB2_2:
0x18: {  	p0 =	sne.s32 s3, $0xFFC0  }
0x19: {  	[tilespmem:s8+$0x2800] =	vst v0;
	s7 =	sadd.s32 $0x10, s7;
	s8 =	smov.u32 s3;
	s3 =	sadd.s32 $0x40, s3  }
.Ltmp0:
0x1a: {  	(pc) =	sbr.rel @p0 .LBB2_2-.Ltmp0, $4  }
0x1b: {  	_ = 	snop  }
0x1c: {  	s8 =	sand.u32 $0xFF80, s8  }
0x1d: {  	s9 =	sand.u32 $0x10, s7;
	s8 =	sshrl.u32 s8, $0x2  }
0x1e: {  	s8 =	sor.u32 s9, s8  }
0x1f: {  	[tilespmem:s8+$0x2800] =	vst v0  }
0x20: {  	[spmem:s6] =	stream.linear.scatter [tilespmem:s17], [sflag:$0x3], $0x4000, $0x38;
	[tilespmem:$0x1F400] =	vst v63  }
0x21: {  	_ =	swait.ge [sflag:s18], $0x4000  }
0x22: {  	[sflag:s18] =	ssyncset.done $0x0  }
0x23: {  	s3 =	rddreg [dreg:$0x3];
	[sflag:s18] =	ssyncadd.s32 $0xFFFFC000  }
0x24: {  	[spmem:s3] =	stream.linear.scatter [tilespmem:s17], [sflag:$0x3], $0x4000, $0x38;
	[tilespmem:$0x1F400] =	vst v63  }
0x25: {  	_ =	swait.ge [sflag:s18], $0x4000  }
0x26: {  	[sflag:s18] =	ssyncset.done $0x0  }
0x27: {  	s8 =	rddreg [dreg:$0x4];
	[sflag:s18] =	ssyncadd.s32 $0xFFFFC000  }
0x28: {  	[spmem:s8] =	stream.linear.scatter [tilespmem:s17], [sflag:$0x3], $0x4000, $0x38;
	[tilespmem:$0x1F400] =	vst v63  }
0x29: {  	_ =	swait.ge [sflag:s18], $0x4000  }
0x2a: {  	[sflag:s18] =	ssyncset.done $0x0  }
0x2b: {  	s9 =	rddreg [dreg:$0x5];
	[sflag:s18] =	ssyncadd.s32 $0xFFFFC000  }
0x2c: {  	[spmem:s9] =	stream.linear.scatter [tilespmem:s17], [sflag:$0x3], $0x4000, $0x38;
	[tilespmem:$0x1F400] =	vst v63  }
0x2d: {  	_ =	swait.ge [sflag:s18], $0x4000  }
0x2e: {  	[sflag:s18] =	ssyncset.done $0x0  }
0x2f: {  	s10 =	rddreg [dreg:$0x6];
	[sflag:s18] =	ssyncadd.s32 $0xFFFFC000  }
0x30: {  	[spmem:s10] =	stream.linear.scatter [tilespmem:s17], [sflag:$0x3], $0x4000, $0x38;
	[tilespmem:$0x1F400] =	vst v63  }
0x31: {  	_ =	swait.ge [sflag:s18], $0x4000  }
0x32: {  	[sflag:s18] =	ssyncset.done $0x0  }
0x33: {  	[sflag:s18] =	ssyncadd.s32 $0xFFFFC000  }
0x34: {  	[spmem:s11] =	stream.linear.scatter [tilespmem:s17], [sflag:$0x3], $0x4000, $0x38;
	[tilespmem:$0x1F400] =	vst v63  }
0x35: {  	_ =	swait.ge [sflag:s18], $0x4000  }
0x36: {  	[sflag:s18] =	ssyncset.done $0x0  }
0x37: {  	[sflag:s18] =	ssyncadd.s32 $0xFFFFC000  }
0x38: {  	[spmem:s12] =	stream.linear.scatter [tilespmem:s17], [sflag:$0x3], $0xC00, $0x38;
	[tilespmem:$0x1F400] =	vst v63  }
0x39: {  	_ =	swait.ge [sflag:s18], $0xC00  }
0x3a: {  	[sflag:s18] =	ssyncset.done $0x0  }
0x3b: {  	[sflag:s18] =	ssyncadd.s32 $0xFFFFF400  }
0x3c: {  	s7 =	simm.s32 $0x0;
	s3 =	simm.s32 $0x0;
	[bflag:$0x0] =	sbarrier.arrive $0xFFFF  }
.LBB2_4:
0x3d: {  	s8 =	smul.u32 $0x28, s7;
	_ =	sdelay $0x1  }
0x3e: {  	s8 =	sadd.s32 s13, s8  }
0x3f: {  	s8 =	sshll.u32 s8, $0x4  }
0x40: {  	s9 =	sadd.s32 s4, s8  }
0x41: {  	[tilespmem:s3], [sflag:$0x3] =	stream.linear.gather [hbm4b:s9+s3], $0x1400, $0x38;
	[tilespmem:$0x1F400] =	vst v63  }
0x42: {  	_ =	swait.ge [sflag:s18], $0x1400  }
0x43: {  	[sflag:s18] =	ssyncset.done $0x0  }
0x44: {  	s8 =	sadd.s32 s5, s8;
	[sflag:s18] =	ssyncadd.s32 $0xFFFFEC00  }
0x45: {  	[tilespmem:s19], [sflag:$0x3] =	stream.linear.gather [hbm4b:s8+s3], $0x1400, $0x38;
	[tilespmem:$0x1F400] =	vst v63  }
0x46: {  	_ =	swait.ge [sflag:s18], $0x1400  }
0x47: {  	[sflag:s18] =	ssyncset.done $0x0  }
0x48: {  	[sflag:s18] =	ssyncadd.s32 $0xFFFFEC00  }
0x49: {  	[tilespmem:s17], [sflag:$0x1] =	stream.indirect.gather [hbm4b:s14+s20], $0x20, s3, s20, $0xb8;
	[tilespmem:$0x1F400] =	vst v63  }
0x4a: {  	_ = 	snop  }
0x4b: {  	[tilespmem:s21], [sflag:$0x1] =	stream.indirect.gather [hbm4b:s14+s20], $0x20, s20, s20, $0xb8;
	[tilespmem:$0x1F400] =	vst v63  }
0x4c: {  	_ = 	snop  }
0x4d: {  	[tilespmem:s23], [sflag:$0x2] =	stream.indirect.gather [hbm4b:s14+s20], $0x20, s22, s20, $0xb8;
	[tilespmem:$0x1F400] =	vst v63  }
0x4e: {  	_ = 	snop  }
0x4f: {  	[tilespmem:s25], [sflag:$0x2] =	stream.indirect.gather [hbm4b:s14+s20], $0x20, s24, s20, $0xb8;
	[tilespmem:$0x1F400] =	vst v63  }
0x50: {  	_ =	swait.ge [sflag:s26], $0x1000  }
0x51: {  	[sflag:s26] =	ssyncset.done $0x0  }
0x52: {  	[sflag:s26] =	ssyncadd.s32 $0xFFFFF000  }
0x53: {  	_ =	swait.ge [sflag:s26], $0x1000  }
0x54: {  	[sflag:s26] =	ssyncset.done $0x0  }
0x55: {  	s10 =	simm.s32 $0x1400;
	[sflag:s26] =	ssyncadd.s32 $0xFFFFF000  }
0x56: {  	[spmem:s1] =	stream.indirect.scatter.add.f32 [tilespmem:s17], [sflag:$0x3], $0x20, s10, s20, $0xb8;
	[tilespmem:$0x1F400] =	vst v63  }
0x57: {  	_ =	swait.ge [sflag:s18], $0x1000  }
0x58: {  	[sflag:s18] =	ssyncset.done $0x0  }
0x59: {  	s9 =	simm.s32 $0x1480;
	[sflag:s18] =	ssyncadd.s32 $0xFFFFF000  }
0x5a: {  	[spmem:s1] =	stream.indirect.scatter.add.f32 [tilespmem:s21], [sflag:$0x3], $0x20, s9, s20, $0xb8;
	[tilespmem:$0x1F400] =	vst v63  }
0x5b: {  	_ =	swait.ge [sflag:s18], $0x1000  }
0x5c: {  	[sflag:s18] =	ssyncset.done $0x0  }
0x5d: {  	s10 =	simm.s32 $0x200;
	[sflag:s18] =	ssyncadd.s32 $0xFFFFF000  }
0x5e: {  	[tilespmem:s17], [sflag:$0x1] =	stream.indirect.gather [hbm4b:s14+s20], $0x20, s10, s20, $0xb8;
	[tilespmem:$0x1F400] =	vst v63  }
0x5f: {  	s9 =	simm.s32 $0x280  }
0x60: {  	[tilespmem:s21], [sflag:$0x1] =	stream.indirect.gather [hbm4b:s14+s20], $0x20, s9, s20, $0xb8;
	[tilespmem:$0x1F400] =	vst v63  }
0x61: {  	_ =	swait.ge [sflag:s28], $0x1000  }
0x62: {  	[sflag:s28] =	ssyncset.done $0x0  }
0x63: {  	[sflag:s28] =	ssyncadd.s32 $0xFFFFF000  }
0x64: {  	_ =	swait.ge [sflag:s28], $0x1000  }
0x65: {  	[sflag:s28] =	ssyncset.done $0x0  }
0x66: {  	s10 =	simm.s32 $0x1500;
	[sflag:s28] =	ssyncadd.s32 $0xFFFFF000  }
0x67: {  	[spmem:s1] =	stream.indirect.scatter.add.f32 [tilespmem:s23], [sflag:$0x3], $0x20, s10, s20, $0xb8;
	[tilespmem:$0x1F400] =	vst v63  }
0x68: {  	_ =	swait.ge [sflag:s18], $0x1000  }
0x69: {  	[sflag:s18] =	ssyncset.done $0x0  }
0x6a: {  	s9 =	simm.s32 $0x1580;
	[sflag:s18] =	ssyncadd.s32 $0xFFFFF000  }
0x6b: {  	[spmem:s1] =	stream.indirect.scatter.add.f32 [tilespmem:s25], [sflag:$0x3], $0x20, s9, s20, $0xb8;
	[tilespmem:$0x1F400] =	vst v63  }
0x6c: {  	_ =	swait.ge [sflag:s18], $0x1000  }
0x6d: {  	s8 =	simm.s32 $0x800;
	[sflag:s18] =	ssyncset.done $0x0  }
0x6e: {  	s10 =	simm.s32 $0x300;
	s9 =	simm.s32 $0x380;
	[sflag:s18] =	ssyncadd.s32 $0xFFFFF000  }
0x6f: {  	[tilespmem:s23], [sflag:$0x2] =	stream.indirect.gather [hbm4b:s14+s20], $0x20, s10, s20, $0xb8;
	[tilespmem:$0x1F400] =	vst v63  }
.LBB2_5:
0x70: {  	[tilespmem:s25], [sflag:$0x2] =	stream.indirect.gather [hbm4b:s14+s20], $0x20, s9, s20, $0xb8;
	[tilespmem:$0x1F400] =	vst v63  }
0x71: {  	s9 =	smov.u32 s8  }
0x72: {  	p0 =	sne.s32 s8, $0x4000;
	s8 =	sadd.s32 $0x800, s8;
	_ =	swait.ge [sflag:s26], $0x1000  }
0x73: {  	[sflag:s26] =	ssyncset.done $0x0  }
0x74: {  	[sflag:s26] =	ssyncadd.s32 $0xFFFFF000  }
0x75: {  	_ =	swait.ge [sflag:s26], $0x1000  }
0x76: {  	s9 =	sshra.s32 s9, $0x2;
	[sflag:s26] =	ssyncset.done $0x0  }
0x77: {  	s10 =	sadd.s32 $0x1400, s9;
	[sflag:s26] =	ssyncadd.s32 $0xFFFFF000  }
0x78: {  	[spmem:s1] =	stream.indirect.scatter.add.f32 [tilespmem:s17], [sflag:$0x3], $0x20, s10, s20, $0xb8;
	[tilespmem:$0x1F400] =	vst v63  }
0x79: {  	_ =	swait.ge [sflag:s18], $0x1000  }
0x7a: {  	[sflag:s18] =	ssyncset.done $0x0  }
0x7b: {  	s10 =	sadd.s32 $0x1480, s9;
	[sflag:s18] =	ssyncadd.s32 $0xFFFFF000  }
0x7c: {  	[spmem:s1] =	stream.indirect.scatter.add.f32 [tilespmem:s21], [sflag:$0x3], $0x20, s10, s20, $0xb8;
	[tilespmem:$0x1F400] =	vst v63  }
0x7d: {  	_ =	swait.ge [sflag:s18], $0x1000  }
0x7e: {  	[sflag:s18] =	ssyncset.done $0x0  }
0x7f: {  	s10 =	sadd.s32 $0x200, s9;
	[sflag:s18] =	ssyncadd.s32 $0xFFFFF000  }
0x80: {  	[tilespmem:s17], [sflag:$0x1] =	stream.indirect.gather [hbm4b:s14+s20], $0x20, s10, s20, $0xb8;
	[tilespmem:$0x1F400] =	vst v63  }
0x81: {  	s10 =	sadd.s32 $0x280, s9  }
0x82: {  	[tilespmem:s21], [sflag:$0x1] =	stream.indirect.gather [hbm4b:s14+s20], $0x20, s10, s20, $0xb8;
	[tilespmem:$0x1F400] =	vst v63  }
0x83: {  	_ =	swait.ge [sflag:s28], $0x1000  }
0x84: {  	[sflag:s28] =	ssyncset.done $0x0  }
0x85: {  	[sflag:s28] =	ssyncadd.s32 $0xFFFFF000  }
0x86: {  	_ =	swait.ge [sflag:s28], $0x1000  }
0x87: {  	[sflag:s28] =	ssyncset.done $0x0  }
0x88: {  	s10 =	sadd.s32 $0x1500, s9;
	[sflag:s28] =	ssyncadd.s32 $0xFFFFF000  }
0x89: {  	[spmem:s1] =	stream.indirect.scatter.add.f32 [tilespmem:s23], [sflag:$0x3], $0x20, s10, s20, $0xb8;
	[tilespmem:$0x1F400] =	vst v63  }
0x8a: {  	_ =	swait.ge [sflag:s18], $0x1000  }
0x8b: {  	[sflag:s18] =	ssyncset.done $0x0  }
0x8c: {  	s10 =	sadd.s32 $0x1580, s9;
	[sflag:s18] =	ssyncadd.s32 $0xFFFFF000  }
0x8d: {  	[spmem:s1] =	stream.indirect.scatter.add.f32 [tilespmem:s25], [sflag:$0x3], $0x20, s10, s20, $0xb8;
	[tilespmem:$0x1F400] =	vst v63  }
.Ltmp1:
0x8e: {  	_ =	swait.ge [sflag:s18], $0x1000;
	(pc) =	sbr.rel @p0 .LBB2_5-.Ltmp1, $4  }
0x8f: {  	[sflag:s18] =	ssyncset.done $0x0  }
0x90: {  	s10 =	sadd.s32 $0x300, s9;
	[sflag:s18] =	ssyncadd.s32 $0xFFFFF000  }
0x91: {  	[tilespmem:s23], [sflag:$0x2] =	stream.indirect.gather [hbm4b:s14+s20], $0x20, s10, s20, $0xb8;
	[tilespmem:$0x1F400] =	vst v63  }
0x92: {  	s9 =	sadd.s32 $0x380, s9  }
0x93: {  	[tilespmem:s25], [sflag:$0x2] =	stream.indirect.gather [hbm4b:s14+s20], $0x20, s9, s20, $0xb8;
	[tilespmem:$0x1F400] =	vst v63  }
0x94: {  	_ =	swait.ge [sflag:s26], $0x1000  }
0x95: {  	[sflag:s26] =	ssyncset.done $0x0  }
0x96: {  	[sflag:s26] =	ssyncadd.s32 $0xFFFFF000  }
0x97: {  	_ =	swait.ge [sflag:s26], $0x1000  }
0x98: {  	[sflag:s26] =	ssyncset.done $0x0  }
0x99: {  	[sflag:s26] =	ssyncadd.s32 $0xFFFFF000  }
0x9a: {  	[spmem:s1] =	stream.indirect.scatter.add.f32 [tilespmem:s17], [sflag:$0x3], $0x20, s29, s20, $0xb8;
	[tilespmem:$0x1F400] =	vst v63  }
0x9b: {  	_ =	swait.ge [sflag:s18], $0x1000  }
0x9c: {  	[sflag:s18] =	ssyncset.done $0x0  }
0x9d: {  	[sflag:s18] =	ssyncadd.s32 $0xFFFFF000  }
0x9e: {  	[spmem:s1] =	stream.indirect.scatter.add.f32 [tilespmem:s21], [sflag:$0x3], $0x20, s30, s20, $0xb8;
	[tilespmem:$0x1F400] =	vst v63  }
0x9f: {  	_ =	swait.ge [sflag:s18], $0x1000  }
0xa0: {  	[sflag:s18] =	ssyncset.done $0x0  }
0xa1: {  	[sflag:s18] =	ssyncadd.s32 $0xFFFFF000  }
0xa2: {  	_ =	swait.ge [sflag:s28], $0x1000  }
0xa3: {  	[sflag:s28] =	ssyncset.done $0x0  }
0xa4: {  	[sflag:s28] =	ssyncadd.s32 $0xFFFFF000  }
0xa5: {  	_ =	swait.ge [sflag:s28], $0x1000  }
0xa6: {  	[sflag:s28] =	ssyncset.done $0x0  }
0xa7: {  	[sflag:s28] =	ssyncadd.s32 $0xFFFFF000  }
0xa8: {  	[spmem:s1] =	stream.indirect.scatter.add.f32 [tilespmem:s23], [sflag:$0x3], $0x20, s31, s20, $0xb8;
	[tilespmem:$0x1F400] =	vst v63  }
0xa9: {  	s7 =	sadd.s32 $0x1, s7;
	_ =	swait.ge [sflag:s18], $0x1000  }
0xaa: {  	p0 =	sne.s32 s7, $0xA;
	[sflag:s18] =	ssyncset.done $0x0  }
.Ltmp2:
0xab: {  	[sflag:s18] =	ssyncadd.s32 $0xFFFFF000;
	(pc) =	sbr.rel @p0 .LBB2_4-.Ltmp2, $4  }
0xac: {  	[spmem:s1] =	stream.indirect.scatter.add.f32 [tilespmem:s25], [sflag:$0x3], $0x20, s0, s20, $0xb8;
	[tilespmem:$0x1F400] =	vst v63  }
0xad: {  	_ =	swait.ge [sflag:s18], $0x1000  }
0xae: {  	[sflag:s18] =	ssyncset.done $0x0  }
0xaf: {  	[sflag:s18] =	ssyncadd.s32 $0xFFFFF000  }
0xb0: {  	s3 =	stileid.u32;
	s2 =	sadd.s32 $0x1, s2  }
0xb1: {  	[bflag:$0x0] =	sbarrier.arrive $0xFFFF;
	s3 =	sshll.u32 s3, $0x6;
	p0 =	sne.s32 s2, s16  }
.Ltmp3:
0xb2: {  	s7 =	sshrl.u32 s6, $0x3;
	s3 =	sor.u32 $0x1C03, s3;
	(pc) =	sbr.rel @p0 .LBB2_1-.Ltmp3, $4  }
0xb3: {  	[hbm:s15], [sflag:s3] =	dma.local [spmem:s7], $0x3180  }
0xb4: {  	_ =	swait.ge [sflag:s18], $0x3180  }
0xb5: {  	[sflag:s18] =	ssyncset.done $0x0  }
0xb6: {  	[sflag:s18] =	ssyncadd.s32 $0xFFFFCE80  }
0xb7: {  	_ =	sfence.sel $0x180000  }
0xb8: {  	[bflag:$0x0] =	sbarrier.arrive $0xFFFF  }
0xb9: {  	_ =	strace $0x9000004D  }
0xba: {  	s0 =	stileid.u32;
	[bflag:$0x2] =	sbarrier.arrive $0xFFFF  }
0xbb: {  	p0 =	sne.s32 s0, $0x0;
	s0 =	rddreg [dreg:$0x2]  }
0xbc: {  	s0 =	sadd.s32 @!p0 $0x100000, s0  }
0xbd: {  	[sflag:s0] =	ssyncadd.tile.s32 @!p0 $0x1;
	_ =	shalt  }
.Lfunc_end2:
_tile_overlayer_lowered:
.L_overlay_start_2:
0xbe: {  	(tag) =	ssettag $0x2  }
0xbf: {  	s0 =	rddreg [dreg:$0x0];
	s2 =	stileid.u32  }
0xc0: {  	s1 =	rddreg [dreg:$0x1];
	p0 =	sne.s32 s2, $0x0  }
0xc1: {  	s3 =	rddreg [dreg:$0x2];
	[bflag:$0x3] =	sbarrier.arrive $0xFFFF;
	s2 =	simm.s32 @!p0 $0x1C03  }
0xc2: {  	[timem:s3], [sflag:s2] =	dma.local @!p0 [hbm:s0], s1  }
0xc3: {  	s0 =	simm.s32 @!p0 $0x3  }
0xc4: {  	_ =	swait.ge @!p0 [sflag:s0], s1  }
0xc5: {  	s1 =	ssub.s32 @!p0 $0x0, s1;
	[sflag:s0] =	ssyncset.done @!p0 $0x0  }
0xc6: {  	[sflag:s0] =	ssyncadd.s32 @!p0 s1  }
0xc7: {  	[bflag:$0x3] =	sbarrier.arrive $0xFFFF  }
0xc8: {  	_ =	shalt  }

</sc_bundles>
